<compile_context>
chip_gen: v7x
topology: tpu7x:2x2x1
jax: 0.10.2.dev20260603
libtpu: 0.0.44.dev20260713+nightly
codegen_flags: <defaults>
</compile_context>

<pallas_src>
import functools

import jax
import jax.numpy as jnp
import numpy as np
from jax import lax
from jax.experimental import pallas as pl
from jax.experimental.pallas import tpu as pltpu
from jax.experimental.pallas import tpu_sc as plsc

_N = 174592
_NC = 16
_K = max(int(_N * 0.01), 2)
_W = 16
_R = _N // _W
_CHUNK = 496
_NCH = _R // _CHUNK
_GPC = _CHUNK // 16
_VPW = _R // 16
_MINI32 = np.int32(-2147483648)
_M31 = np.int32(0x7FFFFFFF)


def _sig(v):
    return 1.0 / (1.0 + jnp.exp(-v))


def _mono_key(bits):
    return bits ^ (lax.shift_right_arithmetic(bits, 31) & _M31)


def _sc_body(x_ref, c_ref, pos_ref, neg_ref, joint_ref, scal_ref,
             inbuf, inbuf2, dsem0, dsem1, cbuf, ubuf, sbuf, jbuf, pmbuf, nmbuf,
             histp, histn, lredp, lredn, mbufp, mbufn, totp, totn,
             svec, fvec, scalb, sumb, fgb,
             shp, shn, shsum, shfg):
    wid = lax.axis_index("s")
    base = wid * _R
    lane = lax.iota(jnp.int32, 16)
    zi16 = jnp.zeros((16,), jnp.int32)
    zf16 = jnp.zeros((16,), jnp.float32)
    oi16 = jnp.ones((16,), jnp.int32)

    pltpu.sync_copy(c_ref.at[pl.ds(base, _R)], cbuf)

    def zb0(i, c):
        histp[pl.ds(i * 16, 16)] = zi16
        return c

    lax.fori_loop(0, 256, zb0, 0, unroll=4)

    def xsrc(ci):
        return x_ref.at[pl.ds(base + ci * _CHUNK, _CHUNK), :]

    def process(buf, ci, a):
        def group_body(g, a):
            rows = g * 16 + lane
            m = plsc.load_gather(buf, [rows, zi16])
            for j in range(1, _NC):
                cj = jnp.full((16,), j, jnp.int32)
                m = jnp.maximum(m, plsc.load_gather(buf, [rows, cj]))
            off = ci * _CHUNK + g * 16
            key = _mono_key(plsc.bitcast(m, jnp.int32))
            ubuf[pl.ds(off, 16)] = key
            byte = lax.shift_right_logical(key ^ _MINI32, 24)
            plsc.addupdate_scatter(histp, [byte * 16 + lane], oi16)
            s = _sig(m)
            sbuf[pl.ds(off, 16)] = s
            jbuf[pl.ds(off, 16)] = s * _sig(cbuf[pl.ds(off, 16)])
            return a + s

        return lax.fori_loop(0, _GPC, group_body, a)

    pltpu.async_copy(xsrc(0), inbuf, dsem0)

    def chunk2_body(i2, acc):
        c0 = 2 * i2
        c1 = 2 * i2 + 1
        pltpu.make_async_copy(xsrc(c0), inbuf, dsem0).wait()
        pltpu.async_copy(xsrc(c1), inbuf2, dsem1)
        acc = process(inbuf, c0, acc)
        pltpu.make_async_copy(xsrc(c1), inbuf2, dsem1).wait()

        @pl.when(c1 + 1 < _NCH)
        def _():
            pltpu.async_copy(xsrc(c1 + 1), inbuf, dsem0)

        return process(inbuf2, c1, acc)

    acc_s = lax.fori_loop(0, _NCH // 2, chunk2_body, zf16)
    pltpu.sync_copy(jbuf, joint_ref.at[pl.ds(base, _R)])

    kp = jnp.int32(_K)
    kn = jnp.int32(_K)
    prefp = jnp.int32(0)
    prefn = jnp.int32(0)
    selp = jnp.int32(0)
    seln = jnp.int32(0)

    for r in range(4):
        shift = 24 - 8 * r

        if r > 0:
            def zb(i, c):
                histp[pl.ds(i * 16, 16)] = zi16
                histn[pl.ds(i * 16, 16)] = zi16
                return c

            lax.fori_loop(0, 256, zb, 0, unroll=4)

        if r == 0:
            pass
        else:
            hs = shift + 8
            pp, pn = prefp, prefn

            def sbr(g, c):
                ub = ubuf[pl.ds(g * 16, 16)] ^ _MINI32
                hi = lax.shift_right_logical(ub, hs)
                byte = lax.shift_right_logical(ub, shift) & 255
                fidx = byte * 16 + lane
                plsc.addupdate_scatter(histp, [fidx], oi16, mask=(hi == pp))
                plsc.addupdate_scatter(histn, [fidx], oi16, mask=(hi == pn))
                return c

            lax.fori_loop(0, _VPW, sbr, 0, unroll=2)

        hn_r = histp if r == 0 else histn

        def trp(bg, c):
            flat = bg * 256 + lane * 16
            tp = plsc.load_gather(histp, [flat])
            tn = plsc.load_gather(hn_r, [flat])
            for j in range(1, 16):
                tp = tp + plsc.load_gather(histp, [flat + j])
                tn = tn + plsc.load_gather(hn_r, [flat + j])
            lredp[pl.ds(bg * 16, 16)] = tp
            lredn[pl.ds(bg * 16, 16)] = tn
            return c

        lax.fori_loop(0, 16, trp, 0)

        pltpu.sync_copy(lredp, shp.at[pl.ds(wid * 256, 256)])
        pltpu.sync_copy(lredn, shn.at[pl.ds(wid * 256, 256)])
        plsc.subcore_barrier()
        pltpu.sync_copy(shp, mbufp)
        pltpu.sync_copy(shn, mbufn)
        plsc.subcore_barrier()

        def mg(bg, c):
            def mwp(w, a):
                return a + mbufp[pl.ds(w * 256 + bg * 16, 16)]

            def mwn(w, a):
                return a + mbufn[pl.ds(w * 256 + bg * 16, 16)]

            totp[pl.ds(bg * 16, 16)] = lax.fori_loop(0, _W, mwp, zi16)
            totn[pl.ds(bg * 16, 16)] = lax.fori_loop(0, _W, mwn, zi16)
            return c

        lax.fori_loop(0, 16, mg, 0)

        def group_sums(totref):
            t = plsc.load_gather(totref, [lane * 16])
            for j in range(1, 16):
                t = t + plsc.load_gather(totref, [lane * 16 + j])
            return t

        def sel_top(totref, k):
            gsum = group_sums(totref)
            csum = plsc.cumsum(gsum)
            tot = jnp.sum(gsum)
            suf = tot - csum + gsum
            gp = plsc.all_reduce_population_count(suf >= k)[0] - 1
            above_g = jnp.sum(jnp.where(lane == gp, suf - gsum, 0))
            rgrp = lax.rev(totref[pl.ds(gp * 16, 16)], (0,))
            rcs = plsc.cumsum(rgrp)
            cond = (above_g + rcs) >= k
            t0 = 16 - plsc.all_reduce_population_count(cond)[0]
            sel = gp * 16 + 15 - t0
            acc = (above_g
                   + jnp.sum(jnp.where(lane == t0, rcs, 0))
                   - jnp.sum(jnp.where(lane == t0, rgrp, 0)))
            return sel, acc

        def sel_bot(totref, k):
            gsum = group_sums(totref)
            csum = plsc.cumsum(gsum)
            gn = 16 - plsc.all_reduce_population_count(csum >= k)[0]
            below_g = (jnp.sum(jnp.where(lane == gn, csum, 0))
                       - jnp.sum(jnp.where(lane == gn, gsum, 0)))
            grp = totref[pl.ds(gn * 16, 16)]
            cs2 = plsc.cumsum(grp)
            cond = (below_g + cs2) >= k
            t0 = 16 - plsc.all_reduce_population_count(cond)[0]
            sel = gn * 16 + t0
            acc = (below_g
                   + jnp.sum(jnp.where(lane == t0, cs2, 0))
                   - jnp.sum(jnp.where(lane == t0, grp, 0)))
            return sel, acc

        selp, accp = sel_top(totp, kp)
        kp = kp - accp
        prefp = lax.shift_left(prefp, 8) | selp

        seln, accn = sel_bot(totn, kn)
        kn = kn - accn
        prefn = lax.shift_left(prefn, 8) | seln

    Tp = prefp ^ _MINI32
    Tn = prefn ^ _MINI32

    vp = plsc.load_gather(mbufp, [lane * 256 + selp])
    prep = jnp.sum(jnp.where(lane < wid, vp, 0))
    locp = jnp.sum(jnp.where(lane == wid, vp, 0))
    budp = jnp.maximum(jnp.int32(0), jnp.minimum(kp - prep, locp))

    vn = plsc.load_gather(mbufn, [lane * 256 + seln])
    pren = jnp.sum(jnp.where(lane < wid, vn, 0))
    locn = jnp.sum(jnp.where(lane == wid, vn, 0))
    budn = jnp.maximum(jnp.int32(0), jnp.minimum(kn - pren, locn))

    def mb(g, fga):
        key = ubuf[pl.ds(g * 16, 16)]
        s = sbuf[pl.ds(g * 16, 16)]
        gt = key > Tp
        lt = key < Tn
        pmbuf[pl.ds(g * 16, 16)] = jnp.where(gt, jnp.int32(1), jnp.int32(0))
        nmbuf[pl.ds(g * 16, 16)] = jnp.where(lt, jnp.int32(1), jnp.int32(0))
        return fga + jnp.where(gt, s, jnp.float32(0.0))

    fgacc = lax.fori_loop(0, _VPW, mb, zf16, unroll=2)

    @pl.when(budp > 0)
    def _tie_pos():
        def tb(g, rem):
            key = ubuf[pl.ds(g * 16, 16)]
            eq = key == Tp
            eqi = jnp.where(eq, jnp.int32(1), jnp.int32(0))
            cs = plsc.cumsum(eqi)
            mark = eq & (cs <= rem)
            pm = pmbuf[pl.ds(g * 16, 16)]
            pmbuf[pl.ds(g * 16, 16)] = jnp.where(mark, jnp.int32(1), pm)
            return rem - jnp.sum(eqi)

        lax.fori_loop(0, _VPW, tb, budp)

    @pl.when(budn > 0)
    def _tie_neg():
        def tb(g, rem):
            key = ubuf[pl.ds(g * 16, 16)]
            eq = key == Tn
            eqi = jnp.where(eq, jnp.int32(1), jnp.int32(0))
            cs = plsc.cumsum(eqi)
            mark = eq & (cs <= rem)
            nm = nmbuf[pl.ds(g * 16, 16)]
            nmbuf[pl.ds(g * 16, 16)] = jnp.where(mark, jnp.int32(1), nm)
            return rem - jnp.sum(eqi)

        lax.fori_loop(0, _VPW, tb, budn)

    @pl.when(Tp == Tn)
    def _fix_overlap():
        def fx(g, c):
            pm = pmbuf[pl.ds(g * 16, 16)]
            nm = nmbuf[pl.ds(g * 16, 16)]
            pmbuf[pl.ds(g * 16, 16)] = jnp.where(nm > 0, jnp.int32(0), pm)
            return c

        lax.fori_loop(0, _VPW, fx, 0)

    pltpu.sync_copy(pmbuf, pos_ref.at[pl.ds(base, _R)])
    pltpu.sync_copy(nmbuf, neg_ref.at[pl.ds(base, _R)])
    svec[pl.ds(0, 16)] = acc_s
    fvec[pl.ds(0, 16)] = fgacc
    pltpu.sync_copy(svec, shsum.at[pl.ds(wid * 16, 16)])
    pltpu.sync_copy(fvec, shfg.at[pl.ds(wid * 16, 16)])
    plsc.subcore_barrier()

    @pl.when(wid == 0)
    def _scalars():
        pltpu.sync_copy(shsum, sumb)
        pltpu.sync_copy(shfg, fgb)

        def rs(w, a):
            return a + sumb[pl.ds(w * 16, 16)]

        def rf(w, a):
            return a + fgb[pl.ds(w * 16, 16)]

        sv = lax.fori_loop(0, _W, rs, zf16)
        fv = lax.fori_loop(0, _W, rf, zf16)
        s_dps = jnp.sum(sv) * jnp.float32(1.0 / _N)
        tvec = jnp.full((16,), Tp, jnp.int32)
        s_thr = jnp.max(_sig(plsc.bitcast(_mono_key(tvec), jnp.float32)))
        fg = jnp.sum(fv) + kp.astype(jnp.float32) * s_thr
        out = jnp.where(lane == 0, jnp.full((16,), s_dps),
                        jnp.where(lane == 1, jnp.full((16,), fg), zf16))
        scalb[pl.ds(0, 16)] = out
        pltpu.sync_copy(scalb, scal_ref)


_sc_call = functools.partial(
    pl.kernel,
    out_type=[
        jax.ShapeDtypeStruct((_N,), jnp.int32),
        jax.ShapeDtypeStruct((_N,), jnp.int32),
        jax.ShapeDtypeStruct((_N,), jnp.float32),
        jax.ShapeDtypeStruct((16,), jnp.float32),
    ],
    mesh=plsc.VectorSubcoreMesh(
        core_axis_name="c", subcore_axis_name="s",
        num_cores=1, num_subcores=_W),
    compiler_params=pltpu.CompilerParams(
        needs_layout_passes=False, use_tc_tiling_on_sc=False),
    scratch_types=[
        pltpu.VMEM((_CHUNK, _NC), jnp.float32),
        pltpu.VMEM((_CHUNK, _NC), jnp.float32),
        pltpu.SemaphoreType.DMA,
        pltpu.SemaphoreType.DMA,
        pltpu.VMEM((_R,), jnp.float32),
        pltpu.VMEM((_R,), jnp.int32),
        pltpu.VMEM((_R,), jnp.float32),
        pltpu.VMEM((_R,), jnp.float32),
        pltpu.VMEM((_R,), jnp.int32),
        pltpu.VMEM((_R,), jnp.int32),
        pltpu.VMEM((4096,), jnp.int32),
        pltpu.VMEM((4096,), jnp.int32),
        pltpu.VMEM((256,), jnp.int32),
        pltpu.VMEM((256,), jnp.int32),
        pltpu.VMEM((_W * 256,), jnp.int32),
        pltpu.VMEM((_W * 256,), jnp.int32),
        pltpu.VMEM((256,), jnp.int32),
        pltpu.VMEM((256,), jnp.int32),
        pltpu.VMEM((16,), jnp.float32),
        pltpu.VMEM((16,), jnp.float32),
        pltpu.VMEM((16,), jnp.float32),
        pltpu.VMEM((_W * 16,), jnp.float32),
        pltpu.VMEM((_W * 16,), jnp.float32),
        pltpu.VMEM_SHARED((_W * 256,), jnp.int32),
        pltpu.VMEM_SHARED((_W * 256,), jnp.int32),
        pltpu.VMEM_SHARED((_W * 16,), jnp.float32),
        pltpu.VMEM_SHARED((_W * 16,), jnp.float32),
    ],
)(_sc_body)


def kernel(t_cls_scores, t_centernesses):
    cent = t_centernesses.reshape(-1)
    pos_i, neg_i, joint, scal = _sc_call(t_cls_scores, cent)
    return (pos_i.astype(jnp.bool_), neg_i.astype(jnp.bool_), joint,
            scal[1], scal[0], joint)

# --- scband reference (transcript-rebuilt; emitter-appended) ---
"""Pipeline reference for scband-rotated-dtblgihead-loss-7610682048917 (READ-ONLY COPY).

The authoritative reference and input builder live on the scoring server;
editing this copy changes nothing except your own understanding.
"""

import jax, jax.numpy as jnp
import numpy as np

N = 174592
NC = 16
RATIO = 0.01


def setup_inputs(seed: int = 0) -> dict:
    key = jax.random.key(seed)
    k1, k2 = jax.random.split(key)
    return {
        "t_cls_scores": jax.random.normal(k1, (N, NC), dtype=jnp.float32),
        "t_centernesses": jax.random.normal(k2, (N, 1), dtype=jnp.float32),
    }


def reference(t_cls_scores, t_centernesses):
    # Faithful JAX port of RotatedDTBLGIHeadLoss.pseudoLabelSelection with mode='topk'
    teacher_probs = jax.nn.sigmoid(t_cls_scores)
    t_scores = jnp.max(teacher_probs, axis=1)
    t_joint_scores = jax.nn.sigmoid(t_centernesses).reshape(-1) * t_scores
    S_dps = jnp.mean(t_scores)
    weight_mask = t_joint_scores
    n = t_cls_scores.shape[0]
    topk_num = max(int(n * RATIO), 2)
    # torch.topk(t_scores, n) -> full descending sort with indices
    pos_sorted_vals, pos_sorted_inds = jax.lax.top_k(t_scores, n)
    # torch.topk(..., largest=False) -> full ascending sort
    neg_vals_neg, neg_sorted_inds = jax.lax.top_k(-t_scores, n)
    mask = jnp.zeros_like(t_scores)
    mask = mask.at[pos_sorted_inds[:topk_num]].set(1.0)
    mask = mask.at[neg_sorted_inds[:topk_num]].set(-1.0)
    fg_num = jnp.sum(pos_sorted_vals[:topk_num])
    pos_mask = mask > 0.0
    neg_mask = mask < 0.0
    return (pos_mask, neg_mask, weight_mask, fg_num, S_dps, t_joint_scores)

if __name__ == "__main__":
    import jax
    _d = setup_inputs()
    print(jax.jit(kernel)(*tuple(_d.values())))

</pallas_src>

<mosaic_0001>
#map = affine_map<(d0, d1) -> (0, 0)>
#map1 = affine_map<(d0, d1) -> (0)>
module attributes {stable_mosaic.version = 14 : i64} {
  func.func @_sc_body(%arg0: i32, %arg1: i32, %arg2: memref<174592x16xf32, #tpu.memory_space<hbm>>, %arg3: memref<174592xf32, #tpu.memory_space<hbm>>, %arg4: memref<174592xi32, #tpu.memory_space<hbm>>, %arg5: memref<174592xi32, #tpu.memory_space<hbm>>, %arg6: memref<174592xf32, #tpu.memory_space<hbm>>, %arg7: memref<16xf32, #tpu.memory_space<hbm>>, %arg8: memref<496x16xf32, #tpu.memory_space<vmem>>, %arg9: memref<496x16xf32, #tpu.memory_space<vmem>>, %arg10: memref<!tpu.dma_semaphore, #tpu.memory_space<semaphore_mem>>, %arg11: memref<!tpu.dma_semaphore, #tpu.memory_space<semaphore_mem>>, %arg12: memref<10912xf32, #tpu.memory_space<vmem>>, %arg13: memref<10912xi32, #tpu.memory_space<vmem>>, %arg14: memref<10912xf32, #tpu.memory_space<vmem>>, %arg15: memref<10912xf32, #tpu.memory_space<vmem>>, %arg16: memref<10912xi32, #tpu.memory_space<vmem>>, %arg17: memref<10912xi32, #tpu.memory_space<vmem>>, %arg18: memref<4096xi32, #tpu.memory_space<vmem>>, %arg19: memref<4096xi32, #tpu.memory_space<vmem>>, %arg20: memref<256xi32, #tpu.memory_space<vmem>>, %arg21: memref<256xi32, #tpu.memory_space<vmem>>, %arg22: memref<4096xi32, #tpu.memory_space<vmem>>, %arg23: memref<4096xi32, #tpu.memory_space<vmem>>, %arg24: memref<256xi32, #tpu.memory_space<vmem>>, %arg25: memref<256xi32, #tpu.memory_space<vmem>>, %arg26: memref<16xf32, #tpu.memory_space<vmem>>, %arg27: memref<16xf32, #tpu.memory_space<vmem>>, %arg28: memref<16xf32, #tpu.memory_space<vmem>>, %arg29: memref<256xf32, #tpu.memory_space<vmem>>, %arg30: memref<256xf32, #tpu.memory_space<vmem>>, %arg31: memref<4096xi32, #tpu.memory_space<vmem_shared>>, %arg32: memref<4096xi32, #tpu.memory_space<vmem_shared>>, %arg33: memref<256xf32, #tpu.memory_space<vmem_shared>>, %arg34: memref<256xf32, #tpu.memory_space<vmem_shared>>) attributes {dimension_semantics = [#tpu.dimension_semantics<core_parallel>, #tpu.dimension_semantics<subcore_parallel>], iteration_bounds = array<i64: 1, 16>, scalar_prefetch = 0 : i64, scratch_operands = 27 : i64, tpu.core_type = #tpu.core_type<sc_vector_subcore>, window_params = [{transform_indices = #map}, {transform_indices = #map1}, {transform_indices = #map1}, {transform_indices = #map1}, {transform_indices = #map1}, {transform_indices = #map1}]} {
    %mul3A = arith.constant 10912 : i32
    %mul3A_0 = arith.muli %arg1, %mul3A : i32
    %iota3A = tpu.iota {dimensions = array<i32: 0>} : vector<16xi32>
    %broadcast_in_dim3A = arith.constant 0 : i32
    %broadcast_in_dim3A_1 = vector.broadcast %broadcast_in_dim3A : i32 to vector<16xi32>
    %broadcast_in_dim3A_2 = arith.constant 0.000000e+00 : f32
    %broadcast_in_dim3A_3 = vector.broadcast %broadcast_in_dim3A_2 : f32 to vector<16xf32>
    %broadcast_in_dim3A_4 = arith.constant 1 : i32
    %broadcast_in_dim3A_5 = vector.broadcast %broadcast_in_dim3A_4 : i32 to vector<16xi32>
    "tpu.region"() ({
      %run_scoped3A = tpu.sem_alloc : memref<!tpu.dma_semaphore, #tpu.memory_space<semaphore_mem>>
      %dma_start3A_1795 = tpu.memref_slice %arg3[%mul3A_0] : memref<174592xf32, #tpu.memory_space<hbm>> -> memref<10912xf32, #tpu.memory_space<hbm>>
      %dma_start3A_1796 = tpu.memref_slice %arg3[%mul3A_0] : memref<174592xf32, #tpu.memory_space<hbm>> -> memref<10912xf32, #tpu.memory_space<hbm>>
      tpu.enqueue_dma source(%dma_start3A_1796 : memref<10912xf32, #tpu.memory_space<hbm>>) target(%arg12 : memref<10912xf32, #tpu.memory_space<vmem>>) target_semaphore(%run_scoped3A : memref<!tpu.dma_semaphore, #tpu.memory_space<semaphore_mem>>)
      %dma_wait3A = tpu.memref_slice %arg3[%mul3A_0] : memref<174592xf32, #tpu.memory_space<hbm>> -> memref<10912xf32, #tpu.memory_space<hbm>>
      %dma_wait3A_1797 = tpu.memref_slice %arg3[%mul3A_0] : memref<174592xf32, #tpu.memory_space<hbm>> -> memref<10912xf32, #tpu.memory_space<hbm>>
      tpu.wait_dma2 semaphore(%run_scoped3A : memref<!tpu.dma_semaphore, #tpu.memory_space<semaphore_mem>>) src(%dma_wait3A_1797 : memref<10912xf32, #tpu.memory_space<hbm>>) dst(%arg12 : memref<10912xf32, #tpu.memory_space<vmem>>)
      tpu.yield
    }) : () -> ()
    %scan3A = arith.constant 0 : i32
    %scan3A_6 = arith.constant 0 : i32
    %scan3A_7 = arith.constant 256 : i32
    %scan3A_8 = arith.addi %scan3A_6, %scan3A_7 : i32
    %scan3A_9 = arith.constant 4 : i32
    scf.for %scan3A_1795 = %scan3A_6 to %scan3A_8 step %scan3A_9  : i32 {
      %mul3A_1796 = arith.constant 16 : i32
      %mul3A_1797 = arith.muli %scan3A_1795, %mul3A_1796 : i32
      %swap3A_1798 = arith.index_cast %mul3A_1797 : i32 to index
      %swap3A_1799 = tpu.vector_load %arg18[%swap3A_1798] {strides = array<i32>} : memref<4096xi32, #tpu.memory_space<vmem>>, vector<16xi32>,
      tpu.vector_store %arg18[%swap3A_1798], %broadcast_in_dim3A_1 {strides = array<i32>} : memref<4096xi32, #tpu.memory_space<vmem>>, vector<16xi32>,
      %scan3A_1800 = arith.constant 1 : i32
      %scan3A_1801 = arith.addi %scan3A_1795, %scan3A_1800 : i32
      %mul3A_1802 = arith.constant 16 : i32
      %mul3A_1803 = arith.muli %scan3A_1801, %mul3A_1802 : i32
      %swap3A_1804 = arith.index_cast %mul3A_1803 : i32 to index
      %swap3A_1805 = tpu.vector_load %arg18[%swap3A_1804] {strides = array<i32>} : memref<4096xi32, #tpu.memory_space<vmem>>, vector<16xi32>,
      tpu.vector_store %arg18[%swap3A_1804], %broadcast_in_dim3A_1 {strides = array<i32>} : memref<4096xi32, #tpu.memory_space<vmem>>, vector<16xi32>,
      %scan3A_1806 = arith.constant 2 : i32
      %scan3A_1807 = arith.addi %scan3A_1795, %scan3A_1806 : i32
      %mul3A_1808 = arith.constant 16 : i32
      %mul3A_1809 = arith.muli %scan3A_1807, %mul3A_1808 : i32
      %swap3A_1810 = arith.index_cast %mul3A_1809 : i32 to index
      %swap3A_1811 = tpu.vector_load %arg18[%swap3A_1810] {strides = array<i32>} : memref<4096xi32, #tpu.memory_space<vmem>>, vector<16xi32>,
      tpu.vector_store %arg18[%swap3A_1810], %broadcast_in_dim3A_1 {strides = array<i32>} : memref<4096xi32, #tpu.memory_space<vmem>>, vector<16xi32>,
      %scan3A_1812 = arith.constant 3 : i32
      %scan3A_1813 = arith.addi %scan3A_1795, %scan3A_1812 : i32
      %mul3A_1814 = arith.constant 16 : i32
      %mul3A_1815 = arith.muli %scan3A_1813, %mul3A_1814 : i32
      %swap3A_1816 = arith.index_cast %mul3A_1815 : i32 to index
      %swap3A_1817 = tpu.vector_load %arg18[%swap3A_1816] {strides = array<i32>} : memref<4096xi32, #tpu.memory_space<vmem>>, vector<16xi32>,
      tpu.vector_store %arg18[%swap3A_1816], %broadcast_in_dim3A_1 {strides = array<i32>} : memref<4096xi32, #tpu.memory_space<vmem>>, vector<16xi32>,
    }
    %scan3A_10 = arith.constant 256 : i32
    %add3A = arith.constant 0 : i32
    %add3A_11 = arith.addi %mul3A_0, %add3A : i32
    %dma_start3A = arith.constant 0 : i32
    %dma_start3A_12 = tpu.memref_slice %arg2[%add3A_11, %dma_start3A] : memref<174592x16xf32, #tpu.memory_space<hbm>> -> memref<496x16xf32, #tpu.memory_space<hbm>>
    %dma_start3A_13 = arith.constant 0 : i32
    %dma_start3A_14 = tpu.memref_slice %arg2[%add3A_11, %dma_start3A_13] : memref<174592x16xf32, #tpu.memory_space<hbm>> -> memref<496x16xf32, #tpu.memory_space<hbm>>
    tpu.enqueue_dma source(%dma_start3A_14 : memref<496x16xf32, #tpu.memory_space<hbm>>) target(%arg8 : memref<496x16xf32, #tpu.memory_space<vmem>>) target_semaphore(%arg10 : memref<!tpu.dma_semaphore, #tpu.memory_space<semaphore_mem>>)
    %scan3A_15 = arith.constant 0 : i32
    %scan3A_16 = arith.constant 11 : i32
    %scan3A_17 = arith.addi %scan3A_15, %scan3A_16 : i32
    %scan3A_18 = arith.constant 1 : i32
    %scan3A_19 = scf.for %scan3A_1795 = %scan3A_15 to %scan3A_17 step %scan3A_18 iter_args(%scan3A_1796 = %broadcast_in_dim3A_3) -> (vector<16xf32>)  : i32 {
      %mul3A_1797 = arith.constant 2 : i32
      %mul3A_1798 = arith.muli %mul3A_1797, %scan3A_1795 : i32
      %mul3A_1799 = arith.constant 2 : i32
      %mul3A_1800 = arith.muli %mul3A_1799, %scan3A_1795 : i32
      %add3A_1801 = arith.constant 1 : i32
      %add3A_1802 = arith.addi %mul3A_1800, %add3A_1801 : i32
      %mul3A_1803 = arith.constant 496 : i32
      %mul3A_1804 = arith.muli %mul3A_1798, %mul3A_1803 : i32
      %add3A_1805 = arith.addi %mul3A_0, %mul3A_1804 : i32
      %dma_wait3A = arith.constant 0 : i32
      %dma_wait3A_1806 = tpu.memref_slice %arg2[%add3A_1805, %dma_wait3A] : memref<174592x16xf32, #tpu.memory_space<hbm>> -> memref<496x16xf32, #tpu.memory_space<hbm>>
      %dma_wait3A_1807 = arith.constant 0 : i32
      %dma_wait3A_1808 = tpu.memref_slice %arg2[%add3A_1805, %dma_wait3A_1807] : memref<174592x16xf32, #tpu.memory_space<hbm>> -> memref<496x16xf32, #tpu.memory_space<hbm>>
      tpu.wait_dma2 semaphore(%arg10 : memref<!tpu.dma_semaphore, #tpu.memory_space<semaphore_mem>>) src(%dma_wait3A_1808 : memref<496x16xf32, #tpu.memory_space<hbm>>) dst(%arg8 : memref<496x16xf32, #tpu.memory_space<vmem>>)
      %mul3A_1809 = arith.constant 496 : i32
      %mul3A_1810 = arith.muli %add3A_1802, %mul3A_1809 : i32
      %add3A_1811 = arith.addi %mul3A_0, %mul3A_1810 : i32
      %dma_start3A_1812 = arith.constant 0 : i32
      %dma_start3A_1813 = tpu.memref_slice %arg2[%add3A_1811, %dma_start3A_1812] : memref<174592x16xf32, #tpu.memory_space<hbm>> -> memref<496x16xf32, #tpu.memory_space<hbm>>
      %dma_start3A_1814 = arith.constant 0 : i32
      %dma_start3A_1815 = tpu.memref_slice %arg2[%add3A_1811, %dma_start3A_1814] : memref<174592x16xf32, #tpu.memory_space<hbm>> -> memref<496x16xf32, #tpu.memory_space<hbm>>
      tpu.enqueue_dma source(%dma_start3A_1815 : memref<496x16xf32, #tpu.memory_space<hbm>>) target(%arg9 : memref<496x16xf32, #tpu.memory_space<vmem>>) target_semaphore(%arg11 : memref<!tpu.dma_semaphore, #tpu.memory_space<semaphore_mem>>)
      %scan3A_1816 = arith.constant 0 : i32
      %scan3A_1817 = arith.constant 31 : i32
      %scan3A_1818 = arith.addi %scan3A_1816, %scan3A_1817 : i32
      %scan3A_1819 = arith.constant 1 : i32
      %scan3A_1820 = scf.for %scan3A_1842 = %scan3A_1816 to %scan3A_1818 step %scan3A_1819 iter_args(%scan3A_1843 = %scan3A_1796) -> (vector<16xf32>)  : i32 {
        %mul3A_1844 = arith.constant 16 : i32
        %mul3A_1845 = arith.muli %scan3A_1842, %mul3A_1844 : i32
        %add3A_1846 = vector.broadcast %mul3A_1845 : i32 to vector<16xi32>
        %add3A_1847 = arith.addi %add3A_1846, %iota3A : vector<16xi32>
        %gather3A_1848 = tpu.vector_load_idx %arg8[%add3A_1847, %broadcast_in_dim3A_1] : memref<496x16xf32, #tpu.memory_space<vmem>>[vector<16xi32>, vector<16xi32>], vector<16xf32>,
        %broadcast_in_dim3A_1849 = arith.constant 1 : i32
        %broadcast_in_dim3A_1850 = vector.broadcast %broadcast_in_dim3A_1849 : i32 to vector<16xi32>
        %gather3A_1851 = tpu.vector_load_idx %arg8[%add3A_1847, %broadcast_in_dim3A_1850] : memref<496x16xf32, #tpu.memory_space<vmem>>[vector<16xi32>, vector<16xi32>], vector<16xf32>,
        %max3A_1852 = arith.maximumf %gather3A_1848, %gather3A_1851 : vector<16xf32>
        %broadcast_in_dim3A_1853 = arith.constant 2 : i32
        %broadcast_in_dim3A_1854 = vector.broadcast %broadcast_in_dim3A_1853 : i32 to vector<16xi32>
        %gather3A_1855 = tpu.vector_load_idx %arg8[%add3A_1847, %broadcast_in_dim3A_1854] : memref<496x16xf32, #tpu.memory_space<vmem>>[vector<16xi32>, vector<16xi32>], vector<16xf32>,
        %max3A_1856 = arith.maximumf %max3A_1852, %gather3A_1855 : vector<16xf32>
        %broadcast_in_dim3A_1857 = arith.constant 3 : i32
        %broadcast_in_dim3A_1858 = vector.broadcast %broadcast_in_dim3A_1857 : i32 to vector<16xi32>
        %gather3A_1859 = tpu.vector_load_idx %arg8[%add3A_1847, %broadcast_in_dim3A_1858] : memref<496x16xf32, #tpu.memory_space<vmem>>[vector<16xi32>, vector<16xi32>], vector<16xf32>,
        %max3A_1860 = arith.maximumf %max3A_1856, %gather3A_1859 : vector<16xf32>
        %broadcast_in_dim3A_1861 = arith.constant 4 : i32
        %broadcast_in_dim3A_1862 = vector.broadcast %broadcast_in_dim3A_1861 : i32 to vector<16xi32>
        %gather3A_1863 = tpu.vector_load_idx %arg8[%add3A_1847, %broadcast_in_dim3A_1862] : memref<496x16xf32, #tpu.memory_space<vmem>>[vector<16xi32>, vector<16xi32>], vector<16xf32>,
        %max3A_1864 = arith.maximumf %max3A_1860, %gather3A_1863 : vector<16xf32>
        %broadcast_in_dim3A_1865 = arith.constant 5 : i32
        %broadcast_in_dim3A_1866 = vector.broadcast %broadcast_in_dim3A_1865 : i32 to vector<16xi32>
        %gather3A_1867 = tpu.vector_load_idx %arg8[%add3A_1847, %broadcast_in_dim3A_1866] : memref<496x16xf32, #tpu.memory_space<vmem>>[vector<16xi32>, vector<16xi32>], vector<16xf32>,
        %max3A_1868 = arith.maximumf %max3A_1864, %gather3A_1867 : vector<16xf32>
        %broadcast_in_dim3A_1869 = arith.constant 6 : i32
        %broadcast_in_dim3A_1870 = vector.broadcast %broadcast_in_dim3A_1869 : i32 to vector<16xi32>
        %gather3A_1871 = tpu.vector_load_idx %arg8[%add3A_1847, %broadcast_in_dim3A_1870] : memref<496x16xf32, #tpu.memory_space<vmem>>[vector<16xi32>, vector<16xi32>], vector<16xf32>,
        %max3A_1872 = arith.maximumf %max3A_1868, %gather3A_1871 : vector<16xf32>
        %broadcast_in_dim3A_1873 = arith.constant 7 : i32
        %broadcast_in_dim3A_1874 = vector.broadcast %broadcast_in_dim3A_1873 : i32 to vector<16xi32>
        %gather3A_1875 = tpu.vector_load_idx %arg8[%add3A_1847, %broadcast_in_dim3A_1874] : memref<496x16xf32, #tpu.memory_space<vmem>>[vector<16xi32>, vector<16xi32>], vector<16xf32>,
        %max3A_1876 = arith.maximumf %max3A_1872, %gather3A_1875 : vector<16xf32>
        %broadcast_in_dim3A_1877 = arith.constant 8 : i32
        %broadcast_in_dim3A_1878 = vector.broadcast %broadcast_in_dim3A_1877 : i32 to vector<16xi32>
        %gather3A_1879 = tpu.vector_load_idx %arg8[%add3A_1847, %broadcast_in_dim3A_1878] : memref<496x16xf32, #tpu.memory_space<vmem>>[vector<16xi32>, vector<16xi32>], vector<16xf32>,
        %max3A_1880 = arith.maximumf %max3A_1876, %gather3A_1879 : vector<16xf32>
        %broadcast_in_dim3A_1881 = arith.constant 9 : i32
        %broadcast_in_dim3A_1882 = vector.broadcast %broadcast_in_dim3A_1881 : i32 to vector<16xi32>
        %gather3A_1883 = tpu.vector_load_idx %arg8[%add3A_1847, %broadcast_in_dim3A_1882] : memref<496x16xf32, #tpu.memory_space<vmem>>[vector<16xi32>, vector<16xi32>], vector<16xf32>,
        %max3A_1884 = arith.maximumf %max3A_1880, %gather3A_1883 : vector<16xf32>
        %broadcast_in_dim3A_1885 = arith.constant 10 : i32
        %broadcast_in_dim3A_1886 = vector.broadcast %broadcast_in_dim3A_1885 : i32 to vector<16xi32>
        %gather3A_1887 = tpu.vector_load_idx %arg8[%add3A_1847, %broadcast_in_dim3A_1886] : memref<496x16xf32, #tpu.memory_space<vmem>>[vector<16xi32>, vector<16xi32>], vector<16xf32>,
        %max3A_1888 = arith.maximumf %max3A_1884, %gather3A_1887 : vector<16xf32>
        %broadcast_in_dim3A_1889 = arith.constant 11 : i32
        %broadcast_in_dim3A_1890 = vector.broadcast %broadcast_in_dim3A_1889 : i32 to vector<16xi32>
        %gather3A_1891 = tpu.vector_load_idx %arg8[%add3A_1847, %broadcast_in_dim3A_1890] : memref<496x16xf32, #tpu.memory_space<vmem>>[vector<16xi32>, vector<16xi32>], vector<16xf32>,
        %max3A_1892 = arith.maximumf %max3A_1888, %gather3A_1891 : vector<16xf32>
        %broadcast_in_dim3A_1893 = arith.constant 12 : i32
        %broadcast_in_dim3A_1894 = vector.broadcast %broadcast_in_dim3A_1893 : i32 to vector<16xi32>
        %gather3A_1895 = tpu.vector_load_idx %arg8[%add3A_1847, %broadcast_in_dim3A_1894] : memref<496x16xf32, #tpu.memory_space<vmem>>[vector<16xi32>, vector<16xi32>], vector<16xf32>,
        %max3A_1896 = arith.maximumf %max3A_1892, %gather3A_1895 : vector<16xf32>
        %broadcast_in_dim3A_1897 = arith.constant 13 : i32
        %broadcast_in_dim3A_1898 = vector.broadcast %broadcast_in_dim3A_1897 : i32 to vector<16xi32>
        %gather3A_1899 = tpu.vector_load_idx %arg8[%add3A_1847, %broadcast_in_dim3A_1898] : memref<496x16xf32, #tpu.memory_space<vmem>>[vector<16xi32>, vector<16xi32>], vector<16xf32>,
        %max3A_1900 = arith.maximumf %max3A_1896, %gather3A_1899 : vector<16xf32>
        %broadcast_in_dim3A_1901 = arith.constant 14 : i32
        %broadcast_in_dim3A_1902 = vector.broadcast %broadcast_in_dim3A_1901 : i32 to vector<16xi32>
        %gather3A_1903 = tpu.vector_load_idx %arg8[%add3A_1847, %broadcast_in_dim3A_1902] : memref<496x16xf32, #tpu.memory_space<vmem>>[vector<16xi32>, vector<16xi32>], vector<16xf32>,
        %max3A_1904 = arith.maximumf %max3A_1900, %gather3A_1903 : vector<16xf32>
        %broadcast_in_dim3A_1905 = arith.constant 15 : i32
        %broadcast_in_dim3A_1906 = vector.broadcast %broadcast_in_dim3A_1905 : i32 to vector<16xi32>
        %gather3A_1907 = tpu.vector_load_idx %arg8[%add3A_1847, %broadcast_in_dim3A_1906] : memref<496x16xf32, #tpu.memory_space<vmem>>[vector<16xi32>, vector<16xi32>], vector<16xf32>,
        %max3A_1908 = arith.maximumf %max3A_1904, %gather3A_1907 : vector<16xf32>
        %mul3A_1909 = arith.constant 496 : i32
        %mul3A_1910 = arith.muli %mul3A_1798, %mul3A_1909 : i32
        %mul3A_1911 = arith.constant 16 : i32
        %mul3A_1912 = arith.muli %scan3A_1842, %mul3A_1911 : i32
        %add3A_1913 = arith.addi %mul3A_1910, %mul3A_1912 : i32
        %bitcast3A = vector.bitcast %max3A_1908 : vector<16xf32> to vector<16xi32>
        %shift_right_arithmetic3A = arith.constant 31 : i32
        %shift_right_arithmetic3A_1914 = vector.broadcast %shift_right_arithmetic3A : i32 to vector<16xi32>
        %shift_right_arithmetic3A_1915 = arith.shrsi %bitcast3A, %shift_right_arithmetic3A_1914 : vector<16xi32>
        %and3A = arith.constant 2147483647 : i32
        %and3A_1916 = vector.broadcast %and3A : i32 to vector<16xi32>
        %and3A_1917 = arith.andi %shift_right_arithmetic3A_1915, %and3A_1916 : vector<16xi32>
        %xor3A_1918 = arith.xori %bitcast3A, %and3A_1917 : vector<16xi32>
        %swap3A_1919 = arith.index_cast %add3A_1913 : i32 to index
        %swap3A_1920 = tpu.vector_load %arg13[%swap3A_1919] {strides = array<i32>} : memref<10912xi32, #tpu.memory_space<vmem>>, vector<16xi32>,
        tpu.vector_store %arg13[%swap3A_1919], %xor3A_1918 {strides = array<i32>} : memref<10912xi32, #tpu.memory_space<vmem>>, vector<16xi32>,
        %xor3A_1921 = arith.constant -2147483648 : i32
        %xor3A_1922 = vector.broadcast %xor3A_1921 : i32 to vector<16xi32>
        %xor3A_1923 = arith.xori %xor3A_1918, %xor3A_1922 : vector<16xi32>
        %shift_right_logical3A = arith.constant 24 : i32
        %shift_right_logical3A_1924 = vector.broadcast %shift_right_logical3A : i32 to vector<16xi32>
        %shift_right_logical3A_1925 = arith.shrui %xor3A_1923, %shift_right_logical3A_1924 : vector<16xi32>
        %mul3A_1926 = arith.constant 16 : i32
        %mul3A_1927 = vector.broadcast %mul3A_1926 : i32 to vector<16xi32>
        %mul3A_1928 = arith.muli %shift_right_logical3A_1925, %mul3A_1927 : vector<16xi32>
        %add3A_1929 = arith.addi %mul3A_1928, %iota3A : vector<16xi32>
        tpu.vector_store_idx %arg18[%add3A_1929], %broadcast_in_dim3A_5 {add = true} : memref<4096xi32, #tpu.memory_space<vmem>>[vector<16xi32>], vector<16xi32>,
        %neg3A = arith.constant 0.000000e+00 : f32
        %neg3A_1930 = vector.broadcast %neg3A : f32 to vector<16xf32>
        %neg3A_1931 = arith.subf %neg3A_1930, %max3A_1908 : vector<16xf32>
        %exp3A = math.exp %neg3A_1931 : vector<16xf32>
        %add3A_1932 = arith.constant 1.000000e+00 : f32
        %add3A_1933 = vector.broadcast %add3A_1932 : f32 to vector<16xf32>
        %add3A_1934 = arith.addf %add3A_1933, %exp3A : vector<16xf32>
        %div3A = arith.constant 1.000000e+00 : f32
        %div3A_1935 = vector.broadcast %div3A : f32 to vector<16xf32>
        %div3A_1936 = arith.divf %div3A_1935, %add3A_1934 : vector<16xf32>
        %swap3A_1937 = arith.index_cast %add3A_1913 : i32 to index
        %swap3A_1938 = tpu.vector_load %arg14[%swap3A_1937] {strides = array<i32>} : memref<10912xf32, #tpu.memory_space<vmem>>, vector<16xf32>,
        tpu.vector_store %arg14[%swap3A_1937], %div3A_1936 {strides = array<i32>} : memref<10912xf32, #tpu.memory_space<vmem>>, vector<16xf32>,
        %get3A_1939 = arith.index_cast %add3A_1913 : i32 to index
        %get3A_1940 = tpu.vector_load %arg12[%get3A_1939] {strides = array<i32>} : memref<10912xf32, #tpu.memory_space<vmem>>, vector<16xf32>,
        %neg3A_1941 = arith.constant 0.000000e+00 : f32
        %neg3A_1942 = vector.broadcast %neg3A_1941 : f32 to vector<16xf32>
        %neg3A_1943 = arith.subf %neg3A_1942, %get3A_1940 : vector<16xf32>
        %exp3A_1944 = math.exp %neg3A_1943 : vector<16xf32>
        %add3A_1945 = arith.constant 1.000000e+00 : f32
        %add3A_1946 = vector.broadcast %add3A_1945 : f32 to vector<16xf32>
        %add3A_1947 = arith.addf %add3A_1946, %exp3A_1944 : vector<16xf32>
        %div3A_1948 = arith.constant 1.000000e+00 : f32
        %div3A_1949 = vector.broadcast %div3A_1948 : f32 to vector<16xf32>
        %div3A_1950 = arith.divf %div3A_1949, %add3A_1947 : vector<16xf32>
        %mul3A_1951 = arith.mulf %div3A_1936, %div3A_1950 : vector<16xf32>
        %swap3A_1952 = arith.index_cast %add3A_1913 : i32 to index
        %swap3A_1953 = tpu.vector_load %arg15[%swap3A_1952] {strides = array<i32>} : memref<10912xf32, #tpu.memory_space<vmem>>, vector<16xf32>,
        tpu.vector_store %arg15[%swap3A_1952], %mul3A_1951 {strides = array<i32>} : memref<10912xf32, #tpu.memory_space<vmem>>, vector<16xf32>,
        %add3A_1954 = arith.addf %scan3A_1843, %div3A_1936 : vector<16xf32>
        scf.yield %add3A_1954 : vector<16xf32>
      }
      %scan3A_1821 = arith.constant 31 : i32
      %mul3A_1822 = arith.constant 496 : i32
      %mul3A_1823 = arith.muli %add3A_1802, %mul3A_1822 : i32
      %add3A_1824 = arith.addi %mul3A_0, %mul3A_1823 : i32
      %dma_wait3A_1825 = arith.constant 0 : i32
      %dma_wait3A_1826 = tpu.memref_slice %arg2[%add3A_1824, %dma_wait3A_1825] : memref<174592x16xf32, #tpu.memory_space<hbm>> -> memref<496x16xf32, #tpu.memory_space<hbm>>
      %dma_wait3A_1827 = arith.constant 0 : i32
      %dma_wait3A_1828 = tpu.memref_slice %arg2[%add3A_1824, %dma_wait3A_1827] : memref<174592x16xf32, #tpu.memory_space<hbm>> -> memref<496x16xf32, #tpu.memory_space<hbm>>
      tpu.wait_dma2 semaphore(%arg11 : memref<!tpu.dma_semaphore, #tpu.memory_space<semaphore_mem>>) src(%dma_wait3A_1828 : memref<496x16xf32, #tpu.memory_space<hbm>>) dst(%arg9 : memref<496x16xf32, #tpu.memory_space<vmem>>)
      %add3A_1829 = arith.constant 1 : i32
      %add3A_1830 = arith.addi %add3A_1802, %add3A_1829 : i32
      %lt3A_1831 = arith.constant 22 : i32
      %lt3A_1832 = arith.cmpi slt, %add3A_1830, %lt3A_1831 : i32
      %convert_element_type3A_1833 = arith.extui %lt3A_1832 : i1 to i32
      %cond3A_1834 = arith.constant 0 : i32
      %cond3A_1835 = arith.cmpi ne, %convert_element_type3A_1833, %cond3A_1834 : i32
      scf.if %cond3A_1835 {
        %add3A_1842 = arith.constant 1 : i32
        %add3A_1843 = arith.addi %add3A_1802, %add3A_1842 : i32
        %mul3A_1844 = arith.constant 496 : i32
        %mul3A_1845 = arith.muli %add3A_1843, %mul3A_1844 : i32
        %add3A_1846 = arith.addi %mul3A_0, %mul3A_1845 : i32
        %dma_start3A_1847 = arith.constant 0 : i32
        %dma_start3A_1848 = tpu.memref_slice %arg2[%add3A_1846, %dma_start3A_1847] : memref<174592x16xf32, #tpu.memory_space<hbm>> -> memref<496x16xf32, #tpu.memory_space<hbm>>
        %dma_start3A_1849 = arith.constant 0 : i32
        %dma_start3A_1850 = tpu.memref_slice %arg2[%add3A_1846, %dma_start3A_1849] : memref<174592x16xf32, #tpu.memory_space<hbm>> -> memref<496x16xf32, #tpu.memory_space<hbm>>
        tpu.enqueue_dma source(%dma_start3A_1850 : memref<496x16xf32, #tpu.memory_space<hbm>>) target(%arg8 : memref<496x16xf32, #tpu.memory_space<vmem>>) target_semaphore(%arg10 : memref<!tpu.dma_semaphore, #tpu.memory_space<semaphore_mem>>)
      } else {
      }
      %scan3A_1836 = arith.constant 0 : i32
      %scan3A_1837 = arith.constant 31 : i32
      %scan3A_1838 = arith.addi %scan3A_1836, %scan3A_1837 : i32
      %scan3A_1839 = arith.constant 1 : i32
      %scan3A_1840 = scf.for %scan3A_1842 = %scan3A_1836 to %scan3A_1838 step %scan3A_1839 iter_args(%scan3A_1843 = %scan3A_1820) -> (vector<16xf32>)  : i32 {
        %mul3A_1844 = arith.constant 16 : i32
        %mul3A_1845 = arith.muli %scan3A_1842, %mul3A_1844 : i32
        %add3A_1846 = vector.broadcast %mul3A_1845 : i32 to vector<16xi32>
        %add3A_1847 = arith.addi %add3A_1846, %iota3A : vector<16xi32>
        %gather3A_1848 = tpu.vector_load_idx %arg9[%add3A_1847, %broadcast_in_dim3A_1] : memref<496x16xf32, #tpu.memory_space<vmem>>[vector<16xi32>, vector<16xi32>], vector<16xf32>,
        %broadcast_in_dim3A_1849 = arith.constant 1 : i32
        %broadcast_in_dim3A_1850 = vector.broadcast %broadcast_in_dim3A_1849 : i32 to vector<16xi32>
        %gather3A_1851 = tpu.vector_load_idx %arg9[%add3A_1847, %broadcast_in_dim3A_1850] : memref<496x16xf32, #tpu.memory_space<vmem>>[vector<16xi32>, vector<16xi32>], vector<16xf32>,
        %max3A_1852 = arith.maximumf %gather3A_1848, %gather3A_1851 : vector<16xf32>
        %broadcast_in_dim3A_1853 = arith.constant 2 : i32
        %broadcast_in_dim3A_1854 = vector.broadcast %broadcast_in_dim3A_1853 : i32 to vector<16xi32>
        %gather3A_1855 = tpu.vector_load_idx %arg9[%add3A_1847, %broadcast_in_dim3A_1854] : memref<496x16xf32, #tpu.memory_space<vmem>>[vector<16xi32>, vector<16xi32>], vector<16xf32>,
        %max3A_1856 = arith.maximumf %max3A_1852, %gather3A_1855 : vector<16xf32>
        %broadcast_in_dim3A_1857 = arith.constant 3 : i32
        %broadcast_in_dim3A_1858 = vector.broadcast %broadcast_in_dim3A_1857 : i32 to vector<16xi32>
        %gather3A_1859 = tpu.vector_load_idx %arg9[%add3A_1847, %broadcast_in_dim3A_1858] : memref<496x16xf32, #tpu.memory_space<vmem>>[vector<16xi32>, vector<16xi32>], vector<16xf32>,
        %max3A_1860 = arith.maximumf %max3A_1856, %gather3A_1859 : vector<16xf32>
        %broadcast_in_dim3A_1861 = arith.constant 4 : i32
        %broadcast_in_dim3A_1862 = vector.broadcast %broadcast_in_dim3A_1861 : i32 to vector<16xi32>
        %gather3A_1863 = tpu.vector_load_idx %arg9[%add3A_1847, %broadcast_in_dim3A_1862] : memref<496x16xf32, #tpu.memory_space<vmem>>[vector<16xi32>, vector<16xi32>], vector<16xf32>,
        %max3A_1864 = arith.maximumf %max3A_1860, %gather3A_1863 : vector<16xf32>
        %broadcast_in_dim3A_1865 = arith.constant 5 : i32
        %broadcast_in_dim3A_1866 = vector.broadcast %broadcast_in_dim3A_1865 : i32 to vector<16xi32>
        %gather3A_1867 = tpu.vector_load_idx %arg9[%add3A_1847, %broadcast_in_dim3A_1866] : memref<496x16xf32, #tpu.memory_space<vmem>>[vector<16xi32>, vector<16xi32>], vector<16xf32>,
        %max3A_1868 = arith.maximumf %max3A_1864, %gather3A_1867 : vector<16xf32>
        %broadcast_in_dim3A_1869 = arith.constant 6 : i32
        %broadcast_in_dim3A_1870 = vector.broadcast %broadcast_in_dim3A_1869 : i32 to vector<16xi32>
        %gather3A_1871 = tpu.vector_load_idx %arg9[%add3A_1847, %broadcast_in_dim3A_1870] : memref<496x16xf32, #tpu.memory_space<vmem>>[vector<16xi32>, vector<16xi32>], vector<16xf32>,
        %max3A_1872 = arith.maximumf %max3A_1868, %gather3A_1871 : vector<16xf32>
        %broadcast_in_dim3A_1873 = arith.constant 7 : i32
        %broadcast_in_dim3A_1874 = vector.broadcast %broadcast_in_dim3A_1873 : i32 to vector<16xi32>
        %gather3A_1875 = tpu.vector_load_idx %arg9[%add3A_1847, %broadcast_in_dim3A_1874] : memref<496x16xf32, #tpu.memory_space<vmem>>[vector<16xi32>, vector<16xi32>], vector<16xf32>,
        %max3A_1876 = arith.maximumf %max3A_1872, %gather3A_1875 : vector<16xf32>
        %broadcast_in_dim3A_1877 = arith.constant 8 : i32
        %broadcast_in_dim3A_1878 = vector.broadcast %broadcast_in_dim3A_1877 : i32 to vector<16xi32>
        %gather3A_1879 = tpu.vector_load_idx %arg9[%add3A_1847, %broadcast_in_dim3A_1878] : memref<496x16xf32, #tpu.memory_space<vmem>>[vector<16xi32>, vector<16xi32>], vector<16xf32>,
        %max3A_1880 = arith.maximumf %max3A_1876, %gather3A_1879 : vector<16xf32>
        %broadcast_in_dim3A_1881 = arith.constant 9 : i32
        %broadcast_in_dim3A_1882 = vector.broadcast %broadcast_in_dim3A_1881 : i32 to vector<16xi32>
        %gather3A_1883 = tpu.vector_load_idx %arg9[%add3A_1847, %broadcast_in_dim3A_1882] : memref<496x16xf32, #tpu.memory_space<vmem>>[vector<16xi32>, vector<16xi32>], vector<16xf32>,
        %max3A_1884 = arith.maximumf %max3A_1880, %gather3A_1883 : vector<16xf32>
        %broadcast_in_dim3A_1885 = arith.constant 10 : i32
        %broadcast_in_dim3A_1886 = vector.broadcast %broadcast_in_dim3A_1885 : i32 to vector<16xi32>
        %gather3A_1887 = tpu.vector_load_idx %arg9[%add3A_1847, %broadcast_in_dim3A_1886] : memref<496x16xf32, #tpu.memory_space<vmem>>[vector<16xi32>, vector<16xi32>], vector<16xf32>,
        %max3A_1888 = arith.maximumf %max3A_1884, %gather3A_1887 : vector<16xf32>
        %broadcast_in_dim3A_1889 = arith.constant 11 : i32
        %broadcast_in_dim3A_1890 = vector.broadcast %broadcast_in_dim3A_1889 : i32 to vector<16xi32>
        %gather3A_1891 = tpu.vector_load_idx %arg9[%add3A_1847, %broadcast_in_dim3A_1890] : memref<496x16xf32, #tpu.memory_space<vmem>>[vector<16xi32>, vector<16xi32>], vector<16xf32>,
        %max3A_1892 = arith.maximumf %max3A_1888, %gather3A_1891 : vector<16xf32>
        %broadcast_in_dim3A_1893 = arith.constant 12 : i32
        %broadcast_in_dim3A_1894 = vector.broadcast %broadcast_in_dim3A_1893 : i32 to vector<16xi32>
        %gather3A_1895 = tpu.vector_load_idx %arg9[%add3A_1847, %broadcast_in_dim3A_1894] : memref<496x16xf32, #tpu.memory_space<vmem>>[vector<16xi32>, vector<16xi32>], vector<16xf32>,
        %max3A_1896 = arith.maximumf %max3A_1892, %gather3A_1895 : vector<16xf32>
        %broadcast_in_dim3A_1897 = arith.constant 13 : i32
        %broadcast_in_dim3A_1898 = vector.broadcast %broadcast_in_dim3A_1897 : i32 to vector<16xi32>
        %gather3A_1899 = tpu.vector_load_idx %arg9[%add3A_1847, %broadcast_in_dim3A_1898] : memref<496x16xf32, #tpu.memory_space<vmem>>[vector<16xi32>, vector<16xi32>], vector<16xf32>,
        %max3A_1900 = arith.maximumf %max3A_1896, %gather3A_1899 : vector<16xf32>
        %broadcast_in_dim3A_1901 = arith.constant 14 : i32
        %broadcast_in_dim3A_1902 = vector.broadcast %broadcast_in_dim3A_1901 : i32 to vector<16xi32>
        %gather3A_1903 = tpu.vector_load_idx %arg9[%add3A_1847, %broadcast_in_dim3A_1902] : memref<496x16xf32, #tpu.memory_space<vmem>>[vector<16xi32>, vector<16xi32>], vector<16xf32>,
        %max3A_1904 = arith.maximumf %max3A_1900, %gather3A_1903 : vector<16xf32>
        %broadcast_in_dim3A_1905 = arith.constant 15 : i32
        %broadcast_in_dim3A_1906 = vector.broadcast %broadcast_in_dim3A_1905 : i32 to vector<16xi32>
        %gather3A_1907 = tpu.vector_load_idx %arg9[%add3A_1847, %broadcast_in_dim3A_1906] : memref<496x16xf32, #tpu.memory_space<vmem>>[vector<16xi32>, vector<16xi32>], vector<16xf32>,
        %max3A_1908 = arith.maximumf %max3A_1904, %gather3A_1907 : vector<16xf32>
        %mul3A_1909 = arith.constant 496 : i32
        %mul3A_1910 = arith.muli %add3A_1802, %mul3A_1909 : i32
        %mul3A_1911 = arith.constant 16 : i32
        %mul3A_1912 = arith.muli %scan3A_1842, %mul3A_1911 : i32
        %add3A_1913 = arith.addi %mul3A_1910, %mul3A_1912 : i32
        %bitcast3A = vector.bitcast %max3A_1908 : vector<16xf32> to vector<16xi32>
        %shift_right_arithmetic3A = arith.constant 31 : i32
        %shift_right_arithmetic3A_1914 = vector.broadcast %shift_right_arithmetic3A : i32 to vector<16xi32>
        %shift_right_arithmetic3A_1915 = arith.shrsi %bitcast3A, %shift_right_arithmetic3A_1914 : vector<16xi32>
        %and3A = arith.constant 2147483647 : i32
        %and3A_1916 = vector.broadcast %and3A : i32 to vector<16xi32>
        %and3A_1917 = arith.andi %shift_right_arithmetic3A_1915, %and3A_1916 : vector<16xi32>
        %xor3A_1918 = arith.xori %bitcast3A, %and3A_1917 : vector<16xi32>
        %swap3A_1919 = arith.index_cast %add3A_1913 : i32 to index
        %swap3A_1920 = tpu.vector_load %arg13[%swap3A_1919] {strides = array<i32>} : memref<10912xi32, #tpu.memory_space<vmem>>, vector<16xi32>,
        tpu.vector_store %arg13[%swap3A_1919], %xor3A_1918 {strides = array<i32>} : memref<10912xi32, #tpu.memory_space<vmem>>, vector<16xi32>,
        %xor3A_1921 = arith.constant -2147483648 : i32
        %xor3A_1922 = vector.broadcast %xor3A_1921 : i32 to vector<16xi32>
        %xor3A_1923 = arith.xori %xor3A_1918, %xor3A_1922 : vector<16xi32>
        %shift_right_logical3A = arith.constant 24 : i32
        %shift_right_logical3A_1924 = vector.broadcast %shift_right_logical3A : i32 to vector<16xi32>
        %shift_right_logical3A_1925 = arith.shrui %xor3A_1923, %shift_right_logical3A_1924 : vector<16xi32>
        %mul3A_1926 = arith.constant 16 : i32
        %mul3A_1927 = vector.broadcast %mul3A_1926 : i32 to vector<16xi32>
        %mul3A_1928 = arith.muli %shift_right_logical3A_1925, %mul3A_1927 : vector<16xi32>
        %add3A_1929 = arith.addi %mul3A_1928, %iota3A : vector<16xi32>
        tpu.vector_store_idx %arg18[%add3A_1929], %broadcast_in_dim3A_5 {add = true} : memref<4096xi32, #tpu.memory_space<vmem>>[vector<16xi32>], vector<16xi32>,
        %neg3A = arith.constant 0.000000e+00 : f32
        %neg3A_1930 = vector.broadcast %neg3A : f32 to vector<16xf32>
        %neg3A_1931 = arith.subf %neg3A_1930, %max3A_1908 : vector<16xf32>
        %exp3A = math.exp %neg3A_1931 : vector<16xf32>
        %add3A_1932 = arith.constant 1.000000e+00 : f32
        %add3A_1933 = vector.broadcast %add3A_1932 : f32 to vector<16xf32>
        %add3A_1934 = arith.addf %add3A_1933, %exp3A : vector<16xf32>
        %div3A = arith.constant 1.000000e+00 : f32
        %div3A_1935 = vector.broadcast %div3A : f32 to vector<16xf32>
        %div3A_1936 = arith.divf %div3A_1935, %add3A_1934 : vector<16xf32>
        %swap3A_1937 = arith.index_cast %add3A_1913 : i32 to index
        %swap3A_1938 = tpu.vector_load %arg14[%swap3A_1937] {strides = array<i32>} : memref<10912xf32, #tpu.memory_space<vmem>>, vector<16xf32>,
        tpu.vector_store %arg14[%swap3A_1937], %div3A_1936 {strides = array<i32>} : memref<10912xf32, #tpu.memory_space<vmem>>, vector<16xf32>,
        %get3A_1939 = arith.index_cast %add3A_1913 : i32 to index
        %get3A_1940 = tpu.vector_load %arg12[%get3A_1939] {strides = array<i32>} : memref<10912xf32, #tpu.memory_space<vmem>>, vector<16xf32>,
        %neg3A_1941 = arith.constant 0.000000e+00 : f32
        %neg3A_1942 = vector.broadcast %neg3A_1941 : f32 to vector<16xf32>
        %neg3A_1943 = arith.subf %neg3A_1942, %get3A_1940 : vector<16xf32>
        %exp3A_1944 = math.exp %neg3A_1943 : vector<16xf32>
        %add3A_1945 = arith.constant 1.000000e+00 : f32
        %add3A_1946 = vector.broadcast %add3A_1945 : f32 to vector<16xf32>
        %add3A_1947 = arith.addf %add3A_1946, %exp3A_1944 : vector<16xf32>
        %div3A_1948 = arith.constant 1.000000e+00 : f32
        %div3A_1949 = vector.broadcast %div3A_1948 : f32 to vector<16xf32>
        %div3A_1950 = arith.divf %div3A_1949, %add3A_1947 : vector<16xf32>
        %mul3A_1951 = arith.mulf %div3A_1936, %div3A_1950 : vector<16xf32>
        %swap3A_1952 = arith.index_cast %add3A_1913 : i32 to index
        %swap3A_1953 = tpu.vector_load %arg15[%swap3A_1952] {strides = array<i32>} : memref<10912xf32, #tpu.memory_space<vmem>>, vector<16xf32>,
        tpu.vector_store %arg15[%swap3A_1952], %mul3A_1951 {strides = array<i32>} : memref<10912xf32, #tpu.memory_space<vmem>>, vector<16xf32>,
        %add3A_1954 = arith.addf %scan3A_1843, %div3A_1936 : vector<16xf32>
        scf.yield %add3A_1954 : vector<16xf32>
      }
      %scan3A_1841 = arith.constant 31 : i32
      scf.yield %scan3A_1840 : vector<16xf32>
    }
    %scan3A_20 = arith.constant 11 : i32
    "tpu.region"() ({
      %run_scoped3A = tpu.sem_alloc : memref<!tpu.dma_semaphore, #tpu.memory_space<semaphore_mem>>
      %dma_start3A_1795 = tpu.memref_slice %arg6[%mul3A_0] : memref<174592xf32, #tpu.memory_space<hbm>> -> memref<10912xf32, #tpu.memory_space<hbm>>
      %dma_start3A_1796 = tpu.memref_slice %arg6[%mul3A_0] : memref<174592xf32, #tpu.memory_space<hbm>> -> memref<10912xf32, #tpu.memory_space<hbm>>
      tpu.enqueue_dma source(%arg15 : memref<10912xf32, #tpu.memory_space<vmem>>) target(%dma_start3A_1796 : memref<10912xf32, #tpu.memory_space<hbm>>) target_semaphore(%run_scoped3A : memref<!tpu.dma_semaphore, #tpu.memory_space<semaphore_mem>>)
      %dma_wait3A = tpu.memref_slice %arg6[%mul3A_0] : memref<174592xf32, #tpu.memory_space<hbm>> -> memref<10912xf32, #tpu.memory_space<hbm>>
      %dma_wait3A_1797 = tpu.memref_slice %arg6[%mul3A_0] : memref<174592xf32, #tpu.memory_space<hbm>> -> memref<10912xf32, #tpu.memory_space<hbm>>
      tpu.wait_dma2 semaphore(%run_scoped3A : memref<!tpu.dma_semaphore, #tpu.memory_space<semaphore_mem>>) src(%arg15 : memref<10912xf32, #tpu.memory_space<vmem>>) dst(%dma_wait3A_1797 : memref<10912xf32, #tpu.memory_space<hbm>>)
      tpu.yield
    }) : () -> ()
    %scan3A_21 = arith.constant 0 : i32
    %scan3A_22 = arith.constant 0 : i32
    %scan3A_23 = arith.constant 16 : i32
    %scan3A_24 = arith.addi %scan3A_22, %scan3A_23 : i32
    %scan3A_25 = arith.constant 1 : i32
    scf.for %scan3A_1795 = %scan3A_22 to %scan3A_24 step %scan3A_25  : i32 {
      %mul3A_1796 = arith.constant 256 : i32
      %mul3A_1797 = arith.muli %scan3A_1795, %mul3A_1796 : i32
      %mul3A_1798 = arith.constant 16 : i32
      %mul3A_1799 = vector.broadcast %mul3A_1798 : i32 to vector<16xi32>
      %mul3A_1800 = arith.muli %iota3A, %mul3A_1799 : vector<16xi32>
      %add3A_1801 = vector.broadcast %mul3A_1797 : i32 to vector<16xi32>
      %add3A_1802 = arith.addi %add3A_1801, %mul3A_1800 : vector<16xi32>
      %gather3A_1803 = tpu.vector_load_idx %arg18[%add3A_1802] : memref<4096xi32, #tpu.memory_space<vmem>>[vector<16xi32>], vector<16xi32>,
      %gather3A_1804 = tpu.vector_load_idx %arg18[%add3A_1802] : memref<4096xi32, #tpu.memory_space<vmem>>[vector<16xi32>], vector<16xi32>,
      %add3A_1805 = arith.constant 1 : i32
      %add3A_1806 = vector.broadcast %add3A_1805 : i32 to vector<16xi32>
      %add3A_1807 = arith.addi %add3A_1802, %add3A_1806 : vector<16xi32>
      %gather3A_1808 = tpu.vector_load_idx %arg18[%add3A_1807] : memref<4096xi32, #tpu.memory_space<vmem>>[vector<16xi32>], vector<16xi32>,
      %add3A_1809 = arith.addi %gather3A_1803, %gather3A_1808 : vector<16xi32>
      %add3A_1810 = arith.constant 1 : i32
      %add3A_1811 = vector.broadcast %add3A_1810 : i32 to vector<16xi32>
      %add3A_1812 = arith.addi %add3A_1802, %add3A_1811 : vector<16xi32>
      %gather3A_1813 = tpu.vector_load_idx %arg18[%add3A_1812] : memref<4096xi32, #tpu.memory_space<vmem>>[vector<16xi32>], vector<16xi32>,
      %add3A_1814 = arith.addi %gather3A_1804, %gather3A_1813 : vector<16xi32>
      %add3A_1815 = arith.constant 2 : i32
      %add3A_1816 = vector.broadcast %add3A_1815 : i32 to vector<16xi32>
      %add3A_1817 = arith.addi %add3A_1802, %add3A_1816 : vector<16xi32>
      %gather3A_1818 = tpu.vector_load_idx %arg18[%add3A_1817] : memref<4096xi32, #tpu.memory_space<vmem>>[vector<16xi32>], vector<16xi32>,
      %add3A_1819 = arith.addi %add3A_1809, %gather3A_1818 : vector<16xi32>
      %add3A_1820 = arith.constant 2 : i32
      %add3A_1821 = vector.broadcast %add3A_1820 : i32 to vector<16xi32>
      %add3A_1822 = arith.addi %add3A_1802, %add3A_1821 : vector<16xi32>
      %gather3A_1823 = tpu.vector_load_idx %arg18[%add3A_1822] : memref<4096xi32, #tpu.memory_space<vmem>>[vector<16xi32>], vector<16xi32>,
      %add3A_1824 = arith.addi %add3A_1814, %gather3A_1823 : vector<16xi32>
      %add3A_1825 = arith.constant 3 : i32
      %add3A_1826 = vector.broadcast %add3A_1825 : i32 to vector<16xi32>
      %add3A_1827 = arith.addi %add3A_1802, %add3A_1826 : vector<16xi32>
      %gather3A_1828 = tpu.vector_load_idx %arg18[%add3A_1827] : memref<4096xi32, #tpu.memory_space<vmem>>[vector<16xi32>], vector<16xi32>,
      %add3A_1829 = arith.addi %add3A_1819, %gather3A_1828 : vector<16xi32>
      %add3A_1830 = arith.constant 3 : i32
      %add3A_1831 = vector.broadcast %add3A_1830 : i32 to vector<16xi32>
      %add3A_1832 = arith.addi %add3A_1802, %add3A_1831 : vector<16xi32>
      %gather3A_1833 = tpu.vector_load_idx %arg18[%add3A_1832] : memref<4096xi32, #tpu.memory_space<vmem>>[vector<16xi32>], vector<16xi32>,
      %add3A_1834 = arith.addi %add3A_1824, %gather3A_1833 : vector<16xi32>
      %add3A_1835 = arith.constant 4 : i32
      %add3A_1836 = vector.broadcast %add3A_1835 : i32 to vector<16xi32>
      %add3A_1837 = arith.addi %add3A_1802, %add3A_1836 : vector<16xi32>
      %gather3A_1838 = tpu.vector_load_idx %arg18[%add3A_1837] : memref<4096xi32, #tpu.memory_space<vmem>>[vector<16xi32>], vector<16xi32>,
      %add3A_1839 = arith.addi %add3A_1829, %gather3A_1838 : vector<16xi32>
      %add3A_1840 = arith.constant 4 : i32
      %add3A_1841 = vector.broadcast %add3A_1840 : i32 to vector<16xi32>
      %add3A_1842 = arith.addi %add3A_1802, %add3A_1841 : vector<16xi32>
      %gather3A_1843 = tpu.vector_load_idx %arg18[%add3A_1842] : memref<4096xi32, #tpu.memory_space<vmem>>[vector<16xi32>], vector<16xi32>,
      %add3A_1844 = arith.addi %add3A_1834, %gather3A_1843 : vector<16xi32>
      %add3A_1845 = arith.constant 5 : i32
      %add3A_1846 = vector.broadcast %add3A_1845 : i32 to vector<16xi32>
      %add3A_1847 = arith.addi %add3A_1802, %add3A_1846 : vector<16xi32>
      %gather3A_1848 = tpu.vector_load_idx %arg18[%add3A_1847] : memref<4096xi32, #tpu.memory_space<vmem>>[vector<16xi32>], vector<16xi32>,
      %add3A_1849 = arith.addi %add3A_1839, %gather3A_1848 : vector<16xi32>
      %add3A_1850 = arith.constant 5 : i32
      %add3A_1851 = vector.broadcast %add3A_1850 : i32 to vector<16xi32>
      %add3A_1852 = arith.addi %add3A_1802, %add3A_1851 : vector<16xi32>
      %gather3A_1853 = tpu.vector_load_idx %arg18[%add3A_1852] : memref<4096xi32, #tpu.memory_space<vmem>>[vector<16xi32>], vector<16xi32>,
      %add3A_1854 = arith.addi %add3A_1844, %gather3A_1853 : vector<16xi32>
      %add3A_1855 = arith.constant 6 : i32
      %add3A_1856 = vector.broadcast %add3A_1855 : i32 to vector<16xi32>
      %add3A_1857 = arith.addi %add3A_1802, %add3A_1856 : vector<16xi32>
      %gather3A_1858 = tpu.vector_load_idx %arg18[%add3A_1857] : memref<4096xi32, #tpu.memory_space<vmem>>[vector<16xi32>], vector<16xi32>,
      %add3A_1859 = arith.addi %add3A_1849, %gather3A_1858 : vector<16xi32>
      %add3A_1860 = arith.constant 6 : i32
      %add3A_1861 = vector.broadcast %add3A_1860 : i32 to vector<16xi32>
      %add3A_1862 = arith.addi %add3A_1802, %add3A_1861 : vector<16xi32>
      %gather3A_1863 = tpu.vector_load_idx %arg18[%add3A_1862] : memref<4096xi32, #tpu.memory_space<vmem>>[vector<16xi32>], vector<16xi32>,
      %add3A_1864 = arith.addi %add3A_1854, %gather3A_1863 : vector<16xi32>
      %add3A_1865 = arith.constant 7 : i32
      %add3A_1866 = vector.broadcast %add3A_1865 : i32 to vector<16xi32>
      %add3A_1867 = arith.addi %add3A_1802, %add3A_1866 : vector<16xi32>
      %gather3A_1868 = tpu.vector_load_idx %arg18[%add3A_1867] : memref<4096xi32, #tpu.memory_space<vmem>>[vector<16xi32>], vector<16xi32>,
      %add3A_1869 = arith.addi %add3A_1859, %gather3A_1868 : vector<16xi32>
      %add3A_1870 = arith.constant 7 : i32
      %add3A_1871 = vector.broadcast %add3A_1870 : i32 to vector<16xi32>
      %add3A_1872 = arith.addi %add3A_1802, %add3A_1871 : vector<16xi32>
      %gather3A_1873 = tpu.vector_load_idx %arg18[%add3A_1872] : memref<4096xi32, #tpu.memory_space<vmem>>[vector<16xi32>], vector<16xi32>,
      %add3A_1874 = arith.addi %add3A_1864, %gather3A_1873 : vector<16xi32>
      %add3A_1875 = arith.constant 8 : i32
      %add3A_1876 = vector.broadcast %add3A_1875 : i32 to vector<16xi32>
      %add3A_1877 = arith.addi %add3A_1802, %add3A_1876 : vector<16xi32>
      %gather3A_1878 = tpu.vector_load_idx %arg18[%add3A_1877] : memref<4096xi32, #tpu.memory_space<vmem>>[vector<16xi32>], vector<16xi32>,
      %add3A_1879 = arith.addi %add3A_1869, %gather3A_1878 : vector<16xi32>
      %add3A_1880 = arith.constant 8 : i32
      %add3A_1881 = vector.broadcast %add3A_1880 : i32 to vector<16xi32>
      %add3A_1882 = arith.addi %add3A_1802, %add3A_1881 : vector<16xi32>
      %gather3A_1883 = tpu.vector_load_idx %arg18[%add3A_1882] : memref<4096xi32, #tpu.memory_space<vmem>>[vector<16xi32>], vector<16xi32>,
      %add3A_1884 = arith.addi %add3A_1874, %gather3A_1883 : vector<16xi32>
      %add3A_1885 = arith.constant 9 : i32
      %add3A_1886 = vector.broadcast %add3A_1885 : i32 to vector<16xi32>
      %add3A_1887 = arith.addi %add3A_1802, %add3A_1886 : vector<16xi32>
      %gather3A_1888 = tpu.vector_load_idx %arg18[%add3A_1887] : memref<4096xi32, #tpu.memory_space<vmem>>[vector<16xi32>], vector<16xi32>,
      %add3A_1889 = arith.addi %add3A_1879, %gather3A_1888 : vector<16xi32>
      %add3A_1890 = arith.constant 9 : i32
      %add3A_1891 = vector.broadcast %add3A_1890 : i32 to vector<16xi32>
      %add3A_1892 = arith.addi %add3A_1802, %add3A_1891 : vector<16xi32>
      %gather3A_1893 = tpu.vector_load_idx %arg18[%add3A_1892] : memref<4096xi32, #tpu.memory_space<vmem>>[vector<16xi32>], vector<16xi32>,
      %add3A_1894 = arith.addi %add3A_1884, %gather3A_1893 : vector<16xi32>
      %add3A_1895 = arith.constant 10 : i32
      %add3A_1896 = vector.broadcast %add3A_1895 : i32 to vector<16xi32>
      %add3A_1897 = arith.addi %add3A_1802, %add3A_1896 : vector<16xi32>
      %gather3A_1898 = tpu.vector_load_idx %arg18[%add3A_1897] : memref<4096xi32, #tpu.memory_space<vmem>>[vector<16xi32>], vector<16xi32>,
      %add3A_1899 = arith.addi %add3A_1889, %gather3A_1898 : vector<16xi32>
      %add3A_1900 = arith.constant 10 : i32
      %add3A_1901 = vector.broadcast %add3A_1900 : i32 to vector<16xi32>
      %add3A_1902 = arith.addi %add3A_1802, %add3A_1901 : vector<16xi32>
      %gather3A_1903 = tpu.vector_load_idx %arg18[%add3A_1902] : memref<4096xi32, #tpu.memory_space<vmem>>[vector<16xi32>], vector<16xi32>,
      %add3A_1904 = arith.addi %add3A_1894, %gather3A_1903 : vector<16xi32>
      %add3A_1905 = arith.constant 11 : i32
      %add3A_1906 = vector.broadcast %add3A_1905 : i32 to vector<16xi32>
      %add3A_1907 = arith.addi %add3A_1802, %add3A_1906 : vector<16xi32>
      %gather3A_1908 = tpu.vector_load_idx %arg18[%add3A_1907] : memref<4096xi32, #tpu.memory_space<vmem>>[vector<16xi32>], vector<16xi32>,
      %add3A_1909 = arith.addi %add3A_1899, %gather3A_1908 : vector<16xi32>
      %add3A_1910 = arith.constant 11 : i32
      %add3A_1911 = vector.broadcast %add3A_1910 : i32 to vector<16xi32>
      %add3A_1912 = arith.addi %add3A_1802, %add3A_1911 : vector<16xi32>
      %gather3A_1913 = tpu.vector_load_idx %arg18[%add3A_1912] : memref<4096xi32, #tpu.memory_space<vmem>>[vector<16xi32>], vector<16xi32>,
      %add3A_1914 = arith.addi %add3A_1904, %gather3A_1913 : vector<16xi32>
      %add3A_1915 = arith.constant 12 : i32
      %add3A_1916 = vector.broadcast %add3A_1915 : i32 to vector<16xi32>
      %add3A_1917 = arith.addi %add3A_1802, %add3A_1916 : vector<16xi32>
      %gather3A_1918 = tpu.vector_load_idx %arg18[%add3A_1917] : memref<4096xi32, #tpu.memory_space<vmem>>[vector<16xi32>], vector<16xi32>,
      %add3A_1919 = arith.addi %add3A_1909, %gather3A_1918 : vector<16xi32>
      %add3A_1920 = arith.constant 12 : i32
      %add3A_1921 = vector.broadcast %add3A_1920 : i32 to vector<16xi32>
      %add3A_1922 = arith.addi %add3A_1802, %add3A_1921 : vector<16xi32>
      %gather3A_1923 = tpu.vector_load_idx %arg18[%add3A_1922] : memref<4096xi32, #tpu.memory_space<vmem>>[vector<16xi32>], vector<16xi32>,
      %add3A_1924 = arith.addi %add3A_1914, %gather3A_1923 : vector<16xi32>
      %add3A_1925 = arith.constant 13 : i32
      %add3A_1926 = vector.broadcast %add3A_1925 : i32 to vector<16xi32>
      %add3A_1927 = arith.addi %add3A_1802, %add3A_1926 : vector<16xi32>
      %gather3A_1928 = tpu.vector_load_idx %arg18[%add3A_1927] : memref<4096xi32, #tpu.memory_space<vmem>>[vector<16xi32>], vector<16xi32>,
      %add3A_1929 = arith.addi %add3A_1919, %gather3A_1928 : vector<16xi32>
      %add3A_1930 = arith.constant 13 : i32
      %add3A_1931 = vector.broadcast %add3A_1930 : i32 to vector<16xi32>
      %add3A_1932 = arith.addi %add3A_1802, %add3A_1931 : vector<16xi32>
      %gather3A_1933 = tpu.vector_load_idx %arg18[%add3A_1932] : memref<4096xi32, #tpu.memory_space<vmem>>[vector<16xi32>], vector<16xi32>,
      %add3A_1934 = arith.addi %add3A_1924, %gather3A_1933 : vector<16xi32>
      %add3A_1935 = arith.constant 14 : i32
      %add3A_1936 = vector.broadcast %add3A_1935 : i32 to vector<16xi32>
      %add3A_1937 = arith.addi %add3A_1802, %add3A_1936 : vector<16xi32>
      %gather3A_1938 = tpu.vector_load_idx %arg18[%add3A_1937] : memref<4096xi32, #tpu.memory_space<vmem>>[vector<16xi32>], vector<16xi32>,
      %add3A_1939 = arith.addi %add3A_1929, %gather3A_1938 : vector<16xi32>
      %add3A_1940 = arith.constant 14 : i32
      %add3A_1941 = vector.broadcast %add3A_1940 : i32 to vector<16xi32>
      %add3A_1942 = arith.addi %add3A_1802, %add3A_1941 : vector<16xi32>
      %gather3A_1943 = tpu.vector_load_idx %arg18[%add3A_1942] : memref<4096xi32, #tpu.memory_space<vmem>>[vector<16xi32>], vector<16xi32>,
      %add3A_1944 = arith.addi %add3A_1934, %gather3A_1943 : vector<16xi32>
      %add3A_1945 = arith.constant 15 : i32
      %add3A_1946 = vector.broadcast %add3A_1945 : i32 to vector<16xi32>
      %add3A_1947 = arith.addi %add3A_1802, %add3A_1946 : vector<16xi32>
      %gather3A_1948 = tpu.vector_load_idx %arg18[%add3A_1947] : memref<4096xi32, #tpu.memory_space<vmem>>[vector<16xi32>], vector<16xi32>,
      %add3A_1949 = arith.addi %add3A_1939, %gather3A_1948 : vector<16xi32>
      %add3A_1950 = arith.constant 15 : i32
      %add3A_1951 = vector.broadcast %add3A_1950 : i32 to vector<16xi32>
      %add3A_1952 = arith.addi %add3A_1802, %add3A_1951 : vector<16xi32>
      %gather3A_1953 = tpu.vector_load_idx %arg18[%add3A_1952] : memref<4096xi32, #tpu.memory_space<vmem>>[vector<16xi32>], vector<16xi32>,
      %add3A_1954 = arith.addi %add3A_1944, %gather3A_1953 : vector<16xi32>
      %mul3A_1955 = arith.constant 16 : i32
      %mul3A_1956 = arith.muli %scan3A_1795, %mul3A_1955 : i32
      %swap3A_1957 = arith.index_cast %mul3A_1956 : i32 to index
      %swap3A_1958 = tpu.vector_load %arg20[%swap3A_1957] {strides = array<i32>} : memref<256xi32, #tpu.memory_space<vmem>>, vector<16xi32>,
      tpu.vector_store %arg20[%swap3A_1957], %add3A_1949 {strides = array<i32>} : memref<256xi32, #tpu.memory_space<vmem>>, vector<16xi32>,
      %mul3A_1959 = arith.constant 16 : i32
      %mul3A_1960 = arith.muli %scan3A_1795, %mul3A_1959 : i32
      %swap3A_1961 = arith.index_cast %mul3A_1960 : i32 to index
      %swap3A_1962 = tpu.vector_load %arg21[%swap3A_1961] {strides = array<i32>} : memref<256xi32, #tpu.memory_space<vmem>>, vector<16xi32>,
      tpu.vector_store %arg21[%swap3A_1961], %add3A_1954 {strides = array<i32>} : memref<256xi32, #tpu.memory_space<vmem>>, vector<16xi32>,
    }
    %scan3A_26 = arith.constant 16 : i32
    %mul3A_27 = arith.constant 256 : i32
    %mul3A_28 = arith.muli %arg1, %mul3A_27 : i32
    "tpu.region"() ({
      %run_scoped3A = tpu.sem_alloc : memref<!tpu.dma_semaphore, #tpu.memory_space<semaphore_mem>>
      %dma_start3A_1795 = tpu.memref_slice %arg31[%mul3A_28] : memref<4096xi32, #tpu.memory_space<vmem_shared>> -> memref<256xi32, #tpu.memory_space<vmem_shared>>
      %dma_start3A_1796 = tpu.memref_slice %arg31[%mul3A_28] : memref<4096xi32, #tpu.memory_space<vmem_shared>> -> memref<256xi32, #tpu.memory_space<vmem_shared>>
      tpu.enqueue_dma source(%arg20 : memref<256xi32, #tpu.memory_space<vmem>>) target(%dma_start3A_1796 : memref<256xi32, #tpu.memory_space<vmem_shared>>) target_semaphore(%run_scoped3A : memref<!tpu.dma_semaphore, #tpu.memory_space<semaphore_mem>>)
      %dma_wait3A = tpu.memref_slice %arg31[%mul3A_28] : memref<4096xi32, #tpu.memory_space<vmem_shared>> -> memref<256xi32, #tpu.memory_space<vmem_shared>>
      %dma_wait3A_1797 = tpu.memref_slice %arg31[%mul3A_28] : memref<4096xi32, #tpu.memory_space<vmem_shared>> -> memref<256xi32, #tpu.memory_space<vmem_shared>>
      tpu.wait_dma2 semaphore(%run_scoped3A : memref<!tpu.dma_semaphore, #tpu.memory_space<semaphore_mem>>) src(%arg20 : memref<256xi32, #tpu.memory_space<vmem>>) dst(%dma_wait3A_1797 : memref<256xi32, #tpu.memory_space<vmem_shared>>)
      tpu.yield
    }) : () -> ()
    %mul3A_29 = arith.constant 256 : i32
    %mul3A_30 = arith.muli %arg1, %mul3A_29 : i32
    "tpu.region"() ({
      %run_scoped3A = tpu.sem_alloc : memref<!tpu.dma_semaphore, #tpu.memory_space<semaphore_mem>>
      %dma_start3A_1795 = tpu.memref_slice %arg32[%mul3A_30] : memref<4096xi32, #tpu.memory_space<vmem_shared>> -> memref<256xi32, #tpu.memory_space<vmem_shared>>
      %dma_start3A_1796 = tpu.memref_slice %arg32[%mul3A_30] : memref<4096xi32, #tpu.memory_space<vmem_shared>> -> memref<256xi32, #tpu.memory_space<vmem_shared>>
      tpu.enqueue_dma source(%arg21 : memref<256xi32, #tpu.memory_space<vmem>>) target(%dma_start3A_1796 : memref<256xi32, #tpu.memory_space<vmem_shared>>) target_semaphore(%run_scoped3A : memref<!tpu.dma_semaphore, #tpu.memory_space<semaphore_mem>>)
      %dma_wait3A = tpu.memref_slice %arg32[%mul3A_30] : memref<4096xi32, #tpu.memory_space<vmem_shared>> -> memref<256xi32, #tpu.memory_space<vmem_shared>>
      %dma_wait3A_1797 = tpu.memref_slice %arg32[%mul3A_30] : memref<4096xi32, #tpu.memory_space<vmem_shared>> -> memref<256xi32, #tpu.memory_space<vmem_shared>>
      tpu.wait_dma2 semaphore(%run_scoped3A : memref<!tpu.dma_semaphore, #tpu.memory_space<semaphore_mem>>) src(%arg21 : memref<256xi32, #tpu.memory_space<vmem>>) dst(%dma_wait3A_1797 : memref<256xi32, #tpu.memory_space<vmem_shared>>)
      tpu.yield
    }) : () -> ()
    %barrier3A = arith.constant 0 : index
    tpu.barrier barrier_id(%barrier3A)
    "tpu.region"() ({
      %run_scoped3A = tpu.sem_alloc : memref<!tpu.dma_semaphore, #tpu.memory_space<semaphore_mem>>
      tpu.enqueue_dma source(%arg31 : memref<4096xi32, #tpu.memory_space<vmem_shared>>) target(%arg22 : memref<4096xi32, #tpu.memory_space<vmem>>) target_semaphore(%run_scoped3A : memref<!tpu.dma_semaphore, #tpu.memory_space<semaphore_mem>>)
      tpu.wait_dma2 semaphore(%run_scoped3A : memref<!tpu.dma_semaphore, #tpu.memory_space<semaphore_mem>>) src(%arg31 : memref<4096xi32, #tpu.memory_space<vmem_shared>>) dst(%arg22 : memref<4096xi32, #tpu.memory_space<vmem>>)
      tpu.yield
    }) : () -> ()
    "tpu.region"() ({
      %run_scoped3A = tpu.sem_alloc : memref<!tpu.dma_semaphore, #tpu.memory_space<semaphore_mem>>
      tpu.enqueue_dma source(%arg32 : memref<4096xi32, #tpu.memory_space<vmem_shared>>) target(%arg23 : memref<4096xi32, #tpu.memory_space<vmem>>) target_semaphore(%run_scoped3A : memref<!tpu.dma_semaphore, #tpu.memory_space<semaphore_mem>>)
      tpu.wait_dma2 semaphore(%run_scoped3A : memref<!tpu.dma_semaphore, #tpu.memory_space<semaphore_mem>>) src(%arg32 : memref<4096xi32, #tpu.memory_space<vmem_shared>>) dst(%arg23 : memref<4096xi32, #tpu.memory_space<vmem>>)
      tpu.yield
    }) : () -> ()
    %barrier3A_31 = arith.constant 0 : index
    tpu.barrier barrier_id(%barrier3A_31)
    %scan3A_32 = arith.constant 0 : i32
    %scan3A_33 = arith.constant 0 : i32
    %scan3A_34 = arith.constant 16 : i32
    %scan3A_35 = arith.addi %scan3A_33, %scan3A_34 : i32
    %scan3A_36 = arith.constant 1 : i32
    scf.for %scan3A_1795 = %scan3A_33 to %scan3A_35 step %scan3A_36  : i32 {
      %scan3A_1796 = arith.constant 0 : i32
      %scan3A_1797 = arith.constant 16 : i32
      %scan3A_1798 = arith.addi %scan3A_1796, %scan3A_1797 : i32
      %scan3A_1799 = arith.constant 1 : i32
      %scan3A_1800 = scf.for %scan3A_1816 = %scan3A_1796 to %scan3A_1798 step %scan3A_1799 iter_args(%scan3A_1817 = %broadcast_in_dim3A_1) -> (vector<16xi32>)  : i32 {
        %mul3A_1818 = arith.constant 256 : i32
        %mul3A_1819 = arith.muli %scan3A_1816, %mul3A_1818 : i32
        %mul3A_1820 = arith.constant 16 : i32
        %mul3A_1821 = arith.muli %scan3A_1795, %mul3A_1820 : i32
        %add3A_1822 = arith.addi %mul3A_1819, %mul3A_1821 : i32
        %get3A_1823 = arith.index_cast %add3A_1822 : i32 to index
        %get3A_1824 = tpu.vector_load %arg22[%get3A_1823] {strides = array<i32>} : memref<4096xi32, #tpu.memory_space<vmem>>, vector<16xi32>,
        %add3A_1825 = arith.addi %scan3A_1817, %get3A_1824 : vector<16xi32>
        scf.yield %add3A_1825 : vector<16xi32>
      }
      %scan3A_1801 = arith.constant 16 : i32
      %mul3A_1802 = arith.constant 16 : i32
      %mul3A_1803 = arith.muli %scan3A_1795, %mul3A_1802 : i32
      %swap3A_1804 = arith.index_cast %mul3A_1803 : i32 to index
      %swap3A_1805 = tpu.vector_load %arg24[%swap3A_1804] {strides = array<i32>} : memref<256xi32, #tpu.memory_space<vmem>>, vector<16xi32>,
      tpu.vector_store %arg24[%swap3A_1804], %scan3A_1800 {strides = array<i32>} : memref<256xi32, #tpu.memory_space<vmem>>, vector<16xi32>,
      %scan3A_1806 = arith.constant 0 : i32
      %scan3A_1807 = arith.constant 16 : i32
      %scan3A_1808 = arith.addi %scan3A_1806, %scan3A_1807 : i32
      %scan3A_1809 = arith.constant 1 : i32
      %scan3A_1810 = scf.for %scan3A_1816 = %scan3A_1806 to %scan3A_1808 step %scan3A_1809 iter_args(%scan3A_1817 = %broadcast_in_dim3A_1) -> (vector<16xi32>)  : i32 {
        %mul3A_1818 = arith.constant 256 : i32
        %mul3A_1819 = arith.muli %scan3A_1816, %mul3A_1818 : i32
        %mul3A_1820 = arith.constant 16 : i32
        %mul3A_1821 = arith.muli %scan3A_1795, %mul3A_1820 : i32
        %add3A_1822 = arith.addi %mul3A_1819, %mul3A_1821 : i32
        %get3A_1823 = arith.index_cast %add3A_1822 : i32 to index
        %get3A_1824 = tpu.vector_load %arg23[%get3A_1823] {strides = array<i32>} : memref<4096xi32, #tpu.memory_space<vmem>>, vector<16xi32>,
        %add3A_1825 = arith.addi %scan3A_1817, %get3A_1824 : vector<16xi32>
        scf.yield %add3A_1825 : vector<16xi32>
      }
      %scan3A_1811 = arith.constant 16 : i32
      %mul3A_1812 = arith.constant 16 : i32
      %mul3A_1813 = arith.muli %scan3A_1795, %mul3A_1812 : i32
      %swap3A_1814 = arith.index_cast %mul3A_1813 : i32 to index
      %swap3A_1815 = tpu.vector_load %arg25[%swap3A_1814] {strides = array<i32>} : memref<256xi32, #tpu.memory_space<vmem>>, vector<16xi32>,
      tpu.vector_store %arg25[%swap3A_1814], %scan3A_1810 {strides = array<i32>} : memref<256xi32, #tpu.memory_space<vmem>>, vector<16xi32>,
    }
    %scan3A_37 = arith.constant 16 : i32
    %mul3A_38 = arith.constant 16 : i32
    %mul3A_39 = vector.broadcast %mul3A_38 : i32 to vector<16xi32>
    %mul3A_40 = arith.muli %iota3A, %mul3A_39 : vector<16xi32>
    %gather3A = tpu.vector_load_idx %arg24[%mul3A_40] : memref<256xi32, #tpu.memory_space<vmem>>[vector<16xi32>], vector<16xi32>,
    %mul3A_41 = arith.constant 16 : i32
    %mul3A_42 = vector.broadcast %mul3A_41 : i32 to vector<16xi32>
    %mul3A_43 = arith.muli %iota3A, %mul3A_42 : vector<16xi32>
    %add3A_44 = arith.constant 1 : i32
    %add3A_45 = vector.broadcast %add3A_44 : i32 to vector<16xi32>
    %add3A_46 = arith.addi %mul3A_43, %add3A_45 : vector<16xi32>
    %gather3A_47 = tpu.vector_load_idx %arg24[%add3A_46] : memref<256xi32, #tpu.memory_space<vmem>>[vector<16xi32>], vector<16xi32>,
    %add3A_48 = arith.addi %gather3A, %gather3A_47 : vector<16xi32>
    %mul3A_49 = arith.constant 16 : i32
    %mul3A_50 = vector.broadcast %mul3A_49 : i32 to vector<16xi32>
    %mul3A_51 = arith.muli %iota3A, %mul3A_50 : vector<16xi32>
    %add3A_52 = arith.constant 2 : i32
    %add3A_53 = vector.broadcast %add3A_52 : i32 to vector<16xi32>
    %add3A_54 = arith.addi %mul3A_51, %add3A_53 : vector<16xi32>
    %gather3A_55 = tpu.vector_load_idx %arg24[%add3A_54] : memref<256xi32, #tpu.memory_space<vmem>>[vector<16xi32>], vector<16xi32>,
    %add3A_56 = arith.addi %add3A_48, %gather3A_55 : vector<16xi32>
    %mul3A_57 = arith.constant 16 : i32
    %mul3A_58 = vector.broadcast %mul3A_57 : i32 to vector<16xi32>
    %mul3A_59 = arith.muli %iota3A, %mul3A_58 : vector<16xi32>
    %add3A_60 = arith.constant 3 : i32
    %add3A_61 = vector.broadcast %add3A_60 : i32 to vector<16xi32>
    %add3A_62 = arith.addi %mul3A_59, %add3A_61 : vector<16xi32>
    %gather3A_63 = tpu.vector_load_idx %arg24[%add3A_62] : memref<256xi32, #tpu.memory_space<vmem>>[vector<16xi32>], vector<16xi32>,
    %add3A_64 = arith.addi %add3A_56, %gather3A_63 : vector<16xi32>
    %mul3A_65 = arith.constant 16 : i32
    %mul3A_66 = vector.broadcast %mul3A_65 : i32 to vector<16xi32>
    %mul3A_67 = arith.muli %iota3A, %mul3A_66 : vector<16xi32>
    %add3A_68 = arith.constant 4 : i32
    %add3A_69 = vector.broadcast %add3A_68 : i32 to vector<16xi32>
    %add3A_70 = arith.addi %mul3A_67, %add3A_69 : vector<16xi32>
    %gather3A_71 = tpu.vector_load_idx %arg24[%add3A_70] : memref<256xi32, #tpu.memory_space<vmem>>[vector<16xi32>], vector<16xi32>,
    %add3A_72 = arith.addi %add3A_64, %gather3A_71 : vector<16xi32>
    %mul3A_73 = arith.constant 16 : i32
    %mul3A_74 = vector.broadcast %mul3A_73 : i32 to vector<16xi32>
    %mul3A_75 = arith.muli %iota3A, %mul3A_74 : vector<16xi32>
    %add3A_76 = arith.constant 5 : i32
    %add3A_77 = vector.broadcast %add3A_76 : i32 to vector<16xi32>
    %add3A_78 = arith.addi %mul3A_75, %add3A_77 : vector<16xi32>
    %gather3A_79 = tpu.vector_load_idx %arg24[%add3A_78] : memref<256xi32, #tpu.memory_space<vmem>>[vector<16xi32>], vector<16xi32>,
    %add3A_80 = arith.addi %add3A_72, %gather3A_79 : vector<16xi32>
    %mul3A_81 = arith.constant 16 : i32
    %mul3A_82 = vector.broadcast %mul3A_81 : i32 to vector<16xi32>
    %mul3A_83 = arith.muli %iota3A, %mul3A_82 : vector<16xi32>
    %add3A_84 = arith.constant 6 : i32
    %add3A_85 = vector.broadcast %add3A_84 : i32 to vector<16xi32>
    %add3A_86 = arith.addi %mul3A_83, %add3A_85 : vector<16xi32>
    %gather3A_87 = tpu.vector_load_idx %arg24[%add3A_86] : memref<256xi32, #tpu.memory_space<vmem>>[vector<16xi32>], vector<16xi32>,
    %add3A_88 = arith.addi %add3A_80, %gather3A_87 : vector<16xi32>
    %mul3A_89 = arith.constant 16 : i32
    %mul3A_90 = vector.broadcast %mul3A_89 : i32 to vector<16xi32>
    %mul3A_91 = arith.muli %iota3A, %mul3A_90 : vector<16xi32>
    %add3A_92 = arith.constant 7 : i32
    %add3A_93 = vector.broadcast %add3A_92 : i32 to vector<16xi32>
    %add3A_94 = arith.addi %mul3A_91, %add3A_93 : vector<16xi32>
    %gather3A_95 = tpu.vector_load_idx %arg24[%add3A_94] : memref<256xi32, #tpu.memory_space<vmem>>[vector<16xi32>], vector<16xi32>,
    %add3A_96 = arith.addi %add3A_88, %gather3A_95 : vector<16xi32>
    %mul3A_97 = arith.constant 16 : i32
    %mul3A_98 = vector.broadcast %mul3A_97 : i32 to vector<16xi32>
    %mul3A_99 = arith.muli %iota3A, %mul3A_98 : vector<16xi32>
    %add3A_100 = arith.constant 8 : i32
    %add3A_101 = vector.broadcast %add3A_100 : i32 to vector<16xi32>
    %add3A_102 = arith.addi %mul3A_99, %add3A_101 : vector<16xi32>
    %gather3A_103 = tpu.vector_load_idx %arg24[%add3A_102] : memref<256xi32, #tpu.memory_space<vmem>>[vector<16xi32>], vector<16xi32>,
    %add3A_104 = arith.addi %add3A_96, %gather3A_103 : vector<16xi32>
    %mul3A_105 = arith.constant 16 : i32
    %mul3A_106 = vector.broadcast %mul3A_105 : i32 to vector<16xi32>
    %mul3A_107 = arith.muli %iota3A, %mul3A_106 : vector<16xi32>
    %add3A_108 = arith.constant 9 : i32
    %add3A_109 = vector.broadcast %add3A_108 : i32 to vector<16xi32>
    %add3A_110 = arith.addi %mul3A_107, %add3A_109 : vector<16xi32>
    %gather3A_111 = tpu.vector_load_idx %arg24[%add3A_110] : memref<256xi32, #tpu.memory_space<vmem>>[vector<16xi32>], vector<16xi32>,
    %add3A_112 = arith.addi %add3A_104, %gather3A_111 : vector<16xi32>
    %mul3A_113 = arith.constant 16 : i32
    %mul3A_114 = vector.broadcast %mul3A_113 : i32 to vector<16xi32>
    %mul3A_115 = arith.muli %iota3A, %mul3A_114 : vector<16xi32>
    %add3A_116 = arith.constant 10 : i32
    %add3A_117 = vector.broadcast %add3A_116 : i32 to vector<16xi32>
    %add3A_118 = arith.addi %mul3A_115, %add3A_117 : vector<16xi32>
    %gather3A_119 = tpu.vector_load_idx %arg24[%add3A_118] : memref<256xi32, #tpu.memory_space<vmem>>[vector<16xi32>], vector<16xi32>,
    %add3A_120 = arith.addi %add3A_112, %gather3A_119 : vector<16xi32>
    %mul3A_121 = arith.constant 16 : i32
    %mul3A_122 = vector.broadcast %mul3A_121 : i32 to vector<16xi32>
    %mul3A_123 = arith.muli %iota3A, %mul3A_122 : vector<16xi32>
    %add3A_124 = arith.constant 11 : i32
    %add3A_125 = vector.broadcast %add3A_124 : i32 to vector<16xi32>
    %add3A_126 = arith.addi %mul3A_123, %add3A_125 : vector<16xi32>
    %gather3A_127 = tpu.vector_load_idx %arg24[%add3A_126] : memref<256xi32, #tpu.memory_space<vmem>>[vector<16xi32>], vector<16xi32>,
    %add3A_128 = arith.addi %add3A_120, %gather3A_127 : vector<16xi32>
    %mul3A_129 = arith.constant 16 : i32
    %mul3A_130 = vector.broadcast %mul3A_129 : i32 to vector<16xi32>
    %mul3A_131 = arith.muli %iota3A, %mul3A_130 : vector<16xi32>
    %add3A_132 = arith.constant 12 : i32
    %add3A_133 = vector.broadcast %add3A_132 : i32 to vector<16xi32>
    %add3A_134 = arith.addi %mul3A_131, %add3A_133 : vector<16xi32>
    %gather3A_135 = tpu.vector_load_idx %arg24[%add3A_134] : memref<256xi32, #tpu.memory_space<vmem>>[vector<16xi32>], vector<16xi32>,
    %add3A_136 = arith.addi %add3A_128, %gather3A_135 : vector<16xi32>
    %mul3A_137 = arith.constant 16 : i32
    %mul3A_138 = vector.broadcast %mul3A_137 : i32 to vector<16xi32>
    %mul3A_139 = arith.muli %iota3A, %mul3A_138 : vector<16xi32>
    %add3A_140 = arith.constant 13 : i32
    %add3A_141 = vector.broadcast %add3A_140 : i32 to vector<16xi32>
    %add3A_142 = arith.addi %mul3A_139, %add3A_141 : vector<16xi32>
    %gather3A_143 = tpu.vector_load_idx %arg24[%add3A_142] : memref<256xi32, #tpu.memory_space<vmem>>[vector<16xi32>], vector<16xi32>,
    %add3A_144 = arith.addi %add3A_136, %gather3A_143 : vector<16xi32>
    %mul3A_145 = arith.constant 16 : i32
    %mul3A_146 = vector.broadcast %mul3A_145 : i32 to vector<16xi32>
    %mul3A_147 = arith.muli %iota3A, %mul3A_146 : vector<16xi32>
    %add3A_148 = arith.constant 14 : i32
    %add3A_149 = vector.broadcast %add3A_148 : i32 to vector<16xi32>
    %add3A_150 = arith.addi %mul3A_147, %add3A_149 : vector<16xi32>
    %gather3A_151 = tpu.vector_load_idx %arg24[%add3A_150] : memref<256xi32, #tpu.memory_space<vmem>>[vector<16xi32>], vector<16xi32>,
    %add3A_152 = arith.addi %add3A_144, %gather3A_151 : vector<16xi32>
    %mul3A_153 = arith.constant 16 : i32
    %mul3A_154 = vector.broadcast %mul3A_153 : i32 to vector<16xi32>
    %mul3A_155 = arith.muli %iota3A, %mul3A_154 : vector<16xi32>
    %add3A_156 = arith.constant 15 : i32
    %add3A_157 = vector.broadcast %add3A_156 : i32 to vector<16xi32>
    %add3A_158 = arith.addi %mul3A_155, %add3A_157 : vector<16xi32>
    %gather3A_159 = tpu.vector_load_idx %arg24[%add3A_158] : memref<256xi32, #tpu.memory_space<vmem>>[vector<16xi32>], vector<16xi32>,
    %add3A_160 = arith.addi %add3A_152, %gather3A_159 : vector<16xi32>
    %broadcast_in_dim3A_161 = arith.constant true
    %broadcast_in_dim3A_162 = vector.broadcast %broadcast_in_dim3A_161 : i1 to vector<16xi1>
    %masked_cumsum3A = tpu.scan <sum>, %add3A_160 masked %broadcast_in_dim3A_162 : vector<16xi32>, vector<16xi1> -> vector<16xi32>
    %reduce_sum3A = arith.constant true
    %reduce_sum3A_163 = vector.broadcast %reduce_sum3A : i1 to vector<16xi1>
    %reduce_sum3A_164 = tpu.scan <sum>, %add3A_160 masked %reduce_sum3A_163 : vector<16xi32>, vector<16xi1> -> vector<16xi32>
    %reduce_sum3A_165 = vector.extract %reduce_sum3A_164[15] : i32 from vector<16xi32>
    %sub3A = vector.broadcast %reduce_sum3A_165 : i32 to vector<16xi32>
    %sub3A_166 = arith.subi %sub3A, %masked_cumsum3A : vector<16xi32>
    %add3A_167 = arith.addi %sub3A_166, %add3A_160 : vector<16xi32>
    %ge3A = arith.constant 1745 : i32
    %ge3A_168 = vector.broadcast %ge3A : i32 to vector<16xi32>
    %ge3A_169 = arith.cmpi sge, %add3A_167, %ge3A_168 : vector<16xi32>
    %all_reduce_population_count3A = tpu.all_reduce %ge3A_169 {dim = 0 : i64, kind = #tpu.reduction_kind<sum>} : vector<16xi1> -> vector<16xi32>
    %slice3A = vector.extract_strided_slice %all_reduce_population_count3A {offsets = [0], sizes = [1], strides = [1]} : vector<16xi32> to vector<1xi32>
    %squeeze3A = vector.extract %slice3A[0] : i32 from vector<1xi32>
    %sub3A_170 = arith.constant 1 : i32
    %sub3A_171 = arith.subi %squeeze3A, %sub3A_170 : i32
    %eq3A = vector.broadcast %sub3A_171 : i32 to vector<16xi32>
    %eq3A_172 = arith.cmpi eq, %iota3A, %eq3A : vector<16xi32>
    %sub3A_173 = arith.subi %add3A_167, %add3A_160 : vector<16xi32>
    %jit3A = arith.constant 0 : i32
    %broadcast_in_dim3A_174 = vector.broadcast %jit3A : i32 to vector<16xi32>
    %select_n3A = arith.select %eq3A_172, %sub3A_173, %broadcast_in_dim3A_174 : vector<16xi1>, vector<16xi32>
    %reduce_sum3A_175 = arith.constant true
    %reduce_sum3A_176 = vector.broadcast %reduce_sum3A_175 : i1 to vector<16xi1>
    %reduce_sum3A_177 = tpu.scan <sum>, %select_n3A masked %reduce_sum3A_176 : vector<16xi32>, vector<16xi1> -> vector<16xi32>
    %reduce_sum3A_178 = vector.extract %reduce_sum3A_177[15] : i32 from vector<16xi32>
    %mul3A_179 = arith.constant 16 : i32
    %mul3A_180 = arith.muli %sub3A_171, %mul3A_179 : i32
    %get3A = arith.index_cast %mul3A_180 : i32 to index
    %get3A_181 = tpu.vector_load %arg24[%get3A] {strides = array<i32>} : memref<256xi32, #tpu.memory_space<vmem>>, vector<16xi32>,
    %rev3A = arith.constant 15 : i32
    %rev3A_182 = vector.broadcast %rev3A : i32 to vector<16xi32>
    %rev3A_183 = tpu.iota {dimensions = array<i32: 0>} : vector<16xi32>
    %rev3A_184 = arith.subi %rev3A_182, %rev3A_183 : vector<16xi32>
    %rev3A_185 = tpu.dynamic_gather %get3A_181[%rev3A_184] in [0] : vector<16xi32>, vector<16xi32> -> vector<16xi32>
    %broadcast_in_dim3A_186 = arith.constant true
    %broadcast_in_dim3A_187 = vector.broadcast %broadcast_in_dim3A_186 : i1 to vector<16xi1>
    %masked_cumsum3A_188 = tpu.scan <sum>, %rev3A_185 masked %broadcast_in_dim3A_187 : vector<16xi32>, vector<16xi1> -> vector<16xi32>
    %add3A_189 = vector.broadcast %reduce_sum3A_178 : i32 to vector<16xi32>
    %add3A_190 = arith.addi %add3A_189, %masked_cumsum3A_188 : vector<16xi32>
    %ge3A_191 = arith.constant 1745 : i32
    %ge3A_192 = vector.broadcast %ge3A_191 : i32 to vector<16xi32>
    %ge3A_193 = arith.cmpi sge, %add3A_190, %ge3A_192 : vector<16xi32>
    %all_reduce_population_count3A_194 = tpu.all_reduce %ge3A_193 {dim = 0 : i64, kind = #tpu.reduction_kind<sum>} : vector<16xi1> -> vector<16xi32>
    %slice3A_195 = vector.extract_strided_slice %all_reduce_population_count3A_194 {offsets = [0], sizes = [1], strides = [1]} : vector<16xi32> to vector<1xi32>
    %squeeze3A_196 = vector.extract %slice3A_195[0] : i32 from vector<1xi32>
    %sub3A_197 = arith.constant 16 : i32
    %sub3A_198 = arith.subi %sub3A_197, %squeeze3A_196 : i32
    %mul3A_199 = arith.constant 16 : i32
    %mul3A_200 = arith.muli %sub3A_171, %mul3A_199 : i32
    %add3A_201 = arith.constant 15 : i32
    %add3A_202 = arith.addi %mul3A_200, %add3A_201 : i32
    %sub3A_203 = arith.subi %add3A_202, %sub3A_198 : i32
    %eq3A_204 = vector.broadcast %sub3A_198 : i32 to vector<16xi32>
    %eq3A_205 = arith.cmpi eq, %iota3A, %eq3A_204 : vector<16xi32>
    %jit3A_206 = arith.constant 0 : i32
    %broadcast_in_dim3A_207 = vector.broadcast %jit3A_206 : i32 to vector<16xi32>
    %select_n3A_208 = arith.select %eq3A_205, %masked_cumsum3A_188, %broadcast_in_dim3A_207 : vector<16xi1>, vector<16xi32>
    %reduce_sum3A_209 = arith.constant true
    %reduce_sum3A_210 = vector.broadcast %reduce_sum3A_209 : i1 to vector<16xi1>
    %reduce_sum3A_211 = tpu.scan <sum>, %select_n3A_208 masked %reduce_sum3A_210 : vector<16xi32>, vector<16xi1> -> vector<16xi32>
    %reduce_sum3A_212 = vector.extract %reduce_sum3A_211[15] : i32 from vector<16xi32>
    %add3A_213 = arith.addi %reduce_sum3A_178, %reduce_sum3A_212 : i32
    %eq3A_214 = vector.broadcast %sub3A_198 : i32 to vector<16xi32>
    %eq3A_215 = arith.cmpi eq, %iota3A, %eq3A_214 : vector<16xi32>
    %jit3A_216 = arith.constant 0 : i32
    %broadcast_in_dim3A_217 = vector.broadcast %jit3A_216 : i32 to vector<16xi32>
    %select_n3A_218 = arith.select %eq3A_215, %rev3A_185, %broadcast_in_dim3A_217 : vector<16xi1>, vector<16xi32>
    %reduce_sum3A_219 = arith.constant true
    %reduce_sum3A_220 = vector.broadcast %reduce_sum3A_219 : i1 to vector<16xi1>
    %reduce_sum3A_221 = tpu.scan <sum>, %select_n3A_218 masked %reduce_sum3A_220 : vector<16xi32>, vector<16xi1> -> vector<16xi32>
    %reduce_sum3A_222 = vector.extract %reduce_sum3A_221[15] : i32 from vector<16xi32>
    %sub3A_223 = arith.subi %add3A_213, %reduce_sum3A_222 : i32
    %sub3A_224 = arith.constant 1745 : i32
    %sub3A_225 = arith.subi %sub3A_224, %sub3A_223 : i32
    %shift_left3A = arith.constant 0 : i32
    %shift_left3A_226 = arith.constant 8 : i32
    %shift_left3A_227 = arith.shli %shift_left3A, %shift_left3A_226 : i32
    %or3A = arith.ori %shift_left3A_227, %sub3A_203 : i32
    %mul3A_228 = arith.constant 16 : i32
    %mul3A_229 = vector.broadcast %mul3A_228 : i32 to vector<16xi32>
    %mul3A_230 = arith.muli %iota3A, %mul3A_229 : vector<16xi32>
    %gather3A_231 = tpu.vector_load_idx %arg25[%mul3A_230] : memref<256xi32, #tpu.memory_space<vmem>>[vector<16xi32>], vector<16xi32>,
    %mul3A_232 = arith.constant 16 : i32
    %mul3A_233 = vector.broadcast %mul3A_232 : i32 to vector<16xi32>
    %mul3A_234 = arith.muli %iota3A, %mul3A_233 : vector<16xi32>
    %add3A_235 = arith.constant 1 : i32
    %add3A_236 = vector.broadcast %add3A_235 : i32 to vector<16xi32>
    %add3A_237 = arith.addi %mul3A_234, %add3A_236 : vector<16xi32>
    %gather3A_238 = tpu.vector_load_idx %arg25[%add3A_237] : memref<256xi32, #tpu.memory_space<vmem>>[vector<16xi32>], vector<16xi32>,
    %add3A_239 = arith.addi %gather3A_231, %gather3A_238 : vector<16xi32>
    %mul3A_240 = arith.constant 16 : i32
    %mul3A_241 = vector.broadcast %mul3A_240 : i32 to vector<16xi32>
    %mul3A_242 = arith.muli %iota3A, %mul3A_241 : vector<16xi32>
    %add3A_243 = arith.constant 2 : i32
    %add3A_244 = vector.broadcast %add3A_243 : i32 to vector<16xi32>
    %add3A_245 = arith.addi %mul3A_242, %add3A_244 : vector<16xi32>
    %gather3A_246 = tpu.vector_load_idx %arg25[%add3A_245] : memref<256xi32, #tpu.memory_space<vmem>>[vector<16xi32>], vector<16xi32>,
    %add3A_247 = arith.addi %add3A_239, %gather3A_246 : vector<16xi32>
    %mul3A_248 = arith.constant 16 : i32
    %mul3A_249 = vector.broadcast %mul3A_248 : i32 to vector<16xi32>
    %mul3A_250 = arith.muli %iota3A, %mul3A_249 : vector<16xi32>
    %add3A_251 = arith.constant 3 : i32
    %add3A_252 = vector.broadcast %add3A_251 : i32 to vector<16xi32>
    %add3A_253 = arith.addi %mul3A_250, %add3A_252 : vector<16xi32>
    %gather3A_254 = tpu.vector_load_idx %arg25[%add3A_253] : memref<256xi32, #tpu.memory_space<vmem>>[vector<16xi32>], vector<16xi32>,
    %add3A_255 = arith.addi %add3A_247, %gather3A_254 : vector<16xi32>
    %mul3A_256 = arith.constant 16 : i32
    %mul3A_257 = vector.broadcast %mul3A_256 : i32 to vector<16xi32>
    %mul3A_258 = arith.muli %iota3A, %mul3A_257 : vector<16xi32>
    %add3A_259 = arith.constant 4 : i32
    %add3A_260 = vector.broadcast %add3A_259 : i32 to vector<16xi32>
    %add3A_261 = arith.addi %mul3A_258, %add3A_260 : vector<16xi32>
    %gather3A_262 = tpu.vector_load_idx %arg25[%add3A_261] : memref<256xi32, #tpu.memory_space<vmem>>[vector<16xi32>], vector<16xi32>,
    %add3A_263 = arith.addi %add3A_255, %gather3A_262 : vector<16xi32>
    %mul3A_264 = arith.constant 16 : i32
    %mul3A_265 = vector.broadcast %mul3A_264 : i32 to vector<16xi32>
    %mul3A_266 = arith.muli %iota3A, %mul3A_265 : vector<16xi32>
    %add3A_267 = arith.constant 5 : i32
    %add3A_268 = vector.broadcast %add3A_267 : i32 to vector<16xi32>
    %add3A_269 = arith.addi %mul3A_266, %add3A_268 : vector<16xi32>
    %gather3A_270 = tpu.vector_load_idx %arg25[%add3A_269] : memref<256xi32, #tpu.memory_space<vmem>>[vector<16xi32>], vector<16xi32>,
    %add3A_271 = arith.addi %add3A_263, %gather3A_270 : vector<16xi32>
    %mul3A_272 = arith.constant 16 : i32
    %mul3A_273 = vector.broadcast %mul3A_272 : i32 to vector<16xi32>
    %mul3A_274 = arith.muli %iota3A, %mul3A_273 : vector<16xi32>
    %add3A_275 = arith.constant 6 : i32
    %add3A_276 = vector.broadcast %add3A_275 : i32 to vector<16xi32>
    %add3A_277 = arith.addi %mul3A_274, %add3A_276 : vector<16xi32>
    %gather3A_278 = tpu.vector_load_idx %arg25[%add3A_277] : memref<256xi32, #tpu.memory_space<vmem>>[vector<16xi32>], vector<16xi32>,
    %add3A_279 = arith.addi %add3A_271, %gather3A_278 : vector<16xi32>
    %mul3A_280 = arith.constant 16 : i32
    %mul3A_281 = vector.broadcast %mul3A_280 : i32 to vector<16xi32>
    %mul3A_282 = arith.muli %iota3A, %mul3A_281 : vector<16xi32>
    %add3A_283 = arith.constant 7 : i32
    %add3A_284 = vector.broadcast %add3A_283 : i32 to vector<16xi32>
    %add3A_285 = arith.addi %mul3A_282, %add3A_284 : vector<16xi32>
    %gather3A_286 = tpu.vector_load_idx %arg25[%add3A_285] : memref<256xi32, #tpu.memory_space<vmem>>[vector<16xi32>], vector<16xi32>,
    %add3A_287 = arith.addi %add3A_279, %gather3A_286 : vector<16xi32>
    %mul3A_288 = arith.constant 16 : i32
    %mul3A_289 = vector.broadcast %mul3A_288 : i32 to vector<16xi32>
    %mul3A_290 = arith.muli %iota3A, %mul3A_289 : vector<16xi32>
    %add3A_291 = arith.constant 8 : i32
    %add3A_292 = vector.broadcast %add3A_291 : i32 to vector<16xi32>
    %add3A_293 = arith.addi %mul3A_290, %add3A_292 : vector<16xi32>
    %gather3A_294 = tpu.vector_load_idx %arg25[%add3A_293] : memref<256xi32, #tpu.memory_space<vmem>>[vector<16xi32>], vector<16xi32>,
    %add3A_295 = arith.addi %add3A_287, %gather3A_294 : vector<16xi32>
    %mul3A_296 = arith.constant 16 : i32
    %mul3A_297 = vector.broadcast %mul3A_296 : i32 to vector<16xi32>
    %mul3A_298 = arith.muli %iota3A, %mul3A_297 : vector<16xi32>
    %add3A_299 = arith.constant 9 : i32
    %add3A_300 = vector.broadcast %add3A_299 : i32 to vector<16xi32>
    %add3A_301 = arith.addi %mul3A_298, %add3A_300 : vector<16xi32>
    %gather3A_302 = tpu.vector_load_idx %arg25[%add3A_301] : memref<256xi32, #tpu.memory_space<vmem>>[vector<16xi32>], vector<16xi32>,
    %add3A_303 = arith.addi %add3A_295, %gather3A_302 : vector<16xi32>
    %mul3A_304 = arith.constant 16 : i32
    %mul3A_305 = vector.broadcast %mul3A_304 : i32 to vector<16xi32>
    %mul3A_306 = arith.muli %iota3A, %mul3A_305 : vector<16xi32>
    %add3A_307 = arith.constant 10 : i32
    %add3A_308 = vector.broadcast %add3A_307 : i32 to vector<16xi32>
    %add3A_309 = arith.addi %mul3A_306, %add3A_308 : vector<16xi32>
    %gather3A_310 = tpu.vector_load_idx %arg25[%add3A_309] : memref<256xi32, #tpu.memory_space<vmem>>[vector<16xi32>], vector<16xi32>,
    %add3A_311 = arith.addi %add3A_303, %gather3A_310 : vector<16xi32>
    %mul3A_312 = arith.constant 16 : i32
    %mul3A_313 = vector.broadcast %mul3A_312 : i32 to vector<16xi32>
    %mul3A_314 = arith.muli %iota3A, %mul3A_313 : vector<16xi32>
    %add3A_315 = arith.constant 11 : i32
    %add3A_316 = vector.broadcast %add3A_315 : i32 to vector<16xi32>
    %add3A_317 = arith.addi %mul3A_314, %add3A_316 : vector<16xi32>
    %gather3A_318 = tpu.vector_load_idx %arg25[%add3A_317] : memref<256xi32, #tpu.memory_space<vmem>>[vector<16xi32>], vector<16xi32>,
    %add3A_319 = arith.addi %add3A_311, %gather3A_318 : vector<16xi32>
    %mul3A_320 = arith.constant 16 : i32
    %mul3A_321 = vector.broadcast %mul3A_320 : i32 to vector<16xi32>
    %mul3A_322 = arith.muli %iota3A, %mul3A_321 : vector<16xi32>
    %add3A_323 = arith.constant 12 : i32
    %add3A_324 = vector.broadcast %add3A_323 : i32 to vector<16xi32>
    %add3A_325 = arith.addi %mul3A_322, %add3A_324 : vector<16xi32>
    %gather3A_326 = tpu.vector_load_idx %arg25[%add3A_325] : memref<256xi32, #tpu.memory_space<vmem>>[vector<16xi32>], vector<16xi32>,
    %add3A_327 = arith.addi %add3A_319, %gather3A_326 : vector<16xi32>
    %mul3A_328 = arith.constant 16 : i32
    %mul3A_329 = vector.broadcast %mul3A_328 : i32 to vector<16xi32>
    %mul3A_330 = arith.muli %iota3A, %mul3A_329 : vector<16xi32>
    %add3A_331 = arith.constant 13 : i32
    %add3A_332 = vector.broadcast %add3A_331 : i32 to vector<16xi32>
    %add3A_333 = arith.addi %mul3A_330, %add3A_332 : vector<16xi32>
    %gather3A_334 = tpu.vector_load_idx %arg25[%add3A_333] : memref<256xi32, #tpu.memory_space<vmem>>[vector<16xi32>], vector<16xi32>,
    %add3A_335 = arith.addi %add3A_327, %gather3A_334 : vector<16xi32>
    %mul3A_336 = arith.constant 16 : i32
    %mul3A_337 = vector.broadcast %mul3A_336 : i32 to vector<16xi32>
    %mul3A_338 = arith.muli %iota3A, %mul3A_337 : vector<16xi32>
    %add3A_339 = arith.constant 14 : i32
    %add3A_340 = vector.broadcast %add3A_339 : i32 to vector<16xi32>
    %add3A_341 = arith.addi %mul3A_338, %add3A_340 : vector<16xi32>
    %gather3A_342 = tpu.vector_load_idx %arg25[%add3A_341] : memref<256xi32, #tpu.memory_space<vmem>>[vector<16xi32>], vector<16xi32>,
    %add3A_343 = arith.addi %add3A_335, %gather3A_342 : vector<16xi32>
    %mul3A_344 = arith.constant 16 : i32
    %mul3A_345 = vector.broadcast %mul3A_344 : i32 to vector<16xi32>
    %mul3A_346 = arith.muli %iota3A, %mul3A_345 : vector<16xi32>
    %add3A_347 = arith.constant 15 : i32
    %add3A_348 = vector.broadcast %add3A_347 : i32 to vector<16xi32>
    %add3A_349 = arith.addi %mul3A_346, %add3A_348 : vector<16xi32>
    %gather3A_350 = tpu.vector_load_idx %arg25[%add3A_349] : memref<256xi32, #tpu.memory_space<vmem>>[vector<16xi32>], vector<16xi32>,
    %add3A_351 = arith.addi %add3A_343, %gather3A_350 : vector<16xi32>
    %broadcast_in_dim3A_352 = arith.constant true
    %broadcast_in_dim3A_353 = vector.broadcast %broadcast_in_dim3A_352 : i1 to vector<16xi1>
    %masked_cumsum3A_354 = tpu.scan <sum>, %add3A_351 masked %broadcast_in_dim3A_353 : vector<16xi32>, vector<16xi1> -> vector<16xi32>
    %ge3A_355 = arith.constant 1745 : i32
    %ge3A_356 = vector.broadcast %ge3A_355 : i32 to vector<16xi32>
    %ge3A_357 = arith.cmpi sge, %masked_cumsum3A_354, %ge3A_356 : vector<16xi32>
    %all_reduce_population_count3A_358 = tpu.all_reduce %ge3A_357 {dim = 0 : i64, kind = #tpu.reduction_kind<sum>} : vector<16xi1> -> vector<16xi32>
    %slice3A_359 = vector.extract_strided_slice %all_reduce_population_count3A_358 {offsets = [0], sizes = [1], strides = [1]} : vector<16xi32> to vector<1xi32>
    %squeeze3A_360 = vector.extract %slice3A_359[0] : i32 from vector<1xi32>
    %sub3A_361 = arith.constant 16 : i32
    %sub3A_362 = arith.subi %sub3A_361, %squeeze3A_360 : i32
    %eq3A_363 = vector.broadcast %sub3A_362 : i32 to vector<16xi32>
    %eq3A_364 = arith.cmpi eq, %iota3A, %eq3A_363 : vector<16xi32>
    %jit3A_365 = arith.constant 0 : i32
    %broadcast_in_dim3A_366 = vector.broadcast %jit3A_365 : i32 to vector<16xi32>
    %select_n3A_367 = arith.select %eq3A_364, %masked_cumsum3A_354, %broadcast_in_dim3A_366 : vector<16xi1>, vector<16xi32>
    %reduce_sum3A_368 = arith.constant true
    %reduce_sum3A_369 = vector.broadcast %reduce_sum3A_368 : i1 to vector<16xi1>
    %reduce_sum3A_370 = tpu.scan <sum>, %select_n3A_367 masked %reduce_sum3A_369 : vector<16xi32>, vector<16xi1> -> vector<16xi32>
    %reduce_sum3A_371 = vector.extract %reduce_sum3A_370[15] : i32 from vector<16xi32>
    %eq3A_372 = vector.broadcast %sub3A_362 : i32 to vector<16xi32>
    %eq3A_373 = arith.cmpi eq, %iota3A, %eq3A_372 : vector<16xi32>
    %jit3A_374 = arith.constant 0 : i32
    %broadcast_in_dim3A_375 = vector.broadcast %jit3A_374 : i32 to vector<16xi32>
    %select_n3A_376 = arith.select %eq3A_373, %add3A_351, %broadcast_in_dim3A_375 : vector<16xi1>, vector<16xi32>
    %reduce_sum3A_377 = arith.constant true
    %reduce_sum3A_378 = vector.broadcast %reduce_sum3A_377 : i1 to vector<16xi1>
    %reduce_sum3A_379 = tpu.scan <sum>, %select_n3A_376 masked %reduce_sum3A_378 : vector<16xi32>, vector<16xi1> -> vector<16xi32>
    %reduce_sum3A_380 = vector.extract %reduce_sum3A_379[15] : i32 from vector<16xi32>
    %sub3A_381 = arith.subi %reduce_sum3A_371, %reduce_sum3A_380 : i32
    %mul3A_382 = arith.constant 16 : i32
    %mul3A_383 = arith.muli %sub3A_362, %mul3A_382 : i32
    %get3A_384 = arith.index_cast %mul3A_383 : i32 to index
    %get3A_385 = tpu.vector_load %arg25[%get3A_384] {strides = array<i32>} : memref<256xi32, #tpu.memory_space<vmem>>, vector<16xi32>,
    %broadcast_in_dim3A_386 = arith.constant true
    %broadcast_in_dim3A_387 = vector.broadcast %broadcast_in_dim3A_386 : i1 to vector<16xi1>
    %masked_cumsum3A_388 = tpu.scan <sum>, %get3A_385 masked %broadcast_in_dim3A_387 : vector<16xi32>, vector<16xi1> -> vector<16xi32>
    %add3A_389 = vector.broadcast %sub3A_381 : i32 to vector<16xi32>
    %add3A_390 = arith.addi %add3A_389, %masked_cumsum3A_388 : vector<16xi32>
    %ge3A_391 = arith.constant 1745 : i32
    %ge3A_392 = vector.broadcast %ge3A_391 : i32 to vector<16xi32>
    %ge3A_393 = arith.cmpi sge, %add3A_390, %ge3A_392 : vector<16xi32>
    %all_reduce_population_count3A_394 = tpu.all_reduce %ge3A_393 {dim = 0 : i64, kind = #tpu.reduction_kind<sum>} : vector<16xi1> -> vector<16xi32>
    %slice3A_395 = vector.extract_strided_slice %all_reduce_population_count3A_394 {offsets = [0], sizes = [1], strides = [1]} : vector<16xi32> to vector<1xi32>
    %squeeze3A_396 = vector.extract %slice3A_395[0] : i32 from vector<1xi32>
    %sub3A_397 = arith.constant 16 : i32
    %sub3A_398 = arith.subi %sub3A_397, %squeeze3A_396 : i32
    %mul3A_399 = arith.constant 16 : i32
    %mul3A_400 = arith.muli %sub3A_362, %mul3A_399 : i32
    %add3A_401 = arith.addi %mul3A_400, %sub3A_398 : i32
    %eq3A_402 = vector.broadcast %sub3A_398 : i32 to vector<16xi32>
    %eq3A_403 = arith.cmpi eq, %iota3A, %eq3A_402 : vector<16xi32>
    %jit3A_404 = arith.constant 0 : i32
    %broadcast_in_dim3A_405 = vector.broadcast %jit3A_404 : i32 to vector<16xi32>
    %select_n3A_406 = arith.select %eq3A_403, %masked_cumsum3A_388, %broadcast_in_dim3A_405 : vector<16xi1>, vector<16xi32>
    %reduce_sum3A_407 = arith.constant true
    %reduce_sum3A_408 = vector.broadcast %reduce_sum3A_407 : i1 to vector<16xi1>
    %reduce_sum3A_409 = tpu.scan <sum>, %select_n3A_406 masked %reduce_sum3A_408 : vector<16xi32>, vector<16xi1> -> vector<16xi32>
    %reduce_sum3A_410 = vector.extract %reduce_sum3A_409[15] : i32 from vector<16xi32>
    %add3A_411 = arith.addi %sub3A_381, %reduce_sum3A_410 : i32
    %eq3A_412 = vector.broadcast %sub3A_398 : i32 to vector<16xi32>
    %eq3A_413 = arith.cmpi eq, %iota3A, %eq3A_412 : vector<16xi32>
    %jit3A_414 = arith.constant 0 : i32
    %broadcast_in_dim3A_415 = vector.broadcast %jit3A_414 : i32 to vector<16xi32>
    %select_n3A_416 = arith.select %eq3A_413, %get3A_385, %broadcast_in_dim3A_415 : vector<16xi1>, vector<16xi32>
    %reduce_sum3A_417 = arith.constant true
    %reduce_sum3A_418 = vector.broadcast %reduce_sum3A_417 : i1 to vector<16xi1>
    %reduce_sum3A_419 = tpu.scan <sum>, %select_n3A_416 masked %reduce_sum3A_418 : vector<16xi32>, vector<16xi1> -> vector<16xi32>
    %reduce_sum3A_420 = vector.extract %reduce_sum3A_419[15] : i32 from vector<16xi32>
    %sub3A_421 = arith.subi %add3A_411, %reduce_sum3A_420 : i32
    %sub3A_422 = arith.constant 1745 : i32
    %sub3A_423 = arith.subi %sub3A_422, %sub3A_421 : i32
    %shift_left3A_424 = arith.constant 0 : i32
    %shift_left3A_425 = arith.constant 8 : i32
    %shift_left3A_426 = arith.shli %shift_left3A_424, %shift_left3A_425 : i32
    %or3A_427 = arith.ori %shift_left3A_426, %add3A_401 : i32
    %scan3A_428 = arith.constant 0 : i32
    %scan3A_429 = arith.constant 0 : i32
    %scan3A_430 = arith.constant 256 : i32
    %scan3A_431 = arith.addi %scan3A_429, %scan3A_430 : i32
    %scan3A_432 = arith.constant 4 : i32
    scf.for %scan3A_1795 = %scan3A_429 to %scan3A_431 step %scan3A_432  : i32 {
      %mul3A_1796 = arith.constant 16 : i32
      %mul3A_1797 = arith.muli %scan3A_1795, %mul3A_1796 : i32
      %swap3A_1798 = arith.index_cast %mul3A_1797 : i32 to index
      %swap3A_1799 = tpu.vector_load %arg18[%swap3A_1798] {strides = array<i32>} : memref<4096xi32, #tpu.memory_space<vmem>>, vector<16xi32>,
      tpu.vector_store %arg18[%swap3A_1798], %broadcast_in_dim3A_1 {strides = array<i32>} : memref<4096xi32, #tpu.memory_space<vmem>>, vector<16xi32>,
      %mul3A_1800 = arith.constant 16 : i32
      %mul3A_1801 = arith.muli %scan3A_1795, %mul3A_1800 : i32
      %swap3A_1802 = arith.index_cast %mul3A_1801 : i32 to index
      %swap3A_1803 = tpu.vector_load %arg19[%swap3A_1802] {strides = array<i32>} : memref<4096xi32, #tpu.memory_space<vmem>>, vector<16xi32>,
      tpu.vector_store %arg19[%swap3A_1802], %broadcast_in_dim3A_1 {strides = array<i32>} : memref<4096xi32, #tpu.memory_space<vmem>>, vector<16xi32>,
      %scan3A_1804 = arith.constant 1 : i32
      %scan3A_1805 = arith.addi %scan3A_1795, %scan3A_1804 : i32
      %mul3A_1806 = arith.constant 16 : i32
      %mul3A_1807 = arith.muli %scan3A_1805, %mul3A_1806 : i32
      %swap3A_1808 = arith.index_cast %mul3A_1807 : i32 to index
      %swap3A_1809 = tpu.vector_load %arg18[%swap3A_1808] {strides = array<i32>} : memref<4096xi32, #tpu.memory_space<vmem>>, vector<16xi32>,
      tpu.vector_store %arg18[%swap3A_1808], %broadcast_in_dim3A_1 {strides = array<i32>} : memref<4096xi32, #tpu.memory_space<vmem>>, vector<16xi32>,
      %mul3A_1810 = arith.constant 16 : i32
      %mul3A_1811 = arith.muli %scan3A_1805, %mul3A_1810 : i32
      %swap3A_1812 = arith.index_cast %mul3A_1811 : i32 to index
      %swap3A_1813 = tpu.vector_load %arg19[%swap3A_1812] {strides = array<i32>} : memref<4096xi32, #tpu.memory_space<vmem>>, vector<16xi32>,
      tpu.vector_store %arg19[%swap3A_1812], %broadcast_in_dim3A_1 {strides = array<i32>} : memref<4096xi32, #tpu.memory_space<vmem>>, vector<16xi32>,
      %scan3A_1814 = arith.constant 2 : i32
      %scan3A_1815 = arith.addi %scan3A_1795, %scan3A_1814 : i32
      %mul3A_1816 = arith.constant 16 : i32
      %mul3A_1817 = arith.muli %scan3A_1815, %mul3A_1816 : i32
      %swap3A_1818 = arith.index_cast %mul3A_1817 : i32 to index
      %swap3A_1819 = tpu.vector_load %arg18[%swap3A_1818] {strides = array<i32>} : memref<4096xi32, #tpu.memory_space<vmem>>, vector<16xi32>,
      tpu.vector_store %arg18[%swap3A_1818], %broadcast_in_dim3A_1 {strides = array<i32>} : memref<4096xi32, #tpu.memory_space<vmem>>, vector<16xi32>,
      %mul3A_1820 = arith.constant 16 : i32
      %mul3A_1821 = arith.muli %scan3A_1815, %mul3A_1820 : i32
      %swap3A_1822 = arith.index_cast %mul3A_1821 : i32 to index
      %swap3A_1823 = tpu.vector_load %arg19[%swap3A_1822] {strides = array<i32>} : memref<4096xi32, #tpu.memory_space<vmem>>, vector<16xi32>,
      tpu.vector_store %arg19[%swap3A_1822], %broadcast_in_dim3A_1 {strides = array<i32>} : memref<4096xi32, #tpu.memory_space<vmem>>, vector<16xi32>,
      %scan3A_1824 = arith.constant 3 : i32
      %scan3A_1825 = arith.addi %scan3A_1795, %scan3A_1824 : i32
      %mul3A_1826 = arith.constant 16 : i32
      %mul3A_1827 = arith.muli %scan3A_1825, %mul3A_1826 : i32
      %swap3A_1828 = arith.index_cast %mul3A_1827 : i32 to index
      %swap3A_1829 = tpu.vector_load %arg18[%swap3A_1828] {strides = array<i32>} : memref<4096xi32, #tpu.memory_space<vmem>>, vector<16xi32>,
      tpu.vector_store %arg18[%swap3A_1828], %broadcast_in_dim3A_1 {strides = array<i32>} : memref<4096xi32, #tpu.memory_space<vmem>>, vector<16xi32>,
      %mul3A_1830 = arith.constant 16 : i32
      %mul3A_1831 = arith.muli %scan3A_1825, %mul3A_1830 : i32
      %swap3A_1832 = arith.index_cast %mul3A_1831 : i32 to index
      %swap3A_1833 = tpu.vector_load %arg19[%swap3A_1832] {strides = array<i32>} : memref<4096xi32, #tpu.memory_space<vmem>>, vector<16xi32>,
      tpu.vector_store %arg19[%swap3A_1832], %broadcast_in_dim3A_1 {strides = array<i32>} : memref<4096xi32, #tpu.memory_space<vmem>>, vector<16xi32>,
    }
    %scan3A_433 = arith.constant 256 : i32
    %scan3A_434 = arith.constant 0 : i32
    %scan3A_435 = arith.constant 0 : i32
    %scan3A_436 = arith.constant 682 : i32
    %scan3A_437 = arith.addi %scan3A_435, %scan3A_436 : i32
    %scan3A_438 = arith.constant 2 : i32
    scf.for %scan3A_1795 = %scan3A_435 to %scan3A_437 step %scan3A_438  : i32 {
      %mul3A_1796 = arith.constant 16 : i32
      %mul3A_1797 = arith.muli %scan3A_1795, %mul3A_1796 : i32
      %get3A_1798 = arith.index_cast %mul3A_1797 : i32 to index
      %get3A_1799 = tpu.vector_load %arg13[%get3A_1798] {strides = array<i32>} : memref<10912xi32, #tpu.memory_space<vmem>>, vector<16xi32>,
      %xor3A_1800 = arith.constant -2147483648 : i32
      %xor3A_1801 = vector.broadcast %xor3A_1800 : i32 to vector<16xi32>
      %xor3A_1802 = arith.xori %get3A_1799, %xor3A_1801 : vector<16xi32>
      %shift_right_logical3A = arith.constant 24 : i32
      %shift_right_logical3A_1803 = vector.broadcast %shift_right_logical3A : i32 to vector<16xi32>
      %shift_right_logical3A_1804 = arith.shrui %xor3A_1802, %shift_right_logical3A_1803 : vector<16xi32>
      %shift_right_logical3A_1805 = arith.constant 16 : i32
      %shift_right_logical3A_1806 = vector.broadcast %shift_right_logical3A_1805 : i32 to vector<16xi32>
      %shift_right_logical3A_1807 = arith.shrui %xor3A_1802, %shift_right_logical3A_1806 : vector<16xi32>
      %and3A = arith.constant 255 : i32
      %and3A_1808 = vector.broadcast %and3A : i32 to vector<16xi32>
      %and3A_1809 = arith.andi %shift_right_logical3A_1807, %and3A_1808 : vector<16xi32>
      %mul3A_1810 = arith.constant 16 : i32
      %mul3A_1811 = vector.broadcast %mul3A_1810 : i32 to vector<16xi32>
      %mul3A_1812 = arith.muli %and3A_1809, %mul3A_1811 : vector<16xi32>
      %add3A_1813 = arith.addi %mul3A_1812, %iota3A : vector<16xi32>
      %eq3A_1814 = vector.broadcast %or3A : i32 to vector<16xi32>
      %eq3A_1815 = arith.cmpi eq, %shift_right_logical3A_1804, %eq3A_1814 : vector<16xi32>
      tpu.vector_store_idx %arg18[%add3A_1813], %broadcast_in_dim3A_5 masked %eq3A_1815 {add = true} : memref<4096xi32, #tpu.memory_space<vmem>>[vector<16xi32>], vector<16xi32>, vector<16xi1>
      %eq3A_1816 = vector.broadcast %or3A_427 : i32 to vector<16xi32>
      %eq3A_1817 = arith.cmpi eq, %shift_right_logical3A_1804, %eq3A_1816 : vector<16xi32>
      tpu.vector_store_idx %arg19[%add3A_1813], %broadcast_in_dim3A_5 masked %eq3A_1817 {add = true} : memref<4096xi32, #tpu.memory_space<vmem>>[vector<16xi32>], vector<16xi32>, vector<16xi1>
      %scan3A_1818 = arith.constant 1 : i32
      %scan3A_1819 = arith.addi %scan3A_1795, %scan3A_1818 : i32
      %mul3A_1820 = arith.constant 16 : i32
      %mul3A_1821 = arith.muli %scan3A_1819, %mul3A_1820 : i32
      %get3A_1822 = arith.index_cast %mul3A_1821 : i32 to index
      %get3A_1823 = tpu.vector_load %arg13[%get3A_1822] {strides = array<i32>} : memref<10912xi32, #tpu.memory_space<vmem>>, vector<16xi32>,
      %xor3A_1824 = arith.constant -2147483648 : i32
      %xor3A_1825 = vector.broadcast %xor3A_1824 : i32 to vector<16xi32>
      %xor3A_1826 = arith.xori %get3A_1823, %xor3A_1825 : vector<16xi32>
      %shift_right_logical3A_1827 = arith.constant 24 : i32
      %shift_right_logical3A_1828 = vector.broadcast %shift_right_logical3A_1827 : i32 to vector<16xi32>
      %shift_right_logical3A_1829 = arith.shrui %xor3A_1826, %shift_right_logical3A_1828 : vector<16xi32>
      %shift_right_logical3A_1830 = arith.constant 16 : i32
      %shift_right_logical3A_1831 = vector.broadcast %shift_right_logical3A_1830 : i32 to vector<16xi32>
      %shift_right_logical3A_1832 = arith.shrui %xor3A_1826, %shift_right_logical3A_1831 : vector<16xi32>
      %and3A_1833 = arith.constant 255 : i32
      %and3A_1834 = vector.broadcast %and3A_1833 : i32 to vector<16xi32>
      %and3A_1835 = arith.andi %shift_right_logical3A_1832, %and3A_1834 : vector<16xi32>
      %mul3A_1836 = arith.constant 16 : i32
      %mul3A_1837 = vector.broadcast %mul3A_1836 : i32 to vector<16xi32>
      %mul3A_1838 = arith.muli %and3A_1835, %mul3A_1837 : vector<16xi32>
      %add3A_1839 = arith.addi %mul3A_1838, %iota3A : vector<16xi32>
      %eq3A_1840 = vector.broadcast %or3A : i32 to vector<16xi32>
      %eq3A_1841 = arith.cmpi eq, %shift_right_logical3A_1829, %eq3A_1840 : vector<16xi32>
      tpu.vector_store_idx %arg18[%add3A_1839], %broadcast_in_dim3A_5 masked %eq3A_1841 {add = true} : memref<4096xi32, #tpu.memory_space<vmem>>[vector<16xi32>], vector<16xi32>, vector<16xi1>
      %eq3A_1842 = vector.broadcast %or3A_427 : i32 to vector<16xi32>
      %eq3A_1843 = arith.cmpi eq, %shift_right_logical3A_1829, %eq3A_1842 : vector<16xi32>
      tpu.vector_store_idx %arg19[%add3A_1839], %broadcast_in_dim3A_5 masked %eq3A_1843 {add = true} : memref<4096xi32, #tpu.memory_space<vmem>>[vector<16xi32>], vector<16xi32>, vector<16xi1>
    }
    %scan3A_439 = arith.constant 682 : i32
    %scan3A_440 = arith.constant 0 : i32
    %scan3A_441 = arith.constant 0 : i32
    %scan3A_442 = arith.constant 16 : i32
    %scan3A_443 = arith.addi %scan3A_441, %scan3A_442 : i32
    %scan3A_444 = arith.constant 1 : i32
    scf.for %scan3A_1795 = %scan3A_441 to %scan3A_443 step %scan3A_444  : i32 {
      %mul3A_1796 = arith.constant 256 : i32
      %mul3A_1797 = arith.muli %scan3A_1795, %mul3A_1796 : i32
      %mul3A_1798 = arith.constant 16 : i32
      %mul3A_1799 = vector.broadcast %mul3A_1798 : i32 to vector<16xi32>
      %mul3A_1800 = arith.muli %iota3A, %mul3A_1799 : vector<16xi32>
      %add3A_1801 = vector.broadcast %mul3A_1797 : i32 to vector<16xi32>
      %add3A_1802 = arith.addi %add3A_1801, %mul3A_1800 : vector<16xi32>
      %gather3A_1803 = tpu.vector_load_idx %arg18[%add3A_1802] : memref<4096xi32, #tpu.memory_space<vmem>>[vector<16xi32>], vector<16xi32>,
      %gather3A_1804 = tpu.vector_load_idx %arg19[%add3A_1802] : memref<4096xi32, #tpu.memory_space<vmem>>[vector<16xi32>], vector<16xi32>,
      %add3A_1805 = arith.constant 1 : i32
      %add3A_1806 = vector.broadcast %add3A_1805 : i32 to vector<16xi32>
      %add3A_1807 = arith.addi %add3A_1802, %add3A_1806 : vector<16xi32>
      %gather3A_1808 = tpu.vector_load_idx %arg18[%add3A_1807] : memref<4096xi32, #tpu.memory_space<vmem>>[vector<16xi32>], vector<16xi32>,
      %add3A_1809 = arith.addi %gather3A_1803, %gather3A_1808 : vector<16xi32>
      %add3A_1810 = arith.constant 1 : i32
      %add3A_1811 = vector.broadcast %add3A_1810 : i32 to vector<16xi32>
      %add3A_1812 = arith.addi %add3A_1802, %add3A_1811 : vector<16xi32>
      %gather3A_1813 = tpu.vector_load_idx %arg19[%add3A_1812] : memref<4096xi32, #tpu.memory_space<vmem>>[vector<16xi32>], vector<16xi32>,
      %add3A_1814 = arith.addi %gather3A_1804, %gather3A_1813 : vector<16xi32>
      %add3A_1815 = arith.constant 2 : i32
      %add3A_1816 = vector.broadcast %add3A_1815 : i32 to vector<16xi32>
      %add3A_1817 = arith.addi %add3A_1802, %add3A_1816 : vector<16xi32>
      %gather3A_1818 = tpu.vector_load_idx %arg18[%add3A_1817] : memref<4096xi32, #tpu.memory_space<vmem>>[vector<16xi32>], vector<16xi32>,
      %add3A_1819 = arith.addi %add3A_1809, %gather3A_1818 : vector<16xi32>
      %add3A_1820 = arith.constant 2 : i32
      %add3A_1821 = vector.broadcast %add3A_1820 : i32 to vector<16xi32>
      %add3A_1822 = arith.addi %add3A_1802, %add3A_1821 : vector<16xi32>
      %gather3A_1823 = tpu.vector_load_idx %arg19[%add3A_1822] : memref<4096xi32, #tpu.memory_space<vmem>>[vector<16xi32>], vector<16xi32>,
      %add3A_1824 = arith.addi %add3A_1814, %gather3A_1823 : vector<16xi32>
      %add3A_1825 = arith.constant 3 : i32
      %add3A_1826 = vector.broadcast %add3A_1825 : i32 to vector<16xi32>
      %add3A_1827 = arith.addi %add3A_1802, %add3A_1826 : vector<16xi32>
      %gather3A_1828 = tpu.vector_load_idx %arg18[%add3A_1827] : memref<4096xi32, #tpu.memory_space<vmem>>[vector<16xi32>], vector<16xi32>,
      %add3A_1829 = arith.addi %add3A_1819, %gather3A_1828 : vector<16xi32>
      %add3A_1830 = arith.constant 3 : i32
      %add3A_1831 = vector.broadcast %add3A_1830 : i32 to vector<16xi32>
      %add3A_1832 = arith.addi %add3A_1802, %add3A_1831 : vector<16xi32>
      %gather3A_1833 = tpu.vector_load_idx %arg19[%add3A_1832] : memref<4096xi32, #tpu.memory_space<vmem>>[vector<16xi32>], vector<16xi32>,
      %add3A_1834 = arith.addi %add3A_1824, %gather3A_1833 : vector<16xi32>
      %add3A_1835 = arith.constant 4 : i32
      %add3A_1836 = vector.broadcast %add3A_1835 : i32 to vector<16xi32>
      %add3A_1837 = arith.addi %add3A_1802, %add3A_1836 : vector<16xi32>
      %gather3A_1838 = tpu.vector_load_idx %arg18[%add3A_1837] : memref<4096xi32, #tpu.memory_space<vmem>>[vector<16xi32>], vector<16xi32>,
      %add3A_1839 = arith.addi %add3A_1829, %gather3A_1838 : vector<16xi32>
      %add3A_1840 = arith.constant 4 : i32
      %add3A_1841 = vector.broadcast %add3A_1840 : i32 to vector<16xi32>
      %add3A_1842 = arith.addi %add3A_1802, %add3A_1841 : vector<16xi32>
      %gather3A_1843 = tpu.vector_load_idx %arg19[%add3A_1842] : memref<4096xi32, #tpu.memory_space<vmem>>[vector<16xi32>], vector<16xi32>,
      %add3A_1844 = arith.addi %add3A_1834, %gather3A_1843 : vector<16xi32>
      %add3A_1845 = arith.constant 5 : i32
      %add3A_1846 = vector.broadcast %add3A_1845 : i32 to vector<16xi32>
      %add3A_1847 = arith.addi %add3A_1802, %add3A_1846 : vector<16xi32>
      %gather3A_1848 = tpu.vector_load_idx %arg18[%add3A_1847] : memref<4096xi32, #tpu.memory_space<vmem>>[vector<16xi32>], vector<16xi32>,
      %add3A_1849 = arith.addi %add3A_1839, %gather3A_1848 : vector<16xi32>
      %add3A_1850 = arith.constant 5 : i32
      %add3A_1851 = vector.broadcast %add3A_1850 : i32 to vector<16xi32>
      %add3A_1852 = arith.addi %add3A_1802, %add3A_1851 : vector<16xi32>
      %gather3A_1853 = tpu.vector_load_idx %arg19[%add3A_1852] : memref<4096xi32, #tpu.memory_space<vmem>>[vector<16xi32>], vector<16xi32>,
      %add3A_1854 = arith.addi %add3A_1844, %gather3A_1853 : vector<16xi32>
      %add3A_1855 = arith.constant 6 : i32
      %add3A_1856 = vector.broadcast %add3A_1855 : i32 to vector<16xi32>
      %add3A_1857 = arith.addi %add3A_1802, %add3A_1856 : vector<16xi32>
      %gather3A_1858 = tpu.vector_load_idx %arg18[%add3A_1857] : memref<4096xi32, #tpu.memory_space<vmem>>[vector<16xi32>], vector<16xi32>,
      %add3A_1859 = arith.addi %add3A_1849, %gather3A_1858 : vector<16xi32>
      %add3A_1860 = arith.constant 6 : i32
      %add3A_1861 = vector.broadcast %add3A_1860 : i32 to vector<16xi32>
      %add3A_1862 = arith.addi %add3A_1802, %add3A_1861 : vector<16xi32>
      %gather3A_1863 = tpu.vector_load_idx %arg19[%add3A_1862] : memref<4096xi32, #tpu.memory_space<vmem>>[vector<16xi32>], vector<16xi32>,
      %add3A_1864 = arith.addi %add3A_1854, %gather3A_1863 : vector<16xi32>
      %add3A_1865 = arith.constant 7 : i32
      %add3A_1866 = vector.broadcast %add3A_1865 : i32 to vector<16xi32>
      %add3A_1867 = arith.addi %add3A_1802, %add3A_1866 : vector<16xi32>
      %gather3A_1868 = tpu.vector_load_idx %arg18[%add3A_1867] : memref<4096xi32, #tpu.memory_space<vmem>>[vector<16xi32>], vector<16xi32>,
      %add3A_1869 = arith.addi %add3A_1859, %gather3A_1868 : vector<16xi32>
      %add3A_1870 = arith.constant 7 : i32
      %add3A_1871 = vector.broadcast %add3A_1870 : i32 to vector<16xi32>
      %add3A_1872 = arith.addi %add3A_1802, %add3A_1871 : vector<16xi32>
      %gather3A_1873 = tpu.vector_load_idx %arg19[%add3A_1872] : memref<4096xi32, #tpu.memory_space<vmem>>[vector<16xi32>], vector<16xi32>,
      %add3A_1874 = arith.addi %add3A_1864, %gather3A_1873 : vector<16xi32>
      %add3A_1875 = arith.constant 8 : i32
      %add3A_1876 = vector.broadcast %add3A_1875 : i32 to vector<16xi32>
      %add3A_1877 = arith.addi %add3A_1802, %add3A_1876 : vector<16xi32>
      %gather3A_1878 = tpu.vector_load_idx %arg18[%add3A_1877] : memref<4096xi32, #tpu.memory_space<vmem>>[vector<16xi32>], vector<16xi32>,
      %add3A_1879 = arith.addi %add3A_1869, %gather3A_1878 : vector<16xi32>
      %add3A_1880 = arith.constant 8 : i32
      %add3A_1881 = vector.broadcast %add3A_1880 : i32 to vector<16xi32>
      %add3A_1882 = arith.addi %add3A_1802, %add3A_1881 : vector<16xi32>
      %gather3A_1883 = tpu.vector_load_idx %arg19[%add3A_1882] : memref<4096xi32, #tpu.memory_space<vmem>>[vector<16xi32>], vector<16xi32>,
      %add3A_1884 = arith.addi %add3A_1874, %gather3A_1883 : vector<16xi32>
      %add3A_1885 = arith.constant 9 : i32
      %add3A_1886 = vector.broadcast %add3A_1885 : i32 to vector<16xi32>
      %add3A_1887 = arith.addi %add3A_1802, %add3A_1886 : vector<16xi32>
      %gather3A_1888 = tpu.vector_load_idx %arg18[%add3A_1887] : memref<4096xi32, #tpu.memory_space<vmem>>[vector<16xi32>], vector<16xi32>,
      %add3A_1889 = arith.addi %add3A_1879, %gather3A_1888 : vector<16xi32>
      %add3A_1890 = arith.constant 9 : i32
      %add3A_1891 = vector.broadcast %add3A_1890 : i32 to vector<16xi32>
      %add3A_1892 = arith.addi %add3A_1802, %add3A_1891 : vector<16xi32>
      %gather3A_1893 = tpu.vector_load_idx %arg19[%add3A_1892] : memref<4096xi32, #tpu.memory_space<vmem>>[vector<16xi32>], vector<16xi32>,
      %add3A_1894 = arith.addi %add3A_1884, %gather3A_1893 : vector<16xi32>
      %add3A_1895 = arith.constant 10 : i32
      %add3A_1896 = vector.broadcast %add3A_1895 : i32 to vector<16xi32>
      %add3A_1897 = arith.addi %add3A_1802, %add3A_1896 : vector<16xi32>
      %gather3A_1898 = tpu.vector_load_idx %arg18[%add3A_1897] : memref<4096xi32, #tpu.memory_space<vmem>>[vector<16xi32>], vector<16xi32>,
      %add3A_1899 = arith.addi %add3A_1889, %gather3A_1898 : vector<16xi32>
      %add3A_1900 = arith.constant 10 : i32
      %add3A_1901 = vector.broadcast %add3A_1900 : i32 to vector<16xi32>
      %add3A_1902 = arith.addi %add3A_1802, %add3A_1901 : vector<16xi32>
      %gather3A_1903 = tpu.vector_load_idx %arg19[%add3A_1902] : memref<4096xi32, #tpu.memory_space<vmem>>[vector<16xi32>], vector<16xi32>,
      %add3A_1904 = arith.addi %add3A_1894, %gather3A_1903 : vector<16xi32>
      %add3A_1905 = arith.constant 11 : i32
      %add3A_1906 = vector.broadcast %add3A_1905 : i32 to vector<16xi32>
      %add3A_1907 = arith.addi %add3A_1802, %add3A_1906 : vector<16xi32>
      %gather3A_1908 = tpu.vector_load_idx %arg18[%add3A_1907] : memref<4096xi32, #tpu.memory_space<vmem>>[vector<16xi32>], vector<16xi32>,
      %add3A_1909 = arith.addi %add3A_1899, %gather3A_1908 : vector<16xi32>
      %add3A_1910 = arith.constant 11 : i32
      %add3A_1911 = vector.broadcast %add3A_1910 : i32 to vector<16xi32>
      %add3A_1912 = arith.addi %add3A_1802, %add3A_1911 : vector<16xi32>
      %gather3A_1913 = tpu.vector_load_idx %arg19[%add3A_1912] : memref<4096xi32, #tpu.memory_space<vmem>>[vector<16xi32>], vector<16xi32>,
      %add3A_1914 = arith.addi %add3A_1904, %gather3A_1913 : vector<16xi32>
      %add3A_1915 = arith.constant 12 : i32
      %add3A_1916 = vector.broadcast %add3A_1915 : i32 to vector<16xi32>
      %add3A_1917 = arith.addi %add3A_1802, %add3A_1916 : vector<16xi32>
      %gather3A_1918 = tpu.vector_load_idx %arg18[%add3A_1917] : memref<4096xi32, #tpu.memory_space<vmem>>[vector<16xi32>], vector<16xi32>,
      %add3A_1919 = arith.addi %add3A_1909, %gather3A_1918 : vector<16xi32>
      %add3A_1920 = arith.constant 12 : i32
      %add3A_1921 = vector.broadcast %add3A_1920 : i32 to vector<16xi32>
      %add3A_1922 = arith.addi %add3A_1802, %add3A_1921 : vector<16xi32>
      %gather3A_1923 = tpu.vector_load_idx %arg19[%add3A_1922] : memref<4096xi32, #tpu.memory_space<vmem>>[vector<16xi32>], vector<16xi32>,
      %add3A_1924 = arith.addi %add3A_1914, %gather3A_1923 : vector<16xi32>
      %add3A_1925 = arith.constant 13 : i32
      %add3A_1926 = vector.broadcast %add3A_1925 : i32 to vector<16xi32>
      %add3A_1927 = arith.addi %add3A_1802, %add3A_1926 : vector<16xi32>
      %gather3A_1928 = tpu.vector_load_idx %arg18[%add3A_1927] : memref<4096xi32, #tpu.memory_space<vmem>>[vector<16xi32>], vector<16xi32>,
      %add3A_1929 = arith.addi %add3A_1919, %gather3A_1928 : vector<16xi32>
      %add3A_1930 = arith.constant 13 : i32
      %add3A_1931 = vector.broadcast %add3A_1930 : i32 to vector<16xi32>
      %add3A_1932 = arith.addi %add3A_1802, %add3A_1931 : vector<16xi32>
      %gather3A_1933 = tpu.vector_load_idx %arg19[%add3A_1932] : memref<4096xi32, #tpu.memory_space<vmem>>[vector<16xi32>], vector<16xi32>,
      %add3A_1934 = arith.addi %add3A_1924, %gather3A_1933 : vector<16xi32>
      %add3A_1935 = arith.constant 14 : i32
      %add3A_1936 = vector.broadcast %add3A_1935 : i32 to vector<16xi32>
      %add3A_1937 = arith.addi %add3A_1802, %add3A_1936 : vector<16xi32>
      %gather3A_1938 = tpu.vector_load_idx %arg18[%add3A_1937] : memref<4096xi32, #tpu.memory_space<vmem>>[vector<16xi32>], vector<16xi32>,
      %add3A_1939 = arith.addi %add3A_1929, %gather3A_1938 : vector<16xi32>
      %add3A_1940 = arith.constant 14 : i32
      %add3A_1941 = vector.broadcast %add3A_1940 : i32 to vector<16xi32>
      %add3A_1942 = arith.addi %add3A_1802, %add3A_1941 : vector<16xi32>
      %gather3A_1943 = tpu.vector_load_idx %arg19[%add3A_1942] : memref<4096xi32, #tpu.memory_space<vmem>>[vector<16xi32>], vector<16xi32>,
      %add3A_1944 = arith.addi %add3A_1934, %gather3A_1943 : vector<16xi32>
      %add3A_1945 = arith.constant 15 : i32
      %add3A_1946 = vector.broadcast %add3A_1945 : i32 to vector<16xi32>
      %add3A_1947 = arith.addi %add3A_1802, %add3A_1946 : vector<16xi32>
      %gather3A_1948 = tpu.vector_load_idx %arg18[%add3A_1947] : memref<4096xi32, #tpu.memory_space<vmem>>[vector<16xi32>], vector<16xi32>,
      %add3A_1949 = arith.addi %add3A_1939, %gather3A_1948 : vector<16xi32>
      %add3A_1950 = arith.constant 15 : i32
      %add3A_1951 = vector.broadcast %add3A_1950 : i32 to vector<16xi32>
      %add3A_1952 = arith.addi %add3A_1802, %add3A_1951 : vector<16xi32>
      %gather3A_1953 = tpu.vector_load_idx %arg19[%add3A_1952] : memref<4096xi32, #tpu.memory_space<vmem>>[vector<16xi32>], vector<16xi32>,
      %add3A_1954 = arith.addi %add3A_1944, %gather3A_1953 : vector<16xi32>
      %mul3A_1955 = arith.constant 16 : i32
      %mul3A_1956 = arith.muli %scan3A_1795, %mul3A_1955 : i32
      %swap3A_1957 = arith.index_cast %mul3A_1956 : i32 to index
      %swap3A_1958 = tpu.vector_load %arg20[%swap3A_1957] {strides = array<i32>} : memref<256xi32, #tpu.memory_space<vmem>>, vector<16xi32>,
      tpu.vector_store %arg20[%swap3A_1957], %add3A_1949 {strides = array<i32>} : memref<256xi32, #tpu.memory_space<vmem>>, vector<16xi32>,
      %mul3A_1959 = arith.constant 16 : i32
      %mul3A_1960 = arith.muli %scan3A_1795, %mul3A_1959 : i32
      %swap3A_1961 = arith.index_cast %mul3A_1960 : i32 to index
      %swap3A_1962 = tpu.vector_load %arg21[%swap3A_1961] {strides = array<i32>} : memref<256xi32, #tpu.memory_space<vmem>>, vector<16xi32>,
      tpu.vector_store %arg21[%swap3A_1961], %add3A_1954 {strides = array<i32>} : memref<256xi32, #tpu.memory_space<vmem>>, vector<16xi32>,
    }
    %scan3A_445 = arith.constant 16 : i32
    %mul3A_446 = arith.constant 256 : i32
    %mul3A_447 = arith.muli %arg1, %mul3A_446 : i32
    "tpu.region"() ({
      %run_scoped3A = tpu.sem_alloc : memref<!tpu.dma_semaphore, #tpu.memory_space<semaphore_mem>>
      %dma_start3A_1795 = tpu.memref_slice %arg31[%mul3A_447] : memref<4096xi32, #tpu.memory_space<vmem_shared>> -> memref<256xi32, #tpu.memory_space<vmem_shared>>
      %dma_start3A_1796 = tpu.memref_slice %arg31[%mul3A_447] : memref<4096xi32, #tpu.memory_space<vmem_shared>> -> memref<256xi32, #tpu.memory_space<vmem_shared>>
      tpu.enqueue_dma source(%arg20 : memref<256xi32, #tpu.memory_space<vmem>>) target(%dma_start3A_1796 : memref<256xi32, #tpu.memory_space<vmem_shared>>) target_semaphore(%run_scoped3A : memref<!tpu.dma_semaphore, #tpu.memory_space<semaphore_mem>>)
      %dma_wait3A = tpu.memref_slice %arg31[%mul3A_447] : memref<4096xi32, #tpu.memory_space<vmem_shared>> -> memref<256xi32, #tpu.memory_space<vmem_shared>>
      %dma_wait3A_1797 = tpu.memref_slice %arg31[%mul3A_447] : memref<4096xi32, #tpu.memory_space<vmem_shared>> -> memref<256xi32, #tpu.memory_space<vmem_shared>>
      tpu.wait_dma2 semaphore(%run_scoped3A : memref<!tpu.dma_semaphore, #tpu.memory_space<semaphore_mem>>) src(%arg20 : memref<256xi32, #tpu.memory_space<vmem>>) dst(%dma_wait3A_1797 : memref<256xi32, #tpu.memory_space<vmem_shared>>)
      tpu.yield
    }) : () -> ()
    %mul3A_448 = arith.constant 256 : i32
    %mul3A_449 = arith.muli %arg1, %mul3A_448 : i32
    "tpu.region"() ({
      %run_scoped3A = tpu.sem_alloc : memref<!tpu.dma_semaphore, #tpu.memory_space<semaphore_mem>>
      %dma_start3A_1795 = tpu.memref_slice %arg32[%mul3A_449] : memref<4096xi32, #tpu.memory_space<vmem_shared>> -> memref<256xi32, #tpu.memory_space<vmem_shared>>
      %dma_start3A_1796 = tpu.memref_slice %arg32[%mul3A_449] : memref<4096xi32, #tpu.memory_space<vmem_shared>> -> memref<256xi32, #tpu.memory_space<vmem_shared>>
      tpu.enqueue_dma source(%arg21 : memref<256xi32, #tpu.memory_space<vmem>>) target(%dma_start3A_1796 : memref<256xi32, #tpu.memory_space<vmem_shared>>) target_semaphore(%run_scoped3A : memref<!tpu.dma_semaphore, #tpu.memory_space<semaphore_mem>>)
      %dma_wait3A = tpu.memref_slice %arg32[%mul3A_449] : memref<4096xi32, #tpu.memory_space<vmem_shared>> -> memref<256xi32, #tpu.memory_space<vmem_shared>>
      %dma_wait3A_1797 = tpu.memref_slice %arg32[%mul3A_449] : memref<4096xi32, #tpu.memory_space<vmem_shared>> -> memref<256xi32, #tpu.memory_space<vmem_shared>>
      tpu.wait_dma2 semaphore(%run_scoped3A : memref<!tpu.dma_semaphore, #tpu.memory_space<semaphore_mem>>) src(%arg21 : memref<256xi32, #tpu.memory_space<vmem>>) dst(%dma_wait3A_1797 : memref<256xi32, #tpu.memory_space<vmem_shared>>)
      tpu.yield
    }) : () -> ()
    %barrier3A_450 = arith.constant 0 : index
    tpu.barrier barrier_id(%barrier3A_450)
    "tpu.region"() ({
      %run_scoped3A = tpu.sem_alloc : memref<!tpu.dma_semaphore, #tpu.memory_space<semaphore_mem>>
      tpu.enqueue_dma source(%arg31 : memref<4096xi32, #tpu.memory_space<vmem_shared>>) target(%arg22 : memref<4096xi32, #tpu.memory_space<vmem>>) target_semaphore(%run_scoped3A : memref<!tpu.dma_semaphore, #tpu.memory_space<semaphore_mem>>)
      tpu.wait_dma2 semaphore(%run_scoped3A : memref<!tpu.dma_semaphore, #tpu.memory_space<semaphore_mem>>) src(%arg31 : memref<4096xi32, #tpu.memory_space<vmem_shared>>) dst(%arg22 : memref<4096xi32, #tpu.memory_space<vmem>>)
      tpu.yield
    }) : () -> ()
    "tpu.region"() ({
      %run_scoped3A = tpu.sem_alloc : memref<!tpu.dma_semaphore, #tpu.memory_space<semaphore_mem>>
      tpu.enqueue_dma source(%arg32 : memref<4096xi32, #tpu.memory_space<vmem_shared>>) target(%arg23 : memref<4096xi32, #tpu.memory_space<vmem>>) target_semaphore(%run_scoped3A : memref<!tpu.dma_semaphore, #tpu.memory_space<semaphore_mem>>)
      tpu.wait_dma2 semaphore(%run_scoped3A : memref<!tpu.dma_semaphore, #tpu.memory_space<semaphore_mem>>) src(%arg32 : memref<4096xi32, #tpu.memory_space<vmem_shared>>) dst(%arg23 : memref<4096xi32, #tpu.memory_space<vmem>>)
      tpu.yield
    }) : () -> ()
    %barrier3A_451 = arith.constant 0 : index
    tpu.barrier barrier_id(%barrier3A_451)
    %scan3A_452 = arith.constant 0 : i32
    %scan3A_453 = arith.constant 0 : i32
    %scan3A_454 = arith.constant 16 : i32
    %scan3A_455 = arith.addi %scan3A_453, %scan3A_454 : i32
    %scan3A_456 = arith.constant 1 : i32
    scf.for %scan3A_1795 = %scan3A_453 to %scan3A_455 step %scan3A_456  : i32 {
      %scan3A_1796 = arith.constant 0 : i32
      %scan3A_1797 = arith.constant 16 : i32
      %scan3A_1798 = arith.addi %scan3A_1796, %scan3A_1797 : i32
      %scan3A_1799 = arith.constant 1 : i32
      %scan3A_1800 = scf.for %scan3A_1816 = %scan3A_1796 to %scan3A_1798 step %scan3A_1799 iter_args(%scan3A_1817 = %broadcast_in_dim3A_1) -> (vector<16xi32>)  : i32 {
        %mul3A_1818 = arith.constant 256 : i32
        %mul3A_1819 = arith.muli %scan3A_1816, %mul3A_1818 : i32
        %mul3A_1820 = arith.constant 16 : i32
        %mul3A_1821 = arith.muli %scan3A_1795, %mul3A_1820 : i32
        %add3A_1822 = arith.addi %mul3A_1819, %mul3A_1821 : i32
        %get3A_1823 = arith.index_cast %add3A_1822 : i32 to index
        %get3A_1824 = tpu.vector_load %arg22[%get3A_1823] {strides = array<i32>} : memref<4096xi32, #tpu.memory_space<vmem>>, vector<16xi32>,
        %add3A_1825 = arith.addi %scan3A_1817, %get3A_1824 : vector<16xi32>
        scf.yield %add3A_1825 : vector<16xi32>
      }
      %scan3A_1801 = arith.constant 16 : i32
      %mul3A_1802 = arith.constant 16 : i32
      %mul3A_1803 = arith.muli %scan3A_1795, %mul3A_1802 : i32
      %swap3A_1804 = arith.index_cast %mul3A_1803 : i32 to index
      %swap3A_1805 = tpu.vector_load %arg24[%swap3A_1804] {strides = array<i32>} : memref<256xi32, #tpu.memory_space<vmem>>, vector<16xi32>,
      tpu.vector_store %arg24[%swap3A_1804], %scan3A_1800 {strides = array<i32>} : memref<256xi32, #tpu.memory_space<vmem>>, vector<16xi32>,
      %scan3A_1806 = arith.constant 0 : i32
      %scan3A_1807 = arith.constant 16 : i32
      %scan3A_1808 = arith.addi %scan3A_1806, %scan3A_1807 : i32
      %scan3A_1809 = arith.constant 1 : i32
      %scan3A_1810 = scf.for %scan3A_1816 = %scan3A_1806 to %scan3A_1808 step %scan3A_1809 iter_args(%scan3A_1817 = %broadcast_in_dim3A_1) -> (vector<16xi32>)  : i32 {
        %mul3A_1818 = arith.constant 256 : i32
        %mul3A_1819 = arith.muli %scan3A_1816, %mul3A_1818 : i32
        %mul3A_1820 = arith.constant 16 : i32
        %mul3A_1821 = arith.muli %scan3A_1795, %mul3A_1820 : i32
        %add3A_1822 = arith.addi %mul3A_1819, %mul3A_1821 : i32
        %get3A_1823 = arith.index_cast %add3A_1822 : i32 to index
        %get3A_1824 = tpu.vector_load %arg23[%get3A_1823] {strides = array<i32>} : memref<4096xi32, #tpu.memory_space<vmem>>, vector<16xi32>,
        %add3A_1825 = arith.addi %scan3A_1817, %get3A_1824 : vector<16xi32>
        scf.yield %add3A_1825 : vector<16xi32>
      }
      %scan3A_1811 = arith.constant 16 : i32
      %mul3A_1812 = arith.constant 16 : i32
      %mul3A_1813 = arith.muli %scan3A_1795, %mul3A_1812 : i32
      %swap3A_1814 = arith.index_cast %mul3A_1813 : i32 to index
      %swap3A_1815 = tpu.vector_load %arg25[%swap3A_1814] {strides = array<i32>} : memref<256xi32, #tpu.memory_space<vmem>>, vector<16xi32>,
      tpu.vector_store %arg25[%swap3A_1814], %scan3A_1810 {strides = array<i32>} : memref<256xi32, #tpu.memory_space<vmem>>, vector<16xi32>,
    }
    %scan3A_457 = arith.constant 16 : i32
    %mul3A_458 = arith.constant 16 : i32
    %mul3A_459 = vector.broadcast %mul3A_458 : i32 to vector<16xi32>
    %mul3A_460 = arith.muli %iota3A, %mul3A_459 : vector<16xi32>
    %gather3A_461 = tpu.vector_load_idx %arg24[%mul3A_460] : memref<256xi32, #tpu.memory_space<vmem>>[vector<16xi32>], vector<16xi32>,
    %mul3A_462 = arith.constant 16 : i32
    %mul3A_463 = vector.broadcast %mul3A_462 : i32 to vector<16xi32>
    %mul3A_464 = arith.muli %iota3A, %mul3A_463 : vector<16xi32>
    %add3A_465 = arith.constant 1 : i32
    %add3A_466 = vector.broadcast %add3A_465 : i32 to vector<16xi32>
    %add3A_467 = arith.addi %mul3A_464, %add3A_466 : vector<16xi32>
    %gather3A_468 = tpu.vector_load_idx %arg24[%add3A_467] : memref<256xi32, #tpu.memory_space<vmem>>[vector<16xi32>], vector<16xi32>,
    %add3A_469 = arith.addi %gather3A_461, %gather3A_468 : vector<16xi32>
    %mul3A_470 = arith.constant 16 : i32
    %mul3A_471 = vector.broadcast %mul3A_470 : i32 to vector<16xi32>
    %mul3A_472 = arith.muli %iota3A, %mul3A_471 : vector<16xi32>
    %add3A_473 = arith.constant 2 : i32
    %add3A_474 = vector.broadcast %add3A_473 : i32 to vector<16xi32>
    %add3A_475 = arith.addi %mul3A_472, %add3A_474 : vector<16xi32>
    %gather3A_476 = tpu.vector_load_idx %arg24[%add3A_475] : memref<256xi32, #tpu.memory_space<vmem>>[vector<16xi32>], vector<16xi32>,
    %add3A_477 = arith.addi %add3A_469, %gather3A_476 : vector<16xi32>
    %mul3A_478 = arith.constant 16 : i32
    %mul3A_479 = vector.broadcast %mul3A_478 : i32 to vector<16xi32>
    %mul3A_480 = arith.muli %iota3A, %mul3A_479 : vector<16xi32>
    %add3A_481 = arith.constant 3 : i32
    %add3A_482 = vector.broadcast %add3A_481 : i32 to vector<16xi32>
    %add3A_483 = arith.addi %mul3A_480, %add3A_482 : vector<16xi32>
    %gather3A_484 = tpu.vector_load_idx %arg24[%add3A_483] : memref<256xi32, #tpu.memory_space<vmem>>[vector<16xi32>], vector<16xi32>,
    %add3A_485 = arith.addi %add3A_477, %gather3A_484 : vector<16xi32>
    %mul3A_486 = arith.constant 16 : i32
    %mul3A_487 = vector.broadcast %mul3A_486 : i32 to vector<16xi32>
    %mul3A_488 = arith.muli %iota3A, %mul3A_487 : vector<16xi32>
    %add3A_489 = arith.constant 4 : i32
    %add3A_490 = vector.broadcast %add3A_489 : i32 to vector<16xi32>
    %add3A_491 = arith.addi %mul3A_488, %add3A_490 : vector<16xi32>
    %gather3A_492 = tpu.vector_load_idx %arg24[%add3A_491] : memref<256xi32, #tpu.memory_space<vmem>>[vector<16xi32>], vector<16xi32>,
    %add3A_493 = arith.addi %add3A_485, %gather3A_492 : vector<16xi32>
    %mul3A_494 = arith.constant 16 : i32
    %mul3A_495 = vector.broadcast %mul3A_494 : i32 to vector<16xi32>
    %mul3A_496 = arith.muli %iota3A, %mul3A_495 : vector<16xi32>
    %add3A_497 = arith.constant 5 : i32
    %add3A_498 = vector.broadcast %add3A_497 : i32 to vector<16xi32>
    %add3A_499 = arith.addi %mul3A_496, %add3A_498 : vector<16xi32>
    %gather3A_500 = tpu.vector_load_idx %arg24[%add3A_499] : memref<256xi32, #tpu.memory_space<vmem>>[vector<16xi32>], vector<16xi32>,
    %add3A_501 = arith.addi %add3A_493, %gather3A_500 : vector<16xi32>
    %mul3A_502 = arith.constant 16 : i32
    %mul3A_503 = vector.broadcast %mul3A_502 : i32 to vector<16xi32>
    %mul3A_504 = arith.muli %iota3A, %mul3A_503 : vector<16xi32>
    %add3A_505 = arith.constant 6 : i32
    %add3A_506 = vector.broadcast %add3A_505 : i32 to vector<16xi32>
    %add3A_507 = arith.addi %mul3A_504, %add3A_506 : vector<16xi32>
    %gather3A_508 = tpu.vector_load_idx %arg24[%add3A_507] : memref<256xi32, #tpu.memory_space<vmem>>[vector<16xi32>], vector<16xi32>,
    %add3A_509 = arith.addi %add3A_501, %gather3A_508 : vector<16xi32>
    %mul3A_510 = arith.constant 16 : i32
    %mul3A_511 = vector.broadcast %mul3A_510 : i32 to vector<16xi32>
    %mul3A_512 = arith.muli %iota3A, %mul3A_511 : vector<16xi32>
    %add3A_513 = arith.constant 7 : i32
    %add3A_514 = vector.broadcast %add3A_513 : i32 to vector<16xi32>
    %add3A_515 = arith.addi %mul3A_512, %add3A_514 : vector<16xi32>
    %gather3A_516 = tpu.vector_load_idx %arg24[%add3A_515] : memref<256xi32, #tpu.memory_space<vmem>>[vector<16xi32>], vector<16xi32>,
    %add3A_517 = arith.addi %add3A_509, %gather3A_516 : vector<16xi32>
    %mul3A_518 = arith.constant 16 : i32
    %mul3A_519 = vector.broadcast %mul3A_518 : i32 to vector<16xi32>
    %mul3A_520 = arith.muli %iota3A, %mul3A_519 : vector<16xi32>
    %add3A_521 = arith.constant 8 : i32
    %add3A_522 = vector.broadcast %add3A_521 : i32 to vector<16xi32>
    %add3A_523 = arith.addi %mul3A_520, %add3A_522 : vector<16xi32>
    %gather3A_524 = tpu.vector_load_idx %arg24[%add3A_523] : memref<256xi32, #tpu.memory_space<vmem>>[vector<16xi32>], vector<16xi32>,
    %add3A_525 = arith.addi %add3A_517, %gather3A_524 : vector<16xi32>
    %mul3A_526 = arith.constant 16 : i32
    %mul3A_527 = vector.broadcast %mul3A_526 : i32 to vector<16xi32>
    %mul3A_528 = arith.muli %iota3A, %mul3A_527 : vector<16xi32>
    %add3A_529 = arith.constant 9 : i32
    %add3A_530 = vector.broadcast %add3A_529 : i32 to vector<16xi32>
    %add3A_531 = arith.addi %mul3A_528, %add3A_530 : vector<16xi32>
    %gather3A_532 = tpu.vector_load_idx %arg24[%add3A_531] : memref<256xi32, #tpu.memory_space<vmem>>[vector<16xi32>], vector<16xi32>,
    %add3A_533 = arith.addi %add3A_525, %gather3A_532 : vector<16xi32>
    %mul3A_534 = arith.constant 16 : i32
    %mul3A_535 = vector.broadcast %mul3A_534 : i32 to vector<16xi32>
    %mul3A_536 = arith.muli %iota3A, %mul3A_535 : vector<16xi32>
    %add3A_537 = arith.constant 10 : i32
    %add3A_538 = vector.broadcast %add3A_537 : i32 to vector<16xi32>
    %add3A_539 = arith.addi %mul3A_536, %add3A_538 : vector<16xi32>
    %gather3A_540 = tpu.vector_load_idx %arg24[%add3A_539] : memref<256xi32, #tpu.memory_space<vmem>>[vector<16xi32>], vector<16xi32>,
    %add3A_541 = arith.addi %add3A_533, %gather3A_540 : vector<16xi32>
    %mul3A_542 = arith.constant 16 : i32
    %mul3A_543 = vector.broadcast %mul3A_542 : i32 to vector<16xi32>
    %mul3A_544 = arith.muli %iota3A, %mul3A_543 : vector<16xi32>
    %add3A_545 = arith.constant 11 : i32
    %add3A_546 = vector.broadcast %add3A_545 : i32 to vector<16xi32>
    %add3A_547 = arith.addi %mul3A_544, %add3A_546 : vector<16xi32>
    %gather3A_548 = tpu.vector_load_idx %arg24[%add3A_547] : memref<256xi32, #tpu.memory_space<vmem>>[vector<16xi32>], vector<16xi32>,
    %add3A_549 = arith.addi %add3A_541, %gather3A_548 : vector<16xi32>
    %mul3A_550 = arith.constant 16 : i32
    %mul3A_551 = vector.broadcast %mul3A_550 : i32 to vector<16xi32>
    %mul3A_552 = arith.muli %iota3A, %mul3A_551 : vector<16xi32>
    %add3A_553 = arith.constant 12 : i32
    %add3A_554 = vector.broadcast %add3A_553 : i32 to vector<16xi32>
    %add3A_555 = arith.addi %mul3A_552, %add3A_554 : vector<16xi32>
    %gather3A_556 = tpu.vector_load_idx %arg24[%add3A_555] : memref<256xi32, #tpu.memory_space<vmem>>[vector<16xi32>], vector<16xi32>,
    %add3A_557 = arith.addi %add3A_549, %gather3A_556 : vector<16xi32>
    %mul3A_558 = arith.constant 16 : i32
    %mul3A_559 = vector.broadcast %mul3A_558 : i32 to vector<16xi32>
    %mul3A_560 = arith.muli %iota3A, %mul3A_559 : vector<16xi32>
    %add3A_561 = arith.constant 13 : i32
    %add3A_562 = vector.broadcast %add3A_561 : i32 to vector<16xi32>
    %add3A_563 = arith.addi %mul3A_560, %add3A_562 : vector<16xi32>
    %gather3A_564 = tpu.vector_load_idx %arg24[%add3A_563] : memref<256xi32, #tpu.memory_space<vmem>>[vector<16xi32>], vector<16xi32>,
    %add3A_565 = arith.addi %add3A_557, %gather3A_564 : vector<16xi32>
    %mul3A_566 = arith.constant 16 : i32
    %mul3A_567 = vector.broadcast %mul3A_566 : i32 to vector<16xi32>
    %mul3A_568 = arith.muli %iota3A, %mul3A_567 : vector<16xi32>
    %add3A_569 = arith.constant 14 : i32
    %add3A_570 = vector.broadcast %add3A_569 : i32 to vector<16xi32>
    %add3A_571 = arith.addi %mul3A_568, %add3A_570 : vector<16xi32>
    %gather3A_572 = tpu.vector_load_idx %arg24[%add3A_571] : memref<256xi32, #tpu.memory_space<vmem>>[vector<16xi32>], vector<16xi32>,
    %add3A_573 = arith.addi %add3A_565, %gather3A_572 : vector<16xi32>
    %mul3A_574 = arith.constant 16 : i32
    %mul3A_575 = vector.broadcast %mul3A_574 : i32 to vector<16xi32>
    %mul3A_576 = arith.muli %iota3A, %mul3A_575 : vector<16xi32>
    %add3A_577 = arith.constant 15 : i32
    %add3A_578 = vector.broadcast %add3A_577 : i32 to vector<16xi32>
    %add3A_579 = arith.addi %mul3A_576, %add3A_578 : vector<16xi32>
    %gather3A_580 = tpu.vector_load_idx %arg24[%add3A_579] : memref<256xi32, #tpu.memory_space<vmem>>[vector<16xi32>], vector<16xi32>,
    %add3A_581 = arith.addi %add3A_573, %gather3A_580 : vector<16xi32>
    %broadcast_in_dim3A_582 = arith.constant true
    %broadcast_in_dim3A_583 = vector.broadcast %broadcast_in_dim3A_582 : i1 to vector<16xi1>
    %masked_cumsum3A_584 = tpu.scan <sum>, %add3A_581 masked %broadcast_in_dim3A_583 : vector<16xi32>, vector<16xi1> -> vector<16xi32>
    %reduce_sum3A_585 = arith.constant true
    %reduce_sum3A_586 = vector.broadcast %reduce_sum3A_585 : i1 to vector<16xi1>
    %reduce_sum3A_587 = tpu.scan <sum>, %add3A_581 masked %reduce_sum3A_586 : vector<16xi32>, vector<16xi1> -> vector<16xi32>
    %reduce_sum3A_588 = vector.extract %reduce_sum3A_587[15] : i32 from vector<16xi32>
    %sub3A_589 = vector.broadcast %reduce_sum3A_588 : i32 to vector<16xi32>
    %sub3A_590 = arith.subi %sub3A_589, %masked_cumsum3A_584 : vector<16xi32>
    %add3A_591 = arith.addi %sub3A_590, %add3A_581 : vector<16xi32>
    %ge3A_592 = vector.broadcast %sub3A_225 : i32 to vector<16xi32>
    %ge3A_593 = arith.cmpi sge, %add3A_591, %ge3A_592 : vector<16xi32>
    %all_reduce_population_count3A_594 = tpu.all_reduce %ge3A_593 {dim = 0 : i64, kind = #tpu.reduction_kind<sum>} : vector<16xi1> -> vector<16xi32>
    %slice3A_595 = vector.extract_strided_slice %all_reduce_population_count3A_594 {offsets = [0], sizes = [1], strides = [1]} : vector<16xi32> to vector<1xi32>
    %squeeze3A_596 = vector.extract %slice3A_595[0] : i32 from vector<1xi32>
    %sub3A_597 = arith.constant 1 : i32
    %sub3A_598 = arith.subi %squeeze3A_596, %sub3A_597 : i32
    %eq3A_599 = vector.broadcast %sub3A_598 : i32 to vector<16xi32>
    %eq3A_600 = arith.cmpi eq, %iota3A, %eq3A_599 : vector<16xi32>
    %sub3A_601 = arith.subi %add3A_591, %add3A_581 : vector<16xi32>
    %jit3A_602 = arith.constant 0 : i32
    %broadcast_in_dim3A_603 = vector.broadcast %jit3A_602 : i32 to vector<16xi32>
    %select_n3A_604 = arith.select %eq3A_600, %sub3A_601, %broadcast_in_dim3A_603 : vector<16xi1>, vector<16xi32>
    %reduce_sum3A_605 = arith.constant true
    %reduce_sum3A_606 = vector.broadcast %reduce_sum3A_605 : i1 to vector<16xi1>
    %reduce_sum3A_607 = tpu.scan <sum>, %select_n3A_604 masked %reduce_sum3A_606 : vector<16xi32>, vector<16xi1> -> vector<16xi32>
    %reduce_sum3A_608 = vector.extract %reduce_sum3A_607[15] : i32 from vector<16xi32>
    %mul3A_609 = arith.constant 16 : i32
    %mul3A_610 = arith.muli %sub3A_598, %mul3A_609 : i32
    %get3A_611 = arith.index_cast %mul3A_610 : i32 to index
    %get3A_612 = tpu.vector_load %arg24[%get3A_611] {strides = array<i32>} : memref<256xi32, #tpu.memory_space<vmem>>, vector<16xi32>,
    %rev3A_613 = arith.constant 15 : i32
    %rev3A_614 = vector.broadcast %rev3A_613 : i32 to vector<16xi32>
    %rev3A_615 = tpu.iota {dimensions = array<i32: 0>} : vector<16xi32>
    %rev3A_616 = arith.subi %rev3A_614, %rev3A_615 : vector<16xi32>
    %rev3A_617 = tpu.dynamic_gather %get3A_612[%rev3A_616] in [0] : vector<16xi32>, vector<16xi32> -> vector<16xi32>
    %broadcast_in_dim3A_618 = arith.constant true
    %broadcast_in_dim3A_619 = vector.broadcast %broadcast_in_dim3A_618 : i1 to vector<16xi1>
    %masked_cumsum3A_620 = tpu.scan <sum>, %rev3A_617 masked %broadcast_in_dim3A_619 : vector<16xi32>, vector<16xi1> -> vector<16xi32>
    %add3A_621 = vector.broadcast %reduce_sum3A_608 : i32 to vector<16xi32>
    %add3A_622 = arith.addi %add3A_621, %masked_cumsum3A_620 : vector<16xi32>
    %ge3A_623 = vector.broadcast %sub3A_225 : i32 to vector<16xi32>
    %ge3A_624 = arith.cmpi sge, %add3A_622, %ge3A_623 : vector<16xi32>
    %all_reduce_population_count3A_625 = tpu.all_reduce %ge3A_624 {dim = 0 : i64, kind = #tpu.reduction_kind<sum>} : vector<16xi1> -> vector<16xi32>
    %slice3A_626 = vector.extract_strided_slice %all_reduce_population_count3A_625 {offsets = [0], sizes = [1], strides = [1]} : vector<16xi32> to vector<1xi32>
    %squeeze3A_627 = vector.extract %slice3A_626[0] : i32 from vector<1xi32>
    %sub3A_628 = arith.constant 16 : i32
    %sub3A_629 = arith.subi %sub3A_628, %squeeze3A_627 : i32
    %mul3A_630 = arith.constant 16 : i32
    %mul3A_631 = arith.muli %sub3A_598, %mul3A_630 : i32
    %add3A_632 = arith.constant 15 : i32
    %add3A_633 = arith.addi %mul3A_631, %add3A_632 : i32
    %sub3A_634 = arith.subi %add3A_633, %sub3A_629 : i32
    %eq3A_635 = vector.broadcast %sub3A_629 : i32 to vector<16xi32>
    %eq3A_636 = arith.cmpi eq, %iota3A, %eq3A_635 : vector<16xi32>
    %jit3A_637 = arith.constant 0 : i32
    %broadcast_in_dim3A_638 = vector.broadcast %jit3A_637 : i32 to vector<16xi32>
    %select_n3A_639 = arith.select %eq3A_636, %masked_cumsum3A_620, %broadcast_in_dim3A_638 : vector<16xi1>, vector<16xi32>
    %reduce_sum3A_640 = arith.constant true
    %reduce_sum3A_641 = vector.broadcast %reduce_sum3A_640 : i1 to vector<16xi1>
    %reduce_sum3A_642 = tpu.scan <sum>, %select_n3A_639 masked %reduce_sum3A_641 : vector<16xi32>, vector<16xi1> -> vector<16xi32>
    %reduce_sum3A_643 = vector.extract %reduce_sum3A_642[15] : i32 from vector<16xi32>
    %add3A_644 = arith.addi %reduce_sum3A_608, %reduce_sum3A_643 : i32
    %eq3A_645 = vector.broadcast %sub3A_629 : i32 to vector<16xi32>
    %eq3A_646 = arith.cmpi eq, %iota3A, %eq3A_645 : vector<16xi32>
    %jit3A_647 = arith.constant 0 : i32
    %broadcast_in_dim3A_648 = vector.broadcast %jit3A_647 : i32 to vector<16xi32>
    %select_n3A_649 = arith.select %eq3A_646, %rev3A_617, %broadcast_in_dim3A_648 : vector<16xi1>, vector<16xi32>
    %reduce_sum3A_650 = arith.constant true
    %reduce_sum3A_651 = vector.broadcast %reduce_sum3A_650 : i1 to vector<16xi1>
    %reduce_sum3A_652 = tpu.scan <sum>, %select_n3A_649 masked %reduce_sum3A_651 : vector<16xi32>, vector<16xi1> -> vector<16xi32>
    %reduce_sum3A_653 = vector.extract %reduce_sum3A_652[15] : i32 from vector<16xi32>
    %sub3A_654 = arith.subi %add3A_644, %reduce_sum3A_653 : i32
    %sub3A_655 = arith.subi %sub3A_225, %sub3A_654 : i32
    %shift_left3A_656 = arith.constant 8 : i32
    %shift_left3A_657 = arith.shli %or3A, %shift_left3A_656 : i32
    %or3A_658 = arith.ori %shift_left3A_657, %sub3A_634 : i32
    %mul3A_659 = arith.constant 16 : i32
    %mul3A_660 = vector.broadcast %mul3A_659 : i32 to vector<16xi32>
    %mul3A_661 = arith.muli %iota3A, %mul3A_660 : vector<16xi32>
    %gather3A_662 = tpu.vector_load_idx %arg25[%mul3A_661] : memref<256xi32, #tpu.memory_space<vmem>>[vector<16xi32>], vector<16xi32>,
    %mul3A_663 = arith.constant 16 : i32
    %mul3A_664 = vector.broadcast %mul3A_663 : i32 to vector<16xi32>
    %mul3A_665 = arith.muli %iota3A, %mul3A_664 : vector<16xi32>
    %add3A_666 = arith.constant 1 : i32
    %add3A_667 = vector.broadcast %add3A_666 : i32 to vector<16xi32>
    %add3A_668 = arith.addi %mul3A_665, %add3A_667 : vector<16xi32>
    %gather3A_669 = tpu.vector_load_idx %arg25[%add3A_668] : memref<256xi32, #tpu.memory_space<vmem>>[vector<16xi32>], vector<16xi32>,
    %add3A_670 = arith.addi %gather3A_662, %gather3A_669 : vector<16xi32>
    %mul3A_671 = arith.constant 16 : i32
    %mul3A_672 = vector.broadcast %mul3A_671 : i32 to vector<16xi32>
    %mul3A_673 = arith.muli %iota3A, %mul3A_672 : vector<16xi32>
    %add3A_674 = arith.constant 2 : i32
    %add3A_675 = vector.broadcast %add3A_674 : i32 to vector<16xi32>
    %add3A_676 = arith.addi %mul3A_673, %add3A_675 : vector<16xi32>
    %gather3A_677 = tpu.vector_load_idx %arg25[%add3A_676] : memref<256xi32, #tpu.memory_space<vmem>>[vector<16xi32>], vector<16xi32>,
    %add3A_678 = arith.addi %add3A_670, %gather3A_677 : vector<16xi32>
    %mul3A_679 = arith.constant 16 : i32
    %mul3A_680 = vector.broadcast %mul3A_679 : i32 to vector<16xi32>
    %mul3A_681 = arith.muli %iota3A, %mul3A_680 : vector<16xi32>
    %add3A_682 = arith.constant 3 : i32
    %add3A_683 = vector.broadcast %add3A_682 : i32 to vector<16xi32>
    %add3A_684 = arith.addi %mul3A_681, %add3A_683 : vector<16xi32>
    %gather3A_685 = tpu.vector_load_idx %arg25[%add3A_684] : memref<256xi32, #tpu.memory_space<vmem>>[vector<16xi32>], vector<16xi32>,
    %add3A_686 = arith.addi %add3A_678, %gather3A_685 : vector<16xi32>
    %mul3A_687 = arith.constant 16 : i32
    %mul3A_688 = vector.broadcast %mul3A_687 : i32 to vector<16xi32>
    %mul3A_689 = arith.muli %iota3A, %mul3A_688 : vector<16xi32>
    %add3A_690 = arith.constant 4 : i32
    %add3A_691 = vector.broadcast %add3A_690 : i32 to vector<16xi32>
    %add3A_692 = arith.addi %mul3A_689, %add3A_691 : vector<16xi32>
    %gather3A_693 = tpu.vector_load_idx %arg25[%add3A_692] : memref<256xi32, #tpu.memory_space<vmem>>[vector<16xi32>], vector<16xi32>,
    %add3A_694 = arith.addi %add3A_686, %gather3A_693 : vector<16xi32>
    %mul3A_695 = arith.constant 16 : i32
    %mul3A_696 = vector.broadcast %mul3A_695 : i32 to vector<16xi32>
    %mul3A_697 = arith.muli %iota3A, %mul3A_696 : vector<16xi32>
    %add3A_698 = arith.constant 5 : i32
    %add3A_699 = vector.broadcast %add3A_698 : i32 to vector<16xi32>
    %add3A_700 = arith.addi %mul3A_697, %add3A_699 : vector<16xi32>
    %gather3A_701 = tpu.vector_load_idx %arg25[%add3A_700] : memref<256xi32, #tpu.memory_space<vmem>>[vector<16xi32>], vector<16xi32>,
    %add3A_702 = arith.addi %add3A_694, %gather3A_701 : vector<16xi32>
    %mul3A_703 = arith.constant 16 : i32
    %mul3A_704 = vector.broadcast %mul3A_703 : i32 to vector<16xi32>
    %mul3A_705 = arith.muli %iota3A, %mul3A_704 : vector<16xi32>
    %add3A_706 = arith.constant 6 : i32
    %add3A_707 = vector.broadcast %add3A_706 : i32 to vector<16xi32>
    %add3A_708 = arith.addi %mul3A_705, %add3A_707 : vector<16xi32>
    %gather3A_709 = tpu.vector_load_idx %arg25[%add3A_708] : memref<256xi32, #tpu.memory_space<vmem>>[vector<16xi32>], vector<16xi32>,
    %add3A_710 = arith.addi %add3A_702, %gather3A_709 : vector<16xi32>
    %mul3A_711 = arith.constant 16 : i32
    %mul3A_712 = vector.broadcast %mul3A_711 : i32 to vector<16xi32>
    %mul3A_713 = arith.muli %iota3A, %mul3A_712 : vector<16xi32>
    %add3A_714 = arith.constant 7 : i32
    %add3A_715 = vector.broadcast %add3A_714 : i32 to vector<16xi32>
    %add3A_716 = arith.addi %mul3A_713, %add3A_715 : vector<16xi32>
    %gather3A_717 = tpu.vector_load_idx %arg25[%add3A_716] : memref<256xi32, #tpu.memory_space<vmem>>[vector<16xi32>], vector<16xi32>,
    %add3A_718 = arith.addi %add3A_710, %gather3A_717 : vector<16xi32>
    %mul3A_719 = arith.constant 16 : i32
    %mul3A_720 = vector.broadcast %mul3A_719 : i32 to vector<16xi32>
    %mul3A_721 = arith.muli %iota3A, %mul3A_720 : vector<16xi32>
    %add3A_722 = arith.constant 8 : i32
    %add3A_723 = vector.broadcast %add3A_722 : i32 to vector<16xi32>
    %add3A_724 = arith.addi %mul3A_721, %add3A_723 : vector<16xi32>
    %gather3A_725 = tpu.vector_load_idx %arg25[%add3A_724] : memref<256xi32, #tpu.memory_space<vmem>>[vector<16xi32>], vector<16xi32>,
    %add3A_726 = arith.addi %add3A_718, %gather3A_725 : vector<16xi32>
    %mul3A_727 = arith.constant 16 : i32
    %mul3A_728 = vector.broadcast %mul3A_727 : i32 to vector<16xi32>
    %mul3A_729 = arith.muli %iota3A, %mul3A_728 : vector<16xi32>
    %add3A_730 = arith.constant 9 : i32
    %add3A_731 = vector.broadcast %add3A_730 : i32 to vector<16xi32>
    %add3A_732 = arith.addi %mul3A_729, %add3A_731 : vector<16xi32>
    %gather3A_733 = tpu.vector_load_idx %arg25[%add3A_732] : memref<256xi32, #tpu.memory_space<vmem>>[vector<16xi32>], vector<16xi32>,
    %add3A_734 = arith.addi %add3A_726, %gather3A_733 : vector<16xi32>
    %mul3A_735 = arith.constant 16 : i32
    %mul3A_736 = vector.broadcast %mul3A_735 : i32 to vector<16xi32>
    %mul3A_737 = arith.muli %iota3A, %mul3A_736 : vector<16xi32>
    %add3A_738 = arith.constant 10 : i32
    %add3A_739 = vector.broadcast %add3A_738 : i32 to vector<16xi32>
    %add3A_740 = arith.addi %mul3A_737, %add3A_739 : vector<16xi32>
    %gather3A_741 = tpu.vector_load_idx %arg25[%add3A_740] : memref<256xi32, #tpu.memory_space<vmem>>[vector<16xi32>], vector<16xi32>,
    %add3A_742 = arith.addi %add3A_734, %gather3A_741 : vector<16xi32>
    %mul3A_743 = arith.constant 16 : i32
    %mul3A_744 = vector.broadcast %mul3A_743 : i32 to vector<16xi32>
    %mul3A_745 = arith.muli %iota3A, %mul3A_744 : vector<16xi32>
    %add3A_746 = arith.constant 11 : i32
    %add3A_747 = vector.broadcast %add3A_746 : i32 to vector<16xi32>
    %add3A_748 = arith.addi %mul3A_745, %add3A_747 : vector<16xi32>
    %gather3A_749 = tpu.vector_load_idx %arg25[%add3A_748] : memref<256xi32, #tpu.memory_space<vmem>>[vector<16xi32>], vector<16xi32>,
    %add3A_750 = arith.addi %add3A_742, %gather3A_749 : vector<16xi32>
    %mul3A_751 = arith.constant 16 : i32
    %mul3A_752 = vector.broadcast %mul3A_751 : i32 to vector<16xi32>
    %mul3A_753 = arith.muli %iota3A, %mul3A_752 : vector<16xi32>
    %add3A_754 = arith.constant 12 : i32
    %add3A_755 = vector.broadcast %add3A_754 : i32 to vector<16xi32>
    %add3A_756 = arith.addi %mul3A_753, %add3A_755 : vector<16xi32>
    %gather3A_757 = tpu.vector_load_idx %arg25[%add3A_756] : memref<256xi32, #tpu.memory_space<vmem>>[vector<16xi32>], vector<16xi32>,
    %add3A_758 = arith.addi %add3A_750, %gather3A_757 : vector<16xi32>
    %mul3A_759 = arith.constant 16 : i32
    %mul3A_760 = vector.broadcast %mul3A_759 : i32 to vector<16xi32>
    %mul3A_761 = arith.muli %iota3A, %mul3A_760 : vector<16xi32>
    %add3A_762 = arith.constant 13 : i32
    %add3A_763 = vector.broadcast %add3A_762 : i32 to vector<16xi32>
    %add3A_764 = arith.addi %mul3A_761, %add3A_763 : vector<16xi32>
    %gather3A_765 = tpu.vector_load_idx %arg25[%add3A_764] : memref<256xi32, #tpu.memory_space<vmem>>[vector<16xi32>], vector<16xi32>,
    %add3A_766 = arith.addi %add3A_758, %gather3A_765 : vector<16xi32>
    %mul3A_767 = arith.constant 16 : i32
    %mul3A_768 = vector.broadcast %mul3A_767 : i32 to vector<16xi32>
    %mul3A_769 = arith.muli %iota3A, %mul3A_768 : vector<16xi32>
    %add3A_770 = arith.constant 14 : i32
    %add3A_771 = vector.broadcast %add3A_770 : i32 to vector<16xi32>
    %add3A_772 = arith.addi %mul3A_769, %add3A_771 : vector<16xi32>
    %gather3A_773 = tpu.vector_load_idx %arg25[%add3A_772] : memref<256xi32, #tpu.memory_space<vmem>>[vector<16xi32>], vector<16xi32>,
    %add3A_774 = arith.addi %add3A_766, %gather3A_773 : vector<16xi32>
    %mul3A_775 = arith.constant 16 : i32
    %mul3A_776 = vector.broadcast %mul3A_775 : i32 to vector<16xi32>
    %mul3A_777 = arith.muli %iota3A, %mul3A_776 : vector<16xi32>
    %add3A_778 = arith.constant 15 : i32
    %add3A_779 = vector.broadcast %add3A_778 : i32 to vector<16xi32>
    %add3A_780 = arith.addi %mul3A_777, %add3A_779 : vector<16xi32>
    %gather3A_781 = tpu.vector_load_idx %arg25[%add3A_780] : memref<256xi32, #tpu.memory_space<vmem>>[vector<16xi32>], vector<16xi32>,
    %add3A_782 = arith.addi %add3A_774, %gather3A_781 : vector<16xi32>
    %broadcast_in_dim3A_783 = arith.constant true
    %broadcast_in_dim3A_784 = vector.broadcast %broadcast_in_dim3A_783 : i1 to vector<16xi1>
    %masked_cumsum3A_785 = tpu.scan <sum>, %add3A_782 masked %broadcast_in_dim3A_784 : vector<16xi32>, vector<16xi1> -> vector<16xi32>
    %ge3A_786 = vector.broadcast %sub3A_423 : i32 to vector<16xi32>
    %ge3A_787 = arith.cmpi sge, %masked_cumsum3A_785, %ge3A_786 : vector<16xi32>
    %all_reduce_population_count3A_788 = tpu.all_reduce %ge3A_787 {dim = 0 : i64, kind = #tpu.reduction_kind<sum>} : vector<16xi1> -> vector<16xi32>
    %slice3A_789 = vector.extract_strided_slice %all_reduce_population_count3A_788 {offsets = [0], sizes = [1], strides = [1]} : vector<16xi32> to vector<1xi32>
    %squeeze3A_790 = vector.extract %slice3A_789[0] : i32 from vector<1xi32>
    %sub3A_791 = arith.constant 16 : i32
    %sub3A_792 = arith.subi %sub3A_791, %squeeze3A_790 : i32
    %eq3A_793 = vector.broadcast %sub3A_792 : i32 to vector<16xi32>
    %eq3A_794 = arith.cmpi eq, %iota3A, %eq3A_793 : vector<16xi32>
    %jit3A_795 = arith.constant 0 : i32
    %broadcast_in_dim3A_796 = vector.broadcast %jit3A_795 : i32 to vector<16xi32>
    %select_n3A_797 = arith.select %eq3A_794, %masked_cumsum3A_785, %broadcast_in_dim3A_796 : vector<16xi1>, vector<16xi32>
    %reduce_sum3A_798 = arith.constant true
    %reduce_sum3A_799 = vector.broadcast %reduce_sum3A_798 : i1 to vector<16xi1>
    %reduce_sum3A_800 = tpu.scan <sum>, %select_n3A_797 masked %reduce_sum3A_799 : vector<16xi32>, vector<16xi1> -> vector<16xi32>
    %reduce_sum3A_801 = vector.extract %reduce_sum3A_800[15] : i32 from vector<16xi32>
    %eq3A_802 = vector.broadcast %sub3A_792 : i32 to vector<16xi32>
    %eq3A_803 = arith.cmpi eq, %iota3A, %eq3A_802 : vector<16xi32>
    %jit3A_804 = arith.constant 0 : i32
    %broadcast_in_dim3A_805 = vector.broadcast %jit3A_804 : i32 to vector<16xi32>
    %select_n3A_806 = arith.select %eq3A_803, %add3A_782, %broadcast_in_dim3A_805 : vector<16xi1>, vector<16xi32>
    %reduce_sum3A_807 = arith.constant true
    %reduce_sum3A_808 = vector.broadcast %reduce_sum3A_807 : i1 to vector<16xi1>
    %reduce_sum3A_809 = tpu.scan <sum>, %select_n3A_806 masked %reduce_sum3A_808 : vector<16xi32>, vector<16xi1> -> vector<16xi32>
    %reduce_sum3A_810 = vector.extract %reduce_sum3A_809[15] : i32 from vector<16xi32>
    %sub3A_811 = arith.subi %reduce_sum3A_801, %reduce_sum3A_810 : i32
    %mul3A_812 = arith.constant 16 : i32
    %mul3A_813 = arith.muli %sub3A_792, %mul3A_812 : i32
    %get3A_814 = arith.index_cast %mul3A_813 : i32 to index
    %get3A_815 = tpu.vector_load %arg25[%get3A_814] {strides = array<i32>} : memref<256xi32, #tpu.memory_space<vmem>>, vector<16xi32>,
    %broadcast_in_dim3A_816 = arith.constant true
    %broadcast_in_dim3A_817 = vector.broadcast %broadcast_in_dim3A_816 : i1 to vector<16xi1>
    %masked_cumsum3A_818 = tpu.scan <sum>, %get3A_815 masked %broadcast_in_dim3A_817 : vector<16xi32>, vector<16xi1> -> vector<16xi32>
    %add3A_819 = vector.broadcast %sub3A_811 : i32 to vector<16xi32>
    %add3A_820 = arith.addi %add3A_819, %masked_cumsum3A_818 : vector<16xi32>
    %ge3A_821 = vector.broadcast %sub3A_423 : i32 to vector<16xi32>
    %ge3A_822 = arith.cmpi sge, %add3A_820, %ge3A_821 : vector<16xi32>
    %all_reduce_population_count3A_823 = tpu.all_reduce %ge3A_822 {dim = 0 : i64, kind = #tpu.reduction_kind<sum>} : vector<16xi1> -> vector<16xi32>
    %slice3A_824 = vector.extract_strided_slice %all_reduce_population_count3A_823 {offsets = [0], sizes = [1], strides = [1]} : vector<16xi32> to vector<1xi32>
    %squeeze3A_825 = vector.extract %slice3A_824[0] : i32 from vector<1xi32>
    %sub3A_826 = arith.constant 16 : i32
    %sub3A_827 = arith.subi %sub3A_826, %squeeze3A_825 : i32
    %mul3A_828 = arith.constant 16 : i32
    %mul3A_829 = arith.muli %sub3A_792, %mul3A_828 : i32
    %add3A_830 = arith.addi %mul3A_829, %sub3A_827 : i32
    %eq3A_831 = vector.broadcast %sub3A_827 : i32 to vector<16xi32>
    %eq3A_832 = arith.cmpi eq, %iota3A, %eq3A_831 : vector<16xi32>
    %jit3A_833 = arith.constant 0 : i32
    %broadcast_in_dim3A_834 = vector.broadcast %jit3A_833 : i32 to vector<16xi32>
    %select_n3A_835 = arith.select %eq3A_832, %masked_cumsum3A_818, %broadcast_in_dim3A_834 : vector<16xi1>, vector<16xi32>
    %reduce_sum3A_836 = arith.constant true
    %reduce_sum3A_837 = vector.broadcast %reduce_sum3A_836 : i1 to vector<16xi1>
    %reduce_sum3A_838 = tpu.scan <sum>, %select_n3A_835 masked %reduce_sum3A_837 : vector<16xi32>, vector<16xi1> -> vector<16xi32>
    %reduce_sum3A_839 = vector.extract %reduce_sum3A_838[15] : i32 from vector<16xi32>
    %add3A_840 = arith.addi %sub3A_811, %reduce_sum3A_839 : i32
    %eq3A_841 = vector.broadcast %sub3A_827 : i32 to vector<16xi32>
    %eq3A_842 = arith.cmpi eq, %iota3A, %eq3A_841 : vector<16xi32>
    %jit3A_843 = arith.constant 0 : i32
    %broadcast_in_dim3A_844 = vector.broadcast %jit3A_843 : i32 to vector<16xi32>
    %select_n3A_845 = arith.select %eq3A_842, %get3A_815, %broadcast_in_dim3A_844 : vector<16xi1>, vector<16xi32>
    %reduce_sum3A_846 = arith.constant true
    %reduce_sum3A_847 = vector.broadcast %reduce_sum3A_846 : i1 to vector<16xi1>
    %reduce_sum3A_848 = tpu.scan <sum>, %select_n3A_845 masked %reduce_sum3A_847 : vector<16xi32>, vector<16xi1> -> vector<16xi32>
    %reduce_sum3A_849 = vector.extract %reduce_sum3A_848[15] : i32 from vector<16xi32>
    %sub3A_850 = arith.subi %add3A_840, %reduce_sum3A_849 : i32
    %sub3A_851 = arith.subi %sub3A_423, %sub3A_850 : i32
    %shift_left3A_852 = arith.constant 8 : i32
    %shift_left3A_853 = arith.shli %or3A_427, %shift_left3A_852 : i32
    %or3A_854 = arith.ori %shift_left3A_853, %add3A_830 : i32
    %scan3A_855 = arith.constant 0 : i32
    %scan3A_856 = arith.constant 0 : i32
    %scan3A_857 = arith.constant 256 : i32
    %scan3A_858 = arith.addi %scan3A_856, %scan3A_857 : i32
    %scan3A_859 = arith.constant 4 : i32
    scf.for %scan3A_1795 = %scan3A_856 to %scan3A_858 step %scan3A_859  : i32 {
      %mul3A_1796 = arith.constant 16 : i32
      %mul3A_1797 = arith.muli %scan3A_1795, %mul3A_1796 : i32
      %swap3A_1798 = arith.index_cast %mul3A_1797 : i32 to index
      %swap3A_1799 = tpu.vector_load %arg18[%swap3A_1798] {strides = array<i32>} : memref<4096xi32, #tpu.memory_space<vmem>>, vector<16xi32>,
      tpu.vector_store %arg18[%swap3A_1798], %broadcast_in_dim3A_1 {strides = array<i32>} : memref<4096xi32, #tpu.memory_space<vmem>>, vector<16xi32>,
      %mul3A_1800 = arith.constant 16 : i32
      %mul3A_1801 = arith.muli %scan3A_1795, %mul3A_1800 : i32
      %swap3A_1802 = arith.index_cast %mul3A_1801 : i32 to index
      %swap3A_1803 = tpu.vector_load %arg19[%swap3A_1802] {strides = array<i32>} : memref<4096xi32, #tpu.memory_space<vmem>>, vector<16xi32>,
      tpu.vector_store %arg19[%swap3A_1802], %broadcast_in_dim3A_1 {strides = array<i32>} : memref<4096xi32, #tpu.memory_space<vmem>>, vector<16xi32>,
      %scan3A_1804 = arith.constant 1 : i32
      %scan3A_1805 = arith.addi %scan3A_1795, %scan3A_1804 : i32
      %mul3A_1806 = arith.constant 16 : i32
      %mul3A_1807 = arith.muli %scan3A_1805, %mul3A_1806 : i32
      %swap3A_1808 = arith.index_cast %mul3A_1807 : i32 to index
      %swap3A_1809 = tpu.vector_load %arg18[%swap3A_1808] {strides = array<i32>} : memref<4096xi32, #tpu.memory_space<vmem>>, vector<16xi32>,
      tpu.vector_store %arg18[%swap3A_1808], %broadcast_in_dim3A_1 {strides = array<i32>} : memref<4096xi32, #tpu.memory_space<vmem>>, vector<16xi32>,
      %mul3A_1810 = arith.constant 16 : i32
      %mul3A_1811 = arith.muli %scan3A_1805, %mul3A_1810 : i32
      %swap3A_1812 = arith.index_cast %mul3A_1811 : i32 to index
      %swap3A_1813 = tpu.vector_load %arg19[%swap3A_1812] {strides = array<i32>} : memref<4096xi32, #tpu.memory_space<vmem>>, vector<16xi32>,
      tpu.vector_store %arg19[%swap3A_1812], %broadcast_in_dim3A_1 {strides = array<i32>} : memref<4096xi32, #tpu.memory_space<vmem>>, vector<16xi32>,
      %scan3A_1814 = arith.constant 2 : i32
      %scan3A_1815 = arith.addi %scan3A_1795, %scan3A_1814 : i32
      %mul3A_1816 = arith.constant 16 : i32
      %mul3A_1817 = arith.muli %scan3A_1815, %mul3A_1816 : i32
      %swap3A_1818 = arith.index_cast %mul3A_1817 : i32 to index
      %swap3A_1819 = tpu.vector_load %arg18[%swap3A_1818] {strides = array<i32>} : memref<4096xi32, #tpu.memory_space<vmem>>, vector<16xi32>,
      tpu.vector_store %arg18[%swap3A_1818], %broadcast_in_dim3A_1 {strides = array<i32>} : memref<4096xi32, #tpu.memory_space<vmem>>, vector<16xi32>,
      %mul3A_1820 = arith.constant 16 : i32
      %mul3A_1821 = arith.muli %scan3A_1815, %mul3A_1820 : i32
      %swap3A_1822 = arith.index_cast %mul3A_1821 : i32 to index
      %swap3A_1823 = tpu.vector_load %arg19[%swap3A_1822] {strides = array<i32>} : memref<4096xi32, #tpu.memory_space<vmem>>, vector<16xi32>,
      tpu.vector_store %arg19[%swap3A_1822], %broadcast_in_dim3A_1 {strides = array<i32>} : memref<4096xi32, #tpu.memory_space<vmem>>, vector<16xi32>,
      %scan3A_1824 = arith.constant 3 : i32
      %scan3A_1825 = arith.addi %scan3A_1795, %scan3A_1824 : i32
      %mul3A_1826 = arith.constant 16 : i32
      %mul3A_1827 = arith.muli %scan3A_1825, %mul3A_1826 : i32
      %swap3A_1828 = arith.index_cast %mul3A_1827 : i32 to index
      %swap3A_1829 = tpu.vector_load %arg18[%swap3A_1828] {strides = array<i32>} : memref<4096xi32, #tpu.memory_space<vmem>>, vector<16xi32>,
      tpu.vector_store %arg18[%swap3A_1828], %broadcast_in_dim3A_1 {strides = array<i32>} : memref<4096xi32, #tpu.memory_space<vmem>>, vector<16xi32>,
      %mul3A_1830 = arith.constant 16 : i32
      %mul3A_1831 = arith.muli %scan3A_1825, %mul3A_1830 : i32
      %swap3A_1832 = arith.index_cast %mul3A_1831 : i32 to index
      %swap3A_1833 = tpu.vector_load %arg19[%swap3A_1832] {strides = array<i32>} : memref<4096xi32, #tpu.memory_space<vmem>>, vector<16xi32>,
      tpu.vector_store %arg19[%swap3A_1832], %broadcast_in_dim3A_1 {strides = array<i32>} : memref<4096xi32, #tpu.memory_space<vmem>>, vector<16xi32>,
    }
    %scan3A_860 = arith.constant 256 : i32
    %scan3A_861 = arith.constant 0 : i32
    %scan3A_862 = arith.constant 0 : i32
    %scan3A_863 = arith.constant 682 : i32
    %scan3A_864 = arith.addi %scan3A_862, %scan3A_863 : i32
    %scan3A_865 = arith.constant 2 : i32
    scf.for %scan3A_1795 = %scan3A_862 to %scan3A_864 step %scan3A_865  : i32 {
      %mul3A_1796 = arith.constant 16 : i32
      %mul3A_1797 = arith.muli %scan3A_1795, %mul3A_1796 : i32
      %get3A_1798 = arith.index_cast %mul3A_1797 : i32 to index
      %get3A_1799 = tpu.vector_load %arg13[%get3A_1798] {strides = array<i32>} : memref<10912xi32, #tpu.memory_space<vmem>>, vector<16xi32>,
      %xor3A_1800 = arith.constant -2147483648 : i32
      %xor3A_1801 = vector.broadcast %xor3A_1800 : i32 to vector<16xi32>
      %xor3A_1802 = arith.xori %get3A_1799, %xor3A_1801 : vector<16xi32>
      %shift_right_logical3A = arith.constant 16 : i32
      %shift_right_logical3A_1803 = vector.broadcast %shift_right_logical3A : i32 to vector<16xi32>
      %shift_right_logical3A_1804 = arith.shrui %xor3A_1802, %shift_right_logical3A_1803 : vector<16xi32>
      %shift_right_logical3A_1805 = arith.constant 8 : i32
      %shift_right_logical3A_1806 = vector.broadcast %shift_right_logical3A_1805 : i32 to vector<16xi32>
      %shift_right_logical3A_1807 = arith.shrui %xor3A_1802, %shift_right_logical3A_1806 : vector<16xi32>
      %and3A = arith.constant 255 : i32
      %and3A_1808 = vector.broadcast %and3A : i32 to vector<16xi32>
      %and3A_1809 = arith.andi %shift_right_logical3A_1807, %and3A_1808 : vector<16xi32>
      %mul3A_1810 = arith.constant 16 : i32
      %mul3A_1811 = vector.broadcast %mul3A_1810 : i32 to vector<16xi32>
      %mul3A_1812 = arith.muli %and3A_1809, %mul3A_1811 : vector<16xi32>
      %add3A_1813 = arith.addi %mul3A_1812, %iota3A : vector<16xi32>
      %eq3A_1814 = vector.broadcast %or3A_658 : i32 to vector<16xi32>
      %eq3A_1815 = arith.cmpi eq, %shift_right_logical3A_1804, %eq3A_1814 : vector<16xi32>
      tpu.vector_store_idx %arg18[%add3A_1813], %broadcast_in_dim3A_5 masked %eq3A_1815 {add = true} : memref<4096xi32, #tpu.memory_space<vmem>>[vector<16xi32>], vector<16xi32>, vector<16xi1>
      %eq3A_1816 = vector.broadcast %or3A_854 : i32 to vector<16xi32>
      %eq3A_1817 = arith.cmpi eq, %shift_right_logical3A_1804, %eq3A_1816 : vector<16xi32>
      tpu.vector_store_idx %arg19[%add3A_1813], %broadcast_in_dim3A_5 masked %eq3A_1817 {add = true} : memref<4096xi32, #tpu.memory_space<vmem>>[vector<16xi32>], vector<16xi32>, vector<16xi1>
      %scan3A_1818 = arith.constant 1 : i32
      %scan3A_1819 = arith.addi %scan3A_1795, %scan3A_1818 : i32
      %mul3A_1820 = arith.constant 16 : i32
      %mul3A_1821 = arith.muli %scan3A_1819, %mul3A_1820 : i32
      %get3A_1822 = arith.index_cast %mul3A_1821 : i32 to index
      %get3A_1823 = tpu.vector_load %arg13[%get3A_1822] {strides = array<i32>} : memref<10912xi32, #tpu.memory_space<vmem>>, vector<16xi32>,
      %xor3A_1824 = arith.constant -2147483648 : i32
      %xor3A_1825 = vector.broadcast %xor3A_1824 : i32 to vector<16xi32>
      %xor3A_1826 = arith.xori %get3A_1823, %xor3A_1825 : vector<16xi32>
      %shift_right_logical3A_1827 = arith.constant 16 : i32
      %shift_right_logical3A_1828 = vector.broadcast %shift_right_logical3A_1827 : i32 to vector<16xi32>
      %shift_right_logical3A_1829 = arith.shrui %xor3A_1826, %shift_right_logical3A_1828 : vector<16xi32>
      %shift_right_logical3A_1830 = arith.constant 8 : i32
      %shift_right_logical3A_1831 = vector.broadcast %shift_right_logical3A_1830 : i32 to vector<16xi32>
      %shift_right_logical3A_1832 = arith.shrui %xor3A_1826, %shift_right_logical3A_1831 : vector<16xi32>
      %and3A_1833 = arith.constant 255 : i32
      %and3A_1834 = vector.broadcast %and3A_1833 : i32 to vector<16xi32>
      %and3A_1835 = arith.andi %shift_right_logical3A_1832, %and3A_1834 : vector<16xi32>
      %mul3A_1836 = arith.constant 16 : i32
      %mul3A_1837 = vector.broadcast %mul3A_1836 : i32 to vector<16xi32>
      %mul3A_1838 = arith.muli %and3A_1835, %mul3A_1837 : vector<16xi32>
      %add3A_1839 = arith.addi %mul3A_1838, %iota3A : vector<16xi32>
      %eq3A_1840 = vector.broadcast %or3A_658 : i32 to vector<16xi32>
      %eq3A_1841 = arith.cmpi eq, %shift_right_logical3A_1829, %eq3A_1840 : vector<16xi32>
      tpu.vector_store_idx %arg18[%add3A_1839], %broadcast_in_dim3A_5 masked %eq3A_1841 {add = true} : memref<4096xi32, #tpu.memory_space<vmem>>[vector<16xi32>], vector<16xi32>, vector<16xi1>
      %eq3A_1842 = vector.broadcast %or3A_854 : i32 to vector<16xi32>
      %eq3A_1843 = arith.cmpi eq, %shift_right_logical3A_1829, %eq3A_1842 : vector<16xi32>
      tpu.vector_store_idx %arg19[%add3A_1839], %broadcast_in_dim3A_5 masked %eq3A_1843 {add = true} : memref<4096xi32, #tpu.memory_space<vmem>>[vector<16xi32>], vector<16xi32>, vector<16xi1>
    }
    %scan3A_866 = arith.constant 682 : i32
    %scan3A_867 = arith.constant 0 : i32
    %scan3A_868 = arith.constant 0 : i32
    %scan3A_869 = arith.constant 16 : i32
    %scan3A_870 = arith.addi %scan3A_868, %scan3A_869 : i32
    %scan3A_871 = arith.constant 1 : i32
    scf.for %scan3A_1795 = %scan3A_868 to %scan3A_870 step %scan3A_871  : i32 {
      %mul3A_1796 = arith.constant 256 : i32
      %mul3A_1797 = arith.muli %scan3A_1795, %mul3A_1796 : i32
      %mul3A_1798 = arith.constant 16 : i32
      %mul3A_1799 = vector.broadcast %mul3A_1798 : i32 to vector<16xi32>
      %mul3A_1800 = arith.muli %iota3A, %mul3A_1799 : vector<16xi32>
      %add3A_1801 = vector.broadcast %mul3A_1797 : i32 to vector<16xi32>
      %add3A_1802 = arith.addi %add3A_1801, %mul3A_1800 : vector<16xi32>
      %gather3A_1803 = tpu.vector_load_idx %arg18[%add3A_1802] : memref<4096xi32, #tpu.memory_space<vmem>>[vector<16xi32>], vector<16xi32>,
      %gather3A_1804 = tpu.vector_load_idx %arg19[%add3A_1802] : memref<4096xi32, #tpu.memory_space<vmem>>[vector<16xi32>], vector<16xi32>,
      %add3A_1805 = arith.constant 1 : i32
      %add3A_1806 = vector.broadcast %add3A_1805 : i32 to vector<16xi32>
      %add3A_1807 = arith.addi %add3A_1802, %add3A_1806 : vector<16xi32>
      %gather3A_1808 = tpu.vector_load_idx %arg18[%add3A_1807] : memref<4096xi32, #tpu.memory_space<vmem>>[vector<16xi32>], vector<16xi32>,
      %add3A_1809 = arith.addi %gather3A_1803, %gather3A_1808 : vector<16xi32>
      %add3A_1810 = arith.constant 1 : i32
      %add3A_1811 = vector.broadcast %add3A_1810 : i32 to vector<16xi32>
      %add3A_1812 = arith.addi %add3A_1802, %add3A_1811 : vector<16xi32>
      %gather3A_1813 = tpu.vector_load_idx %arg19[%add3A_1812] : memref<4096xi32, #tpu.memory_space<vmem>>[vector<16xi32>], vector<16xi32>,
      %add3A_1814 = arith.addi %gather3A_1804, %gather3A_1813 : vector<16xi32>
      %add3A_1815 = arith.constant 2 : i32
      %add3A_1816 = vector.broadcast %add3A_1815 : i32 to vector<16xi32>
      %add3A_1817 = arith.addi %add3A_1802, %add3A_1816 : vector<16xi32>
      %gather3A_1818 = tpu.vector_load_idx %arg18[%add3A_1817] : memref<4096xi32, #tpu.memory_space<vmem>>[vector<16xi32>], vector<16xi32>,
      %add3A_1819 = arith.addi %add3A_1809, %gather3A_1818 : vector<16xi32>
      %add3A_1820 = arith.constant 2 : i32
      %add3A_1821 = vector.broadcast %add3A_1820 : i32 to vector<16xi32>
      %add3A_1822 = arith.addi %add3A_1802, %add3A_1821 : vector<16xi32>
      %gather3A_1823 = tpu.vector_load_idx %arg19[%add3A_1822] : memref<4096xi32, #tpu.memory_space<vmem>>[vector<16xi32>], vector<16xi32>,
      %add3A_1824 = arith.addi %add3A_1814, %gather3A_1823 : vector<16xi32>
      %add3A_1825 = arith.constant 3 : i32
      %add3A_1826 = vector.broadcast %add3A_1825 : i32 to vector<16xi32>
      %add3A_1827 = arith.addi %add3A_1802, %add3A_1826 : vector<16xi32>
      %gather3A_1828 = tpu.vector_load_idx %arg18[%add3A_1827] : memref<4096xi32, #tpu.memory_space<vmem>>[vector<16xi32>], vector<16xi32>,
      %add3A_1829 = arith.addi %add3A_1819, %gather3A_1828 : vector<16xi32>
      %add3A_1830 = arith.constant 3 : i32
      %add3A_1831 = vector.broadcast %add3A_1830 : i32 to vector<16xi32>
      %add3A_1832 = arith.addi %add3A_1802, %add3A_1831 : vector<16xi32>
      %gather3A_1833 = tpu.vector_load_idx %arg19[%add3A_1832] : memref<4096xi32, #tpu.memory_space<vmem>>[vector<16xi32>], vector<16xi32>,
      %add3A_1834 = arith.addi %add3A_1824, %gather3A_1833 : vector<16xi32>
      %add3A_1835 = arith.constant 4 : i32
      %add3A_1836 = vector.broadcast %add3A_1835 : i32 to vector<16xi32>
      %add3A_1837 = arith.addi %add3A_1802, %add3A_1836 : vector<16xi32>
      %gather3A_1838 = tpu.vector_load_idx %arg18[%add3A_1837] : memref<4096xi32, #tpu.memory_space<vmem>>[vector<16xi32>], vector<16xi32>,
      %add3A_1839 = arith.addi %add3A_1829, %gather3A_1838 : vector<16xi32>
      %add3A_1840 = arith.constant 4 : i32
      %add3A_1841 = vector.broadcast %add3A_1840 : i32 to vector<16xi32>
      %add3A_1842 = arith.addi %add3A_1802, %add3A_1841 : vector<16xi32>
      %gather3A_1843 = tpu.vector_load_idx %arg19[%add3A_1842] : memref<4096xi32, #tpu.memory_space<vmem>>[vector<16xi32>], vector<16xi32>,
      %add3A_1844 = arith.addi %add3A_1834, %gather3A_1843 : vector<16xi32>
      %add3A_1845 = arith.constant 5 : i32
      %add3A_1846 = vector.broadcast %add3A_1845 : i32 to vector<16xi32>
      %add3A_1847 = arith.addi %add3A_1802, %add3A_1846 : vector<16xi32>
      %gather3A_1848 = tpu.vector_load_idx %arg18[%add3A_1847] : memref<4096xi32, #tpu.memory_space<vmem>>[vector<16xi32>], vector<16xi32>,
      %add3A_1849 = arith.addi %add3A_1839, %gather3A_1848 : vector<16xi32>
      %add3A_1850 = arith.constant 5 : i32
      %add3A_1851 = vector.broadcast %add3A_1850 : i32 to vector<16xi32>
      %add3A_1852 = arith.addi %add3A_1802, %add3A_1851 : vector<16xi32>
      %gather3A_1853 = tpu.vector_load_idx %arg19[%add3A_1852] : memref<4096xi32, #tpu.memory_space<vmem>>[vector<16xi32>], vector<16xi32>,
      %add3A_1854 = arith.addi %add3A_1844, %gather3A_1853 : vector<16xi32>
      %add3A_1855 = arith.constant 6 : i32
      %add3A_1856 = vector.broadcast %add3A_1855 : i32 to vector<16xi32>
      %add3A_1857 = arith.addi %add3A_1802, %add3A_1856 : vector<16xi32>
      %gather3A_1858 = tpu.vector_load_idx %arg18[%add3A_1857] : memref<4096xi32, #tpu.memory_space<vmem>>[vector<16xi32>], vector<16xi32>,
      %add3A_1859 = arith.addi %add3A_1849, %gather3A_1858 : vector<16xi32>
      %add3A_1860 = arith.constant 6 : i32
      %add3A_1861 = vector.broadcast %add3A_1860 : i32 to vector<16xi32>
      %add3A_1862 = arith.addi %add3A_1802, %add3A_1861 : vector<16xi32>
      %gather3A_1863 = tpu.vector_load_idx %arg19[%add3A_1862] : memref<4096xi32, #tpu.memory_space<vmem>>[vector<16xi32>], vector<16xi32>,
      %add3A_1864 = arith.addi %add3A_1854, %gather3A_1863 : vector<16xi32>
      %add3A_1865 = arith.constant 7 : i32
      %add3A_1866 = vector.broadcast %add3A_1865 : i32 to vector<16xi32>
      %add3A_1867 = arith.addi %add3A_1802, %add3A_1866 : vector<16xi32>
      %gather3A_1868 = tpu.vector_load_idx %arg18[%add3A_1867] : memref<4096xi32, #tpu.memory_space<vmem>>[vector<16xi32>], vector<16xi32>,
      %add3A_1869 = arith.addi %add3A_1859, %gather3A_1868 : vector<16xi32>
      %add3A_1870 = arith.constant 7 : i32
      %add3A_1871 = vector.broadcast %add3A_1870 : i32 to vector<16xi32>
      %add3A_1872 = arith.addi %add3A_1802, %add3A_1871 : vector<16xi32>
      %gather3A_1873 = tpu.vector_load_idx %arg19[%add3A_1872] : memref<4096xi32, #tpu.memory_space<vmem>>[vector<16xi32>], vector<16xi32>,
      %add3A_1874 = arith.addi %add3A_1864, %gather3A_1873 : vector<16xi32>
      %add3A_1875 = arith.constant 8 : i32
      %add3A_1876 = vector.broadcast %add3A_1875 : i32 to vector<16xi32>
      %add3A_1877 = arith.addi %add3A_1802, %add3A_1876 : vector<16xi32>
      %gather3A_1878 = tpu.vector_load_idx %arg18[%add3A_1877] : memref<4096xi32, #tpu.memory_space<vmem>>[vector<16xi32>], vector<16xi32>,
      %add3A_1879 = arith.addi %add3A_1869, %gather3A_1878 : vector<16xi32>
      %add3A_1880 = arith.constant 8 : i32
      %add3A_1881 = vector.broadcast %add3A_1880 : i32 to vector<16xi32>
      %add3A_1882 = arith.addi %add3A_1802, %add3A_1881 : vector<16xi32>
      %gather3A_1883 = tpu.vector_load_idx %arg19[%add3A_1882] : memref<4096xi32, #tpu.memory_space<vmem>>[vector<16xi32>], vector<16xi32>,
      %add3A_1884 = arith.addi %add3A_1874, %gather3A_1883 : vector<16xi32>
      %add3A_1885 = arith.constant 9 : i32
      %add3A_1886 = vector.broadcast %add3A_1885 : i32 to vector<16xi32>
      %add3A_1887 = arith.addi %add3A_1802, %add3A_1886 : vector<16xi32>
      %gather3A_1888 = tpu.vector_load_idx %arg18[%add3A_1887] : memref<4096xi32, #tpu.memory_space<vmem>>[vector<16xi32>], vector<16xi32>,
      %add3A_1889 = arith.addi %add3A_1879, %gather3A_1888 : vector<16xi32>
      %add3A_1890 = arith.constant 9 : i32
      %add3A_1891 = vector.broadcast %add3A_1890 : i32 to vector<16xi32>
      %add3A_1892 = arith.addi %add3A_1802, %add3A_1891 : vector<16xi32>
      %gather3A_1893 = tpu.vector_load_idx %arg19[%add3A_1892] : memref<4096xi32, #tpu.memory_space<vmem>>[vector<16xi32>], vector<16xi32>,
      %add3A_1894 = arith.addi %add3A_1884, %gather3A_1893 : vector<16xi32>
      %add3A_1895 = arith.constant 10 : i32
      %add3A_1896 = vector.broadcast %add3A_1895 : i32 to vector<16xi32>
      %add3A_1897 = arith.addi %add3A_1802, %add3A_1896 : vector<16xi32>
      %gather3A_1898 = tpu.vector_load_idx %arg18[%add3A_1897] : memref<4096xi32, #tpu.memory_space<vmem>>[vector<16xi32>], vector<16xi32>,
      %add3A_1899 = arith.addi %add3A_1889, %gather3A_1898 : vector<16xi32>
      %add3A_1900 = arith.constant 10 : i32
      %add3A_1901 = vector.broadcast %add3A_1900 : i32 to vector<16xi32>
      %add3A_1902 = arith.addi %add3A_1802, %add3A_1901 : vector<16xi32>
      %gather3A_1903 = tpu.vector_load_idx %arg19[%add3A_1902] : memref<4096xi32, #tpu.memory_space<vmem>>[vector<16xi32>], vector<16xi32>,
      %add3A_1904 = arith.addi %add3A_1894, %gather3A_1903 : vector<16xi32>
      %add3A_1905 = arith.constant 11 : i32
      %add3A_1906 = vector.broadcast %add3A_1905 : i32 to vector<16xi32>
      %add3A_1907 = arith.addi %add3A_1802, %add3A_1906 : vector<16xi32>
      %gather3A_1908 = tpu.vector_load_idx %arg18[%add3A_1907] : memref<4096xi32, #tpu.memory_space<vmem>>[vector<16xi32>], vector<16xi32>,
      %add3A_1909 = arith.addi %add3A_1899, %gather3A_1908 : vector<16xi32>
      %add3A_1910 = arith.constant 11 : i32
      %add3A_1911 = vector.broadcast %add3A_1910 : i32 to vector<16xi32>
      %add3A_1912 = arith.addi %add3A_1802, %add3A_1911 : vector<16xi32>
      %gather3A_1913 = tpu.vector_load_idx %arg19[%add3A_1912] : memref<4096xi32, #tpu.memory_space<vmem>>[vector<16xi32>], vector<16xi32>,
      %add3A_1914 = arith.addi %add3A_1904, %gather3A_1913 : vector<16xi32>
      %add3A_1915 = arith.constant 12 : i32
      %add3A_1916 = vector.broadcast %add3A_1915 : i32 to vector<16xi32>
      %add3A_1917 = arith.addi %add3A_1802, %add3A_1916 : vector<16xi32>
      %gather3A_1918 = tpu.vector_load_idx %arg18[%add3A_1917] : memref<4096xi32, #tpu.memory_space<vmem>>[vector<16xi32>], vector<16xi32>,
      %add3A_1919 = arith.addi %add3A_1909, %gather3A_1918 : vector<16xi32>
      %add3A_1920 = arith.constant 12 : i32
      %add3A_1921 = vector.broadcast %add3A_1920 : i32 to vector<16xi32>
      %add3A_1922 = arith.addi %add3A_1802, %add3A_1921 : vector<16xi32>
      %gather3A_1923 = tpu.vector_load_idx %arg19[%add3A_1922] : memref<4096xi32, #tpu.memory_space<vmem>>[vector<16xi32>], vector<16xi32>,
      %add3A_1924 = arith.addi %add3A_1914, %gather3A_1923 : vector<16xi32>
      %add3A_1925 = arith.constant 13 : i32
      %add3A_1926 = vector.broadcast %add3A_1925 : i32 to vector<16xi32>
      %add3A_1927 = arith.addi %add3A_1802, %add3A_1926 : vector<16xi32>
      %gather3A_1928 = tpu.vector_load_idx %arg18[%add3A_1927] : memref<4096xi32, #tpu.memory_space<vmem>>[vector<16xi32>], vector<16xi32>,
      %add3A_1929 = arith.addi %add3A_1919, %gather3A_1928 : vector<16xi32>
      %add3A_1930 = arith.constant 13 : i32
      %add3A_1931 = vector.broadcast %add3A_1930 : i32 to vector<16xi32>
      %add3A_1932 = arith.addi %add3A_1802, %add3A_1931 : vector<16xi32>
      %gather3A_1933 = tpu.vector_load_idx %arg19[%add3A_1932] : memref<4096xi32, #tpu.memory_space<vmem>>[vector<16xi32>], vector<16xi32>,
      %add3A_1934 = arith.addi %add3A_1924, %gather3A_1933 : vector<16xi32>
      %add3A_1935 = arith.constant 14 : i32
      %add3A_1936 = vector.broadcast %add3A_1935 : i32 to vector<16xi32>
      %add3A_1937 = arith.addi %add3A_1802, %add3A_1936 : vector<16xi32>
      %gather3A_1938 = tpu.vector_load_idx %arg18[%add3A_1937] : memref<4096xi32, #tpu.memory_space<vmem>>[vector<16xi32>], vector<16xi32>,
      %add3A_1939 = arith.addi %add3A_1929, %gather3A_1938 : vector<16xi32>
      %add3A_1940 = arith.constant 14 : i32
      %add3A_1941 = vector.broadcast %add3A_1940 : i32 to vector<16xi32>
      %add3A_1942 = arith.addi %add3A_1802, %add3A_1941 : vector<16xi32>
      %gather3A_1943 = tpu.vector_load_idx %arg19[%add3A_1942] : memref<4096xi32, #tpu.memory_space<vmem>>[vector<16xi32>], vector<16xi32>,
      %add3A_1944 = arith.addi %add3A_1934, %gather3A_1943 : vector<16xi32>
      %add3A_1945 = arith.constant 15 : i32
      %add3A_1946 = vector.broadcast %add3A_1945 : i32 to vector<16xi32>
      %add3A_1947 = arith.addi %add3A_1802, %add3A_1946 : vector<16xi32>
      %gather3A_1948 = tpu.vector_load_idx %arg18[%add3A_1947] : memref<4096xi32, #tpu.memory_space<vmem>>[vector<16xi32>], vector<16xi32>,
      %add3A_1949 = arith.addi %add3A_1939, %gather3A_1948 : vector<16xi32>
      %add3A_1950 = arith.constant 15 : i32
      %add3A_1951 = vector.broadcast %add3A_1950 : i32 to vector<16xi32>
      %add3A_1952 = arith.addi %add3A_1802, %add3A_1951 : vector<16xi32>
      %gather3A_1953 = tpu.vector_load_idx %arg19[%add3A_1952] : memref<4096xi32, #tpu.memory_space<vmem>>[vector<16xi32>], vector<16xi32>,
      %add3A_1954 = arith.addi %add3A_1944, %gather3A_1953 : vector<16xi32>
      %mul3A_1955 = arith.constant 16 : i32
      %mul3A_1956 = arith.muli %scan3A_1795, %mul3A_1955 : i32
      %swap3A_1957 = arith.index_cast %mul3A_1956 : i32 to index
      %swap3A_1958 = tpu.vector_load %arg20[%swap3A_1957] {strides = array<i32>} : memref<256xi32, #tpu.memory_space<vmem>>, vector<16xi32>,
      tpu.vector_store %arg20[%swap3A_1957], %add3A_1949 {strides = array<i32>} : memref<256xi32, #tpu.memory_space<vmem>>, vector<16xi32>,
      %mul3A_1959 = arith.constant 16 : i32
      %mul3A_1960 = arith.muli %scan3A_1795, %mul3A_1959 : i32
      %swap3A_1961 = arith.index_cast %mul3A_1960 : i32 to index
      %swap3A_1962 = tpu.vector_load %arg21[%swap3A_1961] {strides = array<i32>} : memref<256xi32, #tpu.memory_space<vmem>>, vector<16xi32>,
      tpu.vector_store %arg21[%swap3A_1961], %add3A_1954 {strides = array<i32>} : memref<256xi32, #tpu.memory_space<vmem>>, vector<16xi32>,
    }
    %scan3A_872 = arith.constant 16 : i32
    %mul3A_873 = arith.constant 256 : i32
    %mul3A_874 = arith.muli %arg1, %mul3A_873 : i32
    "tpu.region"() ({
      %run_scoped3A = tpu.sem_alloc : memref<!tpu.dma_semaphore, #tpu.memory_space<semaphore_mem>>
      %dma_start3A_1795 = tpu.memref_slice %arg31[%mul3A_874] : memref<4096xi32, #tpu.memory_space<vmem_shared>> -> memref<256xi32, #tpu.memory_space<vmem_shared>>
      %dma_start3A_1796 = tpu.memref_slice %arg31[%mul3A_874] : memref<4096xi32, #tpu.memory_space<vmem_shared>> -> memref<256xi32, #tpu.memory_space<vmem_shared>>
      tpu.enqueue_dma source(%arg20 : memref<256xi32, #tpu.memory_space<vmem>>) target(%dma_start3A_1796 : memref<256xi32, #tpu.memory_space<vmem_shared>>) target_semaphore(%run_scoped3A : memref<!tpu.dma_semaphore, #tpu.memory_space<semaphore_mem>>)
      %dma_wait3A = tpu.memref_slice %arg31[%mul3A_874] : memref<4096xi32, #tpu.memory_space<vmem_shared>> -> memref<256xi32, #tpu.memory_space<vmem_shared>>
      %dma_wait3A_1797 = tpu.memref_slice %arg31[%mul3A_874] : memref<4096xi32, #tpu.memory_space<vmem_shared>> -> memref<256xi32, #tpu.memory_space<vmem_shared>>
      tpu.wait_dma2 semaphore(%run_scoped3A : memref<!tpu.dma_semaphore, #tpu.memory_space<semaphore_mem>>) src(%arg20 : memref<256xi32, #tpu.memory_space<vmem>>) dst(%dma_wait3A_1797 : memref<256xi32, #tpu.memory_space<vmem_shared>>)
      tpu.yield
    }) : () -> ()
    %mul3A_875 = arith.constant 256 : i32
    %mul3A_876 = arith.muli %arg1, %mul3A_875 : i32
    "tpu.region"() ({
      %run_scoped3A = tpu.sem_alloc : memref<!tpu.dma_semaphore, #tpu.memory_space<semaphore_mem>>
      %dma_start3A_1795 = tpu.memref_slice %arg32[%mul3A_876] : memref<4096xi32, #tpu.memory_space<vmem_shared>> -> memref<256xi32, #tpu.memory_space<vmem_shared>>
      %dma_start3A_1796 = tpu.memref_slice %arg32[%mul3A_876] : memref<4096xi32, #tpu.memory_space<vmem_shared>> -> memref<256xi32, #tpu.memory_space<vmem_shared>>
      tpu.enqueue_dma source(%arg21 : memref<256xi32, #tpu.memory_space<vmem>>) target(%dma_start3A_1796 : memref<256xi32, #tpu.memory_space<vmem_shared>>) target_semaphore(%run_scoped3A : memref<!tpu.dma_semaphore, #tpu.memory_space<semaphore_mem>>)
      %dma_wait3A = tpu.memref_slice %arg32[%mul3A_876] : memref<4096xi32, #tpu.memory_space<vmem_shared>> -> memref<256xi32, #tpu.memory_space<vmem_shared>>
      %dma_wait3A_1797 = tpu.memref_slice %arg32[%mul3A_876] : memref<4096xi32, #tpu.memory_space<vmem_shared>> -> memref<256xi32, #tpu.memory_space<vmem_shared>>
      tpu.wait_dma2 semaphore(%run_scoped3A : memref<!tpu.dma_semaphore, #tpu.memory_space<semaphore_mem>>) src(%arg21 : memref<256xi32, #tpu.memory_space<vmem>>) dst(%dma_wait3A_1797 : memref<256xi32, #tpu.memory_space<vmem_shared>>)
      tpu.yield
    }) : () -> ()
    %barrier3A_877 = arith.constant 0 : index
    tpu.barrier barrier_id(%barrier3A_877)
    "tpu.region"() ({
      %run_scoped3A = tpu.sem_alloc : memref<!tpu.dma_semaphore, #tpu.memory_space<semaphore_mem>>
      tpu.enqueue_dma source(%arg31 : memref<4096xi32, #tpu.memory_space<vmem_shared>>) target(%arg22 : memref<4096xi32, #tpu.memory_space<vmem>>) target_semaphore(%run_scoped3A : memref<!tpu.dma_semaphore, #tpu.memory_space<semaphore_mem>>)
      tpu.wait_dma2 semaphore(%run_scoped3A : memref<!tpu.dma_semaphore, #tpu.memory_space<semaphore_mem>>) src(%arg31 : memref<4096xi32, #tpu.memory_space<vmem_shared>>) dst(%arg22 : memref<4096xi32, #tpu.memory_space<vmem>>)
      tpu.yield
    }) : () -> ()
    "tpu.region"() ({
      %run_scoped3A = tpu.sem_alloc : memref<!tpu.dma_semaphore, #tpu.memory_space<semaphore_mem>>
      tpu.enqueue_dma source(%arg32 : memref<4096xi32, #tpu.memory_space<vmem_shared>>) target(%arg23 : memref<4096xi32, #tpu.memory_space<vmem>>) target_semaphore(%run_scoped3A : memref<!tpu.dma_semaphore, #tpu.memory_space<semaphore_mem>>)
      tpu.wait_dma2 semaphore(%run_scoped3A : memref<!tpu.dma_semaphore, #tpu.memory_space<semaphore_mem>>) src(%arg32 : memref<4096xi32, #tpu.memory_space<vmem_shared>>) dst(%arg23 : memref<4096xi32, #tpu.memory_space<vmem>>)
      tpu.yield
    }) : () -> ()
    %barrier3A_878 = arith.constant 0 : index
    tpu.barrier barrier_id(%barrier3A_878)
    %scan3A_879 = arith.constant 0 : i32
    %scan3A_880 = arith.constant 0 : i32
    %scan3A_881 = arith.constant 16 : i32
    %scan3A_882 = arith.addi %scan3A_880, %scan3A_881 : i32
    %scan3A_883 = arith.constant 1 : i32
    scf.for %scan3A_1795 = %scan3A_880 to %scan3A_882 step %scan3A_883  : i32 {
      %scan3A_1796 = arith.constant 0 : i32
      %scan3A_1797 = arith.constant 16 : i32
      %scan3A_1798 = arith.addi %scan3A_1796, %scan3A_1797 : i32
      %scan3A_1799 = arith.constant 1 : i32
      %scan3A_1800 = scf.for %scan3A_1816 = %scan3A_1796 to %scan3A_1798 step %scan3A_1799 iter_args(%scan3A_1817 = %broadcast_in_dim3A_1) -> (vector<16xi32>)  : i32 {
        %mul3A_1818 = arith.constant 256 : i32
        %mul3A_1819 = arith.muli %scan3A_1816, %mul3A_1818 : i32
        %mul3A_1820 = arith.constant 16 : i32
        %mul3A_1821 = arith.muli %scan3A_1795, %mul3A_1820 : i32
        %add3A_1822 = arith.addi %mul3A_1819, %mul3A_1821 : i32
        %get3A_1823 = arith.index_cast %add3A_1822 : i32 to index
        %get3A_1824 = tpu.vector_load %arg22[%get3A_1823] {strides = array<i32>} : memref<4096xi32, #tpu.memory_space<vmem>>, vector<16xi32>,
        %add3A_1825 = arith.addi %scan3A_1817, %get3A_1824 : vector<16xi32>
        scf.yield %add3A_1825 : vector<16xi32>
      }
      %scan3A_1801 = arith.constant 16 : i32
      %mul3A_1802 = arith.constant 16 : i32
      %mul3A_1803 = arith.muli %scan3A_1795, %mul3A_1802 : i32
      %swap3A_1804 = arith.index_cast %mul3A_1803 : i32 to index
      %swap3A_1805 = tpu.vector_load %arg24[%swap3A_1804] {strides = array<i32>} : memref<256xi32, #tpu.memory_space<vmem>>, vector<16xi32>,
      tpu.vector_store %arg24[%swap3A_1804], %scan3A_1800 {strides = array<i32>} : memref<256xi32, #tpu.memory_space<vmem>>, vector<16xi32>,
      %scan3A_1806 = arith.constant 0 : i32
      %scan3A_1807 = arith.constant 16 : i32
      %scan3A_1808 = arith.addi %scan3A_1806, %scan3A_1807 : i32
      %scan3A_1809 = arith.constant 1 : i32
      %scan3A_1810 = scf.for %scan3A_1816 = %scan3A_1806 to %scan3A_1808 step %scan3A_1809 iter_args(%scan3A_1817 = %broadcast_in_dim3A_1) -> (vector<16xi32>)  : i32 {
        %mul3A_1818 = arith.constant 256 : i32
        %mul3A_1819 = arith.muli %scan3A_1816, %mul3A_1818 : i32
        %mul3A_1820 = arith.constant 16 : i32
        %mul3A_1821 = arith.muli %scan3A_1795, %mul3A_1820 : i32
        %add3A_1822 = arith.addi %mul3A_1819, %mul3A_1821 : i32
        %get3A_1823 = arith.index_cast %add3A_1822 : i32 to index
        %get3A_1824 = tpu.vector_load %arg23[%get3A_1823] {strides = array<i32>} : memref<4096xi32, #tpu.memory_space<vmem>>, vector<16xi32>,
        %add3A_1825 = arith.addi %scan3A_1817, %get3A_1824 : vector<16xi32>
        scf.yield %add3A_1825 : vector<16xi32>
      }
      %scan3A_1811 = arith.constant 16 : i32
      %mul3A_1812 = arith.constant 16 : i32
      %mul3A_1813 = arith.muli %scan3A_1795, %mul3A_1812 : i32
      %swap3A_1814 = arith.index_cast %mul3A_1813 : i32 to index
      %swap3A_1815 = tpu.vector_load %arg25[%swap3A_1814] {strides = array<i32>} : memref<256xi32, #tpu.memory_space<vmem>>, vector<16xi32>,
      tpu.vector_store %arg25[%swap3A_1814], %scan3A_1810 {strides = array<i32>} : memref<256xi32, #tpu.memory_space<vmem>>, vector<16xi32>,
    }
    %scan3A_884 = arith.constant 16 : i32
    %mul3A_885 = arith.constant 16 : i32
    %mul3A_886 = vector.broadcast %mul3A_885 : i32 to vector<16xi32>
    %mul3A_887 = arith.muli %iota3A, %mul3A_886 : vector<16xi32>
    %gather3A_888 = tpu.vector_load_idx %arg24[%mul3A_887] : memref<256xi32, #tpu.memory_space<vmem>>[vector<16xi32>], vector<16xi32>,
    %mul3A_889 = arith.constant 16 : i32
    %mul3A_890 = vector.broadcast %mul3A_889 : i32 to vector<16xi32>
    %mul3A_891 = arith.muli %iota3A, %mul3A_890 : vector<16xi32>
    %add3A_892 = arith.constant 1 : i32
    %add3A_893 = vector.broadcast %add3A_892 : i32 to vector<16xi32>
    %add3A_894 = arith.addi %mul3A_891, %add3A_893 : vector<16xi32>
    %gather3A_895 = tpu.vector_load_idx %arg24[%add3A_894] : memref<256xi32, #tpu.memory_space<vmem>>[vector<16xi32>], vector<16xi32>,
    %add3A_896 = arith.addi %gather3A_888, %gather3A_895 : vector<16xi32>
    %mul3A_897 = arith.constant 16 : i32
    %mul3A_898 = vector.broadcast %mul3A_897 : i32 to vector<16xi32>
    %mul3A_899 = arith.muli %iota3A, %mul3A_898 : vector<16xi32>
    %add3A_900 = arith.constant 2 : i32
    %add3A_901 = vector.broadcast %add3A_900 : i32 to vector<16xi32>
    %add3A_902 = arith.addi %mul3A_899, %add3A_901 : vector<16xi32>
    %gather3A_903 = tpu.vector_load_idx %arg24[%add3A_902] : memref<256xi32, #tpu.memory_space<vmem>>[vector<16xi32>], vector<16xi32>,
    %add3A_904 = arith.addi %add3A_896, %gather3A_903 : vector<16xi32>
    %mul3A_905 = arith.constant 16 : i32
    %mul3A_906 = vector.broadcast %mul3A_905 : i32 to vector<16xi32>
    %mul3A_907 = arith.muli %iota3A, %mul3A_906 : vector<16xi32>
    %add3A_908 = arith.constant 3 : i32
    %add3A_909 = vector.broadcast %add3A_908 : i32 to vector<16xi32>
    %add3A_910 = arith.addi %mul3A_907, %add3A_909 : vector<16xi32>
    %gather3A_911 = tpu.vector_load_idx %arg24[%add3A_910] : memref<256xi32, #tpu.memory_space<vmem>>[vector<16xi32>], vector<16xi32>,
    %add3A_912 = arith.addi %add3A_904, %gather3A_911 : vector<16xi32>
    %mul3A_913 = arith.constant 16 : i32
    %mul3A_914 = vector.broadcast %mul3A_913 : i32 to vector<16xi32>
    %mul3A_915 = arith.muli %iota3A, %mul3A_914 : vector<16xi32>
    %add3A_916 = arith.constant 4 : i32
    %add3A_917 = vector.broadcast %add3A_916 : i32 to vector<16xi32>
    %add3A_918 = arith.addi %mul3A_915, %add3A_917 : vector<16xi32>
    %gather3A_919 = tpu.vector_load_idx %arg24[%add3A_918] : memref<256xi32, #tpu.memory_space<vmem>>[vector<16xi32>], vector<16xi32>,
    %add3A_920 = arith.addi %add3A_912, %gather3A_919 : vector<16xi32>
    %mul3A_921 = arith.constant 16 : i32
    %mul3A_922 = vector.broadcast %mul3A_921 : i32 to vector<16xi32>
    %mul3A_923 = arith.muli %iota3A, %mul3A_922 : vector<16xi32>
    %add3A_924 = arith.constant 5 : i32
    %add3A_925 = vector.broadcast %add3A_924 : i32 to vector<16xi32>
    %add3A_926 = arith.addi %mul3A_923, %add3A_925 : vector<16xi32>
    %gather3A_927 = tpu.vector_load_idx %arg24[%add3A_926] : memref<256xi32, #tpu.memory_space<vmem>>[vector<16xi32>], vector<16xi32>,
    %add3A_928 = arith.addi %add3A_920, %gather3A_927 : vector<16xi32>
    %mul3A_929 = arith.constant 16 : i32
    %mul3A_930 = vector.broadcast %mul3A_929 : i32 to vector<16xi32>
    %mul3A_931 = arith.muli %iota3A, %mul3A_930 : vector<16xi32>
    %add3A_932 = arith.constant 6 : i32
    %add3A_933 = vector.broadcast %add3A_932 : i32 to vector<16xi32>
    %add3A_934 = arith.addi %mul3A_931, %add3A_933 : vector<16xi32>
    %gather3A_935 = tpu.vector_load_idx %arg24[%add3A_934] : memref<256xi32, #tpu.memory_space<vmem>>[vector<16xi32>], vector<16xi32>,
    %add3A_936 = arith.addi %add3A_928, %gather3A_935 : vector<16xi32>
    %mul3A_937 = arith.constant 16 : i32
    %mul3A_938 = vector.broadcast %mul3A_937 : i32 to vector<16xi32>
    %mul3A_939 = arith.muli %iota3A, %mul3A_938 : vector<16xi32>
    %add3A_940 = arith.constant 7 : i32
    %add3A_941 = vector.broadcast %add3A_940 : i32 to vector<16xi32>
    %add3A_942 = arith.addi %mul3A_939, %add3A_941 : vector<16xi32>
    %gather3A_943 = tpu.vector_load_idx %arg24[%add3A_942] : memref<256xi32, #tpu.memory_space<vmem>>[vector<16xi32>], vector<16xi32>,
    %add3A_944 = arith.addi %add3A_936, %gather3A_943 : vector<16xi32>
    %mul3A_945 = arith.constant 16 : i32
    %mul3A_946 = vector.broadcast %mul3A_945 : i32 to vector<16xi32>
    %mul3A_947 = arith.muli %iota3A, %mul3A_946 : vector<16xi32>
    %add3A_948 = arith.constant 8 : i32
    %add3A_949 = vector.broadcast %add3A_948 : i32 to vector<16xi32>
    %add3A_950 = arith.addi %mul3A_947, %add3A_949 : vector<16xi32>
    %gather3A_951 = tpu.vector_load_idx %arg24[%add3A_950] : memref<256xi32, #tpu.memory_space<vmem>>[vector<16xi32>], vector<16xi32>,
    %add3A_952 = arith.addi %add3A_944, %gather3A_951 : vector<16xi32>
    %mul3A_953 = arith.constant 16 : i32
    %mul3A_954 = vector.broadcast %mul3A_953 : i32 to vector<16xi32>
    %mul3A_955 = arith.muli %iota3A, %mul3A_954 : vector<16xi32>
    %add3A_956 = arith.constant 9 : i32
    %add3A_957 = vector.broadcast %add3A_956 : i32 to vector<16xi32>
    %add3A_958 = arith.addi %mul3A_955, %add3A_957 : vector<16xi32>
    %gather3A_959 = tpu.vector_load_idx %arg24[%add3A_958] : memref<256xi32, #tpu.memory_space<vmem>>[vector<16xi32>], vector<16xi32>,
    %add3A_960 = arith.addi %add3A_952, %gather3A_959 : vector<16xi32>
    %mul3A_961 = arith.constant 16 : i32
    %mul3A_962 = vector.broadcast %mul3A_961 : i32 to vector<16xi32>
    %mul3A_963 = arith.muli %iota3A, %mul3A_962 : vector<16xi32>
    %add3A_964 = arith.constant 10 : i32
    %add3A_965 = vector.broadcast %add3A_964 : i32 to vector<16xi32>
    %add3A_966 = arith.addi %mul3A_963, %add3A_965 : vector<16xi32>
    %gather3A_967 = tpu.vector_load_idx %arg24[%add3A_966] : memref<256xi32, #tpu.memory_space<vmem>>[vector<16xi32>], vector<16xi32>,
    %add3A_968 = arith.addi %add3A_960, %gather3A_967 : vector<16xi32>
    %mul3A_969 = arith.constant 16 : i32
    %mul3A_970 = vector.broadcast %mul3A_969 : i32 to vector<16xi32>
    %mul3A_971 = arith.muli %iota3A, %mul3A_970 : vector<16xi32>
    %add3A_972 = arith.constant 11 : i32
    %add3A_973 = vector.broadcast %add3A_972 : i32 to vector<16xi32>
    %add3A_974 = arith.addi %mul3A_971, %add3A_973 : vector<16xi32>
    %gather3A_975 = tpu.vector_load_idx %arg24[%add3A_974] : memref<256xi32, #tpu.memory_space<vmem>>[vector<16xi32>], vector<16xi32>,
    %add3A_976 = arith.addi %add3A_968, %gather3A_975 : vector<16xi32>
    %mul3A_977 = arith.constant 16 : i32
    %mul3A_978 = vector.broadcast %mul3A_977 : i32 to vector<16xi32>
    %mul3A_979 = arith.muli %iota3A, %mul3A_978 : vector<16xi32>
    %add3A_980 = arith.constant 12 : i32
    %add3A_981 = vector.broadcast %add3A_980 : i32 to vector<16xi32>
    %add3A_982 = arith.addi %mul3A_979, %add3A_981 : vector<16xi32>
    %gather3A_983 = tpu.vector_load_idx %arg24[%add3A_982] : memref<256xi32, #tpu.memory_space<vmem>>[vector<16xi32>], vector<16xi32>,
    %add3A_984 = arith.addi %add3A_976, %gather3A_983 : vector<16xi32>
    %mul3A_985 = arith.constant 16 : i32
    %mul3A_986 = vector.broadcast %mul3A_985 : i32 to vector<16xi32>
    %mul3A_987 = arith.muli %iota3A, %mul3A_986 : vector<16xi32>
    %add3A_988 = arith.constant 13 : i32
    %add3A_989 = vector.broadcast %add3A_988 : i32 to vector<16xi32>
    %add3A_990 = arith.addi %mul3A_987, %add3A_989 : vector<16xi32>
    %gather3A_991 = tpu.vector_load_idx %arg24[%add3A_990] : memref<256xi32, #tpu.memory_space<vmem>>[vector<16xi32>], vector<16xi32>,
    %add3A_992 = arith.addi %add3A_984, %gather3A_991 : vector<16xi32>
    %mul3A_993 = arith.constant 16 : i32
    %mul3A_994 = vector.broadcast %mul3A_993 : i32 to vector<16xi32>
    %mul3A_995 = arith.muli %iota3A, %mul3A_994 : vector<16xi32>
    %add3A_996 = arith.constant 14 : i32
    %add3A_997 = vector.broadcast %add3A_996 : i32 to vector<16xi32>
    %add3A_998 = arith.addi %mul3A_995, %add3A_997 : vector<16xi32>
    %gather3A_999 = tpu.vector_load_idx %arg24[%add3A_998] : memref<256xi32, #tpu.memory_space<vmem>>[vector<16xi32>], vector<16xi32>,
    %add3A_1000 = arith.addi %add3A_992, %gather3A_999 : vector<16xi32>
    %mul3A_1001 = arith.constant 16 : i32
    %mul3A_1002 = vector.broadcast %mul3A_1001 : i32 to vector<16xi32>
    %mul3A_1003 = arith.muli %iota3A, %mul3A_1002 : vector<16xi32>
    %add3A_1004 = arith.constant 15 : i32
    %add3A_1005 = vector.broadcast %add3A_1004 : i32 to vector<16xi32>
    %add3A_1006 = arith.addi %mul3A_1003, %add3A_1005 : vector<16xi32>
    %gather3A_1007 = tpu.vector_load_idx %arg24[%add3A_1006] : memref<256xi32, #tpu.memory_space<vmem>>[vector<16xi32>], vector<16xi32>,
    %add3A_1008 = arith.addi %add3A_1000, %gather3A_1007 : vector<16xi32>
    %broadcast_in_dim3A_1009 = arith.constant true
    %broadcast_in_dim3A_1010 = vector.broadcast %broadcast_in_dim3A_1009 : i1 to vector<16xi1>
    %masked_cumsum3A_1011 = tpu.scan <sum>, %add3A_1008 masked %broadcast_in_dim3A_1010 : vector<16xi32>, vector<16xi1> -> vector<16xi32>
    %reduce_sum3A_1012 = arith.constant true
    %reduce_sum3A_1013 = vector.broadcast %reduce_sum3A_1012 : i1 to vector<16xi1>
    %reduce_sum3A_1014 = tpu.scan <sum>, %add3A_1008 masked %reduce_sum3A_1013 : vector<16xi32>, vector<16xi1> -> vector<16xi32>
    %reduce_sum3A_1015 = vector.extract %reduce_sum3A_1014[15] : i32 from vector<16xi32>
    %sub3A_1016 = vector.broadcast %reduce_sum3A_1015 : i32 to vector<16xi32>
    %sub3A_1017 = arith.subi %sub3A_1016, %masked_cumsum3A_1011 : vector<16xi32>
    %add3A_1018 = arith.addi %sub3A_1017, %add3A_1008 : vector<16xi32>
    %ge3A_1019 = vector.broadcast %sub3A_655 : i32 to vector<16xi32>
    %ge3A_1020 = arith.cmpi sge, %add3A_1018, %ge3A_1019 : vector<16xi32>
    %all_reduce_population_count3A_1021 = tpu.all_reduce %ge3A_1020 {dim = 0 : i64, kind = #tpu.reduction_kind<sum>} : vector<16xi1> -> vector<16xi32>
    %slice3A_1022 = vector.extract_strided_slice %all_reduce_population_count3A_1021 {offsets = [0], sizes = [1], strides = [1]} : vector<16xi32> to vector<1xi32>
    %squeeze3A_1023 = vector.extract %slice3A_1022[0] : i32 from vector<1xi32>
    %sub3A_1024 = arith.constant 1 : i32
    %sub3A_1025 = arith.subi %squeeze3A_1023, %sub3A_1024 : i32
    %eq3A_1026 = vector.broadcast %sub3A_1025 : i32 to vector<16xi32>
    %eq3A_1027 = arith.cmpi eq, %iota3A, %eq3A_1026 : vector<16xi32>
    %sub3A_1028 = arith.subi %add3A_1018, %add3A_1008 : vector<16xi32>
    %jit3A_1029 = arith.constant 0 : i32
    %broadcast_in_dim3A_1030 = vector.broadcast %jit3A_1029 : i32 to vector<16xi32>
    %select_n3A_1031 = arith.select %eq3A_1027, %sub3A_1028, %broadcast_in_dim3A_1030 : vector<16xi1>, vector<16xi32>
    %reduce_sum3A_1032 = arith.constant true
    %reduce_sum3A_1033 = vector.broadcast %reduce_sum3A_1032 : i1 to vector<16xi1>
    %reduce_sum3A_1034 = tpu.scan <sum>, %select_n3A_1031 masked %reduce_sum3A_1033 : vector<16xi32>, vector<16xi1> -> vector<16xi32>
    %reduce_sum3A_1035 = vector.extract %reduce_sum3A_1034[15] : i32 from vector<16xi32>
    %mul3A_1036 = arith.constant 16 : i32
    %mul3A_1037 = arith.muli %sub3A_1025, %mul3A_1036 : i32
    %get3A_1038 = arith.index_cast %mul3A_1037 : i32 to index
    %get3A_1039 = tpu.vector_load %arg24[%get3A_1038] {strides = array<i32>} : memref<256xi32, #tpu.memory_space<vmem>>, vector<16xi32>,
    %rev3A_1040 = arith.constant 15 : i32
    %rev3A_1041 = vector.broadcast %rev3A_1040 : i32 to vector<16xi32>
    %rev3A_1042 = tpu.iota {dimensions = array<i32: 0>} : vector<16xi32>
    %rev3A_1043 = arith.subi %rev3A_1041, %rev3A_1042 : vector<16xi32>
    %rev3A_1044 = tpu.dynamic_gather %get3A_1039[%rev3A_1043] in [0] : vector<16xi32>, vector<16xi32> -> vector<16xi32>
    %broadcast_in_dim3A_1045 = arith.constant true
    %broadcast_in_dim3A_1046 = vector.broadcast %broadcast_in_dim3A_1045 : i1 to vector<16xi1>
    %masked_cumsum3A_1047 = tpu.scan <sum>, %rev3A_1044 masked %broadcast_in_dim3A_1046 : vector<16xi32>, vector<16xi1> -> vector<16xi32>
    %add3A_1048 = vector.broadcast %reduce_sum3A_1035 : i32 to vector<16xi32>
    %add3A_1049 = arith.addi %add3A_1048, %masked_cumsum3A_1047 : vector<16xi32>
    %ge3A_1050 = vector.broadcast %sub3A_655 : i32 to vector<16xi32>
    %ge3A_1051 = arith.cmpi sge, %add3A_1049, %ge3A_1050 : vector<16xi32>
    %all_reduce_population_count3A_1052 = tpu.all_reduce %ge3A_1051 {dim = 0 : i64, kind = #tpu.reduction_kind<sum>} : vector<16xi1> -> vector<16xi32>
    %slice3A_1053 = vector.extract_strided_slice %all_reduce_population_count3A_1052 {offsets = [0], sizes = [1], strides = [1]} : vector<16xi32> to vector<1xi32>
    %squeeze3A_1054 = vector.extract %slice3A_1053[0] : i32 from vector<1xi32>
    %sub3A_1055 = arith.constant 16 : i32
    %sub3A_1056 = arith.subi %sub3A_1055, %squeeze3A_1054 : i32
    %mul3A_1057 = arith.constant 16 : i32
    %mul3A_1058 = arith.muli %sub3A_1025, %mul3A_1057 : i32
    %add3A_1059 = arith.constant 15 : i32
    %add3A_1060 = arith.addi %mul3A_1058, %add3A_1059 : i32
    %sub3A_1061 = arith.subi %add3A_1060, %sub3A_1056 : i32
    %eq3A_1062 = vector.broadcast %sub3A_1056 : i32 to vector<16xi32>
    %eq3A_1063 = arith.cmpi eq, %iota3A, %eq3A_1062 : vector<16xi32>
    %jit3A_1064 = arith.constant 0 : i32
    %broadcast_in_dim3A_1065 = vector.broadcast %jit3A_1064 : i32 to vector<16xi32>
    %select_n3A_1066 = arith.select %eq3A_1063, %masked_cumsum3A_1047, %broadcast_in_dim3A_1065 : vector<16xi1>, vector<16xi32>
    %reduce_sum3A_1067 = arith.constant true
    %reduce_sum3A_1068 = vector.broadcast %reduce_sum3A_1067 : i1 to vector<16xi1>
    %reduce_sum3A_1069 = tpu.scan <sum>, %select_n3A_1066 masked %reduce_sum3A_1068 : vector<16xi32>, vector<16xi1> -> vector<16xi32>
    %reduce_sum3A_1070 = vector.extract %reduce_sum3A_1069[15] : i32 from vector<16xi32>
    %add3A_1071 = arith.addi %reduce_sum3A_1035, %reduce_sum3A_1070 : i32
    %eq3A_1072 = vector.broadcast %sub3A_1056 : i32 to vector<16xi32>
    %eq3A_1073 = arith.cmpi eq, %iota3A, %eq3A_1072 : vector<16xi32>
    %jit3A_1074 = arith.constant 0 : i32
    %broadcast_in_dim3A_1075 = vector.broadcast %jit3A_1074 : i32 to vector<16xi32>
    %select_n3A_1076 = arith.select %eq3A_1073, %rev3A_1044, %broadcast_in_dim3A_1075 : vector<16xi1>, vector<16xi32>
    %reduce_sum3A_1077 = arith.constant true
    %reduce_sum3A_1078 = vector.broadcast %reduce_sum3A_1077 : i1 to vector<16xi1>
    %reduce_sum3A_1079 = tpu.scan <sum>, %select_n3A_1076 masked %reduce_sum3A_1078 : vector<16xi32>, vector<16xi1> -> vector<16xi32>
    %reduce_sum3A_1080 = vector.extract %reduce_sum3A_1079[15] : i32 from vector<16xi32>
    %sub3A_1081 = arith.subi %add3A_1071, %reduce_sum3A_1080 : i32
    %sub3A_1082 = arith.subi %sub3A_655, %sub3A_1081 : i32
    %shift_left3A_1083 = arith.constant 8 : i32
    %shift_left3A_1084 = arith.shli %or3A_658, %shift_left3A_1083 : i32
    %or3A_1085 = arith.ori %shift_left3A_1084, %sub3A_1061 : i32
    %mul3A_1086 = arith.constant 16 : i32
    %mul3A_1087 = vector.broadcast %mul3A_1086 : i32 to vector<16xi32>
    %mul3A_1088 = arith.muli %iota3A, %mul3A_1087 : vector<16xi32>
    %gather3A_1089 = tpu.vector_load_idx %arg25[%mul3A_1088] : memref<256xi32, #tpu.memory_space<vmem>>[vector<16xi32>], vector<16xi32>,
    %mul3A_1090 = arith.constant 16 : i32
    %mul3A_1091 = vector.broadcast %mul3A_1090 : i32 to vector<16xi32>
    %mul3A_1092 = arith.muli %iota3A, %mul3A_1091 : vector<16xi32>
    %add3A_1093 = arith.constant 1 : i32
    %add3A_1094 = vector.broadcast %add3A_1093 : i32 to vector<16xi32>
    %add3A_1095 = arith.addi %mul3A_1092, %add3A_1094 : vector<16xi32>
    %gather3A_1096 = tpu.vector_load_idx %arg25[%add3A_1095] : memref<256xi32, #tpu.memory_space<vmem>>[vector<16xi32>], vector<16xi32>,
    %add3A_1097 = arith.addi %gather3A_1089, %gather3A_1096 : vector<16xi32>
    %mul3A_1098 = arith.constant 16 : i32
    %mul3A_1099 = vector.broadcast %mul3A_1098 : i32 to vector<16xi32>
    %mul3A_1100 = arith.muli %iota3A, %mul3A_1099 : vector<16xi32>
    %add3A_1101 = arith.constant 2 : i32
    %add3A_1102 = vector.broadcast %add3A_1101 : i32 to vector<16xi32>
    %add3A_1103 = arith.addi %mul3A_1100, %add3A_1102 : vector<16xi32>
    %gather3A_1104 = tpu.vector_load_idx %arg25[%add3A_1103] : memref<256xi32, #tpu.memory_space<vmem>>[vector<16xi32>], vector<16xi32>,
    %add3A_1105 = arith.addi %add3A_1097, %gather3A_1104 : vector<16xi32>
    %mul3A_1106 = arith.constant 16 : i32
    %mul3A_1107 = vector.broadcast %mul3A_1106 : i32 to vector<16xi32>
    %mul3A_1108 = arith.muli %iota3A, %mul3A_1107 : vector<16xi32>
    %add3A_1109 = arith.constant 3 : i32
    %add3A_1110 = vector.broadcast %add3A_1109 : i32 to vector<16xi32>
    %add3A_1111 = arith.addi %mul3A_1108, %add3A_1110 : vector<16xi32>
    %gather3A_1112 = tpu.vector_load_idx %arg25[%add3A_1111] : memref<256xi32, #tpu.memory_space<vmem>>[vector<16xi32>], vector<16xi32>,
    %add3A_1113 = arith.addi %add3A_1105, %gather3A_1112 : vector<16xi32>
    %mul3A_1114 = arith.constant 16 : i32
    %mul3A_1115 = vector.broadcast %mul3A_1114 : i32 to vector<16xi32>
    %mul3A_1116 = arith.muli %iota3A, %mul3A_1115 : vector<16xi32>
    %add3A_1117 = arith.constant 4 : i32
    %add3A_1118 = vector.broadcast %add3A_1117 : i32 to vector<16xi32>
    %add3A_1119 = arith.addi %mul3A_1116, %add3A_1118 : vector<16xi32>
    %gather3A_1120 = tpu.vector_load_idx %arg25[%add3A_1119] : memref<256xi32, #tpu.memory_space<vmem>>[vector<16xi32>], vector<16xi32>,
    %add3A_1121 = arith.addi %add3A_1113, %gather3A_1120 : vector<16xi32>
    %mul3A_1122 = arith.constant 16 : i32
    %mul3A_1123 = vector.broadcast %mul3A_1122 : i32 to vector<16xi32>
    %mul3A_1124 = arith.muli %iota3A, %mul3A_1123 : vector<16xi32>
    %add3A_1125 = arith.constant 5 : i32
    %add3A_1126 = vector.broadcast %add3A_1125 : i32 to vector<16xi32>
    %add3A_1127 = arith.addi %mul3A_1124, %add3A_1126 : vector<16xi32>
    %gather3A_1128 = tpu.vector_load_idx %arg25[%add3A_1127] : memref<256xi32, #tpu.memory_space<vmem>>[vector<16xi32>], vector<16xi32>,
    %add3A_1129 = arith.addi %add3A_1121, %gather3A_1128 : vector<16xi32>
    %mul3A_1130 = arith.constant 16 : i32
    %mul3A_1131 = vector.broadcast %mul3A_1130 : i32 to vector<16xi32>
    %mul3A_1132 = arith.muli %iota3A, %mul3A_1131 : vector<16xi32>
    %add3A_1133 = arith.constant 6 : i32
    %add3A_1134 = vector.broadcast %add3A_1133 : i32 to vector<16xi32>
    %add3A_1135 = arith.addi %mul3A_1132, %add3A_1134 : vector<16xi32>
    %gather3A_1136 = tpu.vector_load_idx %arg25[%add3A_1135] : memref<256xi32, #tpu.memory_space<vmem>>[vector<16xi32>], vector<16xi32>,
    %add3A_1137 = arith.addi %add3A_1129, %gather3A_1136 : vector<16xi32>
    %mul3A_1138 = arith.constant 16 : i32
    %mul3A_1139 = vector.broadcast %mul3A_1138 : i32 to vector<16xi32>
    %mul3A_1140 = arith.muli %iota3A, %mul3A_1139 : vector<16xi32>
    %add3A_1141 = arith.constant 7 : i32
    %add3A_1142 = vector.broadcast %add3A_1141 : i32 to vector<16xi32>
    %add3A_1143 = arith.addi %mul3A_1140, %add3A_1142 : vector<16xi32>
    %gather3A_1144 = tpu.vector_load_idx %arg25[%add3A_1143] : memref<256xi32, #tpu.memory_space<vmem>>[vector<16xi32>], vector<16xi32>,
    %add3A_1145 = arith.addi %add3A_1137, %gather3A_1144 : vector<16xi32>
    %mul3A_1146 = arith.constant 16 : i32
    %mul3A_1147 = vector.broadcast %mul3A_1146 : i32 to vector<16xi32>
    %mul3A_1148 = arith.muli %iota3A, %mul3A_1147 : vector<16xi32>
    %add3A_1149 = arith.constant 8 : i32
    %add3A_1150 = vector.broadcast %add3A_1149 : i32 to vector<16xi32>
    %add3A_1151 = arith.addi %mul3A_1148, %add3A_1150 : vector<16xi32>
    %gather3A_1152 = tpu.vector_load_idx %arg25[%add3A_1151] : memref<256xi32, #tpu.memory_space<vmem>>[vector<16xi32>], vector<16xi32>,
    %add3A_1153 = arith.addi %add3A_1145, %gather3A_1152 : vector<16xi32>
    %mul3A_1154 = arith.constant 16 : i32
    %mul3A_1155 = vector.broadcast %mul3A_1154 : i32 to vector<16xi32>
    %mul3A_1156 = arith.muli %iota3A, %mul3A_1155 : vector<16xi32>
    %add3A_1157 = arith.constant 9 : i32
    %add3A_1158 = vector.broadcast %add3A_1157 : i32 to vector<16xi32>
    %add3A_1159 = arith.addi %mul3A_1156, %add3A_1158 : vector<16xi32>
    %gather3A_1160 = tpu.vector_load_idx %arg25[%add3A_1159] : memref<256xi32, #tpu.memory_space<vmem>>[vector<16xi32>], vector<16xi32>,
    %add3A_1161 = arith.addi %add3A_1153, %gather3A_1160 : vector<16xi32>
    %mul3A_1162 = arith.constant 16 : i32
    %mul3A_1163 = vector.broadcast %mul3A_1162 : i32 to vector<16xi32>
    %mul3A_1164 = arith.muli %iota3A, %mul3A_1163 : vector<16xi32>
    %add3A_1165 = arith.constant 10 : i32
    %add3A_1166 = vector.broadcast %add3A_1165 : i32 to vector<16xi32>
    %add3A_1167 = arith.addi %mul3A_1164, %add3A_1166 : vector<16xi32>
    %gather3A_1168 = tpu.vector_load_idx %arg25[%add3A_1167] : memref<256xi32, #tpu.memory_space<vmem>>[vector<16xi32>], vector<16xi32>,
    %add3A_1169 = arith.addi %add3A_1161, %gather3A_1168 : vector<16xi32>
    %mul3A_1170 = arith.constant 16 : i32
    %mul3A_1171 = vector.broadcast %mul3A_1170 : i32 to vector<16xi32>
    %mul3A_1172 = arith.muli %iota3A, %mul3A_1171 : vector<16xi32>
    %add3A_1173 = arith.constant 11 : i32
    %add3A_1174 = vector.broadcast %add3A_1173 : i32 to vector<16xi32>
    %add3A_1175 = arith.addi %mul3A_1172, %add3A_1174 : vector<16xi32>
    %gather3A_1176 = tpu.vector_load_idx %arg25[%add3A_1175] : memref<256xi32, #tpu.memory_space<vmem>>[vector<16xi32>], vector<16xi32>,
    %add3A_1177 = arith.addi %add3A_1169, %gather3A_1176 : vector<16xi32>
    %mul3A_1178 = arith.constant 16 : i32
    %mul3A_1179 = vector.broadcast %mul3A_1178 : i32 to vector<16xi32>
    %mul3A_1180 = arith.muli %iota3A, %mul3A_1179 : vector<16xi32>
    %add3A_1181 = arith.constant 12 : i32
    %add3A_1182 = vector.broadcast %add3A_1181 : i32 to vector<16xi32>
    %add3A_1183 = arith.addi %mul3A_1180, %add3A_1182 : vector<16xi32>
    %gather3A_1184 = tpu.vector_load_idx %arg25[%add3A_1183] : memref<256xi32, #tpu.memory_space<vmem>>[vector<16xi32>], vector<16xi32>,
    %add3A_1185 = arith.addi %add3A_1177, %gather3A_1184 : vector<16xi32>
    %mul3A_1186 = arith.constant 16 : i32
    %mul3A_1187 = vector.broadcast %mul3A_1186 : i32 to vector<16xi32>
    %mul3A_1188 = arith.muli %iota3A, %mul3A_1187 : vector<16xi32>
    %add3A_1189 = arith.constant 13 : i32
    %add3A_1190 = vector.broadcast %add3A_1189 : i32 to vector<16xi32>
    %add3A_1191 = arith.addi %mul3A_1188, %add3A_1190 : vector<16xi32>
    %gather3A_1192 = tpu.vector_load_idx %arg25[%add3A_1191] : memref<256xi32, #tpu.memory_space<vmem>>[vector<16xi32>], vector<16xi32>,
    %add3A_1193 = arith.addi %add3A_1185, %gather3A_1192 : vector<16xi32>
    %mul3A_1194 = arith.constant 16 : i32
    %mul3A_1195 = vector.broadcast %mul3A_1194 : i32 to vector<16xi32>
    %mul3A_1196 = arith.muli %iota3A, %mul3A_1195 : vector<16xi32>
    %add3A_1197 = arith.constant 14 : i32
    %add3A_1198 = vector.broadcast %add3A_1197 : i32 to vector<16xi32>
    %add3A_1199 = arith.addi %mul3A_1196, %add3A_1198 : vector<16xi32>
    %gather3A_1200 = tpu.vector_load_idx %arg25[%add3A_1199] : memref<256xi32, #tpu.memory_space<vmem>>[vector<16xi32>], vector<16xi32>,
    %add3A_1201 = arith.addi %add3A_1193, %gather3A_1200 : vector<16xi32>
    %mul3A_1202 = arith.constant 16 : i32
    %mul3A_1203 = vector.broadcast %mul3A_1202 : i32 to vector<16xi32>
    %mul3A_1204 = arith.muli %iota3A, %mul3A_1203 : vector<16xi32>
    %add3A_1205 = arith.constant 15 : i32
    %add3A_1206 = vector.broadcast %add3A_1205 : i32 to vector<16xi32>
    %add3A_1207 = arith.addi %mul3A_1204, %add3A_1206 : vector<16xi32>
    %gather3A_1208 = tpu.vector_load_idx %arg25[%add3A_1207] : memref<256xi32, #tpu.memory_space<vmem>>[vector<16xi32>], vector<16xi32>,
    %add3A_1209 = arith.addi %add3A_1201, %gather3A_1208 : vector<16xi32>
    %broadcast_in_dim3A_1210 = arith.constant true
    %broadcast_in_dim3A_1211 = vector.broadcast %broadcast_in_dim3A_1210 : i1 to vector<16xi1>
    %masked_cumsum3A_1212 = tpu.scan <sum>, %add3A_1209 masked %broadcast_in_dim3A_1211 : vector<16xi32>, vector<16xi1> -> vector<16xi32>
    %ge3A_1213 = vector.broadcast %sub3A_851 : i32 to vector<16xi32>
    %ge3A_1214 = arith.cmpi sge, %masked_cumsum3A_1212, %ge3A_1213 : vector<16xi32>
    %all_reduce_population_count3A_1215 = tpu.all_reduce %ge3A_1214 {dim = 0 : i64, kind = #tpu.reduction_kind<sum>} : vector<16xi1> -> vector<16xi32>
    %slice3A_1216 = vector.extract_strided_slice %all_reduce_population_count3A_1215 {offsets = [0], sizes = [1], strides = [1]} : vector<16xi32> to vector<1xi32>
    %squeeze3A_1217 = vector.extract %slice3A_1216[0] : i32 from vector<1xi32>
    %sub3A_1218 = arith.constant 16 : i32
    %sub3A_1219 = arith.subi %sub3A_1218, %squeeze3A_1217 : i32
    %eq3A_1220 = vector.broadcast %sub3A_1219 : i32 to vector<16xi32>
    %eq3A_1221 = arith.cmpi eq, %iota3A, %eq3A_1220 : vector<16xi32>
    %jit3A_1222 = arith.constant 0 : i32
    %broadcast_in_dim3A_1223 = vector.broadcast %jit3A_1222 : i32 to vector<16xi32>
    %select_n3A_1224 = arith.select %eq3A_1221, %masked_cumsum3A_1212, %broadcast_in_dim3A_1223 : vector<16xi1>, vector<16xi32>
    %reduce_sum3A_1225 = arith.constant true
    %reduce_sum3A_1226 = vector.broadcast %reduce_sum3A_1225 : i1 to vector<16xi1>
    %reduce_sum3A_1227 = tpu.scan <sum>, %select_n3A_1224 masked %reduce_sum3A_1226 : vector<16xi32>, vector<16xi1> -> vector<16xi32>
    %reduce_sum3A_1228 = vector.extract %reduce_sum3A_1227[15] : i32 from vector<16xi32>
    %eq3A_1229 = vector.broadcast %sub3A_1219 : i32 to vector<16xi32>
    %eq3A_1230 = arith.cmpi eq, %iota3A, %eq3A_1229 : vector<16xi32>
    %jit3A_1231 = arith.constant 0 : i32
    %broadcast_in_dim3A_1232 = vector.broadcast %jit3A_1231 : i32 to vector<16xi32>
    %select_n3A_1233 = arith.select %eq3A_1230, %add3A_1209, %broadcast_in_dim3A_1232 : vector<16xi1>, vector<16xi32>
    %reduce_sum3A_1234 = arith.constant true
    %reduce_sum3A_1235 = vector.broadcast %reduce_sum3A_1234 : i1 to vector<16xi1>
    %reduce_sum3A_1236 = tpu.scan <sum>, %select_n3A_1233 masked %reduce_sum3A_1235 : vector<16xi32>, vector<16xi1> -> vector<16xi32>
    %reduce_sum3A_1237 = vector.extract %reduce_sum3A_1236[15] : i32 from vector<16xi32>
    %sub3A_1238 = arith.subi %reduce_sum3A_1228, %reduce_sum3A_1237 : i32
    %mul3A_1239 = arith.constant 16 : i32
    %mul3A_1240 = arith.muli %sub3A_1219, %mul3A_1239 : i32
    %get3A_1241 = arith.index_cast %mul3A_1240 : i32 to index
    %get3A_1242 = tpu.vector_load %arg25[%get3A_1241] {strides = array<i32>} : memref<256xi32, #tpu.memory_space<vmem>>, vector<16xi32>,
    %broadcast_in_dim3A_1243 = arith.constant true
    %broadcast_in_dim3A_1244 = vector.broadcast %broadcast_in_dim3A_1243 : i1 to vector<16xi1>
    %masked_cumsum3A_1245 = tpu.scan <sum>, %get3A_1242 masked %broadcast_in_dim3A_1244 : vector<16xi32>, vector<16xi1> -> vector<16xi32>
    %add3A_1246 = vector.broadcast %sub3A_1238 : i32 to vector<16xi32>
    %add3A_1247 = arith.addi %add3A_1246, %masked_cumsum3A_1245 : vector<16xi32>
    %ge3A_1248 = vector.broadcast %sub3A_851 : i32 to vector<16xi32>
    %ge3A_1249 = arith.cmpi sge, %add3A_1247, %ge3A_1248 : vector<16xi32>
    %all_reduce_population_count3A_1250 = tpu.all_reduce %ge3A_1249 {dim = 0 : i64, kind = #tpu.reduction_kind<sum>} : vector<16xi1> -> vector<16xi32>
    %slice3A_1251 = vector.extract_strided_slice %all_reduce_population_count3A_1250 {offsets = [0], sizes = [1], strides = [1]} : vector<16xi32> to vector<1xi32>
    %squeeze3A_1252 = vector.extract %slice3A_1251[0] : i32 from vector<1xi32>
    %sub3A_1253 = arith.constant 16 : i32
    %sub3A_1254 = arith.subi %sub3A_1253, %squeeze3A_1252 : i32
    %mul3A_1255 = arith.constant 16 : i32
    %mul3A_1256 = arith.muli %sub3A_1219, %mul3A_1255 : i32
    %add3A_1257 = arith.addi %mul3A_1256, %sub3A_1254 : i32
    %eq3A_1258 = vector.broadcast %sub3A_1254 : i32 to vector<16xi32>
    %eq3A_1259 = arith.cmpi eq, %iota3A, %eq3A_1258 : vector<16xi32>
    %jit3A_1260 = arith.constant 0 : i32
    %broadcast_in_dim3A_1261 = vector.broadcast %jit3A_1260 : i32 to vector<16xi32>
    %select_n3A_1262 = arith.select %eq3A_1259, %masked_cumsum3A_1245, %broadcast_in_dim3A_1261 : vector<16xi1>, vector<16xi32>
    %reduce_sum3A_1263 = arith.constant true
    %reduce_sum3A_1264 = vector.broadcast %reduce_sum3A_1263 : i1 to vector<16xi1>
    %reduce_sum3A_1265 = tpu.scan <sum>, %select_n3A_1262 masked %reduce_sum3A_1264 : vector<16xi32>, vector<16xi1> -> vector<16xi32>
    %reduce_sum3A_1266 = vector.extract %reduce_sum3A_1265[15] : i32 from vector<16xi32>
    %add3A_1267 = arith.addi %sub3A_1238, %reduce_sum3A_1266 : i32
    %eq3A_1268 = vector.broadcast %sub3A_1254 : i32 to vector<16xi32>
    %eq3A_1269 = arith.cmpi eq, %iota3A, %eq3A_1268 : vector<16xi32>
    %jit3A_1270 = arith.constant 0 : i32
    %broadcast_in_dim3A_1271 = vector.broadcast %jit3A_1270 : i32 to vector<16xi32>
    %select_n3A_1272 = arith.select %eq3A_1269, %get3A_1242, %broadcast_in_dim3A_1271 : vector<16xi1>, vector<16xi32>
    %reduce_sum3A_1273 = arith.constant true
    %reduce_sum3A_1274 = vector.broadcast %reduce_sum3A_1273 : i1 to vector<16xi1>
    %reduce_sum3A_1275 = tpu.scan <sum>, %select_n3A_1272 masked %reduce_sum3A_1274 : vector<16xi32>, vector<16xi1> -> vector<16xi32>
    %reduce_sum3A_1276 = vector.extract %reduce_sum3A_1275[15] : i32 from vector<16xi32>
    %sub3A_1277 = arith.subi %add3A_1267, %reduce_sum3A_1276 : i32
    %sub3A_1278 = arith.subi %sub3A_851, %sub3A_1277 : i32
    %shift_left3A_1279 = arith.constant 8 : i32
    %shift_left3A_1280 = arith.shli %or3A_854, %shift_left3A_1279 : i32
    %or3A_1281 = arith.ori %shift_left3A_1280, %add3A_1257 : i32
    %scan3A_1282 = arith.constant 0 : i32
    %scan3A_1283 = arith.constant 0 : i32
    %scan3A_1284 = arith.constant 256 : i32
    %scan3A_1285 = arith.addi %scan3A_1283, %scan3A_1284 : i32
    %scan3A_1286 = arith.constant 4 : i32
    scf.for %scan3A_1795 = %scan3A_1283 to %scan3A_1285 step %scan3A_1286  : i32 {
      %mul3A_1796 = arith.constant 16 : i32
      %mul3A_1797 = arith.muli %scan3A_1795, %mul3A_1796 : i32
      %swap3A_1798 = arith.index_cast %mul3A_1797 : i32 to index
      %swap3A_1799 = tpu.vector_load %arg18[%swap3A_1798] {strides = array<i32>} : memref<4096xi32, #tpu.memory_space<vmem>>, vector<16xi32>,
      tpu.vector_store %arg18[%swap3A_1798], %broadcast_in_dim3A_1 {strides = array<i32>} : memref<4096xi32, #tpu.memory_space<vmem>>, vector<16xi32>,
      %mul3A_1800 = arith.constant 16 : i32
      %mul3A_1801 = arith.muli %scan3A_1795, %mul3A_1800 : i32
      %swap3A_1802 = arith.index_cast %mul3A_1801 : i32 to index
      %swap3A_1803 = tpu.vector_load %arg19[%swap3A_1802] {strides = array<i32>} : memref<4096xi32, #tpu.memory_space<vmem>>, vector<16xi32>,
      tpu.vector_store %arg19[%swap3A_1802], %broadcast_in_dim3A_1 {strides = array<i32>} : memref<4096xi32, #tpu.memory_space<vmem>>, vector<16xi32>,
      %scan3A_1804 = arith.constant 1 : i32
      %scan3A_1805 = arith.addi %scan3A_1795, %scan3A_1804 : i32
      %mul3A_1806 = arith.constant 16 : i32
      %mul3A_1807 = arith.muli %scan3A_1805, %mul3A_1806 : i32
      %swap3A_1808 = arith.index_cast %mul3A_1807 : i32 to index
      %swap3A_1809 = tpu.vector_load %arg18[%swap3A_1808] {strides = array<i32>} : memref<4096xi32, #tpu.memory_space<vmem>>, vector<16xi32>,
      tpu.vector_store %arg18[%swap3A_1808], %broadcast_in_dim3A_1 {strides = array<i32>} : memref<4096xi32, #tpu.memory_space<vmem>>, vector<16xi32>,
      %mul3A_1810 = arith.constant 16 : i32
      %mul3A_1811 = arith.muli %scan3A_1805, %mul3A_1810 : i32
      %swap3A_1812 = arith.index_cast %mul3A_1811 : i32 to index
      %swap3A_1813 = tpu.vector_load %arg19[%swap3A_1812] {strides = array<i32>} : memref<4096xi32, #tpu.memory_space<vmem>>, vector<16xi32>,
      tpu.vector_store %arg19[%swap3A_1812], %broadcast_in_dim3A_1 {strides = array<i32>} : memref<4096xi32, #tpu.memory_space<vmem>>, vector<16xi32>,
      %scan3A_1814 = arith.constant 2 : i32
      %scan3A_1815 = arith.addi %scan3A_1795, %scan3A_1814 : i32
      %mul3A_1816 = arith.constant 16 : i32
      %mul3A_1817 = arith.muli %scan3A_1815, %mul3A_1816 : i32
      %swap3A_1818 = arith.index_cast %mul3A_1817 : i32 to index
      %swap3A_1819 = tpu.vector_load %arg18[%swap3A_1818] {strides = array<i32>} : memref<4096xi32, #tpu.memory_space<vmem>>, vector<16xi32>,
      tpu.vector_store %arg18[%swap3A_1818], %broadcast_in_dim3A_1 {strides = array<i32>} : memref<4096xi32, #tpu.memory_space<vmem>>, vector<16xi32>,
      %mul3A_1820 = arith.constant 16 : i32
      %mul3A_1821 = arith.muli %scan3A_1815, %mul3A_1820 : i32
      %swap3A_1822 = arith.index_cast %mul3A_1821 : i32 to index
      %swap3A_1823 = tpu.vector_load %arg19[%swap3A_1822] {strides = array<i32>} : memref<4096xi32, #tpu.memory_space<vmem>>, vector<16xi32>,
      tpu.vector_store %arg19[%swap3A_1822], %broadcast_in_dim3A_1 {strides = array<i32>} : memref<4096xi32, #tpu.memory_space<vmem>>, vector<16xi32>,
      %scan3A_1824 = arith.constant 3 : i32
      %scan3A_1825 = arith.addi %scan3A_1795, %scan3A_1824 : i32
      %mul3A_1826 = arith.constant 16 : i32
      %mul3A_1827 = arith.muli %scan3A_1825, %mul3A_1826 : i32
      %swap3A_1828 = arith.index_cast %mul3A_1827 : i32 to index
      %swap3A_1829 = tpu.vector_load %arg18[%swap3A_1828] {strides = array<i32>} : memref<4096xi32, #tpu.memory_space<vmem>>, vector<16xi32>,
      tpu.vector_store %arg18[%swap3A_1828], %broadcast_in_dim3A_1 {strides = array<i32>} : memref<4096xi32, #tpu.memory_space<vmem>>, vector<16xi32>,
      %mul3A_1830 = arith.constant 16 : i32
      %mul3A_1831 = arith.muli %scan3A_1825, %mul3A_1830 : i32
      %swap3A_1832 = arith.index_cast %mul3A_1831 : i32 to index
      %swap3A_1833 = tpu.vector_load %arg19[%swap3A_1832] {strides = array<i32>} : memref<4096xi32, #tpu.memory_space<vmem>>, vector<16xi32>,
      tpu.vector_store %arg19[%swap3A_1832], %broadcast_in_dim3A_1 {strides = array<i32>} : memref<4096xi32, #tpu.memory_space<vmem>>, vector<16xi32>,
    }
    %scan3A_1287 = arith.constant 256 : i32
    %scan3A_1288 = arith.constant 0 : i32
    %scan3A_1289 = arith.constant 0 : i32
    %scan3A_1290 = arith.constant 682 : i32
    %scan3A_1291 = arith.addi %scan3A_1289, %scan3A_1290 : i32
    %scan3A_1292 = arith.constant 2 : i32
    scf.for %scan3A_1795 = %scan3A_1289 to %scan3A_1291 step %scan3A_1292  : i32 {
      %mul3A_1796 = arith.constant 16 : i32
      %mul3A_1797 = arith.muli %scan3A_1795, %mul3A_1796 : i32
      %get3A_1798 = arith.index_cast %mul3A_1797 : i32 to index
      %get3A_1799 = tpu.vector_load %arg13[%get3A_1798] {strides = array<i32>} : memref<10912xi32, #tpu.memory_space<vmem>>, vector<16xi32>,
      %xor3A_1800 = arith.constant -2147483648 : i32
      %xor3A_1801 = vector.broadcast %xor3A_1800 : i32 to vector<16xi32>
      %xor3A_1802 = arith.xori %get3A_1799, %xor3A_1801 : vector<16xi32>
      %shift_right_logical3A = arith.constant 8 : i32
      %shift_right_logical3A_1803 = vector.broadcast %shift_right_logical3A : i32 to vector<16xi32>
      %shift_right_logical3A_1804 = arith.shrui %xor3A_1802, %shift_right_logical3A_1803 : vector<16xi32>
      %shift_right_logical3A_1805 = arith.constant 0 : i32
      %shift_right_logical3A_1806 = vector.broadcast %shift_right_logical3A_1805 : i32 to vector<16xi32>
      %shift_right_logical3A_1807 = arith.shrui %xor3A_1802, %shift_right_logical3A_1806 : vector<16xi32>
      %and3A = arith.constant 255 : i32
      %and3A_1808 = vector.broadcast %and3A : i32 to vector<16xi32>
      %and3A_1809 = arith.andi %shift_right_logical3A_1807, %and3A_1808 : vector<16xi32>
      %mul3A_1810 = arith.constant 16 : i32
      %mul3A_1811 = vector.broadcast %mul3A_1810 : i32 to vector<16xi32>
      %mul3A_1812 = arith.muli %and3A_1809, %mul3A_1811 : vector<16xi32>
      %add3A_1813 = arith.addi %mul3A_1812, %iota3A : vector<16xi32>
      %eq3A_1814 = vector.broadcast %or3A_1085 : i32 to vector<16xi32>
      %eq3A_1815 = arith.cmpi eq, %shift_right_logical3A_1804, %eq3A_1814 : vector<16xi32>
      tpu.vector_store_idx %arg18[%add3A_1813], %broadcast_in_dim3A_5 masked %eq3A_1815 {add = true} : memref<4096xi32, #tpu.memory_space<vmem>>[vector<16xi32>], vector<16xi32>, vector<16xi1>
      %eq3A_1816 = vector.broadcast %or3A_1281 : i32 to vector<16xi32>
      %eq3A_1817 = arith.cmpi eq, %shift_right_logical3A_1804, %eq3A_1816 : vector<16xi32>
      tpu.vector_store_idx %arg19[%add3A_1813], %broadcast_in_dim3A_5 masked %eq3A_1817 {add = true} : memref<4096xi32, #tpu.memory_space<vmem>>[vector<16xi32>], vector<16xi32>, vector<16xi1>
      %scan3A_1818 = arith.constant 1 : i32
      %scan3A_1819 = arith.addi %scan3A_1795, %scan3A_1818 : i32
      %mul3A_1820 = arith.constant 16 : i32
      %mul3A_1821 = arith.muli %scan3A_1819, %mul3A_1820 : i32
      %get3A_1822 = arith.index_cast %mul3A_1821 : i32 to index
      %get3A_1823 = tpu.vector_load %arg13[%get3A_1822] {strides = array<i32>} : memref<10912xi32, #tpu.memory_space<vmem>>, vector<16xi32>,
      %xor3A_1824 = arith.constant -2147483648 : i32
      %xor3A_1825 = vector.broadcast %xor3A_1824 : i32 to vector<16xi32>
      %xor3A_1826 = arith.xori %get3A_1823, %xor3A_1825 : vector<16xi32>
      %shift_right_logical3A_1827 = arith.constant 8 : i32
      %shift_right_logical3A_1828 = vector.broadcast %shift_right_logical3A_1827 : i32 to vector<16xi32>
      %shift_right_logical3A_1829 = arith.shrui %xor3A_1826, %shift_right_logical3A_1828 : vector<16xi32>
      %shift_right_logical3A_1830 = arith.constant 0 : i32
      %shift_right_logical3A_1831 = vector.broadcast %shift_right_logical3A_1830 : i32 to vector<16xi32>
      %shift_right_logical3A_1832 = arith.shrui %xor3A_1826, %shift_right_logical3A_1831 : vector<16xi32>
      %and3A_1833 = arith.constant 255 : i32
      %and3A_1834 = vector.broadcast %and3A_1833 : i32 to vector<16xi32>
      %and3A_1835 = arith.andi %shift_right_logical3A_1832, %and3A_1834 : vector<16xi32>
      %mul3A_1836 = arith.constant 16 : i32
      %mul3A_1837 = vector.broadcast %mul3A_1836 : i32 to vector<16xi32>
      %mul3A_1838 = arith.muli %and3A_1835, %mul3A_1837 : vector<16xi32>
      %add3A_1839 = arith.addi %mul3A_1838, %iota3A : vector<16xi32>
      %eq3A_1840 = vector.broadcast %or3A_1085 : i32 to vector<16xi32>
      %eq3A_1841 = arith.cmpi eq, %shift_right_logical3A_1829, %eq3A_1840 : vector<16xi32>
      tpu.vector_store_idx %arg18[%add3A_1839], %broadcast_in_dim3A_5 masked %eq3A_1841 {add = true} : memref<4096xi32, #tpu.memory_space<vmem>>[vector<16xi32>], vector<16xi32>, vector<16xi1>
      %eq3A_1842 = vector.broadcast %or3A_1281 : i32 to vector<16xi32>
      %eq3A_1843 = arith.cmpi eq, %shift_right_logical3A_1829, %eq3A_1842 : vector<16xi32>
      tpu.vector_store_idx %arg19[%add3A_1839], %broadcast_in_dim3A_5 masked %eq3A_1843 {add = true} : memref<4096xi32, #tpu.memory_space<vmem>>[vector<16xi32>], vector<16xi32>, vector<16xi1>
    }
    %scan3A_1293 = arith.constant 682 : i32
    %scan3A_1294 = arith.constant 0 : i32
    %scan3A_1295 = arith.constant 0 : i32
    %scan3A_1296 = arith.constant 16 : i32
    %scan3A_1297 = arith.addi %scan3A_1295, %scan3A_1296 : i32
    %scan3A_1298 = arith.constant 1 : i32
    scf.for %scan3A_1795 = %scan3A_1295 to %scan3A_1297 step %scan3A_1298  : i32 {
      %mul3A_1796 = arith.constant 256 : i32
      %mul3A_1797 = arith.muli %scan3A_1795, %mul3A_1796 : i32
      %mul3A_1798 = arith.constant 16 : i32
      %mul3A_1799 = vector.broadcast %mul3A_1798 : i32 to vector<16xi32>
      %mul3A_1800 = arith.muli %iota3A, %mul3A_1799 : vector<16xi32>
      %add3A_1801 = vector.broadcast %mul3A_1797 : i32 to vector<16xi32>
      %add3A_1802 = arith.addi %add3A_1801, %mul3A_1800 : vector<16xi32>
      %gather3A_1803 = tpu.vector_load_idx %arg18[%add3A_1802] : memref<4096xi32, #tpu.memory_space<vmem>>[vector<16xi32>], vector<16xi32>,
      %gather3A_1804 = tpu.vector_load_idx %arg19[%add3A_1802] : memref<4096xi32, #tpu.memory_space<vmem>>[vector<16xi32>], vector<16xi32>,
      %add3A_1805 = arith.constant 1 : i32
      %add3A_1806 = vector.broadcast %add3A_1805 : i32 to vector<16xi32>
      %add3A_1807 = arith.addi %add3A_1802, %add3A_1806 : vector<16xi32>
      %gather3A_1808 = tpu.vector_load_idx %arg18[%add3A_1807] : memref<4096xi32, #tpu.memory_space<vmem>>[vector<16xi32>], vector<16xi32>,
      %add3A_1809 = arith.addi %gather3A_1803, %gather3A_1808 : vector<16xi32>
      %add3A_1810 = arith.constant 1 : i32
      %add3A_1811 = vector.broadcast %add3A_1810 : i32 to vector<16xi32>
      %add3A_1812 = arith.addi %add3A_1802, %add3A_1811 : vector<16xi32>
      %gather3A_1813 = tpu.vector_load_idx %arg19[%add3A_1812] : memref<4096xi32, #tpu.memory_space<vmem>>[vector<16xi32>], vector<16xi32>,
      %add3A_1814 = arith.addi %gather3A_1804, %gather3A_1813 : vector<16xi32>
      %add3A_1815 = arith.constant 2 : i32
      %add3A_1816 = vector.broadcast %add3A_1815 : i32 to vector<16xi32>
      %add3A_1817 = arith.addi %add3A_1802, %add3A_1816 : vector<16xi32>
      %gather3A_1818 = tpu.vector_load_idx %arg18[%add3A_1817] : memref<4096xi32, #tpu.memory_space<vmem>>[vector<16xi32>], vector<16xi32>,
      %add3A_1819 = arith.addi %add3A_1809, %gather3A_1818 : vector<16xi32>
      %add3A_1820 = arith.constant 2 : i32
      %add3A_1821 = vector.broadcast %add3A_1820 : i32 to vector<16xi32>
      %add3A_1822 = arith.addi %add3A_1802, %add3A_1821 : vector<16xi32>
      %gather3A_1823 = tpu.vector_load_idx %arg19[%add3A_1822] : memref<4096xi32, #tpu.memory_space<vmem>>[vector<16xi32>], vector<16xi32>,
      %add3A_1824 = arith.addi %add3A_1814, %gather3A_1823 : vector<16xi32>
      %add3A_1825 = arith.constant 3 : i32
      %add3A_1826 = vector.broadcast %add3A_1825 : i32 to vector<16xi32>
      %add3A_1827 = arith.addi %add3A_1802, %add3A_1826 : vector<16xi32>
      %gather3A_1828 = tpu.vector_load_idx %arg18[%add3A_1827] : memref<4096xi32, #tpu.memory_space<vmem>>[vector<16xi32>], vector<16xi32>,
      %add3A_1829 = arith.addi %add3A_1819, %gather3A_1828 : vector<16xi32>
      %add3A_1830 = arith.constant 3 : i32
      %add3A_1831 = vector.broadcast %add3A_1830 : i32 to vector<16xi32>
      %add3A_1832 = arith.addi %add3A_1802, %add3A_1831 : vector<16xi32>
      %gather3A_1833 = tpu.vector_load_idx %arg19[%add3A_1832] : memref<4096xi32, #tpu.memory_space<vmem>>[vector<16xi32>], vector<16xi32>,
      %add3A_1834 = arith.addi %add3A_1824, %gather3A_1833 : vector<16xi32>
      %add3A_1835 = arith.constant 4 : i32
      %add3A_1836 = vector.broadcast %add3A_1835 : i32 to vector<16xi32>
      %add3A_1837 = arith.addi %add3A_1802, %add3A_1836 : vector<16xi32>
      %gather3A_1838 = tpu.vector_load_idx %arg18[%add3A_1837] : memref<4096xi32, #tpu.memory_space<vmem>>[vector<16xi32>], vector<16xi32>,
      %add3A_1839 = arith.addi %add3A_1829, %gather3A_1838 : vector<16xi32>
      %add3A_1840 = arith.constant 4 : i32
      %add3A_1841 = vector.broadcast %add3A_1840 : i32 to vector<16xi32>
      %add3A_1842 = arith.addi %add3A_1802, %add3A_1841 : vector<16xi32>
      %gather3A_1843 = tpu.vector_load_idx %arg19[%add3A_1842] : memref<4096xi32, #tpu.memory_space<vmem>>[vector<16xi32>], vector<16xi32>,
      %add3A_1844 = arith.addi %add3A_1834, %gather3A_1843 : vector<16xi32>
      %add3A_1845 = arith.constant 5 : i32
      %add3A_1846 = vector.broadcast %add3A_1845 : i32 to vector<16xi32>
      %add3A_1847 = arith.addi %add3A_1802, %add3A_1846 : vector<16xi32>
      %gather3A_1848 = tpu.vector_load_idx %arg18[%add3A_1847] : memref<4096xi32, #tpu.memory_space<vmem>>[vector<16xi32>], vector<16xi32>,
      %add3A_1849 = arith.addi %add3A_1839, %gather3A_1848 : vector<16xi32>
      %add3A_1850 = arith.constant 5 : i32
      %add3A_1851 = vector.broadcast %add3A_1850 : i32 to vector<16xi32>
      %add3A_1852 = arith.addi %add3A_1802, %add3A_1851 : vector<16xi32>
      %gather3A_1853 = tpu.vector_load_idx %arg19[%add3A_1852] : memref<4096xi32, #tpu.memory_space<vmem>>[vector<16xi32>], vector<16xi32>,
      %add3A_1854 = arith.addi %add3A_1844, %gather3A_1853 : vector<16xi32>
      %add3A_1855 = arith.constant 6 : i32
      %add3A_1856 = vector.broadcast %add3A_1855 : i32 to vector<16xi32>
      %add3A_1857 = arith.addi %add3A_1802, %add3A_1856 : vector<16xi32>
      %gather3A_1858 = tpu.vector_load_idx %arg18[%add3A_1857] : memref<4096xi32, #tpu.memory_space<vmem>>[vector<16xi32>], vector<16xi32>,
      %add3A_1859 = arith.addi %add3A_1849, %gather3A_1858 : vector<16xi32>
      %add3A_1860 = arith.constant 6 : i32
      %add3A_1861 = vector.broadcast %add3A_1860 : i32 to vector<16xi32>
      %add3A_1862 = arith.addi %add3A_1802, %add3A_1861 : vector<16xi32>
      %gather3A_1863 = tpu.vector_load_idx %arg19[%add3A_1862] : memref<4096xi32, #tpu.memory_space<vmem>>[vector<16xi32>], vector<16xi32>,
      %add3A_1864 = arith.addi %add3A_1854, %gather3A_1863 : vector<16xi32>
      %add3A_1865 = arith.constant 7 : i32
      %add3A_1866 = vector.broadcast %add3A_1865 : i32 to vector<16xi32>
      %add3A_1867 = arith.addi %add3A_1802, %add3A_1866 : vector<16xi32>
      %gather3A_1868 = tpu.vector_load_idx %arg18[%add3A_1867] : memref<4096xi32, #tpu.memory_space<vmem>>[vector<16xi32>], vector<16xi32>,
      %add3A_1869 = arith.addi %add3A_1859, %gather3A_1868 : vector<16xi32>
      %add3A_1870 = arith.constant 7 : i32
      %add3A_1871 = vector.broadcast %add3A_1870 : i32 to vector<16xi32>
      %add3A_1872 = arith.addi %add3A_1802, %add3A_1871 : vector<16xi32>
      %gather3A_1873 = tpu.vector_load_idx %arg19[%add3A_1872] : memref<4096xi32, #tpu.memory_space<vmem>>[vector<16xi32>], vector<16xi32>,
      %add3A_1874 = arith.addi %add3A_1864, %gather3A_1873 : vector<16xi32>
      %add3A_1875 = arith.constant 8 : i32
      %add3A_1876 = vector.broadcast %add3A_1875 : i32 to vector<16xi32>
      %add3A_1877 = arith.addi %add3A_1802, %add3A_1876 : vector<16xi32>
      %gather3A_1878 = tpu.vector_load_idx %arg18[%add3A_1877] : memref<4096xi32, #tpu.memory_space<vmem>>[vector<16xi32>], vector<16xi32>,
      %add3A_1879 = arith.addi %add3A_1869, %gather3A_1878 : vector<16xi32>
      %add3A_1880 = arith.constant 8 : i32
      %add3A_1881 = vector.broadcast %add3A_1880 : i32 to vector<16xi32>
      %add3A_1882 = arith.addi %add3A_1802, %add3A_1881 : vector<16xi32>
      %gather3A_1883 = tpu.vector_load_idx %arg19[%add3A_1882] : memref<4096xi32, #tpu.memory_space<vmem>>[vector<16xi32>], vector<16xi32>,
      %add3A_1884 = arith.addi %add3A_1874, %gather3A_1883 : vector<16xi32>
      %add3A_1885 = arith.constant 9 : i32
      %add3A_1886 = vector.broadcast %add3A_1885 : i32 to vector<16xi32>
      %add3A_1887 = arith.addi %add3A_1802, %add3A_1886 : vector<16xi32>
      %gather3A_1888 = tpu.vector_load_idx %arg18[%add3A_1887] : memref<4096xi32, #tpu.memory_space<vmem>>[vector<16xi32>], vector<16xi32>,
      %add3A_1889 = arith.addi %add3A_1879, %gather3A_1888 : vector<16xi32>
      %add3A_1890 = arith.constant 9 : i32
      %add3A_1891 = vector.broadcast %add3A_1890 : i32 to vector<16xi32>
      %add3A_1892 = arith.addi %add3A_1802, %add3A_1891 : vector<16xi32>
      %gather3A_1893 = tpu.vector_load_idx %arg19[%add3A_1892] : memref<4096xi32, #tpu.memory_space<vmem>>[vector<16xi32>], vector<16xi32>,
      %add3A_1894 = arith.addi %add3A_1884, %gather3A_1893 : vector<16xi32>
      %add3A_1895 = arith.constant 10 : i32
      %add3A_1896 = vector.broadcast %add3A_1895 : i32 to vector<16xi32>
      %add3A_1897 = arith.addi %add3A_1802, %add3A_1896 : vector<16xi32>
      %gather3A_1898 = tpu.vector_load_idx %arg18[%add3A_1897] : memref<4096xi32, #tpu.memory_space<vmem>>[vector<16xi32>], vector<16xi32>,
      %add3A_1899 = arith.addi %add3A_1889, %gather3A_1898 : vector<16xi32>
      %add3A_1900 = arith.constant 10 : i32
      %add3A_1901 = vector.broadcast %add3A_1900 : i32 to vector<16xi32>
      %add3A_1902 = arith.addi %add3A_1802, %add3A_1901 : vector<16xi32>
      %gather3A_1903 = tpu.vector_load_idx %arg19[%add3A_1902] : memref<4096xi32, #tpu.memory_space<vmem>>[vector<16xi32>], vector<16xi32>,
      %add3A_1904 = arith.addi %add3A_1894, %gather3A_1903 : vector<16xi32>
      %add3A_1905 = arith.constant 11 : i32
      %add3A_1906 = vector.broadcast %add3A_1905 : i32 to vector<16xi32>
      %add3A_1907 = arith.addi %add3A_1802, %add3A_1906 : vector<16xi32>
      %gather3A_1908 = tpu.vector_load_idx %arg18[%add3A_1907] : memref<4096xi32, #tpu.memory_space<vmem>>[vector<16xi32>], vector<16xi32>,
      %add3A_1909 = arith.addi %add3A_1899, %gather3A_1908 : vector<16xi32>
      %add3A_1910 = arith.constant 11 : i32
      %add3A_1911 = vector.broadcast %add3A_1910 : i32 to vector<16xi32>
      %add3A_1912 = arith.addi %add3A_1802, %add3A_1911 : vector<16xi32>
      %gather3A_1913 = tpu.vector_load_idx %arg19[%add3A_1912] : memref<4096xi32, #tpu.memory_space<vmem>>[vector<16xi32>], vector<16xi32>,
      %add3A_1914 = arith.addi %add3A_1904, %gather3A_1913 : vector<16xi32>
      %add3A_1915 = arith.constant 12 : i32
      %add3A_1916 = vector.broadcast %add3A_1915 : i32 to vector<16xi32>
      %add3A_1917 = arith.addi %add3A_1802, %add3A_1916 : vector<16xi32>
      %gather3A_1918 = tpu.vector_load_idx %arg18[%add3A_1917] : memref<4096xi32, #tpu.memory_space<vmem>>[vector<16xi32>], vector<16xi32>,
      %add3A_1919 = arith.addi %add3A_1909, %gather3A_1918 : vector<16xi32>
      %add3A_1920 = arith.constant 12 : i32
      %add3A_1921 = vector.broadcast %add3A_1920 : i32 to vector<16xi32>
      %add3A_1922 = arith.addi %add3A_1802, %add3A_1921 : vector<16xi32>
      %gather3A_1923 = tpu.vector_load_idx %arg19[%add3A_1922] : memref<4096xi32, #tpu.memory_space<vmem>>[vector<16xi32>], vector<16xi32>,
      %add3A_1924 = arith.addi %add3A_1914, %gather3A_1923 : vector<16xi32>
      %add3A_1925 = arith.constant 13 : i32
      %add3A_1926 = vector.broadcast %add3A_1925 : i32 to vector<16xi32>
      %add3A_1927 = arith.addi %add3A_1802, %add3A_1926 : vector<16xi32>
      %gather3A_1928 = tpu.vector_load_idx %arg18[%add3A_1927] : memref<4096xi32, #tpu.memory_space<vmem>>[vector<16xi32>], vector<16xi32>,
      %add3A_1929 = arith.addi %add3A_1919, %gather3A_1928 : vector<16xi32>
      %add3A_1930 = arith.constant 13 : i32
      %add3A_1931 = vector.broadcast %add3A_1930 : i32 to vector<16xi32>
      %add3A_1932 = arith.addi %add3A_1802, %add3A_1931 : vector<16xi32>
      %gather3A_1933 = tpu.vector_load_idx %arg19[%add3A_1932] : memref<4096xi32, #tpu.memory_space<vmem>>[vector<16xi32>], vector<16xi32>,
      %add3A_1934 = arith.addi %add3A_1924, %gather3A_1933 : vector<16xi32>
      %add3A_1935 = arith.constant 14 : i32
      %add3A_1936 = vector.broadcast %add3A_1935 : i32 to vector<16xi32>
      %add3A_1937 = arith.addi %add3A_1802, %add3A_1936 : vector<16xi32>
      %gather3A_1938 = tpu.vector_load_idx %arg18[%add3A_1937] : memref<4096xi32, #tpu.memory_space<vmem>>[vector<16xi32>], vector<16xi32>,
      %add3A_1939 = arith.addi %add3A_1929, %gather3A_1938 : vector<16xi32>
      %add3A_1940 = arith.constant 14 : i32
      %add3A_1941 = vector.broadcast %add3A_1940 : i32 to vector<16xi32>
      %add3A_1942 = arith.addi %add3A_1802, %add3A_1941 : vector<16xi32>
      %gather3A_1943 = tpu.vector_load_idx %arg19[%add3A_1942] : memref<4096xi32, #tpu.memory_space<vmem>>[vector<16xi32>], vector<16xi32>,
      %add3A_1944 = arith.addi %add3A_1934, %gather3A_1943 : vector<16xi32>
      %add3A_1945 = arith.constant 15 : i32
      %add3A_1946 = vector.broadcast %add3A_1945 : i32 to vector<16xi32>
      %add3A_1947 = arith.addi %add3A_1802, %add3A_1946 : vector<16xi32>
      %gather3A_1948 = tpu.vector_load_idx %arg18[%add3A_1947] : memref<4096xi32, #tpu.memory_space<vmem>>[vector<16xi32>], vector<16xi32>,
      %add3A_1949 = arith.addi %add3A_1939, %gather3A_1948 : vector<16xi32>
      %add3A_1950 = arith.constant 15 : i32
      %add3A_1951 = vector.broadcast %add3A_1950 : i32 to vector<16xi32>
      %add3A_1952 = arith.addi %add3A_1802, %add3A_1951 : vector<16xi32>
      %gather3A_1953 = tpu.vector_load_idx %arg19[%add3A_1952] : memref<4096xi32, #tpu.memory_space<vmem>>[vector<16xi32>], vector<16xi32>,
      %add3A_1954 = arith.addi %add3A_1944, %gather3A_1953 : vector<16xi32>
      %mul3A_1955 = arith.constant 16 : i32
      %mul3A_1956 = arith.muli %scan3A_1795, %mul3A_1955 : i32
      %swap3A_1957 = arith.index_cast %mul3A_1956 : i32 to index
      %swap3A_1958 = tpu.vector_load %arg20[%swap3A_1957] {strides = array<i32>} : memref<256xi32, #tpu.memory_space<vmem>>, vector<16xi32>,
      tpu.vector_store %arg20[%swap3A_1957], %add3A_1949 {strides = array<i32>} : memref<256xi32, #tpu.memory_space<vmem>>, vector<16xi32>,
      %mul3A_1959 = arith.constant 16 : i32
      %mul3A_1960 = arith.muli %scan3A_1795, %mul3A_1959 : i32
      %swap3A_1961 = arith.index_cast %mul3A_1960 : i32 to index
      %swap3A_1962 = tpu.vector_load %arg21[%swap3A_1961] {strides = array<i32>} : memref<256xi32, #tpu.memory_space<vmem>>, vector<16xi32>,
      tpu.vector_store %arg21[%swap3A_1961], %add3A_1954 {strides = array<i32>} : memref<256xi32, #tpu.memory_space<vmem>>, vector<16xi32>,
    }
    %scan3A_1299 = arith.constant 16 : i32
    %mul3A_1300 = arith.constant 256 : i32
    %mul3A_1301 = arith.muli %arg1, %mul3A_1300 : i32
    "tpu.region"() ({
      %run_scoped3A = tpu.sem_alloc : memref<!tpu.dma_semaphore, #tpu.memory_space<semaphore_mem>>
      %dma_start3A_1795 = tpu.memref_slice %arg31[%mul3A_1301] : memref<4096xi32, #tpu.memory_space<vmem_shared>> -> memref<256xi32, #tpu.memory_space<vmem_shared>>
      %dma_start3A_1796 = tpu.memref_slice %arg31[%mul3A_1301] : memref<4096xi32, #tpu.memory_space<vmem_shared>> -> memref<256xi32, #tpu.memory_space<vmem_shared>>
      tpu.enqueue_dma source(%arg20 : memref<256xi32, #tpu.memory_space<vmem>>) target(%dma_start3A_1796 : memref<256xi32, #tpu.memory_space<vmem_shared>>) target_semaphore(%run_scoped3A : memref<!tpu.dma_semaphore, #tpu.memory_space<semaphore_mem>>)
      %dma_wait3A = tpu.memref_slice %arg31[%mul3A_1301] : memref<4096xi32, #tpu.memory_space<vmem_shared>> -> memref<256xi32, #tpu.memory_space<vmem_shared>>
      %dma_wait3A_1797 = tpu.memref_slice %arg31[%mul3A_1301] : memref<4096xi32, #tpu.memory_space<vmem_shared>> -> memref<256xi32, #tpu.memory_space<vmem_shared>>
      tpu.wait_dma2 semaphore(%run_scoped3A : memref<!tpu.dma_semaphore, #tpu.memory_space<semaphore_mem>>) src(%arg20 : memref<256xi32, #tpu.memory_space<vmem>>) dst(%dma_wait3A_1797 : memref<256xi32, #tpu.memory_space<vmem_shared>>)
      tpu.yield
    }) : () -> ()
    %mul3A_1302 = arith.constant 256 : i32
    %mul3A_1303 = arith.muli %arg1, %mul3A_1302 : i32
    "tpu.region"() ({
      %run_scoped3A = tpu.sem_alloc : memref<!tpu.dma_semaphore, #tpu.memory_space<semaphore_mem>>
      %dma_start3A_1795 = tpu.memref_slice %arg32[%mul3A_1303] : memref<4096xi32, #tpu.memory_space<vmem_shared>> -> memref<256xi32, #tpu.memory_space<vmem_shared>>
      %dma_start3A_1796 = tpu.memref_slice %arg32[%mul3A_1303] : memref<4096xi32, #tpu.memory_space<vmem_shared>> -> memref<256xi32, #tpu.memory_space<vmem_shared>>
      tpu.enqueue_dma source(%arg21 : memref<256xi32, #tpu.memory_space<vmem>>) target(%dma_start3A_1796 : memref<256xi32, #tpu.memory_space<vmem_shared>>) target_semaphore(%run_scoped3A : memref<!tpu.dma_semaphore, #tpu.memory_space<semaphore_mem>>)
      %dma_wait3A = tpu.memref_slice %arg32[%mul3A_1303] : memref<4096xi32, #tpu.memory_space<vmem_shared>> -> memref<256xi32, #tpu.memory_space<vmem_shared>>
      %dma_wait3A_1797 = tpu.memref_slice %arg32[%mul3A_1303] : memref<4096xi32, #tpu.memory_space<vmem_shared>> -> memref<256xi32, #tpu.memory_space<vmem_shared>>
      tpu.wait_dma2 semaphore(%run_scoped3A : memref<!tpu.dma_semaphore, #tpu.memory_space<semaphore_mem>>) src(%arg21 : memref<256xi32, #tpu.memory_space<vmem>>) dst(%dma_wait3A_1797 : memref<256xi32, #tpu.memory_space<vmem_shared>>)
      tpu.yield
    }) : () -> ()
    %barrier3A_1304 = arith.constant 0 : index
    tpu.barrier barrier_id(%barrier3A_1304)
    "tpu.region"() ({
      %run_scoped3A = tpu.sem_alloc : memref<!tpu.dma_semaphore, #tpu.memory_space<semaphore_mem>>
      tpu.enqueue_dma source(%arg31 : memref<4096xi32, #tpu.memory_space<vmem_shared>>) target(%arg22 : memref<4096xi32, #tpu.memory_space<vmem>>) target_semaphore(%run_scoped3A : memref<!tpu.dma_semaphore, #tpu.memory_space<semaphore_mem>>)
      tpu.wait_dma2 semaphore(%run_scoped3A : memref<!tpu.dma_semaphore, #tpu.memory_space<semaphore_mem>>) src(%arg31 : memref<4096xi32, #tpu.memory_space<vmem_shared>>) dst(%arg22 : memref<4096xi32, #tpu.memory_space<vmem>>)
      tpu.yield
    }) : () -> ()
    "tpu.region"() ({
      %run_scoped3A = tpu.sem_alloc : memref<!tpu.dma_semaphore, #tpu.memory_space<semaphore_mem>>
      tpu.enqueue_dma source(%arg32 : memref<4096xi32, #tpu.memory_space<vmem_shared>>) target(%arg23 : memref<4096xi32, #tpu.memory_space<vmem>>) target_semaphore(%run_scoped3A : memref<!tpu.dma_semaphore, #tpu.memory_space<semaphore_mem>>)
      tpu.wait_dma2 semaphore(%run_scoped3A : memref<!tpu.dma_semaphore, #tpu.memory_space<semaphore_mem>>) src(%arg32 : memref<4096xi32, #tpu.memory_space<vmem_shared>>) dst(%arg23 : memref<4096xi32, #tpu.memory_space<vmem>>)
      tpu.yield
    }) : () -> ()
    %barrier3A_1305 = arith.constant 0 : index
    tpu.barrier barrier_id(%barrier3A_1305)
    %scan3A_1306 = arith.constant 0 : i32
    %scan3A_1307 = arith.constant 0 : i32
    %scan3A_1308 = arith.constant 16 : i32
    %scan3A_1309 = arith.addi %scan3A_1307, %scan3A_1308 : i32
    %scan3A_1310 = arith.constant 1 : i32
    scf.for %scan3A_1795 = %scan3A_1307 to %scan3A_1309 step %scan3A_1310  : i32 {
      %scan3A_1796 = arith.constant 0 : i32
      %scan3A_1797 = arith.constant 16 : i32
      %scan3A_1798 = arith.addi %scan3A_1796, %scan3A_1797 : i32
      %scan3A_1799 = arith.constant 1 : i32
      %scan3A_1800 = scf.for %scan3A_1816 = %scan3A_1796 to %scan3A_1798 step %scan3A_1799 iter_args(%scan3A_1817 = %broadcast_in_dim3A_1) -> (vector<16xi32>)  : i32 {
        %mul3A_1818 = arith.constant 256 : i32
        %mul3A_1819 = arith.muli %scan3A_1816, %mul3A_1818 : i32
        %mul3A_1820 = arith.constant 16 : i32
        %mul3A_1821 = arith.muli %scan3A_1795, %mul3A_1820 : i32
        %add3A_1822 = arith.addi %mul3A_1819, %mul3A_1821 : i32
        %get3A_1823 = arith.index_cast %add3A_1822 : i32 to index
        %get3A_1824 = tpu.vector_load %arg22[%get3A_1823] {strides = array<i32>} : memref<4096xi32, #tpu.memory_space<vmem>>, vector<16xi32>,
        %add3A_1825 = arith.addi %scan3A_1817, %get3A_1824 : vector<16xi32>
        scf.yield %add3A_1825 : vector<16xi32>
      }
      %scan3A_1801 = arith.constant 16 : i32
      %mul3A_1802 = arith.constant 16 : i32
      %mul3A_1803 = arith.muli %scan3A_1795, %mul3A_1802 : i32
      %swap3A_1804 = arith.index_cast %mul3A_1803 : i32 to index
      %swap3A_1805 = tpu.vector_load %arg24[%swap3A_1804] {strides = array<i32>} : memref<256xi32, #tpu.memory_space<vmem>>, vector<16xi32>,
      tpu.vector_store %arg24[%swap3A_1804], %scan3A_1800 {strides = array<i32>} : memref<256xi32, #tpu.memory_space<vmem>>, vector<16xi32>,
      %scan3A_1806 = arith.constant 0 : i32
      %scan3A_1807 = arith.constant 16 : i32
      %scan3A_1808 = arith.addi %scan3A_1806, %scan3A_1807 : i32
      %scan3A_1809 = arith.constant 1 : i32
      %scan3A_1810 = scf.for %scan3A_1816 = %scan3A_1806 to %scan3A_1808 step %scan3A_1809 iter_args(%scan3A_1817 = %broadcast_in_dim3A_1) -> (vector<16xi32>)  : i32 {
        %mul3A_1818 = arith.constant 256 : i32
        %mul3A_1819 = arith.muli %scan3A_1816, %mul3A_1818 : i32
        %mul3A_1820 = arith.constant 16 : i32
        %mul3A_1821 = arith.muli %scan3A_1795, %mul3A_1820 : i32
        %add3A_1822 = arith.addi %mul3A_1819, %mul3A_1821 : i32
        %get3A_1823 = arith.index_cast %add3A_1822 : i32 to index
        %get3A_1824 = tpu.vector_load %arg23[%get3A_1823] {strides = array<i32>} : memref<4096xi32, #tpu.memory_space<vmem>>, vector<16xi32>,
        %add3A_1825 = arith.addi %scan3A_1817, %get3A_1824 : vector<16xi32>
        scf.yield %add3A_1825 : vector<16xi32>
      }
      %scan3A_1811 = arith.constant 16 : i32
      %mul3A_1812 = arith.constant 16 : i32
      %mul3A_1813 = arith.muli %scan3A_1795, %mul3A_1812 : i32
      %swap3A_1814 = arith.index_cast %mul3A_1813 : i32 to index
      %swap3A_1815 = tpu.vector_load %arg25[%swap3A_1814] {strides = array<i32>} : memref<256xi32, #tpu.memory_space<vmem>>, vector<16xi32>,
      tpu.vector_store %arg25[%swap3A_1814], %scan3A_1810 {strides = array<i32>} : memref<256xi32, #tpu.memory_space<vmem>>, vector<16xi32>,
    }
    %scan3A_1311 = arith.constant 16 : i32
    %mul3A_1312 = arith.constant 16 : i32
    %mul3A_1313 = vector.broadcast %mul3A_1312 : i32 to vector<16xi32>
    %mul3A_1314 = arith.muli %iota3A, %mul3A_1313 : vector<16xi32>
    %gather3A_1315 = tpu.vector_load_idx %arg24[%mul3A_1314] : memref<256xi32, #tpu.memory_space<vmem>>[vector<16xi32>], vector<16xi32>,
    %mul3A_1316 = arith.constant 16 : i32
    %mul3A_1317 = vector.broadcast %mul3A_1316 : i32 to vector<16xi32>
    %mul3A_1318 = arith.muli %iota3A, %mul3A_1317 : vector<16xi32>
    %add3A_1319 = arith.constant 1 : i32
    %add3A_1320 = vector.broadcast %add3A_1319 : i32 to vector<16xi32>
    %add3A_1321 = arith.addi %mul3A_1318, %add3A_1320 : vector<16xi32>
    %gather3A_1322 = tpu.vector_load_idx %arg24[%add3A_1321] : memref<256xi32, #tpu.memory_space<vmem>>[vector<16xi32>], vector<16xi32>,
    %add3A_1323 = arith.addi %gather3A_1315, %gather3A_1322 : vector<16xi32>
    %mul3A_1324 = arith.constant 16 : i32
    %mul3A_1325 = vector.broadcast %mul3A_1324 : i32 to vector<16xi32>
    %mul3A_1326 = arith.muli %iota3A, %mul3A_1325 : vector<16xi32>
    %add3A_1327 = arith.constant 2 : i32
    %add3A_1328 = vector.broadcast %add3A_1327 : i32 to vector<16xi32>
    %add3A_1329 = arith.addi %mul3A_1326, %add3A_1328 : vector<16xi32>
    %gather3A_1330 = tpu.vector_load_idx %arg24[%add3A_1329] : memref<256xi32, #tpu.memory_space<vmem>>[vector<16xi32>], vector<16xi32>,
    %add3A_1331 = arith.addi %add3A_1323, %gather3A_1330 : vector<16xi32>
    %mul3A_1332 = arith.constant 16 : i32
    %mul3A_1333 = vector.broadcast %mul3A_1332 : i32 to vector<16xi32>
    %mul3A_1334 = arith.muli %iota3A, %mul3A_1333 : vector<16xi32>
    %add3A_1335 = arith.constant 3 : i32
    %add3A_1336 = vector.broadcast %add3A_1335 : i32 to vector<16xi32>
    %add3A_1337 = arith.addi %mul3A_1334, %add3A_1336 : vector<16xi32>
    %gather3A_1338 = tpu.vector_load_idx %arg24[%add3A_1337] : memref<256xi32, #tpu.memory_space<vmem>>[vector<16xi32>], vector<16xi32>,
    %add3A_1339 = arith.addi %add3A_1331, %gather3A_1338 : vector<16xi32>
    %mul3A_1340 = arith.constant 16 : i32
    %mul3A_1341 = vector.broadcast %mul3A_1340 : i32 to vector<16xi32>
    %mul3A_1342 = arith.muli %iota3A, %mul3A_1341 : vector<16xi32>
    %add3A_1343 = arith.constant 4 : i32
    %add3A_1344 = vector.broadcast %add3A_1343 : i32 to vector<16xi32>
    %add3A_1345 = arith.addi %mul3A_1342, %add3A_1344 : vector<16xi32>
    %gather3A_1346 = tpu.vector_load_idx %arg24[%add3A_1345] : memref<256xi32, #tpu.memory_space<vmem>>[vector<16xi32>], vector<16xi32>,
    %add3A_1347 = arith.addi %add3A_1339, %gather3A_1346 : vector<16xi32>
    %mul3A_1348 = arith.constant 16 : i32
    %mul3A_1349 = vector.broadcast %mul3A_1348 : i32 to vector<16xi32>
    %mul3A_1350 = arith.muli %iota3A, %mul3A_1349 : vector<16xi32>
    %add3A_1351 = arith.constant 5 : i32
    %add3A_1352 = vector.broadcast %add3A_1351 : i32 to vector<16xi32>
    %add3A_1353 = arith.addi %mul3A_1350, %add3A_1352 : vector<16xi32>
    %gather3A_1354 = tpu.vector_load_idx %arg24[%add3A_1353] : memref<256xi32, #tpu.memory_space<vmem>>[vector<16xi32>], vector<16xi32>,
    %add3A_1355 = arith.addi %add3A_1347, %gather3A_1354 : vector<16xi32>
    %mul3A_1356 = arith.constant 16 : i32
    %mul3A_1357 = vector.broadcast %mul3A_1356 : i32 to vector<16xi32>
    %mul3A_1358 = arith.muli %iota3A, %mul3A_1357 : vector<16xi32>
    %add3A_1359 = arith.constant 6 : i32
    %add3A_1360 = vector.broadcast %add3A_1359 : i32 to vector<16xi32>
    %add3A_1361 = arith.addi %mul3A_1358, %add3A_1360 : vector<16xi32>
    %gather3A_1362 = tpu.vector_load_idx %arg24[%add3A_1361] : memref<256xi32, #tpu.memory_space<vmem>>[vector<16xi32>], vector<16xi32>,
    %add3A_1363 = arith.addi %add3A_1355, %gather3A_1362 : vector<16xi32>
    %mul3A_1364 = arith.constant 16 : i32
    %mul3A_1365 = vector.broadcast %mul3A_1364 : i32 to vector<16xi32>
    %mul3A_1366 = arith.muli %iota3A, %mul3A_1365 : vector<16xi32>
    %add3A_1367 = arith.constant 7 : i32
    %add3A_1368 = vector.broadcast %add3A_1367 : i32 to vector<16xi32>
    %add3A_1369 = arith.addi %mul3A_1366, %add3A_1368 : vector<16xi32>
    %gather3A_1370 = tpu.vector_load_idx %arg24[%add3A_1369] : memref<256xi32, #tpu.memory_space<vmem>>[vector<16xi32>], vector<16xi32>,
    %add3A_1371 = arith.addi %add3A_1363, %gather3A_1370 : vector<16xi32>
    %mul3A_1372 = arith.constant 16 : i32
    %mul3A_1373 = vector.broadcast %mul3A_1372 : i32 to vector<16xi32>
    %mul3A_1374 = arith.muli %iota3A, %mul3A_1373 : vector<16xi32>
    %add3A_1375 = arith.constant 8 : i32
    %add3A_1376 = vector.broadcast %add3A_1375 : i32 to vector<16xi32>
    %add3A_1377 = arith.addi %mul3A_1374, %add3A_1376 : vector<16xi32>
    %gather3A_1378 = tpu.vector_load_idx %arg24[%add3A_1377] : memref<256xi32, #tpu.memory_space<vmem>>[vector<16xi32>], vector<16xi32>,
    %add3A_1379 = arith.addi %add3A_1371, %gather3A_1378 : vector<16xi32>
    %mul3A_1380 = arith.constant 16 : i32
    %mul3A_1381 = vector.broadcast %mul3A_1380 : i32 to vector<16xi32>
    %mul3A_1382 = arith.muli %iota3A, %mul3A_1381 : vector<16xi32>
    %add3A_1383 = arith.constant 9 : i32
    %add3A_1384 = vector.broadcast %add3A_1383 : i32 to vector<16xi32>
    %add3A_1385 = arith.addi %mul3A_1382, %add3A_1384 : vector<16xi32>
    %gather3A_1386 = tpu.vector_load_idx %arg24[%add3A_1385] : memref<256xi32, #tpu.memory_space<vmem>>[vector<16xi32>], vector<16xi32>,
    %add3A_1387 = arith.addi %add3A_1379, %gather3A_1386 : vector<16xi32>
    %mul3A_1388 = arith.constant 16 : i32
    %mul3A_1389 = vector.broadcast %mul3A_1388 : i32 to vector<16xi32>
    %mul3A_1390 = arith.muli %iota3A, %mul3A_1389 : vector<16xi32>
    %add3A_1391 = arith.constant 10 : i32
    %add3A_1392 = vector.broadcast %add3A_1391 : i32 to vector<16xi32>
    %add3A_1393 = arith.addi %mul3A_1390, %add3A_1392 : vector<16xi32>
    %gather3A_1394 = tpu.vector_load_idx %arg24[%add3A_1393] : memref<256xi32, #tpu.memory_space<vmem>>[vector<16xi32>], vector<16xi32>,
    %add3A_1395 = arith.addi %add3A_1387, %gather3A_1394 : vector<16xi32>
    %mul3A_1396 = arith.constant 16 : i32
    %mul3A_1397 = vector.broadcast %mul3A_1396 : i32 to vector<16xi32>
    %mul3A_1398 = arith.muli %iota3A, %mul3A_1397 : vector<16xi32>
    %add3A_1399 = arith.constant 11 : i32
    %add3A_1400 = vector.broadcast %add3A_1399 : i32 to vector<16xi32>
    %add3A_1401 = arith.addi %mul3A_1398, %add3A_1400 : vector<16xi32>
    %gather3A_1402 = tpu.vector_load_idx %arg24[%add3A_1401] : memref<256xi32, #tpu.memory_space<vmem>>[vector<16xi32>], vector<16xi32>,
    %add3A_1403 = arith.addi %add3A_1395, %gather3A_1402 : vector<16xi32>
    %mul3A_1404 = arith.constant 16 : i32
    %mul3A_1405 = vector.broadcast %mul3A_1404 : i32 to vector<16xi32>
    %mul3A_1406 = arith.muli %iota3A, %mul3A_1405 : vector<16xi32>
    %add3A_1407 = arith.constant 12 : i32
    %add3A_1408 = vector.broadcast %add3A_1407 : i32 to vector<16xi32>
    %add3A_1409 = arith.addi %mul3A_1406, %add3A_1408 : vector<16xi32>
    %gather3A_1410 = tpu.vector_load_idx %arg24[%add3A_1409] : memref<256xi32, #tpu.memory_space<vmem>>[vector<16xi32>], vector<16xi32>,
    %add3A_1411 = arith.addi %add3A_1403, %gather3A_1410 : vector<16xi32>
    %mul3A_1412 = arith.constant 16 : i32
    %mul3A_1413 = vector.broadcast %mul3A_1412 : i32 to vector<16xi32>
    %mul3A_1414 = arith.muli %iota3A, %mul3A_1413 : vector<16xi32>
    %add3A_1415 = arith.constant 13 : i32
    %add3A_1416 = vector.broadcast %add3A_1415 : i32 to vector<16xi32>
    %add3A_1417 = arith.addi %mul3A_1414, %add3A_1416 : vector<16xi32>
    %gather3A_1418 = tpu.vector_load_idx %arg24[%add3A_1417] : memref<256xi32, #tpu.memory_space<vmem>>[vector<16xi32>], vector<16xi32>,
    %add3A_1419 = arith.addi %add3A_1411, %gather3A_1418 : vector<16xi32>
    %mul3A_1420 = arith.constant 16 : i32
    %mul3A_1421 = vector.broadcast %mul3A_1420 : i32 to vector<16xi32>
    %mul3A_1422 = arith.muli %iota3A, %mul3A_1421 : vector<16xi32>
    %add3A_1423 = arith.constant 14 : i32
    %add3A_1424 = vector.broadcast %add3A_1423 : i32 to vector<16xi32>
    %add3A_1425 = arith.addi %mul3A_1422, %add3A_1424 : vector<16xi32>
    %gather3A_1426 = tpu.vector_load_idx %arg24[%add3A_1425] : memref<256xi32, #tpu.memory_space<vmem>>[vector<16xi32>], vector<16xi32>,
    %add3A_1427 = arith.addi %add3A_1419, %gather3A_1426 : vector<16xi32>
    %mul3A_1428 = arith.constant 16 : i32
    %mul3A_1429 = vector.broadcast %mul3A_1428 : i32 to vector<16xi32>
    %mul3A_1430 = arith.muli %iota3A, %mul3A_1429 : vector<16xi32>
    %add3A_1431 = arith.constant 15 : i32
    %add3A_1432 = vector.broadcast %add3A_1431 : i32 to vector<16xi32>
    %add3A_1433 = arith.addi %mul3A_1430, %add3A_1432 : vector<16xi32>
    %gather3A_1434 = tpu.vector_load_idx %arg24[%add3A_1433] : memref<256xi32, #tpu.memory_space<vmem>>[vector<16xi32>], vector<16xi32>,
    %add3A_1435 = arith.addi %add3A_1427, %gather3A_1434 : vector<16xi32>
    %broadcast_in_dim3A_1436 = arith.constant true
    %broadcast_in_dim3A_1437 = vector.broadcast %broadcast_in_dim3A_1436 : i1 to vector<16xi1>
    %masked_cumsum3A_1438 = tpu.scan <sum>, %add3A_1435 masked %broadcast_in_dim3A_1437 : vector<16xi32>, vector<16xi1> -> vector<16xi32>
    %reduce_sum3A_1439 = arith.constant true
    %reduce_sum3A_1440 = vector.broadcast %reduce_sum3A_1439 : i1 to vector<16xi1>
    %reduce_sum3A_1441 = tpu.scan <sum>, %add3A_1435 masked %reduce_sum3A_1440 : vector<16xi32>, vector<16xi1> -> vector<16xi32>
    %reduce_sum3A_1442 = vector.extract %reduce_sum3A_1441[15] : i32 from vector<16xi32>
    %sub3A_1443 = vector.broadcast %reduce_sum3A_1442 : i32 to vector<16xi32>
    %sub3A_1444 = arith.subi %sub3A_1443, %masked_cumsum3A_1438 : vector<16xi32>
    %add3A_1445 = arith.addi %sub3A_1444, %add3A_1435 : vector<16xi32>
    %ge3A_1446 = vector.broadcast %sub3A_1082 : i32 to vector<16xi32>
    %ge3A_1447 = arith.cmpi sge, %add3A_1445, %ge3A_1446 : vector<16xi32>
    %all_reduce_population_count3A_1448 = tpu.all_reduce %ge3A_1447 {dim = 0 : i64, kind = #tpu.reduction_kind<sum>} : vector<16xi1> -> vector<16xi32>
    %slice3A_1449 = vector.extract_strided_slice %all_reduce_population_count3A_1448 {offsets = [0], sizes = [1], strides = [1]} : vector<16xi32> to vector<1xi32>
    %squeeze3A_1450 = vector.extract %slice3A_1449[0] : i32 from vector<1xi32>
    %sub3A_1451 = arith.constant 1 : i32
    %sub3A_1452 = arith.subi %squeeze3A_1450, %sub3A_1451 : i32
    %eq3A_1453 = vector.broadcast %sub3A_1452 : i32 to vector<16xi32>
    %eq3A_1454 = arith.cmpi eq, %iota3A, %eq3A_1453 : vector<16xi32>
    %sub3A_1455 = arith.subi %add3A_1445, %add3A_1435 : vector<16xi32>
    %jit3A_1456 = arith.constant 0 : i32
    %broadcast_in_dim3A_1457 = vector.broadcast %jit3A_1456 : i32 to vector<16xi32>
    %select_n3A_1458 = arith.select %eq3A_1454, %sub3A_1455, %broadcast_in_dim3A_1457 : vector<16xi1>, vector<16xi32>
    %reduce_sum3A_1459 = arith.constant true
    %reduce_sum3A_1460 = vector.broadcast %reduce_sum3A_1459 : i1 to vector<16xi1>
    %reduce_sum3A_1461 = tpu.scan <sum>, %select_n3A_1458 masked %reduce_sum3A_1460 : vector<16xi32>, vector<16xi1> -> vector<16xi32>
    %reduce_sum3A_1462 = vector.extract %reduce_sum3A_1461[15] : i32 from vector<16xi32>
    %mul3A_1463 = arith.constant 16 : i32
    %mul3A_1464 = arith.muli %sub3A_1452, %mul3A_1463 : i32
    %get3A_1465 = arith.index_cast %mul3A_1464 : i32 to index
    %get3A_1466 = tpu.vector_load %arg24[%get3A_1465] {strides = array<i32>} : memref<256xi32, #tpu.memory_space<vmem>>, vector<16xi32>,
    %rev3A_1467 = arith.constant 15 : i32
    %rev3A_1468 = vector.broadcast %rev3A_1467 : i32 to vector<16xi32>
    %rev3A_1469 = tpu.iota {dimensions = array<i32: 0>} : vector<16xi32>
    %rev3A_1470 = arith.subi %rev3A_1468, %rev3A_1469 : vector<16xi32>
    %rev3A_1471 = tpu.dynamic_gather %get3A_1466[%rev3A_1470] in [0] : vector<16xi32>, vector<16xi32> -> vector<16xi32>
    %broadcast_in_dim3A_1472 = arith.constant true
    %broadcast_in_dim3A_1473 = vector.broadcast %broadcast_in_dim3A_1472 : i1 to vector<16xi1>
    %masked_cumsum3A_1474 = tpu.scan <sum>, %rev3A_1471 masked %broadcast_in_dim3A_1473 : vector<16xi32>, vector<16xi1> -> vector<16xi32>
    %add3A_1475 = vector.broadcast %reduce_sum3A_1462 : i32 to vector<16xi32>
    %add3A_1476 = arith.addi %add3A_1475, %masked_cumsum3A_1474 : vector<16xi32>
    %ge3A_1477 = vector.broadcast %sub3A_1082 : i32 to vector<16xi32>
    %ge3A_1478 = arith.cmpi sge, %add3A_1476, %ge3A_1477 : vector<16xi32>
    %all_reduce_population_count3A_1479 = tpu.all_reduce %ge3A_1478 {dim = 0 : i64, kind = #tpu.reduction_kind<sum>} : vector<16xi1> -> vector<16xi32>
    %slice3A_1480 = vector.extract_strided_slice %all_reduce_population_count3A_1479 {offsets = [0], sizes = [1], strides = [1]} : vector<16xi32> to vector<1xi32>
    %squeeze3A_1481 = vector.extract %slice3A_1480[0] : i32 from vector<1xi32>
    %sub3A_1482 = arith.constant 16 : i32
    %sub3A_1483 = arith.subi %sub3A_1482, %squeeze3A_1481 : i32
    %mul3A_1484 = arith.constant 16 : i32
    %mul3A_1485 = arith.muli %sub3A_1452, %mul3A_1484 : i32
    %add3A_1486 = arith.constant 15 : i32
    %add3A_1487 = arith.addi %mul3A_1485, %add3A_1486 : i32
    %sub3A_1488 = arith.subi %add3A_1487, %sub3A_1483 : i32
    %eq3A_1489 = vector.broadcast %sub3A_1483 : i32 to vector<16xi32>
    %eq3A_1490 = arith.cmpi eq, %iota3A, %eq3A_1489 : vector<16xi32>
    %jit3A_1491 = arith.constant 0 : i32
    %broadcast_in_dim3A_1492 = vector.broadcast %jit3A_1491 : i32 to vector<16xi32>
    %select_n3A_1493 = arith.select %eq3A_1490, %masked_cumsum3A_1474, %broadcast_in_dim3A_1492 : vector<16xi1>, vector<16xi32>
    %reduce_sum3A_1494 = arith.constant true
    %reduce_sum3A_1495 = vector.broadcast %reduce_sum3A_1494 : i1 to vector<16xi1>
    %reduce_sum3A_1496 = tpu.scan <sum>, %select_n3A_1493 masked %reduce_sum3A_1495 : vector<16xi32>, vector<16xi1> -> vector<16xi32>
    %reduce_sum3A_1497 = vector.extract %reduce_sum3A_1496[15] : i32 from vector<16xi32>
    %add3A_1498 = arith.addi %reduce_sum3A_1462, %reduce_sum3A_1497 : i32
    %eq3A_1499 = vector.broadcast %sub3A_1483 : i32 to vector<16xi32>
    %eq3A_1500 = arith.cmpi eq, %iota3A, %eq3A_1499 : vector<16xi32>
    %jit3A_1501 = arith.constant 0 : i32
    %broadcast_in_dim3A_1502 = vector.broadcast %jit3A_1501 : i32 to vector<16xi32>
    %select_n3A_1503 = arith.select %eq3A_1500, %rev3A_1471, %broadcast_in_dim3A_1502 : vector<16xi1>, vector<16xi32>
    %reduce_sum3A_1504 = arith.constant true
    %reduce_sum3A_1505 = vector.broadcast %reduce_sum3A_1504 : i1 to vector<16xi1>
    %reduce_sum3A_1506 = tpu.scan <sum>, %select_n3A_1503 masked %reduce_sum3A_1505 : vector<16xi32>, vector<16xi1> -> vector<16xi32>
    %reduce_sum3A_1507 = vector.extract %reduce_sum3A_1506[15] : i32 from vector<16xi32>
    %sub3A_1508 = arith.subi %add3A_1498, %reduce_sum3A_1507 : i32
    %sub3A_1509 = arith.subi %sub3A_1082, %sub3A_1508 : i32
    %shift_left3A_1510 = arith.constant 8 : i32
    %shift_left3A_1511 = arith.shli %or3A_1085, %shift_left3A_1510 : i32
    %or3A_1512 = arith.ori %shift_left3A_1511, %sub3A_1488 : i32
    %mul3A_1513 = arith.constant 16 : i32
    %mul3A_1514 = vector.broadcast %mul3A_1513 : i32 to vector<16xi32>
    %mul3A_1515 = arith.muli %iota3A, %mul3A_1514 : vector<16xi32>
    %gather3A_1516 = tpu.vector_load_idx %arg25[%mul3A_1515] : memref<256xi32, #tpu.memory_space<vmem>>[vector<16xi32>], vector<16xi32>,
    %mul3A_1517 = arith.constant 16 : i32
    %mul3A_1518 = vector.broadcast %mul3A_1517 : i32 to vector<16xi32>
    %mul3A_1519 = arith.muli %iota3A, %mul3A_1518 : vector<16xi32>
    %add3A_1520 = arith.constant 1 : i32
    %add3A_1521 = vector.broadcast %add3A_1520 : i32 to vector<16xi32>
    %add3A_1522 = arith.addi %mul3A_1519, %add3A_1521 : vector<16xi32>
    %gather3A_1523 = tpu.vector_load_idx %arg25[%add3A_1522] : memref<256xi32, #tpu.memory_space<vmem>>[vector<16xi32>], vector<16xi32>,
    %add3A_1524 = arith.addi %gather3A_1516, %gather3A_1523 : vector<16xi32>
    %mul3A_1525 = arith.constant 16 : i32
    %mul3A_1526 = vector.broadcast %mul3A_1525 : i32 to vector<16xi32>
    %mul3A_1527 = arith.muli %iota3A, %mul3A_1526 : vector<16xi32>
    %add3A_1528 = arith.constant 2 : i32
    %add3A_1529 = vector.broadcast %add3A_1528 : i32 to vector<16xi32>
    %add3A_1530 = arith.addi %mul3A_1527, %add3A_1529 : vector<16xi32>
    %gather3A_1531 = tpu.vector_load_idx %arg25[%add3A_1530] : memref<256xi32, #tpu.memory_space<vmem>>[vector<16xi32>], vector<16xi32>,
    %add3A_1532 = arith.addi %add3A_1524, %gather3A_1531 : vector<16xi32>
    %mul3A_1533 = arith.constant 16 : i32
    %mul3A_1534 = vector.broadcast %mul3A_1533 : i32 to vector<16xi32>
    %mul3A_1535 = arith.muli %iota3A, %mul3A_1534 : vector<16xi32>
    %add3A_1536 = arith.constant 3 : i32
    %add3A_1537 = vector.broadcast %add3A_1536 : i32 to vector<16xi32>
    %add3A_1538 = arith.addi %mul3A_1535, %add3A_1537 : vector<16xi32>
    %gather3A_1539 = tpu.vector_load_idx %arg25[%add3A_1538] : memref<256xi32, #tpu.memory_space<vmem>>[vector<16xi32>], vector<16xi32>,
    %add3A_1540 = arith.addi %add3A_1532, %gather3A_1539 : vector<16xi32>
    %mul3A_1541 = arith.constant 16 : i32
    %mul3A_1542 = vector.broadcast %mul3A_1541 : i32 to vector<16xi32>
    %mul3A_1543 = arith.muli %iota3A, %mul3A_1542 : vector<16xi32>
    %add3A_1544 = arith.constant 4 : i32
    %add3A_1545 = vector.broadcast %add3A_1544 : i32 to vector<16xi32>
    %add3A_1546 = arith.addi %mul3A_1543, %add3A_1545 : vector<16xi32>
    %gather3A_1547 = tpu.vector_load_idx %arg25[%add3A_1546] : memref<256xi32, #tpu.memory_space<vmem>>[vector<16xi32>], vector<16xi32>,
    %add3A_1548 = arith.addi %add3A_1540, %gather3A_1547 : vector<16xi32>
    %mul3A_1549 = arith.constant 16 : i32
    %mul3A_1550 = vector.broadcast %mul3A_1549 : i32 to vector<16xi32>
    %mul3A_1551 = arith.muli %iota3A, %mul3A_1550 : vector<16xi32>
    %add3A_1552 = arith.constant 5 : i32
    %add3A_1553 = vector.broadcast %add3A_1552 : i32 to vector<16xi32>
    %add3A_1554 = arith.addi %mul3A_1551, %add3A_1553 : vector<16xi32>
    %gather3A_1555 = tpu.vector_load_idx %arg25[%add3A_1554] : memref<256xi32, #tpu.memory_space<vmem>>[vector<16xi32>], vector<16xi32>,
    %add3A_1556 = arith.addi %add3A_1548, %gather3A_1555 : vector<16xi32>
    %mul3A_1557 = arith.constant 16 : i32
    %mul3A_1558 = vector.broadcast %mul3A_1557 : i32 to vector<16xi32>
    %mul3A_1559 = arith.muli %iota3A, %mul3A_1558 : vector<16xi32>
    %add3A_1560 = arith.constant 6 : i32
    %add3A_1561 = vector.broadcast %add3A_1560 : i32 to vector<16xi32>
    %add3A_1562 = arith.addi %mul3A_1559, %add3A_1561 : vector<16xi32>
    %gather3A_1563 = tpu.vector_load_idx %arg25[%add3A_1562] : memref<256xi32, #tpu.memory_space<vmem>>[vector<16xi32>], vector<16xi32>,
    %add3A_1564 = arith.addi %add3A_1556, %gather3A_1563 : vector<16xi32>
    %mul3A_1565 = arith.constant 16 : i32
    %mul3A_1566 = vector.broadcast %mul3A_1565 : i32 to vector<16xi32>
    %mul3A_1567 = arith.muli %iota3A, %mul3A_1566 : vector<16xi32>
    %add3A_1568 = arith.constant 7 : i32
    %add3A_1569 = vector.broadcast %add3A_1568 : i32 to vector<16xi32>
    %add3A_1570 = arith.addi %mul3A_1567, %add3A_1569 : vector<16xi32>
    %gather3A_1571 = tpu.vector_load_idx %arg25[%add3A_1570] : memref<256xi32, #tpu.memory_space<vmem>>[vector<16xi32>], vector<16xi32>,
    %add3A_1572 = arith.addi %add3A_1564, %gather3A_1571 : vector<16xi32>
    %mul3A_1573 = arith.constant 16 : i32
    %mul3A_1574 = vector.broadcast %mul3A_1573 : i32 to vector<16xi32>
    %mul3A_1575 = arith.muli %iota3A, %mul3A_1574 : vector<16xi32>
    %add3A_1576 = arith.constant 8 : i32
    %add3A_1577 = vector.broadcast %add3A_1576 : i32 to vector<16xi32>
    %add3A_1578 = arith.addi %mul3A_1575, %add3A_1577 : vector<16xi32>
    %gather3A_1579 = tpu.vector_load_idx %arg25[%add3A_1578] : memref<256xi32, #tpu.memory_space<vmem>>[vector<16xi32>], vector<16xi32>,
    %add3A_1580 = arith.addi %add3A_1572, %gather3A_1579 : vector<16xi32>
    %mul3A_1581 = arith.constant 16 : i32
    %mul3A_1582 = vector.broadcast %mul3A_1581 : i32 to vector<16xi32>
    %mul3A_1583 = arith.muli %iota3A, %mul3A_1582 : vector<16xi32>
    %add3A_1584 = arith.constant 9 : i32
    %add3A_1585 = vector.broadcast %add3A_1584 : i32 to vector<16xi32>
    %add3A_1586 = arith.addi %mul3A_1583, %add3A_1585 : vector<16xi32>
    %gather3A_1587 = tpu.vector_load_idx %arg25[%add3A_1586] : memref<256xi32, #tpu.memory_space<vmem>>[vector<16xi32>], vector<16xi32>,
    %add3A_1588 = arith.addi %add3A_1580, %gather3A_1587 : vector<16xi32>
    %mul3A_1589 = arith.constant 16 : i32
    %mul3A_1590 = vector.broadcast %mul3A_1589 : i32 to vector<16xi32>
    %mul3A_1591 = arith.muli %iota3A, %mul3A_1590 : vector<16xi32>
    %add3A_1592 = arith.constant 10 : i32
    %add3A_1593 = vector.broadcast %add3A_1592 : i32 to vector<16xi32>
    %add3A_1594 = arith.addi %mul3A_1591, %add3A_1593 : vector<16xi32>
    %gather3A_1595 = tpu.vector_load_idx %arg25[%add3A_1594] : memref<256xi32, #tpu.memory_space<vmem>>[vector<16xi32>], vector<16xi32>,
    %add3A_1596 = arith.addi %add3A_1588, %gather3A_1595 : vector<16xi32>
    %mul3A_1597 = arith.constant 16 : i32
    %mul3A_1598 = vector.broadcast %mul3A_1597 : i32 to vector<16xi32>
    %mul3A_1599 = arith.muli %iota3A, %mul3A_1598 : vector<16xi32>
    %add3A_1600 = arith.constant 11 : i32
    %add3A_1601 = vector.broadcast %add3A_1600 : i32 to vector<16xi32>
    %add3A_1602 = arith.addi %mul3A_1599, %add3A_1601 : vector<16xi32>
    %gather3A_1603 = tpu.vector_load_idx %arg25[%add3A_1602] : memref<256xi32, #tpu.memory_space<vmem>>[vector<16xi32>], vector<16xi32>,
    %add3A_1604 = arith.addi %add3A_1596, %gather3A_1603 : vector<16xi32>
    %mul3A_1605 = arith.constant 16 : i32
    %mul3A_1606 = vector.broadcast %mul3A_1605 : i32 to vector<16xi32>
    %mul3A_1607 = arith.muli %iota3A, %mul3A_1606 : vector<16xi32>
    %add3A_1608 = arith.constant 12 : i32
    %add3A_1609 = vector.broadcast %add3A_1608 : i32 to vector<16xi32>
    %add3A_1610 = arith.addi %mul3A_1607, %add3A_1609 : vector<16xi32>
    %gather3A_1611 = tpu.vector_load_idx %arg25[%add3A_1610] : memref<256xi32, #tpu.memory_space<vmem>>[vector<16xi32>], vector<16xi32>,
    %add3A_1612 = arith.addi %add3A_1604, %gather3A_1611 : vector<16xi32>
    %mul3A_1613 = arith.constant 16 : i32
    %mul3A_1614 = vector.broadcast %mul3A_1613 : i32 to vector<16xi32>
    %mul3A_1615 = arith.muli %iota3A, %mul3A_1614 : vector<16xi32>
    %add3A_1616 = arith.constant 13 : i32
    %add3A_1617 = vector.broadcast %add3A_1616 : i32 to vector<16xi32>
    %add3A_1618 = arith.addi %mul3A_1615, %add3A_1617 : vector<16xi32>
    %gather3A_1619 = tpu.vector_load_idx %arg25[%add3A_1618] : memref<256xi32, #tpu.memory_space<vmem>>[vector<16xi32>], vector<16xi32>,
    %add3A_1620 = arith.addi %add3A_1612, %gather3A_1619 : vector<16xi32>
    %mul3A_1621 = arith.constant 16 : i32
    %mul3A_1622 = vector.broadcast %mul3A_1621 : i32 to vector<16xi32>
    %mul3A_1623 = arith.muli %iota3A, %mul3A_1622 : vector<16xi32>
    %add3A_1624 = arith.constant 14 : i32
    %add3A_1625 = vector.broadcast %add3A_1624 : i32 to vector<16xi32>
    %add3A_1626 = arith.addi %mul3A_1623, %add3A_1625 : vector<16xi32>
    %gather3A_1627 = tpu.vector_load_idx %arg25[%add3A_1626] : memref<256xi32, #tpu.memory_space<vmem>>[vector<16xi32>], vector<16xi32>,
    %add3A_1628 = arith.addi %add3A_1620, %gather3A_1627 : vector<16xi32>
    %mul3A_1629 = arith.constant 16 : i32
    %mul3A_1630 = vector.broadcast %mul3A_1629 : i32 to vector<16xi32>
    %mul3A_1631 = arith.muli %iota3A, %mul3A_1630 : vector<16xi32>
    %add3A_1632 = arith.constant 15 : i32
    %add3A_1633 = vector.broadcast %add3A_1632 : i32 to vector<16xi32>
    %add3A_1634 = arith.addi %mul3A_1631, %add3A_1633 : vector<16xi32>
    %gather3A_1635 = tpu.vector_load_idx %arg25[%add3A_1634] : memref<256xi32, #tpu.memory_space<vmem>>[vector<16xi32>], vector<16xi32>,
    %add3A_1636 = arith.addi %add3A_1628, %gather3A_1635 : vector<16xi32>
    %broadcast_in_dim3A_1637 = arith.constant true
    %broadcast_in_dim3A_1638 = vector.broadcast %broadcast_in_dim3A_1637 : i1 to vector<16xi1>
    %masked_cumsum3A_1639 = tpu.scan <sum>, %add3A_1636 masked %broadcast_in_dim3A_1638 : vector<16xi32>, vector<16xi1> -> vector<16xi32>
    %ge3A_1640 = vector.broadcast %sub3A_1278 : i32 to vector<16xi32>
    %ge3A_1641 = arith.cmpi sge, %masked_cumsum3A_1639, %ge3A_1640 : vector<16xi32>
    %all_reduce_population_count3A_1642 = tpu.all_reduce %ge3A_1641 {dim = 0 : i64, kind = #tpu.reduction_kind<sum>} : vector<16xi1> -> vector<16xi32>
    %slice3A_1643 = vector.extract_strided_slice %all_reduce_population_count3A_1642 {offsets = [0], sizes = [1], strides = [1]} : vector<16xi32> to vector<1xi32>
    %squeeze3A_1644 = vector.extract %slice3A_1643[0] : i32 from vector<1xi32>
    %sub3A_1645 = arith.constant 16 : i32
    %sub3A_1646 = arith.subi %sub3A_1645, %squeeze3A_1644 : i32
    %eq3A_1647 = vector.broadcast %sub3A_1646 : i32 to vector<16xi32>
    %eq3A_1648 = arith.cmpi eq, %iota3A, %eq3A_1647 : vector<16xi32>
    %jit3A_1649 = arith.constant 0 : i32
    %broadcast_in_dim3A_1650 = vector.broadcast %jit3A_1649 : i32 to vector<16xi32>
    %select_n3A_1651 = arith.select %eq3A_1648, %masked_cumsum3A_1639, %broadcast_in_dim3A_1650 : vector<16xi1>, vector<16xi32>
    %reduce_sum3A_1652 = arith.constant true
    %reduce_sum3A_1653 = vector.broadcast %reduce_sum3A_1652 : i1 to vector<16xi1>
    %reduce_sum3A_1654 = tpu.scan <sum>, %select_n3A_1651 masked %reduce_sum3A_1653 : vector<16xi32>, vector<16xi1> -> vector<16xi32>
    %reduce_sum3A_1655 = vector.extract %reduce_sum3A_1654[15] : i32 from vector<16xi32>
    %eq3A_1656 = vector.broadcast %sub3A_1646 : i32 to vector<16xi32>
    %eq3A_1657 = arith.cmpi eq, %iota3A, %eq3A_1656 : vector<16xi32>
    %jit3A_1658 = arith.constant 0 : i32
    %broadcast_in_dim3A_1659 = vector.broadcast %jit3A_1658 : i32 to vector<16xi32>
    %select_n3A_1660 = arith.select %eq3A_1657, %add3A_1636, %broadcast_in_dim3A_1659 : vector<16xi1>, vector<16xi32>
    %reduce_sum3A_1661 = arith.constant true
    %reduce_sum3A_1662 = vector.broadcast %reduce_sum3A_1661 : i1 to vector<16xi1>
    %reduce_sum3A_1663 = tpu.scan <sum>, %select_n3A_1660 masked %reduce_sum3A_1662 : vector<16xi32>, vector<16xi1> -> vector<16xi32>
    %reduce_sum3A_1664 = vector.extract %reduce_sum3A_1663[15] : i32 from vector<16xi32>
    %sub3A_1665 = arith.subi %reduce_sum3A_1655, %reduce_sum3A_1664 : i32
    %mul3A_1666 = arith.constant 16 : i32
    %mul3A_1667 = arith.muli %sub3A_1646, %mul3A_1666 : i32
    %get3A_1668 = arith.index_cast %mul3A_1667 : i32 to index
    %get3A_1669 = tpu.vector_load %arg25[%get3A_1668] {strides = array<i32>} : memref<256xi32, #tpu.memory_space<vmem>>, vector<16xi32>,
    %broadcast_in_dim3A_1670 = arith.constant true
    %broadcast_in_dim3A_1671 = vector.broadcast %broadcast_in_dim3A_1670 : i1 to vector<16xi1>
    %masked_cumsum3A_1672 = tpu.scan <sum>, %get3A_1669 masked %broadcast_in_dim3A_1671 : vector<16xi32>, vector<16xi1> -> vector<16xi32>
    %add3A_1673 = vector.broadcast %sub3A_1665 : i32 to vector<16xi32>
    %add3A_1674 = arith.addi %add3A_1673, %masked_cumsum3A_1672 : vector<16xi32>
    %ge3A_1675 = vector.broadcast %sub3A_1278 : i32 to vector<16xi32>
    %ge3A_1676 = arith.cmpi sge, %add3A_1674, %ge3A_1675 : vector<16xi32>
    %all_reduce_population_count3A_1677 = tpu.all_reduce %ge3A_1676 {dim = 0 : i64, kind = #tpu.reduction_kind<sum>} : vector<16xi1> -> vector<16xi32>
    %slice3A_1678 = vector.extract_strided_slice %all_reduce_population_count3A_1677 {offsets = [0], sizes = [1], strides = [1]} : vector<16xi32> to vector<1xi32>
    %squeeze3A_1679 = vector.extract %slice3A_1678[0] : i32 from vector<1xi32>
    %sub3A_1680 = arith.constant 16 : i32
    %sub3A_1681 = arith.subi %sub3A_1680, %squeeze3A_1679 : i32
    %mul3A_1682 = arith.constant 16 : i32
    %mul3A_1683 = arith.muli %sub3A_1646, %mul3A_1682 : i32
    %add3A_1684 = arith.addi %mul3A_1683, %sub3A_1681 : i32
    %eq3A_1685 = vector.broadcast %sub3A_1681 : i32 to vector<16xi32>
    %eq3A_1686 = arith.cmpi eq, %iota3A, %eq3A_1685 : vector<16xi32>
    %jit3A_1687 = arith.constant 0 : i32
    %broadcast_in_dim3A_1688 = vector.broadcast %jit3A_1687 : i32 to vector<16xi32>
    %select_n3A_1689 = arith.select %eq3A_1686, %masked_cumsum3A_1672, %broadcast_in_dim3A_1688 : vector<16xi1>, vector<16xi32>
    %reduce_sum3A_1690 = arith.constant true
    %reduce_sum3A_1691 = vector.broadcast %reduce_sum3A_1690 : i1 to vector<16xi1>
    %reduce_sum3A_1692 = tpu.scan <sum>, %select_n3A_1689 masked %reduce_sum3A_1691 : vector<16xi32>, vector<16xi1> -> vector<16xi32>
    %reduce_sum3A_1693 = vector.extract %reduce_sum3A_1692[15] : i32 from vector<16xi32>
    %add3A_1694 = arith.addi %sub3A_1665, %reduce_sum3A_1693 : i32
    %eq3A_1695 = vector.broadcast %sub3A_1681 : i32 to vector<16xi32>
    %eq3A_1696 = arith.cmpi eq, %iota3A, %eq3A_1695 : vector<16xi32>
    %jit3A_1697 = arith.constant 0 : i32
    %broadcast_in_dim3A_1698 = vector.broadcast %jit3A_1697 : i32 to vector<16xi32>
    %select_n3A_1699 = arith.select %eq3A_1696, %get3A_1669, %broadcast_in_dim3A_1698 : vector<16xi1>, vector<16xi32>
    %reduce_sum3A_1700 = arith.constant true
    %reduce_sum3A_1701 = vector.broadcast %reduce_sum3A_1700 : i1 to vector<16xi1>
    %reduce_sum3A_1702 = tpu.scan <sum>, %select_n3A_1699 masked %reduce_sum3A_1701 : vector<16xi32>, vector<16xi1> -> vector<16xi32>
    %reduce_sum3A_1703 = vector.extract %reduce_sum3A_1702[15] : i32 from vector<16xi32>
    %sub3A_1704 = arith.subi %add3A_1694, %reduce_sum3A_1703 : i32
    %sub3A_1705 = arith.subi %sub3A_1278, %sub3A_1704 : i32
    %shift_left3A_1706 = arith.constant 8 : i32
    %shift_left3A_1707 = arith.shli %or3A_1281, %shift_left3A_1706 : i32
    %or3A_1708 = arith.ori %shift_left3A_1707, %add3A_1684 : i32
    %xor3A = arith.constant -2147483648 : i32
    %xor3A_1709 = arith.xori %or3A_1512, %xor3A : i32
    %xor3A_1710 = arith.constant -2147483648 : i32
    %xor3A_1711 = arith.xori %or3A_1708, %xor3A_1710 : i32
    %mul3A_1712 = arith.constant 256 : i32
    %mul3A_1713 = vector.broadcast %mul3A_1712 : i32 to vector<16xi32>
    %mul3A_1714 = arith.muli %iota3A, %mul3A_1713 : vector<16xi32>
    %add3A_1715 = vector.broadcast %sub3A_1488 : i32 to vector<16xi32>
    %add3A_1716 = arith.addi %mul3A_1714, %add3A_1715 : vector<16xi32>
    %gather3A_1717 = tpu.vector_load_idx %arg22[%add3A_1716] : memref<4096xi32, #tpu.memory_space<vmem>>[vector<16xi32>], vector<16xi32>,
    %lt3A = vector.broadcast %arg1 : i32 to vector<16xi32>
    %lt3A_1718 = arith.cmpi slt, %iota3A, %lt3A : vector<16xi32>
    %jit3A_1719 = arith.constant 0 : i32
    %broadcast_in_dim3A_1720 = vector.broadcast %jit3A_1719 : i32 to vector<16xi32>
    %select_n3A_1721 = arith.select %lt3A_1718, %gather3A_1717, %broadcast_in_dim3A_1720 : vector<16xi1>, vector<16xi32>
    %reduce_sum3A_1722 = arith.constant true
    %reduce_sum3A_1723 = vector.broadcast %reduce_sum3A_1722 : i1 to vector<16xi1>
    %reduce_sum3A_1724 = tpu.scan <sum>, %select_n3A_1721 masked %reduce_sum3A_1723 : vector<16xi32>, vector<16xi1> -> vector<16xi32>
    %reduce_sum3A_1725 = vector.extract %reduce_sum3A_1724[15] : i32 from vector<16xi32>
    %eq3A_1726 = vector.broadcast %arg1 : i32 to vector<16xi32>
    %eq3A_1727 = arith.cmpi eq, %iota3A, %eq3A_1726 : vector<16xi32>
    %jit3A_1728 = arith.constant 0 : i32
    %broadcast_in_dim3A_1729 = vector.broadcast %jit3A_1728 : i32 to vector<16xi32>
    %select_n3A_1730 = arith.select %eq3A_1727, %gather3A_1717, %broadcast_in_dim3A_1729 : vector<16xi1>, vector<16xi32>
    %reduce_sum3A_1731 = arith.constant true
    %reduce_sum3A_1732 = vector.broadcast %reduce_sum3A_1731 : i1 to vector<16xi1>
    %reduce_sum3A_1733 = tpu.scan <sum>, %select_n3A_1730 masked %reduce_sum3A_1732 : vector<16xi32>, vector<16xi1> -> vector<16xi32>
    %reduce_sum3A_1734 = vector.extract %reduce_sum3A_1733[15] : i32 from vector<16xi32>
    %sub3A_1735 = arith.subi %sub3A_1509, %reduce_sum3A_1725 : i32
    %min3A = arith.minsi %sub3A_1735, %reduce_sum3A_1734 : i32
    %max3A = arith.constant 0 : i32
    %max3A_1736 = arith.maxsi %max3A, %min3A : i32
    %mul3A_1737 = arith.constant 256 : i32
    %mul3A_1738 = vector.broadcast %mul3A_1737 : i32 to vector<16xi32>
    %mul3A_1739 = arith.muli %iota3A, %mul3A_1738 : vector<16xi32>
    %add3A_1740 = vector.broadcast %add3A_1684 : i32 to vector<16xi32>
    %add3A_1741 = arith.addi %mul3A_1739, %add3A_1740 : vector<16xi32>
    %gather3A_1742 = tpu.vector_load_idx %arg23[%add3A_1741] : memref<4096xi32, #tpu.memory_space<vmem>>[vector<16xi32>], vector<16xi32>,
    %lt3A_1743 = vector.broadcast %arg1 : i32 to vector<16xi32>
    %lt3A_1744 = arith.cmpi slt, %iota3A, %lt3A_1743 : vector<16xi32>
    %jit3A_1745 = arith.constant 0 : i32
    %broadcast_in_dim3A_1746 = vector.broadcast %jit3A_1745 : i32 to vector<16xi32>
    %select_n3A_1747 = arith.select %lt3A_1744, %gather3A_1742, %broadcast_in_dim3A_1746 : vector<16xi1>, vector<16xi32>
    %reduce_sum3A_1748 = arith.constant true
    %reduce_sum3A_1749 = vector.broadcast %reduce_sum3A_1748 : i1 to vector<16xi1>
    %reduce_sum3A_1750 = tpu.scan <sum>, %select_n3A_1747 masked %reduce_sum3A_1749 : vector<16xi32>, vector<16xi1> -> vector<16xi32>
    %reduce_sum3A_1751 = vector.extract %reduce_sum3A_1750[15] : i32 from vector<16xi32>
    %eq3A_1752 = vector.broadcast %arg1 : i32 to vector<16xi32>
    %eq3A_1753 = arith.cmpi eq, %iota3A, %eq3A_1752 : vector<16xi32>
    %jit3A_1754 = arith.constant 0 : i32
    %broadcast_in_dim3A_1755 = vector.broadcast %jit3A_1754 : i32 to vector<16xi32>
    %select_n3A_1756 = arith.select %eq3A_1753, %gather3A_1742, %broadcast_in_dim3A_1755 : vector<16xi1>, vector<16xi32>
    %reduce_sum3A_1757 = arith.constant true
    %reduce_sum3A_1758 = vector.broadcast %reduce_sum3A_1757 : i1 to vector<16xi1>
    %reduce_sum3A_1759 = tpu.scan <sum>, %select_n3A_1756 masked %reduce_sum3A_1758 : vector<16xi32>, vector<16xi1> -> vector<16xi32>
    %reduce_sum3A_1760 = vector.extract %reduce_sum3A_1759[15] : i32 from vector<16xi32>
    %sub3A_1761 = arith.subi %sub3A_1705, %reduce_sum3A_1751 : i32
    %min3A_1762 = arith.minsi %sub3A_1761, %reduce_sum3A_1760 : i32
    %max3A_1763 = arith.constant 0 : i32
    %max3A_1764 = arith.maxsi %max3A_1763, %min3A_1762 : i32
    %scan3A_1765 = arith.constant 0 : i32
    %scan3A_1766 = arith.constant 682 : i32
    %scan3A_1767 = arith.addi %scan3A_1765, %scan3A_1766 : i32
    %scan3A_1768 = arith.constant 2 : i32
    %scan3A_1769 = scf.for %scan3A_1795 = %scan3A_1765 to %scan3A_1767 step %scan3A_1768 iter_args(%scan3A_1796 = %broadcast_in_dim3A_3) -> (vector<16xf32>)  : i32 {
      %mul3A_1797 = arith.constant 16 : i32
      %mul3A_1798 = arith.muli %scan3A_1795, %mul3A_1797 : i32
      %get3A_1799 = arith.index_cast %mul3A_1798 : i32 to index
      %get3A_1800 = tpu.vector_load %arg13[%get3A_1799] {strides = array<i32>} : memref<10912xi32, #tpu.memory_space<vmem>>, vector<16xi32>,
      %mul3A_1801 = arith.constant 16 : i32
      %mul3A_1802 = arith.muli %scan3A_1795, %mul3A_1801 : i32
      %get3A_1803 = arith.index_cast %mul3A_1802 : i32 to index
      %get3A_1804 = tpu.vector_load %arg14[%get3A_1803] {strides = array<i32>} : memref<10912xf32, #tpu.memory_space<vmem>>, vector<16xf32>,
      %gt3A_1805 = vector.broadcast %xor3A_1709 : i32 to vector<16xi32>
      %gt3A_1806 = arith.cmpi sgt, %get3A_1800, %gt3A_1805 : vector<16xi32>
      %lt3A_1807 = vector.broadcast %xor3A_1711 : i32 to vector<16xi32>
      %lt3A_1808 = arith.cmpi slt, %get3A_1800, %lt3A_1807 : vector<16xi32>
      %jit3A_1809 = arith.constant 1 : i32
      %jit3A_1810 = arith.constant 0 : i32
      %broadcast_in_dim3A_1811 = vector.broadcast %jit3A_1809 : i32 to vector<16xi32>
      %broadcast_in_dim3A_1812 = vector.broadcast %jit3A_1810 : i32 to vector<16xi32>
      %select_n3A_1813 = arith.select %gt3A_1806, %broadcast_in_dim3A_1811, %broadcast_in_dim3A_1812 : vector<16xi1>, vector<16xi32>
      %mul3A_1814 = arith.constant 16 : i32
      %mul3A_1815 = arith.muli %scan3A_1795, %mul3A_1814 : i32
      %swap3A_1816 = arith.index_cast %mul3A_1815 : i32 to index
      %swap3A_1817 = tpu.vector_load %arg16[%swap3A_1816] {strides = array<i32>} : memref<10912xi32, #tpu.memory_space<vmem>>, vector<16xi32>,
      tpu.vector_store %arg16[%swap3A_1816], %select_n3A_1813 {strides = array<i32>} : memref<10912xi32, #tpu.memory_space<vmem>>, vector<16xi32>,
      %jit3A_1818 = arith.constant 1 : i32
      %jit3A_1819 = arith.constant 0 : i32
      %broadcast_in_dim3A_1820 = vector.broadcast %jit3A_1818 : i32 to vector<16xi32>
      %broadcast_in_dim3A_1821 = vector.broadcast %jit3A_1819 : i32 to vector<16xi32>
      %select_n3A_1822 = arith.select %lt3A_1808, %broadcast_in_dim3A_1820, %broadcast_in_dim3A_1821 : vector<16xi1>, vector<16xi32>
      %mul3A_1823 = arith.constant 16 : i32
      %mul3A_1824 = arith.muli %scan3A_1795, %mul3A_1823 : i32
      %swap3A_1825 = arith.index_cast %mul3A_1824 : i32 to index
      %swap3A_1826 = tpu.vector_load %arg17[%swap3A_1825] {strides = array<i32>} : memref<10912xi32, #tpu.memory_space<vmem>>, vector<16xi32>,
      tpu.vector_store %arg17[%swap3A_1825], %select_n3A_1822 {strides = array<i32>} : memref<10912xi32, #tpu.memory_space<vmem>>, vector<16xi32>,
      %jit3A_1827 = arith.constant 0.000000e+00 : f32
      %broadcast_in_dim3A_1828 = vector.broadcast %jit3A_1827 : f32 to vector<16xf32>
      %select_n3A_1829 = arith.select %gt3A_1806, %get3A_1804, %broadcast_in_dim3A_1828 : vector<16xi1>, vector<16xf32>
      %add3A_1830 = arith.addf %scan3A_1796, %select_n3A_1829 : vector<16xf32>
      %scan3A_1831 = arith.constant 1 : i32
      %scan3A_1832 = arith.addi %scan3A_1795, %scan3A_1831 : i32
      %mul3A_1833 = arith.constant 16 : i32
      %mul3A_1834 = arith.muli %scan3A_1832, %mul3A_1833 : i32
      %get3A_1835 = arith.index_cast %mul3A_1834 : i32 to index
      %get3A_1836 = tpu.vector_load %arg13[%get3A_1835] {strides = array<i32>} : memref<10912xi32, #tpu.memory_space<vmem>>, vector<16xi32>,
      %mul3A_1837 = arith.constant 16 : i32
      %mul3A_1838 = arith.muli %scan3A_1832, %mul3A_1837 : i32
      %get3A_1839 = arith.index_cast %mul3A_1838 : i32 to index
      %get3A_1840 = tpu.vector_load %arg14[%get3A_1839] {strides = array<i32>} : memref<10912xf32, #tpu.memory_space<vmem>>, vector<16xf32>,
      %gt3A_1841 = vector.broadcast %xor3A_1709 : i32 to vector<16xi32>
      %gt3A_1842 = arith.cmpi sgt, %get3A_1836, %gt3A_1841 : vector<16xi32>
      %lt3A_1843 = vector.broadcast %xor3A_1711 : i32 to vector<16xi32>
      %lt3A_1844 = arith.cmpi slt, %get3A_1836, %lt3A_1843 : vector<16xi32>
      %jit3A_1845 = arith.constant 1 : i32
      %jit3A_1846 = arith.constant 0 : i32
      %broadcast_in_dim3A_1847 = vector.broadcast %jit3A_1845 : i32 to vector<16xi32>
      %broadcast_in_dim3A_1848 = vector.broadcast %jit3A_1846 : i32 to vector<16xi32>
      %select_n3A_1849 = arith.select %gt3A_1842, %broadcast_in_dim3A_1847, %broadcast_in_dim3A_1848 : vector<16xi1>, vector<16xi32>
      %mul3A_1850 = arith.constant 16 : i32
      %mul3A_1851 = arith.muli %scan3A_1832, %mul3A_1850 : i32
      %swap3A_1852 = arith.index_cast %mul3A_1851 : i32 to index
      %swap3A_1853 = tpu.vector_load %arg16[%swap3A_1852] {strides = array<i32>} : memref<10912xi32, #tpu.memory_space<vmem>>, vector<16xi32>,
      tpu.vector_store %arg16[%swap3A_1852], %select_n3A_1849 {strides = array<i32>} : memref<10912xi32, #tpu.memory_space<vmem>>, vector<16xi32>,
      %jit3A_1854 = arith.constant 1 : i32
      %jit3A_1855 = arith.constant 0 : i32
      %broadcast_in_dim3A_1856 = vector.broadcast %jit3A_1854 : i32 to vector<16xi32>
      %broadcast_in_dim3A_1857 = vector.broadcast %jit3A_1855 : i32 to vector<16xi32>
      %select_n3A_1858 = arith.select %lt3A_1844, %broadcast_in_dim3A_1856, %broadcast_in_dim3A_1857 : vector<16xi1>, vector<16xi32>
      %mul3A_1859 = arith.constant 16 : i32
      %mul3A_1860 = arith.muli %scan3A_1832, %mul3A_1859 : i32
      %swap3A_1861 = arith.index_cast %mul3A_1860 : i32 to index
      %swap3A_1862 = tpu.vector_load %arg17[%swap3A_1861] {strides = array<i32>} : memref<10912xi32, #tpu.memory_space<vmem>>, vector<16xi32>,
      tpu.vector_store %arg17[%swap3A_1861], %select_n3A_1858 {strides = array<i32>} : memref<10912xi32, #tpu.memory_space<vmem>>, vector<16xi32>,
      %jit3A_1863 = arith.constant 0.000000e+00 : f32
      %broadcast_in_dim3A_1864 = vector.broadcast %jit3A_1863 : f32 to vector<16xf32>
      %select_n3A_1865 = arith.select %gt3A_1842, %get3A_1840, %broadcast_in_dim3A_1864 : vector<16xi1>, vector<16xf32>
      %add3A_1866 = arith.addf %add3A_1830, %select_n3A_1865 : vector<16xf32>
      scf.yield %add3A_1866 : vector<16xf32>
    }
    %scan3A_1770 = arith.constant 682 : i32
    %gt3A = arith.constant 0 : i32
    %gt3A_1771 = arith.cmpi sgt, %max3A_1736, %gt3A : i32
    %convert_element_type3A = arith.extui %gt3A_1771 : i1 to i32
    %cond3A = arith.constant 0 : i32
    %cond3A_1772 = arith.cmpi ne, %convert_element_type3A, %cond3A : i32
    scf.if %cond3A_1772 {
      %scan3A_1795 = arith.constant 0 : i32
      %scan3A_1796 = arith.constant 682 : i32
      %scan3A_1797 = arith.addi %scan3A_1795, %scan3A_1796 : i32
      %scan3A_1798 = arith.constant 1 : i32
      %scan3A_1799 = scf.for %scan3A_1801 = %scan3A_1795 to %scan3A_1797 step %scan3A_1798 iter_args(%scan3A_1802 = %max3A_1736) -> (i32)  : i32 {
        %mul3A_1803 = arith.constant 16 : i32
        %mul3A_1804 = arith.muli %scan3A_1801, %mul3A_1803 : i32
        %get3A_1805 = arith.index_cast %mul3A_1804 : i32 to index
        %get3A_1806 = tpu.vector_load %arg13[%get3A_1805] {strides = array<i32>} : memref<10912xi32, #tpu.memory_space<vmem>>, vector<16xi32>,
        %eq3A_1807 = vector.broadcast %xor3A_1709 : i32 to vector<16xi32>
        %eq3A_1808 = arith.cmpi eq, %get3A_1806, %eq3A_1807 : vector<16xi32>
        %jit3A_1809 = arith.constant 1 : i32
        %jit3A_1810 = arith.constant 0 : i32
        %broadcast_in_dim3A_1811 = vector.broadcast %jit3A_1809 : i32 to vector<16xi32>
        %broadcast_in_dim3A_1812 = vector.broadcast %jit3A_1810 : i32 to vector<16xi32>
        %select_n3A_1813 = arith.select %eq3A_1808, %broadcast_in_dim3A_1811, %broadcast_in_dim3A_1812 : vector<16xi1>, vector<16xi32>
        %broadcast_in_dim3A_1814 = arith.constant true
        %broadcast_in_dim3A_1815 = vector.broadcast %broadcast_in_dim3A_1814 : i1 to vector<16xi1>
        %masked_cumsum3A_1816 = tpu.scan <sum>, %select_n3A_1813 masked %broadcast_in_dim3A_1815 : vector<16xi32>, vector<16xi1> -> vector<16xi32>
        %le3A = vector.broadcast %scan3A_1802 : i32 to vector<16xi32>
        %le3A_1817 = arith.cmpi sle, %masked_cumsum3A_1816, %le3A : vector<16xi32>
        %and3A = arith.andi %eq3A_1808, %le3A_1817 : vector<16xi1>
        %mul3A_1818 = arith.constant 16 : i32
        %mul3A_1819 = arith.muli %scan3A_1801, %mul3A_1818 : i32
        %get3A_1820 = arith.index_cast %mul3A_1819 : i32 to index
        %get3A_1821 = tpu.vector_load %arg16[%get3A_1820] {strides = array<i32>} : memref<10912xi32, #tpu.memory_space<vmem>>, vector<16xi32>,
        %jit3A_1822 = arith.constant 1 : i32
        %broadcast_in_dim3A_1823 = vector.broadcast %jit3A_1822 : i32 to vector<16xi32>
        %select_n3A_1824 = arith.select %and3A, %broadcast_in_dim3A_1823, %get3A_1821 : vector<16xi1>, vector<16xi32>
        %mul3A_1825 = arith.constant 16 : i32
        %mul3A_1826 = arith.muli %scan3A_1801, %mul3A_1825 : i32
        %swap3A_1827 = arith.index_cast %mul3A_1826 : i32 to index
        %swap3A_1828 = tpu.vector_load %arg16[%swap3A_1827] {strides = array<i32>} : memref<10912xi32, #tpu.memory_space<vmem>>, vector<16xi32>,
        tpu.vector_store %arg16[%swap3A_1827], %select_n3A_1824 {strides = array<i32>} : memref<10912xi32, #tpu.memory_space<vmem>>, vector<16xi32>,
        %reduce_sum3A_1829 = arith.constant true
        %reduce_sum3A_1830 = vector.broadcast %reduce_sum3A_1829 : i1 to vector<16xi1>
        %reduce_sum3A_1831 = tpu.scan <sum>, %select_n3A_1813 masked %reduce_sum3A_1830 : vector<16xi32>, vector<16xi1> -> vector<16xi32>
        %reduce_sum3A_1832 = vector.extract %reduce_sum3A_1831[15] : i32 from vector<16xi32>
        %sub3A_1833 = arith.subi %scan3A_1802, %reduce_sum3A_1832 : i32
        scf.yield %sub3A_1833 : i32
      }
      %scan3A_1800 = arith.constant 682 : i32
    } else {
    }
    %gt3A_1773 = arith.constant 0 : i32
    %gt3A_1774 = arith.cmpi sgt, %max3A_1764, %gt3A_1773 : i32
    %convert_element_type3A_1775 = arith.extui %gt3A_1774 : i1 to i32
    %cond3A_1776 = arith.constant 0 : i32
    %cond3A_1777 = arith.cmpi ne, %convert_element_type3A_1775, %cond3A_1776 : i32
    scf.if %cond3A_1777 {
      %scan3A_1795 = arith.constant 0 : i32
      %scan3A_1796 = arith.constant 682 : i32
      %scan3A_1797 = arith.addi %scan3A_1795, %scan3A_1796 : i32
      %scan3A_1798 = arith.constant 1 : i32
      %scan3A_1799 = scf.for %scan3A_1801 = %scan3A_1795 to %scan3A_1797 step %scan3A_1798 iter_args(%scan3A_1802 = %max3A_1764) -> (i32)  : i32 {
        %mul3A_1803 = arith.constant 16 : i32
        %mul3A_1804 = arith.muli %scan3A_1801, %mul3A_1803 : i32
        %get3A_1805 = arith.index_cast %mul3A_1804 : i32 to index
        %get3A_1806 = tpu.vector_load %arg13[%get3A_1805] {strides = array<i32>} : memref<10912xi32, #tpu.memory_space<vmem>>, vector<16xi32>,
        %eq3A_1807 = vector.broadcast %xor3A_1711 : i32 to vector<16xi32>
        %eq3A_1808 = arith.cmpi eq, %get3A_1806, %eq3A_1807 : vector<16xi32>
        %jit3A_1809 = arith.constant 1 : i32
        %jit3A_1810 = arith.constant 0 : i32
        %broadcast_in_dim3A_1811 = vector.broadcast %jit3A_1809 : i32 to vector<16xi32>
        %broadcast_in_dim3A_1812 = vector.broadcast %jit3A_1810 : i32 to vector<16xi32>
        %select_n3A_1813 = arith.select %eq3A_1808, %broadcast_in_dim3A_1811, %broadcast_in_dim3A_1812 : vector<16xi1>, vector<16xi32>
        %broadcast_in_dim3A_1814 = arith.constant true
        %broadcast_in_dim3A_1815 = vector.broadcast %broadcast_in_dim3A_1814 : i1 to vector<16xi1>
        %masked_cumsum3A_1816 = tpu.scan <sum>, %select_n3A_1813 masked %broadcast_in_dim3A_1815 : vector<16xi32>, vector<16xi1> -> vector<16xi32>
        %le3A = vector.broadcast %scan3A_1802 : i32 to vector<16xi32>
        %le3A_1817 = arith.cmpi sle, %masked_cumsum3A_1816, %le3A : vector<16xi32>
        %and3A = arith.andi %eq3A_1808, %le3A_1817 : vector<16xi1>
        %mul3A_1818 = arith.constant 16 : i32
        %mul3A_1819 = arith.muli %scan3A_1801, %mul3A_1818 : i32
        %get3A_1820 = arith.index_cast %mul3A_1819 : i32 to index
        %get3A_1821 = tpu.vector_load %arg17[%get3A_1820] {strides = array<i32>} : memref<10912xi32, #tpu.memory_space<vmem>>, vector<16xi32>,
        %jit3A_1822 = arith.constant 1 : i32
        %broadcast_in_dim3A_1823 = vector.broadcast %jit3A_1822 : i32 to vector<16xi32>
        %select_n3A_1824 = arith.select %and3A, %broadcast_in_dim3A_1823, %get3A_1821 : vector<16xi1>, vector<16xi32>
        %mul3A_1825 = arith.constant 16 : i32
        %mul3A_1826 = arith.muli %scan3A_1801, %mul3A_1825 : i32
        %swap3A_1827 = arith.index_cast %mul3A_1826 : i32 to index
        %swap3A_1828 = tpu.vector_load %arg17[%swap3A_1827] {strides = array<i32>} : memref<10912xi32, #tpu.memory_space<vmem>>, vector<16xi32>,
        tpu.vector_store %arg17[%swap3A_1827], %select_n3A_1824 {strides = array<i32>} : memref<10912xi32, #tpu.memory_space<vmem>>, vector<16xi32>,
        %reduce_sum3A_1829 = arith.constant true
        %reduce_sum3A_1830 = vector.broadcast %reduce_sum3A_1829 : i1 to vector<16xi1>
        %reduce_sum3A_1831 = tpu.scan <sum>, %select_n3A_1813 masked %reduce_sum3A_1830 : vector<16xi32>, vector<16xi1> -> vector<16xi32>
        %reduce_sum3A_1832 = vector.extract %reduce_sum3A_1831[15] : i32 from vector<16xi32>
        %sub3A_1833 = arith.subi %scan3A_1802, %reduce_sum3A_1832 : i32
        scf.yield %sub3A_1833 : i32
      }
      %scan3A_1800 = arith.constant 682 : i32
    } else {
    }
    %eq3A_1778 = arith.cmpi eq, %xor3A_1709, %xor3A_1711 : i32
    %convert_element_type3A_1779 = arith.extui %eq3A_1778 : i1 to i32
    %cond3A_1780 = arith.constant 0 : i32
    %cond3A_1781 = arith.cmpi ne, %convert_element_type3A_1779, %cond3A_1780 : i32
    scf.if %cond3A_1781 {
      %scan3A_1795 = arith.constant 0 : i32
      %scan3A_1796 = arith.constant 0 : i32
      %scan3A_1797 = arith.constant 682 : i32
      %scan3A_1798 = arith.addi %scan3A_1796, %scan3A_1797 : i32
      %scan3A_1799 = arith.constant 1 : i32
      scf.for %scan3A_1801 = %scan3A_1796 to %scan3A_1798 step %scan3A_1799  : i32 {
        %mul3A_1802 = arith.constant 16 : i32
        %mul3A_1803 = arith.muli %scan3A_1801, %mul3A_1802 : i32
        %get3A_1804 = arith.index_cast %mul3A_1803 : i32 to index
        %get3A_1805 = tpu.vector_load %arg16[%get3A_1804] {strides = array<i32>} : memref<10912xi32, #tpu.memory_space<vmem>>, vector<16xi32>,
        %mul3A_1806 = arith.constant 16 : i32
        %mul3A_1807 = arith.muli %scan3A_1801, %mul3A_1806 : i32
        %get3A_1808 = arith.index_cast %mul3A_1807 : i32 to index
        %get3A_1809 = tpu.vector_load %arg17[%get3A_1808] {strides = array<i32>} : memref<10912xi32, #tpu.memory_space<vmem>>, vector<16xi32>,
        %gt3A_1810 = arith.constant 0 : i32
        %gt3A_1811 = vector.broadcast %gt3A_1810 : i32 to vector<16xi32>
        %gt3A_1812 = arith.cmpi sgt, %get3A_1809, %gt3A_1811 : vector<16xi32>
        %jit3A_1813 = arith.constant 0 : i32
        %broadcast_in_dim3A_1814 = vector.broadcast %jit3A_1813 : i32 to vector<16xi32>
        %select_n3A_1815 = arith.select %gt3A_1812, %broadcast_in_dim3A_1814, %get3A_1805 : vector<16xi1>, vector<16xi32>
        %mul3A_1816 = arith.constant 16 : i32
        %mul3A_1817 = arith.muli %scan3A_1801, %mul3A_1816 : i32
        %swap3A_1818 = arith.index_cast %mul3A_1817 : i32 to index
        %swap3A_1819 = tpu.vector_load %arg16[%swap3A_1818] {strides = array<i32>} : memref<10912xi32, #tpu.memory_space<vmem>>, vector<16xi32>,
        tpu.vector_store %arg16[%swap3A_1818], %select_n3A_1815 {strides = array<i32>} : memref<10912xi32, #tpu.memory_space<vmem>>, vector<16xi32>,
      }
      %scan3A_1800 = arith.constant 682 : i32
    } else {
    }
    "tpu.region"() ({
      %run_scoped3A = tpu.sem_alloc : memref<!tpu.dma_semaphore, #tpu.memory_space<semaphore_mem>>
      %dma_start3A_1795 = tpu.memref_slice %arg4[%mul3A_0] : memref<174592xi32, #tpu.memory_space<hbm>> -> memref<10912xi32, #tpu.memory_space<hbm>>
      %dma_start3A_1796 = tpu.memref_slice %arg4[%mul3A_0] : memref<174592xi32, #tpu.memory_space<hbm>> -> memref<10912xi32, #tpu.memory_space<hbm>>
      tpu.enqueue_dma source(%arg16 : memref<10912xi32, #tpu.memory_space<vmem>>) target(%dma_start3A_1796 : memref<10912xi32, #tpu.memory_space<hbm>>) target_semaphore(%run_scoped3A : memref<!tpu.dma_semaphore, #tpu.memory_space<semaphore_mem>>)
      %dma_wait3A = tpu.memref_slice %arg4[%mul3A_0] : memref<174592xi32, #tpu.memory_space<hbm>> -> memref<10912xi32, #tpu.memory_space<hbm>>
      %dma_wait3A_1797 = tpu.memref_slice %arg4[%mul3A_0] : memref<174592xi32, #tpu.memory_space<hbm>> -> memref<10912xi32, #tpu.memory_space<hbm>>
      tpu.wait_dma2 semaphore(%run_scoped3A : memref<!tpu.dma_semaphore, #tpu.memory_space<semaphore_mem>>) src(%arg16 : memref<10912xi32, #tpu.memory_space<vmem>>) dst(%dma_wait3A_1797 : memref<10912xi32, #tpu.memory_space<hbm>>)
      tpu.yield
    }) : () -> ()
    "tpu.region"() ({
      %run_scoped3A = tpu.sem_alloc : memref<!tpu.dma_semaphore, #tpu.memory_space<semaphore_mem>>
      %dma_start3A_1795 = tpu.memref_slice %arg5[%mul3A_0] : memref<174592xi32, #tpu.memory_space<hbm>> -> memref<10912xi32, #tpu.memory_space<hbm>>
      %dma_start3A_1796 = tpu.memref_slice %arg5[%mul3A_0] : memref<174592xi32, #tpu.memory_space<hbm>> -> memref<10912xi32, #tpu.memory_space<hbm>>
      tpu.enqueue_dma source(%arg17 : memref<10912xi32, #tpu.memory_space<vmem>>) target(%dma_start3A_1796 : memref<10912xi32, #tpu.memory_space<hbm>>) target_semaphore(%run_scoped3A : memref<!tpu.dma_semaphore, #tpu.memory_space<semaphore_mem>>)
      %dma_wait3A = tpu.memref_slice %arg5[%mul3A_0] : memref<174592xi32, #tpu.memory_space<hbm>> -> memref<10912xi32, #tpu.memory_space<hbm>>
      %dma_wait3A_1797 = tpu.memref_slice %arg5[%mul3A_0] : memref<174592xi32, #tpu.memory_space<hbm>> -> memref<10912xi32, #tpu.memory_space<hbm>>
      tpu.wait_dma2 semaphore(%run_scoped3A : memref<!tpu.dma_semaphore, #tpu.memory_space<semaphore_mem>>) src(%arg17 : memref<10912xi32, #tpu.memory_space<vmem>>) dst(%dma_wait3A_1797 : memref<10912xi32, #tpu.memory_space<hbm>>)
      tpu.yield
    }) : () -> ()
    %swap3A = arith.constant 0 : index
    %swap3A_1782 = tpu.vector_load %arg26[%swap3A] {strides = array<i32>} : memref<16xf32, #tpu.memory_space<vmem>>, vector<16xf32>,
    tpu.vector_store %arg26[%swap3A], %scan3A_19 {strides = array<i32>} : memref<16xf32, #tpu.memory_space<vmem>>, vector<16xf32>,
    %swap3A_1783 = arith.constant 0 : index
    %swap3A_1784 = tpu.vector_load %arg27[%swap3A_1783] {strides = array<i32>} : memref<16xf32, #tpu.memory_space<vmem>>, vector<16xf32>,
    tpu.vector_store %arg27[%swap3A_1783], %scan3A_1769 {strides = array<i32>} : memref<16xf32, #tpu.memory_space<vmem>>, vector<16xf32>,
    %mul3A_1785 = arith.constant 16 : i32
    %mul3A_1786 = arith.muli %arg1, %mul3A_1785 : i32
    "tpu.region"() ({
      %run_scoped3A = tpu.sem_alloc : memref<!tpu.dma_semaphore, #tpu.memory_space<semaphore_mem>>
      %dma_start3A_1795 = tpu.memref_slice %arg33[%mul3A_1786] : memref<256xf32, #tpu.memory_space<vmem_shared>> -> memref<16xf32, #tpu.memory_space<vmem_shared>>
      %dma_start3A_1796 = tpu.memref_slice %arg33[%mul3A_1786] : memref<256xf32, #tpu.memory_space<vmem_shared>> -> memref<16xf32, #tpu.memory_space<vmem_shared>>
      tpu.enqueue_dma source(%arg26 : memref<16xf32, #tpu.memory_space<vmem>>) target(%dma_start3A_1796 : memref<16xf32, #tpu.memory_space<vmem_shared>>) target_semaphore(%run_scoped3A : memref<!tpu.dma_semaphore, #tpu.memory_space<semaphore_mem>>)
      %dma_wait3A = tpu.memref_slice %arg33[%mul3A_1786] : memref<256xf32, #tpu.memory_space<vmem_shared>> -> memref<16xf32, #tpu.memory_space<vmem_shared>>
      %dma_wait3A_1797 = tpu.memref_slice %arg33[%mul3A_1786] : memref<256xf32, #tpu.memory_space<vmem_shared>> -> memref<16xf32, #tpu.memory_space<vmem_shared>>
      tpu.wait_dma2 semaphore(%run_scoped3A : memref<!tpu.dma_semaphore, #tpu.memory_space<semaphore_mem>>) src(%arg26 : memref<16xf32, #tpu.memory_space<vmem>>) dst(%dma_wait3A_1797 : memref<16xf32, #tpu.memory_space<vmem_shared>>)
      tpu.yield
    }) : () -> ()
    %mul3A_1787 = arith.constant 16 : i32
    %mul3A_1788 = arith.muli %arg1, %mul3A_1787 : i32
    "tpu.region"() ({
      %run_scoped3A = tpu.sem_alloc : memref<!tpu.dma_semaphore, #tpu.memory_space<semaphore_mem>>
      %dma_start3A_1795 = tpu.memref_slice %arg34[%mul3A_1788] : memref<256xf32, #tpu.memory_space<vmem_shared>> -> memref<16xf32, #tpu.memory_space<vmem_shared>>
      %dma_start3A_1796 = tpu.memref_slice %arg34[%mul3A_1788] : memref<256xf32, #tpu.memory_space<vmem_shared>> -> memref<16xf32, #tpu.memory_space<vmem_shared>>
      tpu.enqueue_dma source(%arg27 : memref<16xf32, #tpu.memory_space<vmem>>) target(%dma_start3A_1796 : memref<16xf32, #tpu.memory_space<vmem_shared>>) target_semaphore(%run_scoped3A : memref<!tpu.dma_semaphore, #tpu.memory_space<semaphore_mem>>)
      %dma_wait3A = tpu.memref_slice %arg34[%mul3A_1788] : memref<256xf32, #tpu.memory_space<vmem_shared>> -> memref<16xf32, #tpu.memory_space<vmem_shared>>
      %dma_wait3A_1797 = tpu.memref_slice %arg34[%mul3A_1788] : memref<256xf32, #tpu.memory_space<vmem_shared>> -> memref<16xf32, #tpu.memory_space<vmem_shared>>
      tpu.wait_dma2 semaphore(%run_scoped3A : memref<!tpu.dma_semaphore, #tpu.memory_space<semaphore_mem>>) src(%arg27 : memref<16xf32, #tpu.memory_space<vmem>>) dst(%dma_wait3A_1797 : memref<16xf32, #tpu.memory_space<vmem_shared>>)
      tpu.yield
    }) : () -> ()
    %barrier3A_1789 = arith.constant 0 : index
    tpu.barrier barrier_id(%barrier3A_1789)
    %eq3A_1790 = arith.constant 0 : i32
    %eq3A_1791 = arith.cmpi eq, %arg1, %eq3A_1790 : i32
    %convert_element_type3A_1792 = arith.extui %eq3A_1791 : i1 to i32
    %cond3A_1793 = arith.constant 0 : i32
    %cond3A_1794 = arith.cmpi ne, %convert_element_type3A_1792, %cond3A_1793 : i32
    scf.if %cond3A_1794 {
      "tpu.region"() ({
        %run_scoped3A = tpu.sem_alloc : memref<!tpu.dma_semaphore, #tpu.memory_space<semaphore_mem>>
        tpu.enqueue_dma source(%arg33 : memref<256xf32, #tpu.memory_space<vmem_shared>>) target(%arg29 : memref<256xf32, #tpu.memory_space<vmem>>) target_semaphore(%run_scoped3A : memref<!tpu.dma_semaphore, #tpu.memory_space<semaphore_mem>>)
        tpu.wait_dma2 semaphore(%run_scoped3A : memref<!tpu.dma_semaphore, #tpu.memory_space<semaphore_mem>>) src(%arg33 : memref<256xf32, #tpu.memory_space<vmem_shared>>) dst(%arg29 : memref<256xf32, #tpu.memory_space<vmem>>)
        tpu.yield
      }) : () -> ()
      "tpu.region"() ({
        %run_scoped3A = tpu.sem_alloc : memref<!tpu.dma_semaphore, #tpu.memory_space<semaphore_mem>>
        tpu.enqueue_dma source(%arg34 : memref<256xf32, #tpu.memory_space<vmem_shared>>) target(%arg30 : memref<256xf32, #tpu.memory_space<vmem>>) target_semaphore(%run_scoped3A : memref<!tpu.dma_semaphore, #tpu.memory_space<semaphore_mem>>)
        tpu.wait_dma2 semaphore(%run_scoped3A : memref<!tpu.dma_semaphore, #tpu.memory_space<semaphore_mem>>) src(%arg34 : memref<256xf32, #tpu.memory_space<vmem_shared>>) dst(%arg30 : memref<256xf32, #tpu.memory_space<vmem>>)
        tpu.yield
      }) : () -> ()
      %scan3A_1795 = arith.constant 0 : i32
      %scan3A_1796 = arith.constant 16 : i32
      %scan3A_1797 = arith.addi %scan3A_1795, %scan3A_1796 : i32
      %scan3A_1798 = arith.constant 1 : i32
      %scan3A_1799 = scf.for %scan3A_1848 = %scan3A_1795 to %scan3A_1797 step %scan3A_1798 iter_args(%scan3A_1849 = %broadcast_in_dim3A_3) -> (vector<16xf32>)  : i32 {
        %mul3A_1850 = arith.constant 16 : i32
        %mul3A_1851 = arith.muli %scan3A_1848, %mul3A_1850 : i32
        %get3A_1852 = arith.index_cast %mul3A_1851 : i32 to index
        %get3A_1853 = tpu.vector_load %arg29[%get3A_1852] {strides = array<i32>} : memref<256xf32, #tpu.memory_space<vmem>>, vector<16xf32>,
        %add3A_1854 = arith.addf %scan3A_1849, %get3A_1853 : vector<16xf32>
        scf.yield %add3A_1854 : vector<16xf32>
      }
      %scan3A_1800 = arith.constant 16 : i32
      %scan3A_1801 = arith.constant 0 : i32
      %scan3A_1802 = arith.constant 16 : i32
      %scan3A_1803 = arith.addi %scan3A_1801, %scan3A_1802 : i32
      %scan3A_1804 = arith.constant 1 : i32
      %scan3A_1805 = scf.for %scan3A_1848 = %scan3A_1801 to %scan3A_1803 step %scan3A_1804 iter_args(%scan3A_1849 = %broadcast_in_dim3A_3) -> (vector<16xf32>)  : i32 {
        %mul3A_1850 = arith.constant 16 : i32
        %mul3A_1851 = arith.muli %scan3A_1848, %mul3A_1850 : i32
        %get3A_1852 = arith.index_cast %mul3A_1851 : i32 to index
        %get3A_1853 = tpu.vector_load %arg30[%get3A_1852] {strides = array<i32>} : memref<256xf32, #tpu.memory_space<vmem>>, vector<16xf32>,
        %add3A_1854 = arith.addf %scan3A_1849, %get3A_1853 : vector<16xf32>
        scf.yield %add3A_1854 : vector<16xf32>
      }
      %scan3A_1806 = arith.constant 16 : i32
      %reduce_sum3A_1807 = arith.constant true
      %reduce_sum3A_1808 = vector.broadcast %reduce_sum3A_1807 : i1 to vector<16xi1>
      %reduce_sum3A_1809 = tpu.scan <sum>, %scan3A_1799 masked %reduce_sum3A_1808 : vector<16xf32>, vector<16xi1> -> vector<16xf32>
      %reduce_sum3A_1810 = vector.extract %reduce_sum3A_1809[15] : f32 from vector<16xf32>
      %mul3A_1811 = arith.constant 5.72763929E-6 : f32
      %mul3A_1812 = arith.mulf %reduce_sum3A_1810, %mul3A_1811 : f32
      %broadcast_in_dim3A_1813 = vector.broadcast %xor3A_1709 : i32 to vector<16xi32>
      %shift_right_arithmetic3A = arith.constant 31 : i32
      %shift_right_arithmetic3A_1814 = vector.broadcast %shift_right_arithmetic3A : i32 to vector<16xi32>
      %shift_right_arithmetic3A_1815 = arith.shrsi %broadcast_in_dim3A_1813, %shift_right_arithmetic3A_1814 : vector<16xi32>
      %and3A = arith.constant 2147483647 : i32
      %and3A_1816 = vector.broadcast %and3A : i32 to vector<16xi32>
      %and3A_1817 = arith.andi %shift_right_arithmetic3A_1815, %and3A_1816 : vector<16xi32>
      %xor3A_1818 = arith.xori %broadcast_in_dim3A_1813, %and3A_1817 : vector<16xi32>
      %bitcast3A = vector.bitcast %xor3A_1818 : vector<16xi32> to vector<16xf32>
      %neg3A = arith.constant 0.000000e+00 : f32
      %neg3A_1819 = vector.broadcast %neg3A : f32 to vector<16xf32>
      %neg3A_1820 = arith.subf %neg3A_1819, %bitcast3A : vector<16xf32>
      %exp3A = math.exp %neg3A_1820 : vector<16xf32>
      %add3A_1821 = arith.constant 1.000000e+00 : f32
      %add3A_1822 = vector.broadcast %add3A_1821 : f32 to vector<16xf32>
      %add3A_1823 = arith.addf %add3A_1822, %exp3A : vector<16xf32>
      %div3A = arith.constant 1.000000e+00 : f32
      %div3A_1824 = vector.broadcast %div3A : f32 to vector<16xf32>
      %div3A_1825 = arith.divf %div3A_1824, %add3A_1823 : vector<16xf32>
      %reduce_max3A = arith.constant true
      %reduce_max3A_1826 = vector.broadcast %reduce_max3A : i1 to vector<16xi1>
      %reduce_max3A_1827 = tpu.scan <max>, %div3A_1825 masked %reduce_max3A_1826 : vector<16xf32>, vector<16xi1> -> vector<16xf32>
      %reduce_max3A_1828 = vector.extract %reduce_max3A_1827[15] : f32 from vector<16xf32>
      %reduce_sum3A_1829 = arith.constant true
      %reduce_sum3A_1830 = vector.broadcast %reduce_sum3A_1829 : i1 to vector<16xi1>
      %reduce_sum3A_1831 = tpu.scan <sum>, %scan3A_1805 masked %reduce_sum3A_1830 : vector<16xf32>, vector<16xi1> -> vector<16xf32>
      %reduce_sum3A_1832 = vector.extract %reduce_sum3A_1831[15] : f32 from vector<16xf32>
      %convert_element_type3A_1833 = arith.sitofp %sub3A_1509 : i32 to f32
      %mul3A_1834 = arith.mulf %convert_element_type3A_1833, %reduce_max3A_1828 : f32
      %add3A_1835 = arith.addf %reduce_sum3A_1832, %mul3A_1834 : f32
      %eq3A_1836 = arith.constant 0 : i32
      %eq3A_1837 = vector.broadcast %eq3A_1836 : i32 to vector<16xi32>
      %eq3A_1838 = arith.cmpi eq, %iota3A, %eq3A_1837 : vector<16xi32>
      %broadcast_in_dim3A_1839 = vector.broadcast %mul3A_1812 : f32 to vector<16xf32>
      %eq3A_1840 = arith.constant 1 : i32
      %eq3A_1841 = vector.broadcast %eq3A_1840 : i32 to vector<16xi32>
      %eq3A_1842 = arith.cmpi eq, %iota3A, %eq3A_1841 : vector<16xi32>
      %broadcast_in_dim3A_1843 = vector.broadcast %add3A_1835 : f32 to vector<16xf32>
      %select_n3A_1844 = arith.select %eq3A_1842, %broadcast_in_dim3A_1843, %broadcast_in_dim3A_3 : vector<16xi1>, vector<16xf32>
      %select_n3A_1845 = arith.select %eq3A_1838, %broadcast_in_dim3A_1839, %select_n3A_1844 : vector<16xi1>, vector<16xf32>
      %swap3A_1846 = arith.constant 0 : index
      %swap3A_1847 = tpu.vector_load %arg28[%swap3A_1846] {strides = array<i32>} : memref<16xf32, #tpu.memory_space<vmem>>, vector<16xf32>,
      tpu.vector_store %arg28[%swap3A_1846], %select_n3A_1845 {strides = array<i32>} : memref<16xf32, #tpu.memory_space<vmem>>, vector<16xf32>,
      "tpu.region"() ({
        %run_scoped3A = tpu.sem_alloc : memref<!tpu.dma_semaphore, #tpu.memory_space<semaphore_mem>>
        tpu.enqueue_dma source(%arg28 : memref<16xf32, #tpu.memory_space<vmem>>) target(%arg7 : memref<16xf32, #tpu.memory_space<hbm>>) target_semaphore(%run_scoped3A : memref<!tpu.dma_semaphore, #tpu.memory_space<semaphore_mem>>)
        tpu.wait_dma2 semaphore(%run_scoped3A : memref<!tpu.dma_semaphore, #tpu.memory_space<semaphore_mem>>) src(%arg28 : memref<16xf32, #tpu.memory_space<vmem>>) dst(%arg7 : memref<16xf32, #tpu.memory_space<hbm>>)
        tpu.yield
      }) : () -> ()
    } else {
    }
    return
  }
}

</mosaic_0001>

<sc_bundles>
// kernel: kernel.3.cloned.1.call-start
scs
__scs_entry_jumppad:
0x0: {  	(pc) =	sbr.rel $0x88, $3  }
0x1: {  	(tag) =	ssettag $0x0;
	lr =	simm.s32 $0x1  }
0x2: {  	[smem:$0x3F9F] =	sst lr;
	_ =	strace $0xD0000000  }
0x3: {  	_ = 	snop  }
0x4: {  	_ = 	snop  }
0x5: {  	_ = 	snop  }
0x6: {  	_ = 	snop  }
0x7: {  	_ = 	snop  }
__scs_overlays_trampoline_lowered:
0x8: {  	[smem:$0x3FAE] =	sst s0  }
0x9: {  	[smem:$0x3FAF] =	sst s1  }
0xa: {  	[smem:$0x3FB0] =	sst s2  }
0xb: {  	[smem:$0x3FB1] =	sst s3  }
0xc: {  	[smem:$0x3FB2] =	sst s4  }
0xd: {  	[smem:$0x3FB3] =	sst s5  }
0xe: {  	[smem:$0x3FB4] =	sst s6  }
0xf: {  	[smem:$0x3FB5] =	sst s7  }
0x10: {  	[smem:$0x3FB6] =	sst s8  }
0x11: {  	[smem:$0x3FB7] =	sst s9;
	s0 =	simm.s32 @!p0 $0x0  }
0x12: {  	s1 =	sld [smem:$0x3F9D];
	s0 =	simm.s32 @p0 $0x1  }
0x13: {  	[smem:$0x3FB8] =	sst s0;
	s0 =	simm.s32 @!p1 $0x0  }
0x14: {  	s2 =	sld [smem:$0x3F9C];
	s0 =	simm.s32 @p1 $0x1  }
0x15: {  	[smem:$0x3FB9] =	sst s0;
	s0 =	simm.s32 @!p2 $0x0  }
0x16: {  	s3 =	sld [smem:$0x3FDB];
	s0 =	simm.s32 @p2 $0x1  }
0x17: {  	s4 =	simm.s32 $0x1BF5;
	[smem:$0x3FBB] =	sst s0  }
0x18: {  	s0 =	sld [smem:$0x3F9E];
	_ =	swait.ge [sflag:s4], $0x0  }
0x19: {  	s7 =	sld [smem:$0x3F9F]  }
0x1a: {  	s8 =	sadd.s32 $0xFFFFE003, lr  }
0x1b: {  	s9 =	sadd.s32 $0xFFFFFEF7, lr;
	s5 =	simm.s32 $0xFFFFFFFF;
	p2 =	slt.u32 s8, $0xFFFFF086  }
0x1c: {  	p1 =	slt.u32 s9, $0xF7A;
	s5 =	simm.s32 @!p2 $0x0  }
0x1d: {  	s5 =	simm.s32 @p1 $0x1;
	p0 =	seq.s32 s7, s2  }
0x1e: {  	s7 =	smul.u32 @!p0 $0xF7A, s2;
	p2 =	seq.s32 @!p0 s5, $0x0  }
0x1f: {  	s9 =	smul.u32 $0xF7A, s1;
	s8 =	simm.s32 @!p0 $0x1BF5;
	p2 =	por !p2, p0  }
0x20: {  	[sflag:s8] =	ssyncset.s32 @!p0 $0xFFFFF086;
	s6 =	sadd.s32 @!p0 s3, s7;
	s7 =	simm.s32 @!p0 $0x108  }
0x21: {  	s3 =	sadd.s32 s3, s9;
	s6 =	sadd.s32 @!p0 $0x88, s6;
	s7 =	simm.s32 @p2 $0x1082  }
0x22: {  	[simem:s7], [sflag:s8] =	dma.local @!p0 [hbm:s6], $0xF7A  }
0x23: {  	s9 =	sor.u32 $0xD0000000, s2;
	s6 =	simm.s32 $0x108;
	_ =	swait.ge @!p0 [sflag:s8], $0x0  }
0x24: {  	s3 =	sadd.s32 $0x88, s3;
	s6 =	simm.s32 @!p1 $0x1082;
	[sflag:s4] =	ssyncset.s32 $0xFFFFF086  }
0x25: {  	[simem:s6], [sflag:s4] =	dma.local [hbm:s3], $0xF7A  }
0x26: {  	[smem:$0x3F9F] =	sst s1;
	(tag) =	ssettag s2;
	_ =	strace s9  }
0x27: {  	s1 =	sld [smem:$0x3FAF]  }
0x28: {  	s2 =	sld [smem:$0x3FB0]  }
0x29: {  	s4 =	sld [smem:$0x3FB2]  }
0x2a: {  	p0 =	seq.s32 s5, $0x0;
	s5 =	sld [smem:$0x3FB3]  }
0x2b: {  	s6 =	sld [smem:$0x3FB4]  }
0x2c: {  	s7 =	sld [smem:$0x3FB5]  }
0x2d: {  	s3 =	simm.s32 $0x108;
	s8 =	sld [smem:$0x3FB6]  }
0x2e: {  	s3 =	simm.s32 @!p0 $0x1082;
	s9 =	sld [smem:$0x3FB7]  }
0x2f: {  	lr =	sadd.s32 s0, s3;
	s0 =	sld [smem:$0x3FAE]  }
0x30: {  	s3 =	sld [smem:$0x3FB1]  }
0x31: {  	[smem:$0x3FBA] =	sst s10  }
0x32: {  	s10 =	sld [smem:$0x3FB8];
	_ =	sdelay $0x3  }
0x33: {  	p0 =	seq.s32 s10, $0x1;
	s10 =	sld [smem:$0x3FBA];
	_ =	sdelay $0x3  }
0x34: {  	[smem:$0x3FBA] =	sst s10  }
0x35: {  	s10 =	sld [smem:$0x3FB9];
	_ =	sdelay $0x3  }
0x36: {  	p1 =	seq.s32 s10, $0x1;
	s10 =	sld [smem:$0x3FBA];
	_ =	sdelay $0x3  }
0x37: {  	[smem:$0x3FBA] =	sst s10  }
0x38: {  	s10 =	sld [smem:$0x3FBB]  }
0x39: {  	_ = 	snop;
	(pc) =	sbr.ind lr, $3  }
0x3a: {  	_ = 	snop  }
0x3b: {  	_ = 	snop  }
0x3c: {  	p2 =	seq.s32 s10, $0x1;
	s10 =	sld [smem:$0x3FBA]  }
0x3d: {  	_ =	shalt  }
0x3e: {  	_ =	shalt  }
0x3f: {  	_ =	shalt  }
0x40: {  	_ =	shalt  }
0x41: {  	_ =	shalt  }
0x42: {  	_ =	shalt  }
0x43: {  	_ =	shalt  }
0x44: {  	_ =	shalt  }
0x45: {  	_ =	shalt  }
0x46: {  	_ =	shalt  }
0x47: {  	_ =	shalt  }
0x48: {  	_ =	shalt  }
0x49: {  	_ =	shalt  }
0x4a: {  	_ =	shalt  }
0x4b: {  	_ =	shalt  }
0x4c: {  	_ =	shalt  }
0x4d: {  	_ =	shalt  }
0x4e: {  	_ =	shalt  }
0x4f: {  	_ =	shalt  }
0x50: {  	_ =	shalt  }
0x51: {  	_ =	shalt  }
0x52: {  	_ =	shalt  }
0x53: {  	_ =	shalt  }
0x54: {  	_ =	shalt  }
0x55: {  	_ =	shalt  }
0x56: {  	_ =	shalt  }
0x57: {  	_ =	shalt  }
0x58: {  	_ =	shalt  }
0x59: {  	_ =	shalt  }
0x5a: {  	_ =	shalt  }
0x5b: {  	_ =	shalt  }
0x5c: {  	_ =	shalt  }
0x5d: {  	_ =	shalt  }
0x5e: {  	_ =	shalt  }
0x5f: {  	_ =	shalt  }
0x60: {  	_ =	shalt  }
0x61: {  	_ =	shalt  }
0x62: {  	_ =	shalt  }
0x63: {  	_ =	shalt  }
0x64: {  	_ =	shalt  }
0x65: {  	_ =	shalt  }
0x66: {  	_ =	shalt  }
0x67: {  	_ =	shalt  }
0x68: {  	_ =	shalt  }
0x69: {  	_ =	shalt  }
0x6a: {  	_ =	shalt  }
0x6b: {  	_ =	shalt  }
0x6c: {  	_ =	shalt  }
0x6d: {  	_ =	shalt  }
0x6e: {  	_ =	shalt  }
0x6f: {  	_ =	shalt  }
0x70: {  	_ =	shalt  }
0x71: {  	_ =	shalt  }
0x72: {  	_ =	shalt  }
0x73: {  	_ =	shalt  }
0x74: {  	_ =	shalt  }
0x75: {  	_ =	shalt  }
0x76: {  	_ =	shalt  }
0x77: {  	_ =	shalt  }
0x78: {  	_ =	shalt  }
0x79: {  	_ =	shalt  }
0x7a: {  	_ =	shalt  }
0x7b: {  	_ =	shalt  }
0x7c: {  	_ =	shalt  }
0x7d: {  	_ =	shalt  }
0x7e: {  	_ =	shalt  }
0x7f: {  	_ =	shalt  }
0x80: {  	_ =	shalt  }
0x81: {  	_ =	shalt  }
0x82: {  	_ =	shalt  }
0x83: {  	_ =	shalt  }
0x84: {  	_ =	shalt  }
0x85: {  	_ =	shalt  }
0x86: {  	_ =	shalt  }
0x87: {  	_ =	shalt  }
.Lfunc_end0:
.L_simem_size_0:
called_computation_lowered:
.L_overlay_start_0:
0x88: {  	s0 =	sld [smem:$0x3FD9]  }
0x89: {  	s1 =	sld [smem:$0x3FFE];
	_ =	sdelay $0x3  }
0x8a: {  	s0 =	sadd.s32 s1, s0  }
0x8b: {  	[smem:$0x3FC6] =	sst s0  }
0x8c: {  	_ = 	snop  }
0x8d: {  	s0 =	sld [smem:$0x3FD0];
	_ =	sdelay $0x2  }
0x8e: {  	s13 =	simm.s32 $0xA;
	s2 =	simm.s32 $0x10  }
0x8f: {  	[smem:s2], [sflag:s13] =	dma.local [hbm:s0], $0x1  }
0x90: {  	_ =	swait.eq [sflag:s13], $0x1  }
0x91: {  	s14 =	sld [smem:$0x10];
	[sflag:s13] =	ssyncset.done $0x0  }
0x92: {  	s15 =	sld [smem:$0x12];
	[sflag:s13] =	ssyncadd.s32 $0xFFFFFFFF  }
0x93: {  	s16 =	sld [smem:$0x15];
	(tm) =	ssettm $0x1  }
0x94: {  	s3 =	sld [smem:$0x3FFB];
	_ =	sdelay $0x3  }
0x95: {  	_ =	strace s3  }
0x96: {  	s3 =	sld [smem:$0x3FFC];
	_ =	sdelay $0x3  }
0x97: {  	_ =	strace s3  }
0x98: {  	s3 =	sld [smem:$0x3FFD];
	_ =	sdelay $0x3  }
0x99: {  	_ =	strace s3  }
0x9a: {  	_ =	strace $0x8FFFFFFF  }
0x9b: {  	s17 =	sld [smem:$0x3FDB];
	_ =	sdelay $0x1  }
0x9c: {  	s4 =	simm.s32 $_scs_section_size  }
0x9d: {  	s5 =	simm.s32 $_size__tile_overlayer_lowered;
	s6 =	simm.s32 $_tile_overlayer_lowered  }
0x9e: {  	s20 =	simm.s32 $0x1BFF;
	s19 =	sshll.u32 s6, $0x1;
	s3 =	sadd.s32 s4, s17  }
0x9f: {  	s7 =	simm.s32 $0x0;
	s18 =	sshll.u32 s5, $0x1;
	s5 =	sadd.s32 s19, s3  }
0xa0: {  	[timem:s7], [sflag:s20] =	dma.local [hbm:s5], s18  }
0xa1: {  	_ =	swait.ge [sflag:s20], s18  }
0xa2: {  	s4 =	ssub.s32 $0x0, s18;
	[sflag:s20] =	ssyncset.done $0x0  }
0xa3: {  	[sflag:s20] =	ssyncadd.s32 s4;
	_ =	sdelay $0x1  }
0xa4: {  	s21 =	simm.s32 $0x1B8B  }
0xa5: {  	_ =	swait.ge [sflag:s21], $0x1  }
0xa6: {  	[sflag:s21] =	ssyncset.done $0x0  }
0xa7: {  	s23 =	simm.s32 $0x1B8E;
	s22 =	sld [smem:$0x3FFE];
	[sflag:s21] =	ssyncadd.s32 $0xFFFFFFFF  }
0xa8: {  	s24 =	simm.s32 $execute0_lowered;
	[smem:$0x3FD2] =	sst s23  }
0xa9: {  	s5 =	sshll.u32 s24, $0x1;
	_ =	strace $0x80000046;
	[dreg:$0x1] =	wrdreg $0xFFFFFFFF  }
0xaa: {  	s25 =	simm.s32 $_size_execute0_lowered;
	s3 =	sadd.s32 s3, s5;
	[dreg:$0x0] =	wrdreg $0x0  }
0xab: {  	s5 =	sshll.u32 s25, $0x1;
	[dreg:$0x2] =	wrdreg s3  }
0xac: {  	[dreg:$0x3] =	wrdreg s5  }
0xad: {  	[dreg:$0x4] =	wrdreg $0xC0  }
0xae: {  	_ =	task [dreg:s7], $0x5FFFF  }
0xaf: {  	[dreg:$0x1] =	wrdreg $0xFFFFFFFF  }
0xb0: {  	[dreg:$0x0] =	wrdreg $0x60  }
0xb1: {  	[dreg:$0x2] =	wrdreg s22  }
0xb2: {  	[dreg:$0x3] =	wrdreg s16  }
0xb3: {  	[dreg:$0x4] =	wrdreg s15  }
0xb4: {  	[dreg:$0x5] =	wrdreg s14  }
0xb5: {  	[dreg:$0x6] =	wrdreg $0x183F00  }
0xb6: {  	[dreg:$0x7] =	wrdreg $0x184F00  }
0xb7: {  	[dreg:$0x8] =	wrdreg $0x185F00  }
0xb8: {  	[dreg:$0x9] =	wrdreg $0x186000  }
0xb9: {  	[dreg:$0xa] =	wrdreg $0x9  }
0xba: {  	_ =	task.clear_ibuf [dreg:s7], $0xBFFFF;
	_ =	strace $0x90000046  }
0xbb: {  	s26 =	simm.s32 $0x9;
	_ =	strace $0x80000048  }
0xbc: {  	_ =	swait.ge [sflag:s26], $0x1  }
0xbd: {  	[sflag:s26] =	ssyncadd.s32 $0xFFFFFFFF  }
0xbe: {  	_ =	strace $0x90000048  }
0xbf: {  	_ =	sfence  }
0xc0: {  	s28 =	sld [smem:$0x0];
	_ =	sdelay $0x1  }
0xc1: {  	s29 =	srdreg.scid  }
0xc2: {  	s30 =	sshll.u32 s29, $0xD;
	s31 =	sshrl.u32 s29, $0x2  }
0xc3: {  	s1 =	sand.u32 $0x1, s29;
	s2 =	sand.u32 $0x4000, s30;
	s0 =	sadd.s32 s31, s28  }
0xc4: {  	s1 =	sor.u32 s2, s1;
	s0 =	sshll.u32 s0, $0x11  }
0xc5: {  	s0 =	sor.u32 s0, s1  }
0xc6: {  	s0 =	sadd.s32 $0x8F2B, s0  }
0xc7: {  	[sflag:s0] =	ssyncadd.remote.s32 $0x1  }
0xc8: {  	_ =	sfence.sel $0xFFFF  }
0xc9: {  	[dreg:$0x0] =	wrdreg $0xFFFFFFFF;
	(pc) =	sbr.abs _section_cstart, $3  }
0xca: {  	[dreg:$0x1] =	wrdreg $0xFFFFFFFF  }
0xcb: {  	_ =	task.clear_ibuf [dreg:s7], $0x2FFFF;
	_ =	strace $0x9FFFFFFF  }
0xcc: {  	(tm) =	ssettm $0x7FFFFFFF  }
0xcd: {  	_ =	shalt  }
tec
execute0_lowered:
.L_overlay_start_1:
0x0: {  	(tag) =	ssettag $0x1  }
0x1: {  	s1 =	rddreg [dreg:$0x0]  }
0x2: {  	s0 =	rddreg [dreg:$0x1]  }
0x3: {  	s10 =	rddreg [dreg:$0x2];
	s4 =	stileid.u32  }
0x4: {  	s9 =	rddreg [dreg:$0x4];
	s11 =	smul.u32 $0x2AA0, s4  }
0x5: {  	s8 =	rddreg [dreg:$0x5];
	s2 =	simm.s32 $0x0  }
0x6: {  	s3 =	simm.s32 $0x3E00;
	[smem:$0x7FF] =	sst s2;
	s5 =	sshrl.u32 s11, $0x3  }
0x7: {  	s30 =	simm.s32 $0x3;
	_ =	strace $0x80000047;
	s0 =	sadd.s32 s0, s5  }
0x8: {  	[tilespmem:s3], [sflag:$0x3] =	stream.linear.gather [hbm4b:s0+s2], $0x2AA0, $0x38;
	[tilespmem:$0x18610] =	vst v63  }
0x9: {  	_ =	swait.ge [sflag:s30], $0x2AA0  }
0xa: {  	[sflag:s30] =	ssyncset.done $0x0  }
0xb: {  	v0 =	vimm.s32 $0x0;
	s0 =	simm.s32 $0x13DE0;
	[sflag:s30] =	ssyncadd.s32 $0xFFFFD560  }
0xc: {  	s31 =	sadd.s32 $0xA00, s1;
	[tilespmem:s0+$0xFFFFFFE0] =	vst v0  }
0xd: {  	s12 =	sadd.s32 $0x2AAA00, s1;
	s1 =	sadd.s32 $0x6000, s1;
	[dreg:$0xa] =	wrdreg s31;
	[tilespmem:s0+$0x10] =	vst v0  }
0xe: {  	[dreg:$0x9] =	wrdreg s1;
	s1 =	simm.s32 $0x0;
	[tilespmem:s0+$0x0] =	vst v0  }
.LBB2_1:
0xf: {  	s1 =	sadd.s32 $0x4, s1  }
0x10: {  	[tilespmem:s0+$0xFFFFFFF0] =	vst v0;
	s0 =	sadd.s32 $0x40, s0;
	p0 =	slt.u32 s1, $0xFC  }
.Ltmp0:
0x11: {  	[tilespmem:s0+$0xFFFFFFE0] =	vst v0;
	(pc) =	sbr.rel @p0 .LBB2_1-.Ltmp0, $3  }
0x12: {  	_ =	sdelay $0x1  }
0x13: {  	[tilespmem:s0+$0x10] =	vst v0  }
0x14: {  	[tilespmem:s0+$0x0] =	vst v0  }
0x15: {  	s1 =	smul.u32 $0x5540, s4;
	s13 =	simm.s32 $0x0  }
0x16: {  	[tilespmem:s0+$0xFFFFFFF0] =	vst v0;
	s14 =	sadd.s32 $0x3E0, s11;
	s0 =	simm.s32 $0x9340;
	s17 =	simm.s32 $0x3E00  }
0x17: {  	v4 =	vlaneseq.u32;
	s2 =	simm.s32 $0xBDE0;
	s19 =	simm.s32 $0x6A90;
	s20 =	simm.s32 $0x9530  }
0x18: {  	s21 =	simm.s32 $0x3FF0;
	s22 =	simm.s32 $0xBFD0;
	s23 =	simm.s32 $0x1;
	v0 =	vshrl.u32 v4, $0x3  }
0x19: {  	s24 =	simm.s32 $0x1F00;
	s25 =	simm.s32 $0x13DC0;
	s26 =	simm.s32 $0x2;
	v3 =	vmul.u32 $0x8, v0  }
0x1a: {  	v2 =	vimm.s32 $0x1;
	s28 =	simm.s32 $0x0;
	v1 =	vmul.u32 $0x10, v4;
	s31 =	sadd.s32 s12, s1;
	s1 =	simm.s32 $0x68A0  }
0x1b: {  	v4 =	vand.u32 $0x7, v4;
	v0 =	vimm.f32 $0.0e+00;
	[tilespmem:s13], [sflag:$0x1] =	stream.linear.gather [hbm4b:s31+s13], $0x1F00, $0x38;
	v3 =	vor.u32 $0x800, v3;
	[tilespmem:$0x18610] =	vst v63  }
.LBB2_3:
0x1c: {  	s29 =	smul.u32 $0x3E0, s28;
	v5 =	vmov s13  }
0x1d: {  	v5 =	vshll.u32 v5, $0x4  }
0x1e: {  	s3 =	sadd.s32 s11, s29;
	v5 =	vor.u32 v1, v5  }
0x1f: {  	_ =	swait.ge [sflag:s23], $0x1F00;
	s3 =	sshll.u32 s3, $0x1;
	v6 =	vor.u32 $0x1, v5  }
0x20: {  	[sflag:s23] =	ssyncset.done $0x0;
	v7 =	vor.u32 $0x2, v5;
	s3 =	sadd.s32 s12, s3  }
0x21: {  	[sflag:s23] =	ssyncadd.s32 $0xFFFFE100;
	v8 =	vor.u32 $0x3, v5;
	s3 =	sadd.s32 $0x3E0, s3  }
0x22: {  	v9 =	vor.u32 $0x4, v5;
	[tilespmem:s24], [sflag:$0x2] =	stream.linear.gather [hbm4b:s3+s13], $0x1F00, $0x38;
	[tilespmem:$0x18610] =	vst v63  }
0x23: {  	v10 =	vor.u32 $0x5, v5;
	v11 =	vld.idx.msk [tilespmem:v5+s13+$0x0], $0xffff  }
0x24: {  	v12 =	vor.u32 $0x6, v5;
	v6 =	vld.idx.msk [tilespmem:v6+s13+$0x0], $0xffff  }
0x25: {  	v13 =	vor.u32 $0x7, v5;
	v7 =	vld.idx.msk [tilespmem:v7+s13+$0x0], $0xffff  }
0x26: {  	v14 =	vor.u32 $0x8, v5;
	v8 =	vld.idx.msk [tilespmem:v8+s13+$0x0], $0xffff  }
0x27: {  	v15 =	vor.u32 $0x9, v5;
	v9 =	vld.idx.msk [tilespmem:v9+s13+$0x0], $0xffff  }
0x28: {  	v16 =	vor.u32 $0xA, v5;
	v10 =	vld.idx.msk [tilespmem:v10+s13+$0x0], $0xffff  }
0x29: {  	v17 =	vor.u32 $0xB, v5;
	v12 =	vld.idx.msk [tilespmem:v12+s13+$0x0], $0xffff;
	v6 =	vmax.f32 v11, v6  }
0x2a: {  	v13 =	vld.idx.msk [tilespmem:v13+s13+$0x0], $0xffff;
	v11 =	vor.u32 $0xC, v5;
	v6 =	vmax.f32 v6, v7  }
0x2b: {  	v14 =	vld.idx.msk [tilespmem:v14+s13+$0x0], $0xffff;
	v7 =	vor.u32 $0xD, v5;
	v6 =	vmax.f32 v6, v8  }
0x2c: {  	v15 =	vld.idx.msk [tilespmem:v15+s13+$0x0], $0xffff;
	v8 =	vor.u32 $0xE, v5;
	v6 =	vmax.f32 v6, v9  }
0x2d: {  	v5 =	vor.u32 $0xF, v5;
	v9 =	vld.idx.msk [tilespmem:v16+s13+$0x0], $0xffff;
	v6 =	vmax.f32 v6, v10  }
0x2e: {  	v10 =	vld.idx.msk [tilespmem:v17+s13+$0x0], $0xffff;
	v6 =	vmax.f32 v6, v12  }
0x2f: {  	v11 =	vld.idx.msk [tilespmem:v11+s13+$0x0], $0xffff;
	v6 =	vmax.f32 v6, v13  }
0x30: {  	v7 =	vld.idx.msk [tilespmem:v7+s13+$0x0], $0xffff;
	v6 =	vmax.f32 v6, v14  }
0x31: {  	v8 =	vld.idx.msk [tilespmem:v8+s13+$0x0], $0xffff;
	v6 =	vmax.f32 v6, v15  }
0x32: {  	v5 =	vld.idx.msk [tilespmem:v5+s13+$0x0], $0xffff;
	v6 =	vmax.f32 v6, v9  }
0x33: {  	v6 =	vmax.f32 v6, v10  }
0x34: {  	v6 =	vmax.f32 v6, v11  }
0x35: {  	v6 =	vmax.f32 v6, v7  }
0x36: {  	v6 =	vmax.f32 v6, v8  }
0x37: {  	v5 =	vmax.f32 v6, v5  }
0x38: {  	v6 =	vsub.f32 $0.0e+00, v5;
	_ =	sdelay $0x1  }
0x39: {  	v6 =	vmul.f32 $1.442695020e+00, v6;
	_ =	sdelay $0x1  }
0x3a: {  	(erf) = vpow2.f32 v6;
	_ =	sdelay $0x8  }
0x3b: {  	v6 =	vpop (erf)  }
0x3c: {  	v7 =	vshra.s32 v5, $0x1F;
	v6 =	vadd.f32 $1.000000000e+00, v6  }
0x3d: {  	v7 =	vand.u32 $0x7FFFFFFF, v7  }
0x3e: {  	v5 =	vxor.u32 v5, v7;
	(erf) = vrcp.f32 v6  }
0x3f: {  	v6 =	vshrl.u32 v5, $0x14  }
0x40: {  	v6 =	vand.u32 $0xFF0, v6  }
0x41: {  	v6 =	vxor.u32 v3, v6  }
0x42: {  	v6 =	vor.u32 v4, v6;
	_ =	sdelay $0x3  }
0x43: {  	[tilespmem:s1+$0x0] =	vst v5  }
0x44: {  	[tilespmem:v6+s25+$0x0] =	vst.idx.add.s32.msk $0xffff, v2;
	v6 =	vpop (erf)  }
0x45: {  	[tilespmem:s0+$0x0] =	vst v6  }
0x46: {  	v5 =	vld [tilespmem:s17+$0x0];
	_ =	sdelay $0x4  }
0x47: {  	v5 =	vsub.f32 $0.0e+00, v5;
	_ =	sdelay $0x1  }
0x48: {  	v5 =	vmul.f32 $1.442695020e+00, v5;
	_ =	sdelay $0x1  }
0x49: {  	(erf) = vpow2.f32 v5;
	_ =	sdelay $0x8  }
0x4a: {  	v5 =	vpop (erf)  }
0x4b: {  	v5 =	vadd.f32 $1.000000000e+00, v5;
	_ =	sdelay $0x1  }
0x4c: {  	(erf) = vrcp.f32 v5;
	_ =	sdelay $0x3  }
0x4d: {  	s18 =	simm.s32 $0x10  }
0x4e: {  	v5 =	vmov s18  }
0x4f: {  	v5 =	vshll.u32 v5, $0x4  }
0x50: {  	v0 =	vadd.f32 v6, v0;
	v5 =	vor.u32 v1, v5  }
0x51: {  	v13 =	vor.u32 $0x1, v5;
	v10 =	vor.u32 $0x2, v5;
	v9 =	vor.u32 $0x3, v5  }
0x52: {  	s31 =	sadd.s32 $0x10, s17;
	s30 =	sadd.s32 $0x10, s2;
	s15 =	smov.u32 s1;
	v11 =	vor.u32 $0x4, v5;
	v8 =	vor.u32 $0x5, v5;
	v12 =	vor.u32 $0x6, v5;
	v7 =	vpop (erf)  }
0x53: {  	s16 =	smov.u32 s0;
	s3 =	simm.s32 $0x20;
	s18 =	smov.u32 s2;
	v14 =	vmul.f32 v7, v6;
	v7 =	vor.u32 $0x7, v5;
	v6 =	vor.u32 $0x8, v5  }
.LBB2_4:
0x54: {  	s15 =	sadd.s32 $0x10, s15;
	s16 =	sadd.s32 $0x10, s16  }
0x55: {  	v15 =	vor.u32 $0x9, v5;
	v16 =	vor.u32 $0xA, v5;
	v17 =	vor.u32 $0xB, v5;
	[tilespmem:s18+$0x0] =	vst v14;
	s6 =	smov.u32 s3;
	s7 =	sadd.s32 $0x10, s3;
	s18 =	smov.u32 s30  }
0x56: {  	p0 =	sne.s32 s3, $0x1E0;
	v18 =	vor.u32 $0xC, v5;
	v19 =	vor.u32 $0xD, v5;
	v20 =	vor.u32 $0xE, v5;
	v14 =	vld.idx.msk [tilespmem:v5+s13+$0x0], $0xffff  }
0x57: {  	v5 =	vor.u32 $0xF, v5;
	v13 =	vld.idx.msk [tilespmem:v13+s13+$0x0], $0xffff  }
0x58: {  	v10 =	vld.idx.msk [tilespmem:v10+s13+$0x0], $0xffff  }
0x59: {  	v9 =	vld.idx.msk [tilespmem:v9+s13+$0x0], $0xffff  }
0x5a: {  	v11 =	vld.idx.msk [tilespmem:v11+s13+$0x0], $0xffff  }
0x5b: {  	v8 =	vld.idx.msk [tilespmem:v8+s13+$0x0], $0xffff  }
0x5c: {  	v12 =	vld.idx.msk [tilespmem:v12+s13+$0x0], $0xffff  }
0x5d: {  	v13 =	vmax.f32 v14, v13;
	v7 =	vld.idx.msk [tilespmem:v7+s13+$0x0], $0xffff  }
0x5e: {  	v10 =	vmax.f32 v13, v10;
	v6 =	vld.idx.msk [tilespmem:v6+s13+$0x0], $0xffff  }
0x5f: {  	v9 =	vmax.f32 v10, v9;
	v10 =	vld.idx.msk [tilespmem:v15+s13+$0x0], $0xffff  }
0x60: {  	v9 =	vmax.f32 v9, v11;
	v11 =	vld.idx.msk [tilespmem:v16+s13+$0x0], $0xffff  }
0x61: {  	v8 =	vmax.f32 v9, v8;
	v9 =	vld.idx.msk [tilespmem:v17+s13+$0x0], $0xffff  }
0x62: {  	v8 =	vmax.f32 v8, v12;
	v12 =	vld.idx.msk [tilespmem:v18+s13+$0x0], $0xffff  }
0x63: {  	v7 =	vmax.f32 v8, v7;
	v8 =	vld.idx.msk [tilespmem:v19+s13+$0x0], $0xffff  }
0x64: {  	v6 =	vmax.f32 v7, v6;
	v7 =	vld.idx.msk [tilespmem:v20+s13+$0x0], $0xffff  }
0x65: {  	v6 =	vmax.f32 v6, v10;
	v5 =	vld.idx.msk [tilespmem:v5+s13+$0x0], $0xffff  }
0x66: {  	v6 =	vmax.f32 v6, v11  }
0x67: {  	v6 =	vmax.f32 v6, v9  }
0x68: {  	v6 =	vmax.f32 v6, v12  }
0x69: {  	v6 =	vmax.f32 v6, v8  }
0x6a: {  	v6 =	vmax.f32 v6, v7  }
0x6b: {  	v5 =	vmax.f32 v6, v5  }
0x6c: {  	v6 =	vshra.s32 v5, $0x1F;
	v7 =	vsub.f32 $0.0e+00, v5  }
0x6d: {  	v6 =	vand.u32 $0x7FFFFFFF, v6  }
0x6e: {  	v5 =	vxor.u32 v5, v6;
	v6 =	vmul.f32 $1.442695020e+00, v7  }
0x6f: {  	[tilespmem:s15+$0x0] =	vst v5;
	v5 =	vshrl.u32 v5, $0x14  }
0x70: {  	v5 =	vand.u32 $0xFF0, v5;
	(erf) = vpow2.f32 v6  }
0x71: {  	v5 =	vxor.u32 v3, v5  }
0x72: {  	v5 =	vor.u32 v4, v5;
	_ =	sdelay $0x4  }
0x73: {  	[tilespmem:v5+s25+$0x0] =	vst.idx.add.s32.msk $0xffff, v2;
	_ =	sdelay $0x1  }
0x74: {  	v5 =	vpop (erf)  }
0x75: {  	v5 =	vadd.f32 $1.000000000e+00, v5;
	_ =	sdelay $0x1  }
0x76: {  	(erf) = vrcp.f32 v5;
	_ =	sdelay $0x8  }
0x77: {  	v6 =	vpop (erf)  }
0x78: {  	[tilespmem:s16+$0x0] =	vst v6;
	v0 =	vadd.f32 v6, v0  }
0x79: {  	v5 =	vld [tilespmem:s31+$0x0];
	_ =	sdelay $0x4  }
0x7a: {  	v5 =	vsub.f32 $0.0e+00, v5;
	_ =	sdelay $0x1  }
0x7b: {  	v5 =	vmul.f32 $1.442695020e+00, v5;
	_ =	sdelay $0x1  }
0x7c: {  	(erf) = vpow2.f32 v5;
	_ =	sdelay $0x8  }
0x7d: {  	v5 =	vpop (erf)  }
0x7e: {  	v5 =	vadd.f32 $1.000000000e+00, v5;
	_ =	sdelay $0x1  }
0x7f: {  	(erf) = vrcp.f32 v5;
	_ =	sdelay $0x5  }
0x80: {  	v5 =	vmov s6  }
.Ltmp1:
0x81: {  	v5 =	vshll.u32 v5, $0x4;
	(pc) =	sbr.rel @p0 .LBB2_4-.Ltmp1, $4  }
0x82: {  	v5 =	vor.u32 v1, v5  }
0x83: {  	v13 =	vor.u32 $0x1, v5;
	v10 =	vor.u32 $0x2, v5;
	v9 =	vor.u32 $0x3, v5;
	v7 =	vpop (erf)  }
0x84: {  	v11 =	vor.u32 $0x4, v5;
	v8 =	vor.u32 $0x5, v5;
	v14 =	vmul.f32 v7, v6  }
0x85: {  	s30 =	sadd.s32 $0x10, s30;
	s3 =	smov.u32 s7;
	s31 =	sadd.s32 $0x10, s31;
	v12 =	vor.u32 $0x6, v5;
	v7 =	vor.u32 $0x7, v5;
	v6 =	vor.u32 $0x8, v5  }
0x86: {  	_ =	sdelay $0x2  }
0x87: {  	[tilespmem:s18+$0x0] =	vst v14  }
0x88: {  	v14 =	vld.idx.msk [tilespmem:v5+s13+$0x0], $0xffff  }
0x89: {  	v13 =	vld.idx.msk [tilespmem:v13+s13+$0x0], $0xffff  }
0x8a: {  	v10 =	vld.idx.msk [tilespmem:v10+s13+$0x0], $0xffff  }
0x8b: {  	v9 =	vld.idx.msk [tilespmem:v9+s13+$0x0], $0xffff  }
0x8c: {  	v15 =	vor.u32 $0x9, v5;
	v11 =	vld.idx.msk [tilespmem:v11+s13+$0x0], $0xffff  }
0x8d: {  	v16 =	vor.u32 $0xA, v5;
	v8 =	vld.idx.msk [tilespmem:v8+s13+$0x0], $0xffff  }
0x8e: {  	v17 =	vor.u32 $0xB, v5;
	v12 =	vld.idx.msk [tilespmem:v12+s13+$0x0], $0xffff;
	v13 =	vmax.f32 v14, v13  }
0x8f: {  	v7 =	vld.idx.msk [tilespmem:v7+s13+$0x0], $0xffff;
	v14 =	vor.u32 $0xC, v5;
	v10 =	vmax.f32 v13, v10  }
0x90: {  	v6 =	vld.idx.msk [tilespmem:v6+s13+$0x0], $0xffff;
	v13 =	vor.u32 $0xD, v5;
	v9 =	vmax.f32 v10, v9  }
0x91: {  	v15 =	vld.idx.msk [tilespmem:v15+s13+$0x0], $0xffff;
	v10 =	vor.u32 $0xE, v5;
	v9 =	vmax.f32 v9, v11  }
0x92: {  	v5 =	vor.u32 $0xF, v5;
	v11 =	vld.idx.msk [tilespmem:v16+s13+$0x0], $0xffff;
	v8 =	vmax.f32 v9, v8  }
0x93: {  	v9 =	vld.idx.msk [tilespmem:v17+s13+$0x0], $0xffff;
	v8 =	vmax.f32 v8, v12  }
0x94: {  	v12 =	vld.idx.msk [tilespmem:v14+s13+$0x0], $0xffff;
	v7 =	vmax.f32 v8, v7  }
0x95: {  	v8 =	vld.idx.msk [tilespmem:v13+s13+$0x0], $0xffff;
	v6 =	vmax.f32 v7, v6  }
0x96: {  	v7 =	vld.idx.msk [tilespmem:v10+s13+$0x0], $0xffff;
	v6 =	vmax.f32 v6, v15  }
0x97: {  	v5 =	vld.idx.msk [tilespmem:v5+s13+$0x0], $0xffff;
	v6 =	vmax.f32 v6, v11  }
0x98: {  	v6 =	vmax.f32 v6, v9  }
0x99: {  	v6 =	vmax.f32 v6, v12  }
0x9a: {  	v6 =	vmax.f32 v6, v8  }
0x9b: {  	v6 =	vmax.f32 v6, v7  }
0x9c: {  	v5 =	vmax.f32 v6, v5  }
0x9d: {  	v6 =	vsub.f32 $0.0e+00, v5;
	_ =	sdelay $0x1  }
0x9e: {  	v6 =	vmul.f32 $1.442695020e+00, v6;
	_ =	sdelay $0x1  }
0x9f: {  	(erf) = vpow2.f32 v6;
	_ =	sdelay $0x8  }
0xa0: {  	v6 =	vpop (erf)  }
0xa1: {  	v7 =	vshra.s32 v5, $0x1F;
	v6 =	vadd.f32 $1.000000000e+00, v6  }
0xa2: {  	v7 =	vand.u32 $0x7FFFFFFF, v7  }
0xa3: {  	v5 =	vxor.u32 v5, v7;
	(erf) = vrcp.f32 v6  }
0xa4: {  	v6 =	vshrl.u32 v5, $0x14  }
0xa5: {  	v6 =	vand.u32 $0xFF0, v6  }
0xa6: {  	v6 =	vxor.u32 v3, v6  }
0xa7: {  	v6 =	vor.u32 v4, v6;
	_ =	sdelay $0x2  }
0xa8: {  	s3 =	sadd.s32 $0x10, s15  }
0xa9: {  	[tilespmem:s3+$0x0] =	vst v5  }
0xaa: {  	s16 =	sadd.s32 $0x10, s16;
	[tilespmem:v6+s25+$0x0] =	vst.idx.add.s32.msk $0xffff, v2;
	v5 =	vpop (erf)  }
0xab: {  	[tilespmem:s16+$0x0] =	vst v5  }
0xac: {  	v6 =	vld [tilespmem:s31+$0x0];
	_ =	sdelay $0x4  }
0xad: {  	v6 =	vsub.f32 $0.0e+00, v6;
	_ =	sdelay $0x1  }
0xae: {  	v6 =	vmul.f32 $1.442695020e+00, v6;
	_ =	sdelay $0x1  }
0xaf: {  	(erf) = vpow2.f32 v6;
	_ =	sdelay $0x8  }
0xb0: {  	v6 =	vpop (erf)  }
0xb1: {  	v6 =	vadd.f32 $1.000000000e+00, v6;
	_ =	sdelay $0x1  }
0xb2: {  	(erf) = vrcp.f32 v6;
	_ =	sdelay $0x8  }
0xb3: {  	s18 =	simm.s32 $0x0;
	v6 =	vpop (erf)  }
0xb4: {  	v7 =	vmov s18;
	v6 =	vmul.f32 v6, v5  }
0xb5: {  	v7 =	vshll.u32 v7, $0x4  }
0xb6: {  	p0 =	seq.s32 s28, $0xA;
	[tilespmem:s30+$0x0] =	vst v6;
	v6 =	vor.u32 v1, v7  }
0xb7: {  	s3 =	sadd.s32 @!p0 s29, s14;
	_ =	swait.ge [sflag:s26], $0x1F00;
	v7 =	vor.u32 $0x1, v6  }
0xb8: {  	s3 =	sshll.u32 @!p0 s3, $0x1;
	v8 =	vor.u32 $0x2, v6;
	[sflag:s26] =	ssyncset.done $0x0  }
0xb9: {  	s6 =	simm.s32 @!p0 $0x0;
	s3 =	sadd.s32 @!p0 s12, s3;
	v9 =	vor.u32 $0x3, v6;
	[sflag:s26] =	ssyncadd.s32 $0xFFFFE100  }
0xba: {  	v10 =	vor.u32 $0x4, v6;
	[tilespmem:s6], [sflag:$0x1] =	stream.linear.gather @!p0 [hbm4b:s3+s6], $0x1F00, $0x38;
	[tilespmem:$0x18610] =	vst v63  }
0xbb: {  	v11 =	vor.u32 $0x5, v6;
	v12 =	vld.idx.msk [tilespmem:v6+s24+$0x0], $0xffff  }
0xbc: {  	v13 =	vor.u32 $0x6, v6;
	v7 =	vld.idx.msk [tilespmem:v7+s24+$0x0], $0xffff  }
0xbd: {  	v14 =	vor.u32 $0x7, v6;
	v8 =	vld.idx.msk [tilespmem:v8+s24+$0x0], $0xffff  }
0xbe: {  	v15 =	vor.u32 $0x8, v6;
	v9 =	vld.idx.msk [tilespmem:v9+s24+$0x0], $0xffff  }
0xbf: {  	v62 =	vor.u32 $0x9, v6;
	v10 =	vld.idx.msk [tilespmem:v10+s24+$0x0], $0xffff  }
0xc0: {  	v63 =	vor.u32 $0xA, v6;
	v11 =	vld.idx.msk [tilespmem:v11+s24+$0x0], $0xffff  }
0xc1: {  	v18 =	vor.u32 $0xB, v6;
	v13 =	vld.idx.msk [tilespmem:v13+s24+$0x0], $0xffff;
	v7 =	vmax.f32 v12, v7  }
0xc2: {  	v14 =	vld.idx.msk [tilespmem:v14+s24+$0x0], $0xffff;
	v12 =	vor.u32 $0xC, v6;
	v7 =	vmax.f32 v7, v8  }
0xc3: {  	v15 =	vld.idx.msk [tilespmem:v15+s24+$0x0], $0xffff;
	v8 =	vor.u32 $0xD, v6;
	v7 =	vmax.f32 v7, v9  }
0xc4: {  	v16 =	vld.idx.msk [tilespmem:v62+s24+$0x0], $0xffff;
	v9 =	vor.u32 $0xE, v6;
	v7 =	vmax.f32 v7, v10  }
0xc5: {  	v6 =	vor.u32 $0xF, v6;
	v10 =	vld.idx.msk [tilespmem:v63+s24+$0x0], $0xffff;
	v7 =	vmax.f32 v7, v11  }
0xc6: {  	v11 =	vld.idx.msk [tilespmem:v18+s24+$0x0], $0xffff;
	v7 =	vmax.f32 v7, v13  }
0xc7: {  	v12 =	vld.idx.msk [tilespmem:v12+s24+$0x0], $0xffff;
	v7 =	vmax.f32 v7, v14  }
0xc8: {  	v8 =	vld.idx.msk [tilespmem:v8+s24+$0x0], $0xffff;
	v7 =	vmax.f32 v7, v15  }
0xc9: {  	v9 =	vld.idx.msk [tilespmem:v9+s24+$0x0], $0xffff;
	v7 =	vmax.f32 v7, v16  }
0xca: {  	v6 =	vld.idx.msk [tilespmem:v6+s24+$0x0], $0xffff;
	v7 =	vmax.f32 v7, v10  }
0xcb: {  	v7 =	vmax.f32 v7, v11  }
0xcc: {  	v7 =	vmax.f32 v7, v12  }
0xcd: {  	v7 =	vmax.f32 v7, v8  }
0xce: {  	v7 =	vmax.f32 v7, v9  }
0xcf: {  	v6 =	vmax.f32 v7, v6  }
0xd0: {  	v7 =	vsub.f32 $0.0e+00, v6;
	_ =	sdelay $0x1  }
0xd1: {  	v7 =	vmul.f32 $1.442695020e+00, v7;
	_ =	sdelay $0x1  }
0xd2: {  	(erf) = vpow2.f32 v7;
	_ =	sdelay $0x8  }
0xd3: {  	v7 =	vpop (erf)  }
0xd4: {  	v8 =	vshra.s32 v6, $0x1F;
	v7 =	vadd.f32 $1.000000000e+00, v7  }
0xd5: {  	v8 =	vand.u32 $0x7FFFFFFF, v8  }
0xd6: {  	v6 =	vxor.u32 v6, v8;
	(erf) = vrcp.f32 v7  }
0xd7: {  	v7 =	vshrl.u32 v6, $0x14  }
0xd8: {  	v7 =	vand.u32 $0xFF0, v7  }
0xd9: {  	v7 =	vxor.u32 v3, v7  }
0xda: {  	v7 =	vor.u32 v4, v7;
	_ =	sdelay $0x3  }
0xdb: {  	[tilespmem:s19+$0x0] =	vst v6  }
0xdc: {  	[tilespmem:v7+s25+$0x0] =	vst.idx.add.s32.msk $0xffff, v2;
	v6 =	vpop (erf)  }
0xdd: {  	[tilespmem:s20+$0x0] =	vst v6  }
0xde: {  	v7 =	vld [tilespmem:s21+$0x0];
	_ =	sdelay $0x4  }
0xdf: {  	v7 =	vsub.f32 $0.0e+00, v7;
	_ =	sdelay $0x1  }
0xe0: {  	v7 =	vmul.f32 $1.442695020e+00, v7;
	_ =	sdelay $0x1  }
0xe1: {  	(erf) = vpow2.f32 v7;
	_ =	sdelay $0x8  }
0xe2: {  	v7 =	vpop (erf)  }
0xe3: {  	v7 =	vadd.f32 $1.000000000e+00, v7;
	_ =	sdelay $0x1  }
0xe4: {  	(erf) = vrcp.f32 v7;
	_ =	sdelay $0x2  }
0xe5: {  	s31 =	simm.s32 $0x10  }
0xe6: {  	v0 =	vadd.f32 v5, v0;
	v5 =	vmov s31  }
0xe7: {  	v5 =	vshll.u32 v5, $0x4  }
0xe8: {  	v5 =	vor.u32 v1, v5  }
0xe9: {  	v13 =	vor.u32 $0x1, v5  }
0xea: {  	v10 =	vor.u32 $0x2, v5;
	v11 =	vor.u32 $0x4, v5;
	v12 =	vor.u32 $0x6, v5  }
0xeb: {  	s7 =	simm.s32 $0x20;
	s15 =	smov.u32 s19;
	s18 =	smov.u32 s22;
	v9 =	vor.u32 $0x3, v5;
	v8 =	vor.u32 $0x5, v5;
	v0 =	vadd.f32 v6, v0;
	v7 =	vpop (erf)  }
0xec: {  	s29 =	sadd.s32 $0x10, s22;
	s16 =	smov.u32 s20;
	s30 =	sadd.s32 $0x10, s21;
	v14 =	vmul.f32 v7, v6;
	v7 =	vor.u32 $0x7, v5;
	v6 =	vor.u32 $0x8, v5  }
.LBB2_6:
0xed: {  	s15 =	sadd.s32 $0x10, s15;
	s16 =	sadd.s32 $0x10, s16  }
0xee: {  	v15 =	vor.u32 $0x9, v5;
	v16 =	vor.u32 $0xA, v5;
	v17 =	vor.u32 $0xB, v5;
	[tilespmem:s18+$0x0] =	vst v14;
	s6 =	smov.u32 s7;
	s3 =	sadd.s32 $0x10, s7;
	s18 =	smov.u32 s29  }
0xef: {  	p0 =	sne.s32 s7, $0x1E0;
	v18 =	vor.u32 $0xC, v5;
	v19 =	vor.u32 $0xD, v5;
	v20 =	vor.u32 $0xE, v5;
	v14 =	vld.idx.msk [tilespmem:v5+s24+$0x0], $0xffff  }
0xf0: {  	v5 =	vor.u32 $0xF, v5;
	v13 =	vld.idx.msk [tilespmem:v13+s24+$0x0], $0xffff  }
0xf1: {  	v10 =	vld.idx.msk [tilespmem:v10+s24+$0x0], $0xffff  }
0xf2: {  	v9 =	vld.idx.msk [tilespmem:v9+s24+$0x0], $0xffff  }
0xf3: {  	v11 =	vld.idx.msk [tilespmem:v11+s24+$0x0], $0xffff  }
0xf4: {  	v8 =	vld.idx.msk [tilespmem:v8+s24+$0x0], $0xffff  }
0xf5: {  	v12 =	vld.idx.msk [tilespmem:v12+s24+$0x0], $0xffff  }
0xf6: {  	v13 =	vmax.f32 v14, v13;
	v7 =	vld.idx.msk [tilespmem:v7+s24+$0x0], $0xffff  }
0xf7: {  	v10 =	vmax.f32 v13, v10;
	v6 =	vld.idx.msk [tilespmem:v6+s24+$0x0], $0xffff  }
0xf8: {  	v9 =	vmax.f32 v10, v9;
	v10 =	vld.idx.msk [tilespmem:v15+s24+$0x0], $0xffff  }
0xf9: {  	v9 =	vmax.f32 v9, v11;
	v11 =	vld.idx.msk [tilespmem:v16+s24+$0x0], $0xffff  }
0xfa: {  	v8 =	vmax.f32 v9, v8;
	v9 =	vld.idx.msk [tilespmem:v17+s24+$0x0], $0xffff  }
0xfb: {  	v8 =	vmax.f32 v8, v12;
	v12 =	vld.idx.msk [tilespmem:v18+s24+$0x0], $0xffff  }
0xfc: {  	v7 =	vmax.f32 v8, v7;
	v8 =	vld.idx.msk [tilespmem:v19+s24+$0x0], $0xffff  }
0xfd: {  	v6 =	vmax.f32 v7, v6;
	v7 =	vld.idx.msk [tilespmem:v20+s24+$0x0], $0xffff  }
0xfe: {  	v6 =	vmax.f32 v6, v10;
	v5 =	vld.idx.msk [tilespmem:v5+s24+$0x0], $0xffff  }
0xff: {  	v6 =	vmax.f32 v6, v11  }
0x100: {  	v6 =	vmax.f32 v6, v9  }
0x101: {  	v6 =	vmax.f32 v6, v12  }
0x102: {  	v6 =	vmax.f32 v6, v8  }
0x103: {  	v6 =	vmax.f32 v6, v7  }
0x104: {  	v5 =	vmax.f32 v6, v5  }
0x105: {  	v6 =	vshra.s32 v5, $0x1F;
	v7 =	vsub.f32 $0.0e+00, v5  }
0x106: {  	v6 =	vand.u32 $0x7FFFFFFF, v6  }
0x107: {  	v5 =	vxor.u32 v5, v6;
	v6 =	vmul.f32 $1.442695020e+00, v7  }
0x108: {  	[tilespmem:s15+$0x0] =	vst v5;
	v5 =	vshrl.u32 v5, $0x14  }
0x109: {  	v5 =	vand.u32 $0xFF0, v5;
	(erf) = vpow2.f32 v6  }
0x10a: {  	v5 =	vxor.u32 v3, v5  }
0x10b: {  	v5 =	vor.u32 v4, v5;
	_ =	sdelay $0x4  }
0x10c: {  	[tilespmem:v5+s25+$0x0] =	vst.idx.add.s32.msk $0xffff, v2;
	_ =	sdelay $0x1  }
0x10d: {  	v5 =	vpop (erf)  }
0x10e: {  	v5 =	vadd.f32 $1.000000000e+00, v5;
	_ =	sdelay $0x1  }
0x10f: {  	(erf) = vrcp.f32 v5;
	_ =	sdelay $0x8  }
0x110: {  	v6 =	vpop (erf)  }
0x111: {  	[tilespmem:s16+$0x0] =	vst v6;
	v0 =	vadd.f32 v6, v0  }
0x112: {  	v5 =	vld [tilespmem:s30+$0x0];
	_ =	sdelay $0x4  }
0x113: {  	v5 =	vsub.f32 $0.0e+00, v5;
	_ =	sdelay $0x1  }
0x114: {  	v5 =	vmul.f32 $1.442695020e+00, v5;
	_ =	sdelay $0x1  }
0x115: {  	(erf) = vpow2.f32 v5;
	_ =	sdelay $0x8  }
0x116: {  	v5 =	vpop (erf)  }
0x117: {  	v5 =	vadd.f32 $1.000000000e+00, v5;
	_ =	sdelay $0x1  }
0x118: {  	(erf) = vrcp.f32 v5;
	_ =	sdelay $0x5  }
0x119: {  	v5 =	vmov s6  }
.Ltmp2:
0x11a: {  	v5 =	vshll.u32 v5, $0x4;
	(pc) =	sbr.rel @p0 .LBB2_6-.Ltmp2, $4  }
0x11b: {  	v5 =	vor.u32 v1, v5  }
0x11c: {  	v13 =	vor.u32 $0x1, v5;
	v10 =	vor.u32 $0x2, v5;
	v9 =	vor.u32 $0x3, v5;
	v7 =	vpop (erf)  }
0x11d: {  	v11 =	vor.u32 $0x4, v5;
	v8 =	vor.u32 $0x5, v5;
	v14 =	vmul.f32 v7, v6  }
0x11e: {  	s29 =	sadd.s32 $0x10, s29;
	s7 =	smov.u32 s3;
	s30 =	sadd.s32 $0x10, s30;
	v12 =	vor.u32 $0x6, v5;
	v7 =	vor.u32 $0x7, v5;
	v6 =	vor.u32 $0x8, v5  }
0x11f: {  	_ =	sdelay $0x2  }
0x120: {  	[tilespmem:s18+$0x0] =	vst v14  }
0x121: {  	v14 =	vld.idx.msk [tilespmem:v5+s24+$0x0], $0xffff  }
0x122: {  	v13 =	vld.idx.msk [tilespmem:v13+s24+$0x0], $0xffff  }
0x123: {  	v10 =	vld.idx.msk [tilespmem:v10+s24+$0x0], $0xffff  }
0x124: {  	v9 =	vld.idx.msk [tilespmem:v9+s24+$0x0], $0xffff  }
0x125: {  	v15 =	vor.u32 $0x9, v5;
	v11 =	vld.idx.msk [tilespmem:v11+s24+$0x0], $0xffff  }
0x126: {  	v16 =	vor.u32 $0xA, v5;
	v8 =	vld.idx.msk [tilespmem:v8+s24+$0x0], $0xffff  }
0x127: {  	v17 =	vor.u32 $0xB, v5;
	v12 =	vld.idx.msk [tilespmem:v12+s24+$0x0], $0xffff;
	v13 =	vmax.f32 v14, v13  }
0x128: {  	v57 =	vor.u32 $0xC, v5;
	v7 =	vld.idx.msk [tilespmem:v7+s24+$0x0], $0xffff;
	v10 =	vmax.f32 v13, v10  }
0x129: {  	v58 =	vor.u32 $0xD, v5;
	v6 =	vld.idx.msk [tilespmem:v6+s24+$0x0], $0xffff;
	v9 =	vmax.f32 v10, v9  }
0x12a: {  	v59 =	vor.u32 $0xE, v5;
	v15 =	vld.idx.msk [tilespmem:v15+s24+$0x0], $0xffff;
	v9 =	vmax.f32 v9, v11  }
0x12b: {  	v5 =	vor.u32 $0xF, v5;
	v60 =	vld.idx.msk [tilespmem:v16+s24+$0x0], $0xffff;
	v8 =	vmax.f32 v9, v8  }
0x12c: {  	v61 =	vld.idx.msk [tilespmem:v17+s24+$0x0], $0xffff;
	v8 =	vmax.f32 v8, v12  }
0x12d: {  	v62 =	vld.idx.msk [tilespmem:v57+s24+$0x0], $0xffff;
	v7 =	vmax.f32 v8, v7  }
0x12e: {  	v63 =	vld.idx.msk [tilespmem:v58+s24+$0x0], $0xffff;
	v6 =	vmax.f32 v7, v6  }
0x12f: {  	v7 =	vld.idx.msk [tilespmem:v59+s24+$0x0], $0xffff;
	v6 =	vmax.f32 v6, v15  }
0x130: {  	v5 =	vld.idx.msk [tilespmem:v5+s24+$0x0], $0xffff;
	v6 =	vmax.f32 v6, v60  }
0x131: {  	v6 =	vmax.f32 v6, v61  }
0x132: {  	v6 =	vmax.f32 v6, v62  }
0x133: {  	v6 =	vmax.f32 v6, v63  }
0x134: {  	v6 =	vmax.f32 v6, v7  }
0x135: {  	v5 =	vmax.f32 v6, v5  }
0x136: {  	v6 =	vsub.f32 $0.0e+00, v5;
	_ =	sdelay $0x1  }
0x137: {  	v6 =	vmul.f32 $1.442695020e+00, v6;
	_ =	sdelay $0x1  }
0x138: {  	(erf) = vpow2.f32 v6;
	_ =	sdelay $0x8  }
0x139: {  	v6 =	vpop (erf)  }
0x13a: {  	v7 =	vshra.s32 v5, $0x1F;
	v6 =	vadd.f32 $1.000000000e+00, v6  }
0x13b: {  	v7 =	vand.u32 $0x7FFFFFFF, v7  }
0x13c: {  	v5 =	vxor.u32 v5, v7;
	(erf) = vrcp.f32 v6  }
0x13d: {  	v6 =	vshrl.u32 v5, $0x14  }
0x13e: {  	v6 =	vand.u32 $0xFF0, v6  }
0x13f: {  	v6 =	vxor.u32 v3, v6  }
0x140: {  	v6 =	vor.u32 v4, v6;
	_ =	sdelay $0x2  }
0x141: {  	s3 =	sadd.s32 $0x10, s15  }
0x142: {  	[tilespmem:s3+$0x0] =	vst v5  }
0x143: {  	s31 =	sadd.s32 $0x10, s16;
	[tilespmem:v6+s25+$0x0] =	vst.idx.add.s32.msk $0xffff, v2;
	v5 =	vpop (erf)  }
0x144: {  	[tilespmem:s31+$0x0] =	vst v5  }
0x145: {  	v6 =	vld [tilespmem:s30+$0x0];
	_ =	sdelay $0x4  }
0x146: {  	v6 =	vsub.f32 $0.0e+00, v6;
	_ =	sdelay $0x1  }
0x147: {  	v6 =	vmul.f32 $1.442695020e+00, v6;
	_ =	sdelay $0x1  }
0x148: {  	(erf) = vpow2.f32 v6;
	_ =	sdelay $0x8  }
0x149: {  	v6 =	vpop (erf)  }
0x14a: {  	v6 =	vadd.f32 $1.000000000e+00, v6;
	_ =	sdelay $0x1  }
0x14b: {  	(erf) = vrcp.f32 v6;
	_ =	sdelay $0x5  }
0x14c: {  	s28 =	sadd.s32 $0x1, s28  }
0x14d: {  	p0 =	sne.s32 s28, $0xB  }
.Ltmp3:
0x14e: {  	_ = 	snop;
	(pc) =	sbr.rel @p0 .LBB2_3-.Ltmp3, $4  }
0x14f: {  	v6 =	vpop (erf)  }
0x150: {  	s1 =	sadd.s32 $0x3E0, s1;
	s0 =	sadd.s32 $0x3E0, s0;
	v6 =	vmul.f32 v6, v5  }
0x151: {  	s17 =	sadd.s32 $0x3E0, s17;
	s2 =	sadd.s32 $0x3E0, s2;
	s19 =	sadd.s32 $0x3E0, s19  }
0x152: {  	s20 =	sadd.s32 $0x3E0, s20;
	s21 =	sadd.s32 $0x3E0, s21;
	s22 =	sadd.s32 $0x3E0, s22;
	v0 =	vadd.f32 v5, v0;
	[tilespmem:s29+$0x0] =	vst v6  }
0x153: {  	v1 =	vlaneseq.u32  }
0x154: {  	v1 =	vmul.u32 $0x10, v1  }
0x155: {  	s1 =	simm.s32 $0x0  }
0x156: {  	s0 =	sadd.s32 s10, s5;
	s2 =	simm.s32 $0xBDE0;
	s29 =	simm.s32 $0x3;
	v2 =	vor.u32 $0x1, v1;
	v9 =	vor.u32 s1, v1  }
0x157: {  	[hbm4b:s0+s1] =	stream.linear.scatter [tilespmem:s2], [sflag:$0x3], $0x2AA0, $0x38;
	v3 =	vor.u32 $0x2, v1;
	v8 =	vor.u32 s1, v2;
	[tilespmem:$0x18610] =	vst v63  }
0x158: {  	_ =	swait.ge [sflag:s29], $0x2AA0;
	v4 =	vor.u32 $0x3, v1;
	v10 =	vor.u32 s1, v3  }
0x159: {  	[sflag:s29] =	ssyncset.done $0x0;
	v5 =	vor.u32 $0x4, v1;
	v11 =	vor.u32 s1, v4  }
0x15a: {  	s10 =	simm.s32 $0x13DC0;
	v6 =	vor.u32 $0x5, v1;
	[sflag:s29] =	ssyncadd.s32 $0xFFFFD560;
	v12 =	vor.u32 s1, v5  }
0x15b: {  	v7 =	vor.u32 $0x6, v1;
	v13 =	vor.u32 s1, v6;
	v15 =	vld.idx.msk [tilespmem:v9+s10+$0x0], $0xffff  }
0x15c: {  	v16 =	vor.u32 s1, v7;
	v14 =	vld.idx.msk [tilespmem:v8+s10+$0x0], $0xffff;
	v8 =	vor.u32 $0x7, v1  }
0x15d: {  	v9 =	vor.u32 $0x8, v1;
	v17 =	vld.idx.msk [tilespmem:v10+s10+$0x0], $0xffff;
	v18 =	vor.u32 s1, v8  }
0x15e: {  	v10 =	vor.u32 $0x9, v1;
	v19 =	vld.idx.msk [tilespmem:v11+s10+$0x0], $0xffff;
	v20 =	vor.u32 s1, v9  }
0x15f: {  	v11 =	vor.u32 $0xA, v1;
	v21 =	vld.idx.msk [tilespmem:v12+s10+$0x0], $0xffff;
	v22 =	vor.u32 s1, v10  }
0x160: {  	v12 =	vor.u32 $0xB, v1;
	v23 =	vld.idx.msk [tilespmem:v13+s10+$0x0], $0xffff;
	v24 =	vor.u32 s1, v11  }
0x161: {  	v13 =	vor.u32 $0xC, v1;
	v25 =	vld.idx.msk [tilespmem:v16+s10+$0x0], $0xffff;
	v26 =	vor.u32 s1, v12;
	v15 =	vadd.s32 v15, v14  }
0x162: {  	v27 =	vor.u32 s1, v13;
	v14 =	vor.u32 $0xD, v1;
	v18 =	vld.idx.msk [tilespmem:v18+s10+$0x0], $0xffff;
	v16 =	vadd.s32 v17, v15  }
0x163: {  	v15 =	vor.u32 $0xE, v1;
	v17 =	vld.idx.msk [tilespmem:v20+s10+$0x0], $0xffff;
	v20 =	vor.u32 s1, v14;
	v19 =	vadd.s32 v19, v16  }
0x164: {  	v22 =	vld.idx.msk [tilespmem:v22+s10+$0x0], $0xffff;
	v16 =	vor.u32 $0xF, v1;
	v28 =	vor.u32 s1, v15;
	v19 =	vadd.s32 v21, v19  }
0x165: {  	v21 =	vld.idx.msk [tilespmem:v24+s10+$0x0], $0xffff;
	v52 =	vor.u32 s1, v16;
	v19 =	vadd.s32 v23, v19  }
0x166: {  	v23 =	vld.idx.msk [tilespmem:v26+s10+$0x0], $0xffff;
	v19 =	vadd.s32 v25, v19  }
0x167: {  	v53 =	vld.idx.msk [tilespmem:v27+s10+$0x0], $0xffff;
	v18 =	vadd.s32 v18, v19  }
0x168: {  	v19 =	vld.idx.msk [tilespmem:v20+s10+$0x0], $0xffff;
	v17 =	vadd.s32 v17, v18  }
0x169: {  	v18 =	vld.idx.msk [tilespmem:v28+s10+$0x0], $0xffff;
	v17 =	vadd.s32 v22, v17  }
0x16a: {  	v20 =	vld.idx.msk [tilespmem:v52+s10+$0x0], $0xffff;
	v17 =	vadd.s32 v21, v17  }
0x16b: {  	v17 =	vadd.s32 v23, v17  }
0x16c: {  	s30 =	simm.s32 $0x100;
	v17 =	vadd.s32 v53, v17  }
0x16d: {  	v21 =	vor.u32 s30, v2;
	v17 =	vadd.s32 v19, v17  }
0x16e: {  	v19 =	vor.u32 s30, v1;
	v17 =	vadd.s32 v18, v17  }
0x16f: {  	s31 =	simm.s32 $0x15DC0;
	v18 =	vor.u32 s30, v3;
	v17 =	vadd.s32 v20, v17  }
0x170: {  	s0 =	simm.s32 $0x15EC0;
	v20 =	vor.u32 s30, v4;
	[tilespmem:s31+$0x0] =	vst v17  }
0x171: {  	v22 =	vor.u32 s30, v5;
	[tilespmem:s0+$0x0] =	vst v17  }
0x172: {  	v17 =	vld.idx.msk [tilespmem:v21+s10+$0x0], $0xffff;
	v21 =	vor.u32 s30, v6  }
0x173: {  	v23 =	vor.u32 s30, v7;
	v19 =	vld.idx.msk [tilespmem:v19+s10+$0x0], $0xffff  }
0x174: {  	v54 =	vor.u32 s30, v8;
	v18 =	vld.idx.msk [tilespmem:v18+s10+$0x0], $0xffff  }
0x175: {  	v55 =	vor.u32 s30, v9;
	v20 =	vld.idx.msk [tilespmem:v20+s10+$0x0], $0xffff  }
0x176: {  	v56 =	vor.u32 s30, v10;
	v22 =	vld.idx.msk [tilespmem:v22+s10+$0x0], $0xffff  }
0x177: {  	v57 =	vor.u32 s30, v11;
	v21 =	vld.idx.msk [tilespmem:v21+s10+$0x0], $0xffff  }
0x178: {  	v58 =	vor.u32 s30, v12;
	v23 =	vld.idx.msk [tilespmem:v23+s10+$0x0], $0xffff;
	v17 =	vadd.s32 v19, v17  }
0x179: {  	v59 =	vor.u32 s30, v13;
	v19 =	vld.idx.msk [tilespmem:v54+s10+$0x0], $0xffff;
	v17 =	vadd.s32 v18, v17  }
0x17a: {  	v60 =	vor.u32 s30, v14;
	v18 =	vld.idx.msk [tilespmem:v55+s10+$0x0], $0xffff;
	v17 =	vadd.s32 v20, v17  }
0x17b: {  	v61 =	vor.u32 s30, v15;
	v20 =	vld.idx.msk [tilespmem:v56+s10+$0x0], $0xffff;
	v17 =	vadd.s32 v22, v17  }
0x17c: {  	v62 =	vor.u32 s30, v16;
	v22 =	vld.idx.msk [tilespmem:v57+s10+$0x0], $0xffff;
	v17 =	vadd.s32 v21, v17  }
0x17d: {  	v21 =	vld.idx.msk [tilespmem:v58+s10+$0x0], $0xffff;
	v17 =	vadd.s32 v23, v17  }
0x17e: {  	v23 =	vld.idx.msk [tilespmem:v59+s10+$0x0], $0xffff;
	v17 =	vadd.s32 v19, v17  }
0x17f: {  	v19 =	vld.idx.msk [tilespmem:v60+s10+$0x0], $0xffff;
	v17 =	vadd.s32 v18, v17  }
0x180: {  	v63 =	vld.idx.msk [tilespmem:v61+s10+$0x0], $0xffff;
	v17 =	vadd.s32 v20, v17  }
0x181: {  	v20 =	vld.idx.msk [tilespmem:v62+s10+$0x0], $0xffff;
	v17 =	vadd.s32 v22, v17  }
0x182: {  	v17 =	vadd.s32 v21, v17  }
0x183: {  	s2 =	simm.s32 $0x200;
	v17 =	vadd.s32 v23, v17  }
0x184: {  	v18 =	vor.u32 s2, v2;
	v17 =	vadd.s32 v19, v17  }
0x185: {  	v19 =	vor.u32 s2, v1;
	v21 =	vadd.s32 v63, v17  }
0x186: {  	s3 =	simm.s32 $0x300;
	s1 =	simm.s32 $0x15DD0;
	v17 =	vor.u32 s2, v3;
	v20 =	vadd.s32 v20, v21  }
.LBB2_9:
0x187: {  	p0 =	sne.s32 s3, $0xF00;
	v21 =	vor.u32 s2, v4;
	[tilespmem:s1+$0x0] =	vst v20;
	s0 =	sadd.s32 $0x10, s0  }
0x188: {  	v22 =	vor.u32 s2, v5;
	[tilespmem:s0+$0x0] =	vst v20  }
0x189: {  	v20 =	vor.u32 s2, v6;
	v18 =	vld.idx.msk [tilespmem:v18+s10+$0x0], $0xffff  }
0x18a: {  	v23 =	vor.u32 s2, v7;
	v19 =	vld.idx.msk [tilespmem:v19+s10+$0x0], $0xffff  }
0x18b: {  	v24 =	vor.u32 s2, v8;
	v17 =	vld.idx.msk [tilespmem:v17+s10+$0x0], $0xffff  }
0x18c: {  	v25 =	vor.u32 s2, v9;
	v21 =	vld.idx.msk [tilespmem:v21+s10+$0x0], $0xffff  }
0x18d: {  	v26 =	vor.u32 s2, v10;
	v22 =	vld.idx.msk [tilespmem:v22+s10+$0x0], $0xffff  }
0x18e: {  	v27 =	vor.u32 s2, v11;
	v20 =	vld.idx.msk [tilespmem:v20+s10+$0x0], $0xffff  }
0x18f: {  	v28 =	vor.u32 s2, v12;
	v23 =	vld.idx.msk [tilespmem:v23+s10+$0x0], $0xffff  }
0x190: {  	v18 =	vadd.s32 v19, v18;
	v19 =	vld.idx.msk [tilespmem:v24+s10+$0x0], $0xffff;
	v24 =	vor.u32 s2, v13  }
0x191: {  	v17 =	vadd.s32 v17, v18;
	v18 =	vld.idx.msk [tilespmem:v25+s10+$0x0], $0xffff;
	v25 =	vor.u32 s2, v14  }
0x192: {  	v17 =	vadd.s32 v21, v17;
	v21 =	vld.idx.msk [tilespmem:v26+s10+$0x0], $0xffff;
	v26 =	vor.u32 s2, v15  }
0x193: {  	v17 =	vadd.s32 v22, v17;
	v22 =	vld.idx.msk [tilespmem:v27+s10+$0x0], $0xffff;
	v27 =	vor.u32 s2, v16;
	s2 =	smov.u32 s3  }
0x194: {  	v17 =	vadd.s32 v20, v17;
	v20 =	vld.idx.msk [tilespmem:v28+s10+$0x0], $0xffff  }
0x195: {  	v17 =	vadd.s32 v23, v17;
	v23 =	vld.idx.msk [tilespmem:v24+s10+$0x0], $0xffff  }
0x196: {  	v17 =	vadd.s32 v19, v17;
	v19 =	vld.idx.msk [tilespmem:v25+s10+$0x0], $0xffff  }
0x197: {  	v17 =	vadd.s32 v18, v17;
	v24 =	vld.idx.msk [tilespmem:v26+s10+$0x0], $0xffff  }
0x198: {  	v17 =	vadd.s32 v21, v17;
	v21 =	vld.idx.msk [tilespmem:v27+s10+$0x0], $0xffff  }
0x199: {  	v17 =	vadd.s32 v22, v17  }
.Ltmp4:
0x19a: {  	v17 =	vadd.s32 v20, v17;
	(pc) =	sbr.rel @p0 .LBB2_9-.Ltmp4, $4  }
0x19b: {  	v17 =	vadd.s32 v23, v17  }
0x19c: {  	v18 =	vor.u32 s3, v2;
	v17 =	vadd.s32 v19, v17  }
0x19d: {  	v19 =	vor.u32 s3, v1;
	v20 =	vadd.s32 v24, v17  }
0x19e: {  	s1 =	sadd.s32 $0x10, s1;
	s3 =	sadd.s32 $0x100, s3;
	v17 =	vor.u32 s2, v3;
	v20 =	vadd.s32 v21, v20  }
0x19f: {  	_ =	sdelay $0x1  }
0x1a0: {  	v1 =	vor.u32 s2, v4;
	[tilespmem:s1+$0x0] =	vst v20;
	s0 =	sadd.s32 $0x10, s0  }
0x1a1: {  	v2 =	vor.u32 s2, v5;
	[tilespmem:s0+$0x0] =	vst v20  }
0x1a2: {  	v4 =	vor.u32 s2, v6;
	v3 =	vld.idx.msk [tilespmem:v18+s10+$0x0], $0xffff  }
0x1a3: {  	v6 =	vor.u32 s2, v7;
	v5 =	vld.idx.msk [tilespmem:v19+s10+$0x0], $0xffff  }
0x1a4: {  	v8 =	vor.u32 s2, v8;
	v7 =	vld.idx.msk [tilespmem:v17+s10+$0x0], $0xffff  }
0x1a5: {  	v9 =	vor.u32 s2, v9;
	v1 =	vld.idx.msk [tilespmem:v1+s10+$0x0], $0xffff  }
0x1a6: {  	v10 =	vor.u32 s2, v10;
	v2 =	vld.idx.msk [tilespmem:v2+s10+$0x0], $0xffff  }
0x1a7: {  	v11 =	vor.u32 s2, v11;
	v4 =	vld.idx.msk [tilespmem:v4+s10+$0x0], $0xffff  }
0x1a8: {  	v12 =	vor.u32 s2, v12;
	v6 =	vld.idx.msk [tilespmem:v6+s10+$0x0], $0xffff;
	v3 =	vadd.s32 v5, v3  }
0x1a9: {  	v5 =	vld.idx.msk [tilespmem:v8+s10+$0x0], $0xffff;
	v8 =	vor.u32 s2, v13;
	v3 =	vadd.s32 v7, v3  }
0x1aa: {  	v59 =	vor.u32 s2, v14;
	v7 =	vld.idx.msk [tilespmem:v9+s10+$0x0], $0xffff;
	v1 =	vadd.s32 v1, v3  }
0x1ab: {  	v60 =	vor.u32 s2, v15;
	v3 =	vld.idx.msk [tilespmem:v10+s10+$0x0], $0xffff;
	v1 =	vadd.s32 v2, v1  }
0x1ac: {  	v61 =	vor.u32 s2, v16;
	v2 =	vld.idx.msk [tilespmem:v11+s10+$0x0], $0xffff;
	v1 =	vadd.s32 v4, v1  }
0x1ad: {  	v4 =	vld.idx.msk [tilespmem:v12+s10+$0x0], $0xffff;
	v1 =	vadd.s32 v6, v1  }
0x1ae: {  	v6 =	vld.idx.msk [tilespmem:v8+s10+$0x0], $0xffff;
	v1 =	vadd.s32 v5, v1  }
0x1af: {  	v5 =	vld.idx.msk [tilespmem:v59+s10+$0x0], $0xffff;
	v1 =	vadd.s32 v7, v1  }
0x1b0: {  	v7 =	vld.idx.msk [tilespmem:v60+s10+$0x0], $0xffff;
	v1 =	vadd.s32 v3, v1  }
0x1b1: {  	v3 =	vld.idx.msk [tilespmem:v61+s10+$0x0], $0xffff;
	v1 =	vadd.s32 v2, v1  }
0x1b2: {  	v1 =	vadd.s32 v4, v1  }
0x1b3: {  	v1 =	vadd.s32 v6, v1  }
0x1b4: {  	v1 =	vadd.s32 v5, v1  }
0x1b5: {  	v1 =	vadd.s32 v7, v1  }
0x1b6: {  	s24 =	sadd.s32 $0x10, s1;
	v1 =	vadd.s32 v3, v1  }
0x1b7: {  	s25 =	sshll.u32 s4, $0x8;
	s0 =	sadd.s32 $0x10, s0;
	[tilespmem:s24+$0x0] =	vst v1  }
0x1b8: {  	s26 =	simm.s32 $0x15DC0;
	s28 =	simm.s32 $0x3;
	s10 =	sadd.s32 s25, s9;
	[tilespmem:s0+$0x0] =	vst v1  }
0x1b9: {  	[spmem:s10] =	stream.linear.scatter [tilespmem:s26], [sflag:$0x3], $0x100, $0x38;
	[tilespmem:$0x18610] =	vst v63  }
0x1ba: {  	_ =	swait.ge [sflag:s28], $0x100  }
0x1bb: {  	[sflag:s28] =	ssyncset.done $0x0  }
0x1bc: {  	s29 =	simm.s32 $0x15EC0;
	s11 =	sadd.s32 s25, s8;
	[sflag:s28] =	ssyncadd.s32 $0xFFFFFF00  }
0x1bd: {  	[spmem:s11] =	stream.linear.scatter [tilespmem:s29], [sflag:$0x3], $0x100, $0x38;
	[tilespmem:$0x18610] =	vst v63  }
0x1be: {  	_ =	swait.ge [sflag:s28], $0x100  }
0x1bf: {  	[sflag:s28] =	ssyncset.done $0x0  }
0x1c0: {  	[sflag:s28] =	ssyncadd.s32 $0xFFFFFF00  }
0x1c1: {  	s30 =	simm.s32 $0x15FC0;
	[bflag:$0x0] =	sbarrier.arrive $0xFFFF  }
0x1c2: {  	[tilespmem:s30], [sflag:$0x3] =	stream.linear.gather [spmem:s9], $0x1000, $0x38;
	[tilespmem:$0x18610] =	vst v63  }
0x1c3: {  	_ =	swait.ge [sflag:s28], $0x1000  }
0x1c4: {  	[sflag:s28] =	ssyncset.done $0x0  }
0x1c5: {  	s31 =	simm.s32 $0x16FC0;
	[sflag:s28] =	ssyncadd.s32 $0xFFFFF000  }
0x1c6: {  	[tilespmem:s31], [sflag:$0x3] =	stream.linear.gather [spmem:s8], $0x1000, $0x38;
	[tilespmem:$0x18610] =	vst v63  }
0x1c7: {  	_ =	swait.ge [sflag:s28], $0x1000  }
0x1c8: {  	[sflag:s28] =	ssyncset.done $0x0  }
0x1c9: {  	[sflag:s28] =	ssyncadd.s32 $0xFFFFF000  }
0x1ca: {  	s0 =	simm.s32 $0x0;
	[bflag:$0x0] =	sbarrier.arrive $0xFFFF  }
0x1cb: {  	v1 =	vld [tilespmem:s0+$0x16FC0]  }
0x1cc: {  	v2 =	vld [tilespmem:s0+$0x170C0]  }
0x1cd: {  	v3 =	vld [tilespmem:s0+$0x171C0]  }
0x1ce: {  	v4 =	vld [tilespmem:s0+$0x172C0]  }
0x1cf: {  	v5 =	vld [tilespmem:s0+$0x173C0]  }
0x1d0: {  	v6 =	vld [tilespmem:s0+$0x174C0]  }
0x1d1: {  	v7 =	vld [tilespmem:s0+$0x175C0]  }
0x1d2: {  	v1 =	vadd.s32 v1, v2;
	v2 =	vld [tilespmem:s0+$0x176C0]  }
0x1d3: {  	v1 =	vadd.s32 v1, v3;
	v3 =	vld [tilespmem:s0+$0x177C0]  }
0x1d4: {  	v1 =	vadd.s32 v1, v4;
	v4 =	vld [tilespmem:s0+$0x178C0]  }
0x1d5: {  	v1 =	vadd.s32 v1, v5;
	v5 =	vld [tilespmem:s0+$0x179C0]  }
0x1d6: {  	v1 =	vadd.s32 v1, v6;
	v6 =	vld [tilespmem:s0+$0x17AC0]  }
0x1d7: {  	v1 =	vadd.s32 v1, v7;
	v7 =	vld [tilespmem:s0+$0x17BC0]  }
0x1d8: {  	v1 =	vadd.s32 v1, v2;
	v2 =	vld [tilespmem:s0+$0x17CC0]  }
0x1d9: {  	v1 =	vadd.s32 v1, v3;
	v3 =	vld [tilespmem:s0+$0x17DC0]  }
0x1da: {  	v1 =	vadd.s32 v1, v4;
	v4 =	vld [tilespmem:s0+$0x17EC0]  }
0x1db: {  	v1 =	vadd.s32 v1, v5;
	v5 =	vld [tilespmem:s0+$0x15FC0]  }
0x1dc: {  	v1 =	vadd.s32 v1, v6;
	v6 =	vld [tilespmem:s0+$0x160C0]  }
0x1dd: {  	v1 =	vadd.s32 v1, v7;
	v7 =	vld [tilespmem:s0+$0x161C0]  }
0x1de: {  	v1 =	vadd.s32 v1, v2;
	v2 =	vld [tilespmem:s0+$0x162C0]  }
0x1df: {  	v1 =	vadd.s32 v1, v3;
	v3 =	vld [tilespmem:s0+$0x163C0]  }
0x1e0: {  	v1 =	vadd.s32 v1, v4;
	v4 =	vld [tilespmem:s0+$0x164C0]  }
0x1e1: {  	[tilespmem:s0+$0x180C0] =	vst v1;
	v1 =	vadd.s32 v5, v6;
	v5 =	vld [tilespmem:s0+$0x165C0]  }
0x1e2: {  	v6 =	vld [tilespmem:s0+$0x166C0];
	v1 =	vadd.s32 v1, v7  }
0x1e3: {  	v7 =	vld [tilespmem:s0+$0x167C0];
	v1 =	vadd.s32 v1, v2  }
0x1e4: {  	v8 =	vld [tilespmem:s0+$0x168C0];
	v1 =	vadd.s32 v1, v3  }
0x1e5: {  	v62 =	vld [tilespmem:s0+$0x169C0];
	v1 =	vadd.s32 v1, v4  }
0x1e6: {  	v63 =	vld [tilespmem:s0+$0x16AC0];
	v1 =	vadd.s32 v1, v5  }
0x1e7: {  	v2 =	vld [tilespmem:s0+$0x16BC0];
	v1 =	vadd.s32 v1, v6  }
0x1e8: {  	v3 =	vld [tilespmem:s0+$0x16CC0];
	v1 =	vadd.s32 v1, v7  }
0x1e9: {  	v4 =	vld [tilespmem:s0+$0x16DC0];
	v1 =	vadd.s32 v1, v8  }
0x1ea: {  	s1 =	simm.s32 $0x10;
	v5 =	vld [tilespmem:s0+$0x16EC0];
	v6 =	vadd.s32 v1, v62  }
0x1eb: {  	s2 =	simm.s32 $0x80;
	v1 =	vld [tilespmem:s1+$0x16FC0];
	v6 =	vadd.s32 v6, v63  }
.LBB2_11:
0x1ec: {  	p0 =	sne.s32 s2, $0x3C0;
	v7 =	vld [tilespmem:s1+$0x170C0];
	v2 =	vadd.s32 v6, v2  }
0x1ed: {  	v6 =	vld [tilespmem:s1+$0x171C0];
	v2 =	vadd.s32 v2, v3  }
0x1ee: {  	v3 =	vld [tilespmem:s1+$0x172C0];
	v2 =	vadd.s32 v2, v4  }
0x1ef: {  	v4 =	vld [tilespmem:s1+$0x173C0];
	v2 =	vadd.s32 v2, v5  }
0x1f0: {  	v5 =	vld [tilespmem:s1+$0x174C0];
	[tilespmem:s0+$0x17FC0] =	vst v2;
	s0 =	smov.u32 s1  }
0x1f1: {  	v1 =	vadd.s32 v1, v7;
	v2 =	vld [tilespmem:s0+$0x175C0]  }
0x1f2: {  	v1 =	vadd.s32 v1, v6;
	v6 =	vld [tilespmem:s0+$0x176C0]  }
0x1f3: {  	v1 =	vadd.s32 v1, v3;
	v3 =	vld [tilespmem:s0+$0x177C0]  }
0x1f4: {  	v1 =	vadd.s32 v1, v4;
	v4 =	vld [tilespmem:s0+$0x178C0]  }
0x1f5: {  	v1 =	vadd.s32 v1, v5;
	v5 =	vld [tilespmem:s0+$0x179C0]  }
0x1f6: {  	v1 =	vadd.s32 v1, v2;
	v2 =	vld [tilespmem:s0+$0x17AC0]  }
0x1f7: {  	v1 =	vadd.s32 v1, v6;
	v6 =	vld [tilespmem:s0+$0x17BC0]  }
0x1f8: {  	v1 =	vadd.s32 v1, v3;
	v3 =	vld [tilespmem:s0+$0x17CC0]  }
0x1f9: {  	v1 =	vadd.s32 v1, v4;
	v4 =	vld [tilespmem:s0+$0x17DC0]  }
0x1fa: {  	v1 =	vadd.s32 v1, v5;
	v5 =	vld [tilespmem:s0+$0x17EC0]  }
0x1fb: {  	v7 =	vld [tilespmem:s0+$0x15FC0];
	v1 =	vadd.s32 v1, v2  }
0x1fc: {  	v2 =	vld [tilespmem:s0+$0x160C0];
	v1 =	vadd.s32 v1, v6  }
0x1fd: {  	v6 =	vld [tilespmem:s0+$0x161C0];
	v1 =	vadd.s32 v1, v3  }
0x1fe: {  	v3 =	vld [tilespmem:s0+$0x162C0];
	v1 =	vadd.s32 v1, v4  }
0x1ff: {  	v4 =	vld [tilespmem:s0+$0x163C0];
	v1 =	vadd.s32 v1, v5  }
0x200: {  	v5 =	vld [tilespmem:s0+$0x164C0];
	[tilespmem:s0+$0x180C0] =	vst v1  }
0x201: {  	v1 =	vadd.s32 v7, v2;
	v2 =	vld [tilespmem:s0+$0x165C0]  }
0x202: {  	v1 =	vadd.s32 v1, v6;
	v6 =	vld [tilespmem:s0+$0x166C0]  }
0x203: {  	v1 =	vadd.s32 v1, v3;
	v3 =	vld [tilespmem:s0+$0x167C0]  }
0x204: {  	v1 =	vadd.s32 v1, v4;
	v4 =	vld [tilespmem:s0+$0x168C0]  }
0x205: {  	v1 =	vadd.s32 v1, v5;
	v5 =	vld [tilespmem:s0+$0x169C0]  }
0x206: {  	v1 =	vadd.s32 v1, v2;
	v7 =	vld [tilespmem:s0+$0x16AC0]  }
.Ltmp5:
0x207: {  	v1 =	vadd.s32 v1, v6;
	v2 =	vld [tilespmem:s0+$0x16BC0];
	(pc) =	sbr.rel @p0 .LBB2_11-.Ltmp5, $4  }
0x208: {  	v1 =	vadd.s32 v1, v3;
	v3 =	vld [tilespmem:s0+$0x16CC0]  }
0x209: {  	v1 =	vadd.s32 v1, v4;
	v4 =	vld [tilespmem:s0+$0x16DC0]  }
0x20a: {  	s1 =	sshra.s32 s2, $0x2;
	v6 =	vadd.s32 v1, v5;
	v5 =	vld [tilespmem:s0+$0x16EC0]  }
0x20b: {  	s2 =	sadd.s32 $0x40, s2;
	v1 =	vld [tilespmem:s1+$0x16FC0];
	v6 =	vadd.s32 v6, v7  }
0x20c: {  	v7 =	vld [tilespmem:s1+$0x170C0];
	v2 =	vadd.s32 v6, v2  }
0x20d: {  	v6 =	vld [tilespmem:s1+$0x171C0];
	v2 =	vadd.s32 v2, v3  }
0x20e: {  	v3 =	vld [tilespmem:s1+$0x172C0];
	v2 =	vadd.s32 v2, v4  }
0x20f: {  	v4 =	vld [tilespmem:s1+$0x173C0];
	v2 =	vadd.s32 v2, v5  }
0x210: {  	v5 =	vld [tilespmem:s1+$0x174C0];
	[tilespmem:s0+$0x17FC0] =	vst v2  }
0x211: {  	v2 =	vld [tilespmem:s1+$0x175C0]  }
0x212: {  	v1 =	vadd.s32 v1, v7;
	v7 =	vld [tilespmem:s1+$0x176C0]  }
0x213: {  	v1 =	vadd.s32 v1, v6;
	v6 =	vld [tilespmem:s1+$0x177C0]  }
0x214: {  	v1 =	vadd.s32 v1, v3;
	v3 =	vld [tilespmem:s1+$0x178C0]  }
0x215: {  	v1 =	vadd.s32 v1, v4;
	v4 =	vld [tilespmem:s1+$0x179C0]  }
0x216: {  	v1 =	vadd.s32 v1, v5;
	v5 =	vld [tilespmem:s1+$0x17AC0]  }
0x217: {  	v1 =	vadd.s32 v1, v2;
	v2 =	vld [tilespmem:s1+$0x17BC0]  }
0x218: {  	v1 =	vadd.s32 v1, v7;
	v7 =	vld [tilespmem:s1+$0x17CC0]  }
0x219: {  	v1 =	vadd.s32 v1, v6;
	v6 =	vld [tilespmem:s1+$0x17DC0]  }
0x21a: {  	v1 =	vadd.s32 v1, v3;
	v3 =	vld [tilespmem:s1+$0x17EC0]  }
0x21b: {  	v1 =	vadd.s32 v1, v4;
	v4 =	vld [tilespmem:s1+$0x15FC0]  }
0x21c: {  	v1 =	vadd.s32 v1, v5;
	v5 =	vld [tilespmem:s1+$0x160C0]  }
0x21d: {  	v1 =	vadd.s32 v1, v2;
	v2 =	vld [tilespmem:s1+$0x161C0]  }
0x21e: {  	v1 =	vadd.s32 v1, v7;
	v7 =	vld [tilespmem:s1+$0x162C0]  }
0x21f: {  	v1 =	vadd.s32 v1, v6;
	v6 =	vld [tilespmem:s1+$0x163C0]  }
0x220: {  	v1 =	vadd.s32 v1, v3;
	v3 =	vld [tilespmem:s1+$0x164C0]  }
0x221: {  	[tilespmem:s1+$0x180C0] =	vst v1;
	v1 =	vadd.s32 v4, v5;
	v4 =	vld [tilespmem:s1+$0x165C0]  }
0x222: {  	v1 =	vadd.s32 v1, v2;
	v2 =	vld [tilespmem:s1+$0x166C0]  }
0x223: {  	v5 =	vld [tilespmem:s1+$0x167C0];
	v1 =	vadd.s32 v1, v7  }
0x224: {  	v1 =	vadd.s32 v1, v6;
	v6 =	vld [tilespmem:s1+$0x168C0]  }
0x225: {  	v1 =	vadd.s32 v1, v3;
	v3 =	vld [tilespmem:s1+$0x169C0]  }
0x226: {  	v1 =	vadd.s32 v1, v4;
	v4 =	vld [tilespmem:s1+$0x16AC0]  }
0x227: {  	v1 =	vadd.s32 v1, v2;
	v2 =	vld [tilespmem:s1+$0x16BC0]  }
0x228: {  	v1 =	vadd.s32 v1, v5;
	v5 =	vld [tilespmem:s1+$0x16CC0]  }
0x229: {  	v1 =	vadd.s32 v1, v6;
	v6 =	vld [tilespmem:s1+$0x16DC0]  }
0x22a: {  	v7 =	vlaneseq.u32;
	v1 =	vadd.s32 v1, v3;
	v3 =	vld [tilespmem:s1+$0x16EC0]  }
0x22b: {  	v1 =	vadd.s32 v1, v4;
	v4 =	vmul.u32 $0x10, v7  }
0x22c: {  	v1 =	vadd.s32 v1, v2  }
0x22d: {  	v1 =	vadd.s32 v1, v5;
	v2 =	vor.u32 $0x1, v4  }
0x22e: {  	v5 =	vor.u32 $0x2, v4;
	v1 =	vadd.s32 v1, v6  }
0x22f: {  	v1 =	vadd.s32 v1, v3;
	v3 =	vor.u32 $0x3, v4  }
0x230: {  	s25 =	simm.s32 $0x17FC0;
	[tilespmem:s1+$0x17FC0] =	vst v1;
	v1 =	vor.u32 $0x4, v4  }
0x231: {  	v8 =	vor.u32 $0x5, v4;
	v6 =	vld.idx.msk [tilespmem:v4+s25+$0x0], $0xffff  }
0x232: {  	v10 =	vor.u32 $0x6, v4;
	v9 =	vld.idx.msk [tilespmem:v2+s25+$0x0], $0xffff  }
0x233: {  	v12 =	vor.u32 $0x7, v4;
	v11 =	vld.idx.msk [tilespmem:v5+s25+$0x0], $0xffff  }
0x234: {  	v14 =	vor.u32 $0x8, v4;
	v13 =	vld.idx.msk [tilespmem:v3+s25+$0x0], $0xffff  }
0x235: {  	v16 =	vor.u32 $0x9, v4;
	v15 =	vld.idx.msk [tilespmem:v1+s25+$0x0], $0xffff  }
0x236: {  	v18 =	vor.u32 $0xA, v4;
	v17 =	vld.idx.msk [tilespmem:v8+s25+$0x0], $0xffff  }
0x237: {  	v19 =	vor.u32 $0xB, v4;
	v6 =	vadd.s32 v6, v9;
	v9 =	vld.idx.msk [tilespmem:v10+s25+$0x0], $0xffff  }
0x238: {  	v20 =	vor.u32 $0xC, v4;
	v6 =	vadd.s32 v11, v6;
	v11 =	vld.idx.msk [tilespmem:v12+s25+$0x0], $0xffff  }
0x239: {  	v21 =	vor.u32 $0xD, v4;
	v58 =	vld.idx.msk [tilespmem:v14+s25+$0x0], $0xffff;
	v6 =	vadd.s32 v13, v6  }
0x23a: {  	v22 =	vor.u32 $0xE, v4;
	v59 =	vld.idx.msk [tilespmem:v16+s25+$0x0], $0xffff;
	v6 =	vadd.s32 v15, v6  }
0x23b: {  	v23 =	vor.u32 $0xF, v4;
	v60 =	vld.idx.msk [tilespmem:v18+s25+$0x0], $0xffff;
	v6 =	vadd.s32 v17, v6  }
0x23c: {  	v6 =	vadd.s32 v9, v6;
	v9 =	vld.idx.msk [tilespmem:v19+s25+$0x0], $0xffff  }
0x23d: {  	v6 =	vadd.s32 v11, v6;
	v11 =	vld.idx.msk [tilespmem:v20+s25+$0x0], $0xffff  }
0x23e: {  	v61 =	vld.idx.msk [tilespmem:v21+s25+$0x0], $0xffff;
	v6 =	vadd.s32 v58, v6  }
0x23f: {  	v62 =	vld.idx.msk [tilespmem:v22+s25+$0x0], $0xffff;
	v6 =	vadd.s32 v59, v6  }
0x240: {  	v63 =	vld.idx.msk [tilespmem:v23+s25+$0x0], $0xffff;
	v6 =	vadd.s32 v60, v6  }
0x241: {  	v6 =	vadd.s32 v9, v6  }
0x242: {  	v6 =	vadd.s32 v11, v6  }
0x243: {  	v6 =	vadd.s32 v61, v6  }
0x244: {  	v6 =	vadd.s32 v62, v6  }
0x245: {  	v6 =	vadd.s32 v63, v6  }
0x246: {  	(xrf0) =	vadd.scan.msk.s32 $0xffff, v6;
	_ =	sdelay $0x5  }
0x247: {  	v9, _, _ =	vpop (xrf0)  }
0x248: {  	v11 =	vbroadcast v9, $0xF;
	_ =	sdelay $0x1  }
0x249: {  	v9 =	vsub.s32 v11, v9  }
0x24a: {  	v6 =	vadd.s32 v6, v9  }
0x24b: {  	vm0 =	vgt.s32 v6, $0x6D0  }
0x24c: {  	v6 =	vmpcnt.ones.xlane vm0;
	_ =	sdelay $0x1  }
0x24d: {  	(v2sf) =	vpush v6, $0x0;
	_ =	sdelay $0x2  }
0x24e: {  	s2 =	simm.s32 $0x180C0  }
0x24f: {  	v4 =	vld.idx.msk [tilespmem:v4+s2+$0x0], $0xffff  }
0x250: {  	v2 =	vld.idx.msk [tilespmem:v2+s2+$0x0], $0xffff  }
0x251: {  	v5 =	vld.idx.msk [tilespmem:v5+s2+$0x0], $0xffff  }
0x252: {  	v3 =	vld.idx.msk [tilespmem:v3+s2+$0x0], $0xffff  }
0x253: {  	v1 =	vld.idx.msk [tilespmem:v1+s2+$0x0], $0xffff  }
0x254: {  	v8 =	vld.idx.msk [tilespmem:v8+s2+$0x0], $0xffff  }
0x255: {  	v2 =	vadd.s32 v4, v2;
	v4 =	vld.idx.msk [tilespmem:v10+s2+$0x0], $0xffff  }
0x256: {  	v2 =	vadd.s32 v5, v2;
	v5 =	vld.idx.msk [tilespmem:v12+s2+$0x0], $0xffff  }
0x257: {  	v2 =	vadd.s32 v3, v2;
	v3 =	vld.idx.msk [tilespmem:v14+s2+$0x0], $0xffff  }
0x258: {  	v1 =	vadd.s32 v1, v2;
	v2 =	vld.idx.msk [tilespmem:v16+s2+$0x0], $0xffff  }
0x259: {  	v1 =	vadd.s32 v8, v1;
	v8 =	vld.idx.msk [tilespmem:v18+s2+$0x0], $0xffff  }
0x25a: {  	v1 =	vadd.s32 v4, v1;
	v4 =	vld.idx.msk [tilespmem:v19+s2+$0x0], $0xffff;
	s26 =	spop (v2sf)  }
0x25b: {  	v1 =	vadd.s32 v5, v1;
	v5 =	vld.idx.msk [tilespmem:v20+s2+$0x0], $0xffff;
	s28 =	sadd.s32 $0xFFFFFFFF, s26  }
0x25c: {  	v1 =	vadd.s32 v3, v1;
	v3 =	vld.idx.msk [tilespmem:v21+s2+$0x0], $0xffff;
	s0 =	sshll.u32 s28, $0x4  }
0x25d: {  	v6 =	vld [tilespmem:s0+$0x17FC0]  }
0x25e: {  	v1 =	vadd.s32 v2, v1;
	v2 =	vld.idx.msk [tilespmem:v22+s2+$0x0], $0xffff  }
0x25f: {  	v10 =	vmul.u32 $0xFFFFFFFF, v7;
	v1 =	vadd.s32 v8, v1;
	v8 =	vld.idx.msk [tilespmem:v23+s2+$0x0], $0xffff  }
0x260: {  	v1 =	vadd.s32 v4, v1;
	v11 =	vmov s28  }
0x261: {  	v4 =	vadd.s32 $0xF, v10;
	v1 =	vadd.s32 v5, v1;
	vm12 =	veq.s32 v11, v7  }
0x262: {  	v1 =	vadd.s32 v3, v1;
	v5 =	vnsel vm12, $0x0, v9;
	v4 =	vperm.xlane v6, v4  }
0x263: {  	v1 =	vadd.s32 v2, v1;
	(xrf0) =	vadd.scan.msk.s32 $0xffff, v5  }
0x264: {  	v1 =	vadd.s32 v8, v1;
	(xrf0) =	vadd.scan.msk.s32 $0xffff, v4  }
0x265: {  	(xrf0) =	vadd.scan.msk.s32 $0xffff, v1;
	_ =	sdelay $0x3  }
0x266: {  	v2, _, _ =	vpop (xrf0)  }
0x267: {  	v5, _, _ =	vpop (xrf0)  }
0x268: {  	v3, _, _ =	vpop (xrf0)  }
0x269: {  	vm13 =	vgt.s32 v3, $0x6D0  }
0x26a: {  	v6 =	vmpcnt.ones.xlane vm13;
	_ =	sdelay $0x1  }
0x26b: {  	(v2sf) =	vpush v6, $0x0;
	_ =	sdelay $0xe  }
0x26c: {  	s29 =	spop (v2sf)  }
0x26d: {  	s1 =	ssub.s32 $0x10, s29  }
0x26e: {  	v6 =	vmov s1  }
0x26f: {  	vm14 =	veq.s32 v6, v7  }
0x270: {  	v3 =	vnsel vm14, $0x0, v3  }
0x271: {  	v1 =	vnsel vm14, $0x0, v1;
	(xrf0) =	vadd.scan.msk.s32 $0xffff, v3  }
0x272: {  	(xrf0) =	vadd.scan.msk.s32 $0xffff, v1;
	_ =	sdelay $0x4  }
0x273: {  	v1, _, _ =	vpop (xrf0)  }
0x274: {  	(v2sf) =	vpush v1, $0xF;
	v1, _, _ =	vpop (xrf0)  }
0x275: {  	(v2sf) =	vpush v1, $0xF;
	_ =	sdelay $0x3  }
0x276: {  	s1 =	sshll.u32 s1, $0x4  }
0x277: {  	v1 =	vld [tilespmem:s1+$0x180C0];
	_ =	sdelay $0x4  }
0x278: {  	(xrf0) =	vadd.scan.msk.s32 $0xffff, v1  }
0x279: {  	s31 =	simm.s32 $0x13DE0;
	v8 =	vimm.s32 $0x0  }
0x27a: {  	s2 =	simm.s32 $0x14DE0;
	[tilespmem:s31+$0xFFFFFFE0] =	vst v8  }
0x27b: {  	[tilespmem:s2+$0xFFFFFFE0] =	vst v8  }
0x27c: {  	[tilespmem:s31+$0xFFFFFFF0] =	vst v8;
	s30 =	spop (v2sf)  }
0x27d: {  	v6 =	vbroadcast v2, $0xF;
	[tilespmem:s2+$0xFFFFFFF0] =	vst v8;
	s3 =	spop (v2sf)  }
0x27e: {  	[tilespmem:s31+$0x0] =	vst v8;
	v3, _, _ =	vpop (xrf0);
	s15 =	ssub.s32 s30, s3  }
0x27f: {  	v6 =	vadd.s32 v5, v6;
	[tilespmem:s2+$0x0] =	vst v8;
	v7 =	vadd.s32 s15, v3  }
0x280: {  	vm15 =	vgt.s32 v6, $0x6D0;
	[tilespmem:s31+$0x10] =	vst v8;
	vm1 =	vgt.s32 v7, $0x6D0  }
0x281: {  	s6 =	simm.s32 $0x13E20;
	v6 =	vmpcnt.ones.xlane vm15;
	[tilespmem:s2+$0x10] =	vst v8;
	s3 =	simm.s32 $0x0;
	v7 =	vmpcnt.ones.xlane vm1  }
.LBB2_13:
0x282: {  	[tilespmem:s6+$0xFFFFFFE0] =	vst v8;
	s2 =	sadd.s32 $0x40, s2  }
0x283: {  	s3 =	sadd.s32 $0x4, s3;
	[tilespmem:s2+$0xFFFFFFE0] =	vst v8  }
0x284: {  	p0 =	slt.u32 s3, $0xFC;
	[tilespmem:s6+$0xFFFFFFF0] =	vst v8  }
.Ltmp6:
0x285: {  	[tilespmem:s2+$0xFFFFFFF0] =	vst v8;
	(pc) =	sbr.rel @p0 .LBB2_13-.Ltmp6, $4  }
0x286: {  	[tilespmem:s6+$0x0] =	vst v8  }
0x287: {  	[tilespmem:s2+$0x0] =	vst v8  }
0x288: {  	[tilespmem:s6+$0x10] =	vst v8  }
0x289: {  	s6 =	sadd.s32 $0x40, s6;
	[tilespmem:s2+$0x10] =	vst v8  }
0x28a: {  	(v2sf) =	vpush v6, $0x0  }
0x28b: {  	(v2sf) =	vpush v7, $0x0;
	_ =	sdelay $0xd  }
0x28c: {  	s2 =	spop (v2sf)  }
0x28d: {  	s31 =	spop (v2sf)  }
0x28e: {  	s0 =	sor.u32 $0xF, s0;
	s16 =	ssub.s32 $0x10, s2;
	s12 =	ssub.s32 $0x10, s31  }
0x28f: {  	v8 =	vlaneseq.u32;
	s3 =	simm.s32 $0x14DC0;
	s14 =	ssub.s32 s0, s16;
	s13 =	sadd.s32 s1, s12  }
0x290: {  	v9 =	vimm.s32 $0x1;
	s2 =	simm.s32 $0x13DC0;
	s0 =	simm.s32 $0xFFFFFFFE;
	v6 =	vmov s14;
	s1 =	simm.s32 $0x68B0;
	v7 =	vmov s13  }
.LBB2_15:
0x291: {  	v10 =	vld [tilespmem:s1+$0xFFFFFFF0];
	_ =	sdelay $0x4  }
0x292: {  	v11 =	vshrl.u32 v10, $0x18  }
0x293: {  	v10 =	vshrl.u32 v10, $0xC;
	v11 =	vxor.u32 $0x80, v11  }
0x294: {  	v10 =	vand.u32 $0xFF0, v10;
	vm0 =	veq.s32 v11, v6  }
0x295: {  	v10 =	vor.u32 v8, v10;
	vm1 =	veq.s32 v11, v7;
	_ =	sdelay $0x4  }
0x296: {  	[tilespmem:v10+s2+$0x0] =	vst.idx.add.s32.msk vm0, v9  }
0x297: {  	[tilespmem:v10+s3+$0x0] =	vst.idx.add.s32.msk vm1, v9  }
0x298: {  	v10 =	vld [tilespmem:s1+$0x0];
	_ =	sdelay $0x4  }
0x299: {  	v11 =	vshrl.u32 v10, $0x18  }
0x29a: {  	v10 =	vshrl.u32 v10, $0xC;
	v11 =	vxor.u32 $0x80, v11  }
0x29b: {  	v10 =	vand.u32 $0xFF0, v10;
	vm14 =	veq.s32 v11, v6  }
0x29c: {  	s0 =	sadd.s32 $0x2, s0;
	v10 =	vor.u32 v8, v10;
	vm15 =	veq.s32 v11, v7  }
0x29d: {  	p0 =	slt.u32 s0, $0x2A8  }
.Ltmp7:
0x29e: {  	_ = 	snop;
	(pc) =	sbr.rel @p0 .LBB2_15-.Ltmp7, $3  }
0x29f: {  	_ =	sdelay $0x1  }
0x2a0: {  	[tilespmem:v10+s2+$0x0] =	vst.idx.add.s32.msk vm14, v9  }
0x2a1: {  	s1 =	sadd.s32 $0x20, s1;
	[tilespmem:v10+s3+$0x0] =	vst.idx.add.s32.msk vm15, v9  }
0x2a2: {  	v6 =	vlaneseq.u32  }
0x2a3: {  	v6 =	vmul.u32 $0x10, v6  }
0x2a4: {  	s0 =	simm.s32 $0x0  }
0x2a5: {  	v48 =	vor.u32 s0, v6  }
0x2a6: {  	v7 =	vor.u32 $0xF, v6  }
0x2a7: {  	v8 =	vor.u32 $0xE, v6;
	v22 =	vor.u32 s0, v7  }
0x2a8: {  	v9 =	vor.u32 $0xD, v6;
	v23 =	vor.u32 s0, v8  }
0x2a9: {  	s17 =	simm.s32 $0x13DC0;
	v10 =	vor.u32 $0xC, v6;
	v24 =	vor.u32 s0, v9  }
0x2aa: {  	s18 =	simm.s32 $0x14DC0;
	v11 =	vor.u32 $0xB, v6;
	v25 =	vor.u32 s0, v10;
	v53 =	vld.idx.msk [tilespmem:v48+s17+$0x0], $0xffff  }
0x2ab: {  	v12 =	vor.u32 $0xA, v6;
	v26 =	vor.u32 s0, v11;
	v48 =	vld.idx.msk [tilespmem:v48+s18+$0x0], $0xffff  }
0x2ac: {  	v13 =	vor.u32 $0x9, v6;
	v27 =	vor.u32 s0, v12;
	v28 =	vld.idx.msk [tilespmem:v22+s17+$0x0], $0xffff  }
0x2ad: {  	v14 =	vor.u32 $0x8, v6;
	v29 =	vor.u32 s0, v13;
	v30 =	vld.idx.msk [tilespmem:v23+s17+$0x0], $0xffff  }
0x2ae: {  	v15 =	vor.u32 $0x7, v6;
	v31 =	vor.u32 s0, v14;
	v32 =	vld.idx.msk [tilespmem:v24+s17+$0x0], $0xffff  }
0x2af: {  	v16 =	vor.u32 $0x6, v6;
	v33 =	vor.u32 s0, v15;
	v34 =	vld.idx.msk [tilespmem:v25+s17+$0x0], $0xffff  }
0x2b0: {  	v17 =	vor.u32 $0x5, v6;
	v35 =	vor.u32 s0, v16;
	v36 =	vld.idx.msk [tilespmem:v26+s17+$0x0], $0xffff  }
0x2b1: {  	v18 =	vor.u32 $0x4, v6;
	v37 =	vor.u32 s0, v17;
	v38 =	vld.idx.msk [tilespmem:v27+s17+$0x0], $0xffff  }
0x2b2: {  	v19 =	vor.u32 $0x3, v6;
	v39 =	vor.u32 s0, v18;
	v40 =	vld.idx.msk [tilespmem:v29+s17+$0x0], $0xffff  }
0x2b3: {  	v21 =	vor.u32 $0x1, v6;
	v41 =	vor.u32 s0, v19;
	v42 =	vld.idx.msk [tilespmem:v31+s17+$0x0], $0xffff  }
0x2b4: {  	v45 =	vor.u32 s0, v21;
	v44 =	vld.idx.msk [tilespmem:v33+s17+$0x0], $0xffff  }
0x2b5: {  	v20 =	vor.u32 $0x2, v6;
	v46 =	vld.idx.msk [tilespmem:v35+s17+$0x0], $0xffff  }
0x2b6: {  	v43 =	vor.u32 s0, v20;
	v47 =	vld.idx.msk [tilespmem:v37+s17+$0x0], $0xffff  }
0x2b7: {  	v49 =	vld.idx.msk [tilespmem:v39+s17+$0x0], $0xffff  }
0x2b8: {  	v50 =	vld.idx.msk [tilespmem:v41+s17+$0x0], $0xffff  }
0x2b9: {  	v52 =	vld.idx.msk [tilespmem:v45+s18+$0x0], $0xffff  }
0x2ba: {  	v45 =	vld.idx.msk [tilespmem:v45+s17+$0x0], $0xffff  }
0x2bb: {  	v51 =	vld.idx.msk [tilespmem:v43+s17+$0x0], $0xffff  }
0x2bc: {  	v43 =	vld.idx.msk [tilespmem:v43+s18+$0x0], $0xffff  }
0x2bd: {  	v41 =	vld.idx.msk [tilespmem:v41+s18+$0x0], $0xffff  }
0x2be: {  	v39 =	vld.idx.msk [tilespmem:v39+s18+$0x0], $0xffff  }
0x2bf: {  	v37 =	vld.idx.msk [tilespmem:v37+s18+$0x0], $0xffff;
	v45 =	vadd.s32 v53, v45  }
0x2c0: {  	v35 =	vld.idx.msk [tilespmem:v35+s18+$0x0], $0xffff;
	v48 =	vadd.s32 v48, v52;
	v45 =	vadd.s32 v51, v45  }
0x2c1: {  	v33 =	vld.idx.msk [tilespmem:v33+s18+$0x0], $0xffff;
	v43 =	vadd.s32 v43, v48;
	v45 =	vadd.s32 v50, v45  }
0x2c2: {  	v31 =	vld.idx.msk [tilespmem:v31+s18+$0x0], $0xffff;
	v41 =	vadd.s32 v41, v43;
	v58 =	vadd.s32 v49, v45  }
0x2c3: {  	v29 =	vld.idx.msk [tilespmem:v29+s18+$0x0], $0xffff;
	v39 =	vadd.s32 v39, v41;
	v59 =	vadd.s32 v47, v58  }
0x2c4: {  	v27 =	vld.idx.msk [tilespmem:v27+s18+$0x0], $0xffff;
	v37 =	vadd.s32 v37, v39;
	v60 =	vadd.s32 v46, v59  }
0x2c5: {  	v26 =	vld.idx.msk [tilespmem:v26+s18+$0x0], $0xffff;
	v35 =	vadd.s32 v35, v37;
	v61 =	vadd.s32 v44, v60  }
0x2c6: {  	v25 =	vld.idx.msk [tilespmem:v25+s18+$0x0], $0xffff;
	v33 =	vadd.s32 v33, v35;
	v62 =	vadd.s32 v42, v61  }
0x2c7: {  	v63 =	vld.idx.msk [tilespmem:v24+s18+$0x0], $0xffff;
	v24 =	vadd.s32 v31, v33;
	v31 =	vadd.s32 v40, v62  }
0x2c8: {  	v23 =	vld.idx.msk [tilespmem:v23+s18+$0x0], $0xffff;
	v24 =	vadd.s32 v29, v24;
	v29 =	vadd.s32 v38, v31  }
0x2c9: {  	v31 =	vld.idx.msk [tilespmem:v22+s18+$0x0], $0xffff;
	v22 =	vadd.s32 v27, v24;
	v24 =	vadd.s32 v36, v29  }
0x2ca: {  	s2 =	simm.s32 $0x100;
	v26 =	vadd.s32 v26, v22;
	v24 =	vadd.s32 v34, v24  }
0x2cb: {  	v22 =	vor.u32 s2, v7;
	v25 =	vadd.s32 v25, v26;
	v26 =	vadd.s32 v32, v24  }
0x2cc: {  	v24 =	vor.u32 s2, v8;
	v25 =	vadd.s32 v63, v25;
	v27 =	vadd.s32 v30, v26  }
0x2cd: {  	s0 =	simm.s32 $0x15DC0;
	v29 =	vor.u32 s2, v10;
	v23 =	vadd.s32 v23, v25;
	v25 =	vadd.s32 v28, v27  }
0x2ce: {  	s1 =	simm.s32 $0x15EC0;
	v33 =	vor.u32 s2, v12;
	v23 =	vadd.s32 v31, v23;
	[tilespmem:s0+$0x0] =	vst v25  }
0x2cf: {  	v35 =	vor.u32 s2, v13;
	[tilespmem:s1+$0x0] =	vst v23  }
0x2d0: {  	v37 =	vor.u32 s2, v14;
	v23 =	vld.idx.msk [tilespmem:v22+s17+$0x0], $0xffff  }
0x2d1: {  	v39 =	vor.u32 s2, v15;
	v25 =	vld.idx.msk [tilespmem:v24+s17+$0x0], $0xffff  }
0x2d2: {  	v41 =	vor.u32 s2, v16;
	v28 =	vld.idx.msk [tilespmem:v29+s17+$0x0], $0xffff  }
0x2d3: {  	v43 =	vor.u32 s2, v17;
	v32 =	vld.idx.msk [tilespmem:v33+s17+$0x0], $0xffff  }
0x2d4: {  	v45 =	vor.u32 s2, v18;
	v34 =	vld.idx.msk [tilespmem:v35+s17+$0x0], $0xffff  }
0x2d5: {  	v46 =	vor.u32 s2, v19;
	v36 =	vld.idx.msk [tilespmem:v37+s17+$0x0], $0xffff  }
0x2d6: {  	v26 =	vor.u32 s2, v9;
	v38 =	vld.idx.msk [tilespmem:v39+s17+$0x0], $0xffff  }
0x2d7: {  	v31 =	vor.u32 s2, v11;
	v40 =	vld.idx.msk [tilespmem:v41+s17+$0x0], $0xffff  }
0x2d8: {  	v48 =	vor.u32 s2, v20;
	v42 =	vld.idx.msk [tilespmem:v43+s17+$0x0], $0xffff  }
0x2d9: {  	v49 =	vor.u32 s2, v21;
	v44 =	vld.idx.msk [tilespmem:v45+s17+$0x0], $0xffff  }
0x2da: {  	v47 =	vld.idx.msk [tilespmem:v46+s17+$0x0], $0xffff  }
0x2db: {  	v50 =	vor.u32 s2, v6;
	v27 =	vld.idx.msk [tilespmem:v26+s17+$0x0], $0xffff  }
0x2dc: {  	s2 =	simm.s32 $0x200;
	v30 =	vld.idx.msk [tilespmem:v31+s17+$0x0], $0xffff  }
.LBB2_17:
0x2dd: {  	p0 =	sne.s32 s2, $0xF00;
	v51 =	vld.idx.msk [tilespmem:v48+s17+$0x0], $0xffff  }
0x2de: {  	v52 =	vld.idx.msk [tilespmem:v49+s18+$0x0], $0xffff  }
0x2df: {  	v49 =	vld.idx.msk [tilespmem:v49+s17+$0x0], $0xffff  }
0x2e0: {  	v53 =	vld.idx.msk [tilespmem:v50+s17+$0x0], $0xffff  }
0x2e1: {  	v50 =	vld.idx.msk [tilespmem:v50+s18+$0x0], $0xffff  }
0x2e2: {  	v48 =	vld.idx.msk [tilespmem:v48+s18+$0x0], $0xffff  }
0x2e3: {  	v46 =	vld.idx.msk [tilespmem:v46+s18+$0x0], $0xffff  }
0x2e4: {  	v45 =	vld.idx.msk [tilespmem:v45+s18+$0x0], $0xffff  }
0x2e5: {  	v43 =	vld.idx.msk [tilespmem:v43+s18+$0x0], $0xffff  }
0x2e6: {  	v49 =	vadd.s32 v53, v49;
	v41 =	vld.idx.msk [tilespmem:v41+s18+$0x0], $0xffff  }
0x2e7: {  	v50 =	vadd.s32 v50, v52;
	v49 =	vadd.s32 v51, v49;
	v39 =	vld.idx.msk [tilespmem:v39+s18+$0x0], $0xffff  }
0x2e8: {  	v48 =	vadd.s32 v48, v50;
	v47 =	vadd.s32 v47, v49;
	v37 =	vld.idx.msk [tilespmem:v37+s18+$0x0], $0xffff  }
0x2e9: {  	v46 =	vadd.s32 v46, v48;
	v44 =	vadd.s32 v44, v47;
	v35 =	vld.idx.msk [tilespmem:v35+s18+$0x0], $0xffff  }
0x2ea: {  	v45 =	vadd.s32 v45, v46;
	v42 =	vadd.s32 v42, v44;
	v33 =	vld.idx.msk [tilespmem:v33+s18+$0x0], $0xffff  }
0x2eb: {  	v43 =	vadd.s32 v43, v45;
	v40 =	vadd.s32 v40, v42;
	v31 =	vld.idx.msk [tilespmem:v31+s18+$0x0], $0xffff  }
0x2ec: {  	v41 =	vadd.s32 v41, v43;
	v38 =	vadd.s32 v38, v40;
	v29 =	vld.idx.msk [tilespmem:v29+s18+$0x0], $0xffff  }
0x2ed: {  	v39 =	vadd.s32 v39, v41;
	v36 =	vadd.s32 v36, v38;
	v26 =	vld.idx.msk [tilespmem:v26+s18+$0x0], $0xffff  }
0x2ee: {  	v37 =	vadd.s32 v37, v39;
	v34 =	vadd.s32 v34, v36;
	v36 =	vld.idx.msk [tilespmem:v24+s18+$0x0], $0xffff  }
0x2ef: {  	v24 =	vadd.s32 v35, v37;
	v32 =	vadd.s32 v32, v34;
	v34 =	vld.idx.msk [tilespmem:v22+s18+$0x0], $0xffff  }
0x2f0: {  	v22 =	vadd.s32 v33, v24;
	v24 =	vadd.s32 v30, v32  }
0x2f1: {  	v30 =	vadd.s32 v31, v22;
	v24 =	vadd.s32 v28, v24  }
0x2f2: {  	v22 =	vor.u32 s2, v7;
	v28 =	vadd.s32 v29, v30;
	v27 =	vadd.s32 v27, v24  }
0x2f3: {  	v24 =	vor.u32 s2, v8;
	v28 =	vadd.s32 v26, v28;
	v25 =	vadd.s32 v25, v27  }
0x2f4: {  	s0 =	sadd.s32 $0x10, s0;
	v26 =	vor.u32 s2, v9;
	v27 =	vadd.s32 v36, v28;
	v23 =	vadd.s32 v23, v25  }
0x2f5: {  	s1 =	sadd.s32 $0x10, s1;
	v29 =	vor.u32 s2, v10;
	v25 =	vadd.s32 v34, v27;
	[tilespmem:s0+$0x0] =	vst v23  }
0x2f6: {  	v31 =	vor.u32 s2, v11;
	[tilespmem:s1+$0x0] =	vst v25  }
0x2f7: {  	v33 =	vor.u32 s2, v12;
	v23 =	vld.idx.msk [tilespmem:v22+s17+$0x0], $0xffff  }
0x2f8: {  	v35 =	vor.u32 s2, v13;
	v25 =	vld.idx.msk [tilespmem:v24+s17+$0x0], $0xffff  }
0x2f9: {  	v37 =	vor.u32 s2, v14;
	v27 =	vld.idx.msk [tilespmem:v26+s17+$0x0], $0xffff  }
0x2fa: {  	v39 =	vor.u32 s2, v15;
	v28 =	vld.idx.msk [tilespmem:v29+s17+$0x0], $0xffff  }
0x2fb: {  	v41 =	vor.u32 s2, v16;
	v30 =	vld.idx.msk [tilespmem:v31+s17+$0x0], $0xffff  }
0x2fc: {  	v43 =	vor.u32 s2, v17;
	v32 =	vld.idx.msk [tilespmem:v33+s17+$0x0], $0xffff  }
0x2fd: {  	v45 =	vor.u32 s2, v18;
	v34 =	vld.idx.msk [tilespmem:v35+s17+$0x0], $0xffff  }
0x2fe: {  	v46 =	vor.u32 s2, v19;
	v36 =	vld.idx.msk [tilespmem:v37+s17+$0x0], $0xffff  }
.Ltmp8:
0x2ff: {  	v48 =	vor.u32 s2, v20;
	v38 =	vld.idx.msk [tilespmem:v39+s17+$0x0], $0xffff;
	(pc) =	sbr.rel @p0 .LBB2_17-.Ltmp8, $4  }
0x300: {  	v49 =	vor.u32 s2, v21;
	v40 =	vld.idx.msk [tilespmem:v41+s17+$0x0], $0xffff  }
0x301: {  	v42 =	vld.idx.msk [tilespmem:v43+s17+$0x0], $0xffff  }
0x302: {  	v50 =	vor.u32 s2, v6;
	v44 =	vld.idx.msk [tilespmem:v45+s17+$0x0], $0xffff  }
0x303: {  	s2 =	sadd.s32 $0x100, s2;
	v47 =	vld.idx.msk [tilespmem:v46+s17+$0x0], $0xffff  }
0x304: {  	_ =	sdelay $0x3  }
0x305: {  	v6 =	vld.idx.msk [tilespmem:v48+s17+$0x0], $0xffff  }
0x306: {  	v7 =	vld.idx.msk [tilespmem:v49+s18+$0x0], $0xffff  }
0x307: {  	v8 =	vld.idx.msk [tilespmem:v49+s17+$0x0], $0xffff  }
0x308: {  	v9 =	vld.idx.msk [tilespmem:v50+s17+$0x0], $0xffff  }
0x309: {  	v10 =	vld.idx.msk [tilespmem:v50+s18+$0x0], $0xffff  }
0x30a: {  	v11 =	vld.idx.msk [tilespmem:v48+s18+$0x0], $0xffff  }
0x30b: {  	v12 =	vld.idx.msk [tilespmem:v46+s18+$0x0], $0xffff  }
0x30c: {  	v13 =	vld.idx.msk [tilespmem:v45+s18+$0x0], $0xffff  }
0x30d: {  	v14 =	vld.idx.msk [tilespmem:v43+s18+$0x0], $0xffff;
	v8 =	vadd.s32 v9, v8  }
0x30e: {  	v9 =	vld.idx.msk [tilespmem:v41+s18+$0x0], $0xffff;
	v7 =	vadd.s32 v10, v7;
	v6 =	vadd.s32 v6, v8  }
0x30f: {  	v8 =	vld.idx.msk [tilespmem:v39+s18+$0x0], $0xffff;
	v7 =	vadd.s32 v11, v7;
	v6 =	vadd.s32 v47, v6  }
0x310: {  	v10 =	vld.idx.msk [tilespmem:v37+s18+$0x0], $0xffff;
	v7 =	vadd.s32 v12, v7;
	v6 =	vadd.s32 v44, v6  }
0x311: {  	v11 =	vld.idx.msk [tilespmem:v35+s18+$0x0], $0xffff;
	v7 =	vadd.s32 v13, v7;
	v6 =	vadd.s32 v42, v6  }
0x312: {  	v56 =	vld.idx.msk [tilespmem:v33+s18+$0x0], $0xffff;
	v7 =	vadd.s32 v14, v7;
	v6 =	vadd.s32 v40, v6  }
0x313: {  	v57 =	vld.idx.msk [tilespmem:v31+s18+$0x0], $0xffff;
	v7 =	vadd.s32 v9, v7;
	v6 =	vadd.s32 v38, v6  }
0x314: {  	v9 =	vld.idx.msk [tilespmem:v29+s18+$0x0], $0xffff;
	v7 =	vadd.s32 v8, v7;
	v6 =	vadd.s32 v36, v6  }
0x315: {  	v8 =	vld.idx.msk [tilespmem:v26+s18+$0x0], $0xffff;
	v7 =	vadd.s32 v10, v7;
	v6 =	vadd.s32 v34, v6  }
0x316: {  	v10 =	vld.idx.msk [tilespmem:v24+s18+$0x0], $0xffff;
	v7 =	vadd.s32 v11, v7;
	v6 =	vadd.s32 v32, v6  }
0x317: {  	v11 =	vld.idx.msk [tilespmem:v22+s18+$0x0], $0xffff;
	v7 =	vadd.s32 v56, v7;
	v6 =	vadd.s32 v30, v6  }
0x318: {  	v7 =	vadd.s32 v57, v7;
	v6 =	vadd.s32 v28, v6  }
0x319: {  	v7 =	vadd.s32 v9, v7;
	v6 =	vadd.s32 v27, v6  }
0x31a: {  	v7 =	vadd.s32 v8, v7;
	v6 =	vadd.s32 v25, v6  }
0x31b: {  	s0 =	sadd.s32 $0x10, s0;
	v7 =	vadd.s32 v10, v7;
	v6 =	vadd.s32 v23, v6  }
0x31c: {  	s25 =	sadd.s32 $0x10, s1;
	v7 =	vadd.s32 v11, v7;
	[tilespmem:s0+$0x0] =	vst v6  }
0x31d: {  	s26 =	simm.s32 $0x15DC0;
	s28 =	simm.s32 $0x3;
	[tilespmem:s25+$0x0] =	vst v7  }
0x31e: {  	[spmem:s10] =	stream.linear.scatter [tilespmem:s26], [sflag:$0x3], $0x100, $0x38;
	[tilespmem:$0x18610] =	vst v63  }
0x31f: {  	_ =	swait.ge [sflag:s28], $0x100  }
0x320: {  	[sflag:s28] =	ssyncset.done $0x0  }
0x321: {  	s29 =	simm.s32 $0x15EC0;
	[sflag:s28] =	ssyncadd.s32 $0xFFFFFF00  }
0x322: {  	[spmem:s11] =	stream.linear.scatter [tilespmem:s29], [sflag:$0x3], $0x100, $0x38;
	[tilespmem:$0x18610] =	vst v63  }
0x323: {  	_ =	swait.ge [sflag:s28], $0x100  }
0x324: {  	[sflag:s28] =	ssyncset.done $0x0  }
0x325: {  	[sflag:s28] =	ssyncadd.s32 $0xFFFFFF00  }
0x326: {  	s30 =	simm.s32 $0x15FC0;
	[bflag:$0x0] =	sbarrier.arrive $0xFFFF  }
0x327: {  	[tilespmem:s30], [sflag:$0x3] =	stream.linear.gather [spmem:s9], $0x1000, $0x38;
	[tilespmem:$0x18610] =	vst v63  }
0x328: {  	_ =	swait.ge [sflag:s28], $0x1000  }
0x329: {  	[sflag:s28] =	ssyncset.done $0x0  }
0x32a: {  	s31 =	simm.s32 $0x16FC0;
	[sflag:s28] =	ssyncadd.s32 $0xFFFFF000  }
0x32b: {  	[tilespmem:s31], [sflag:$0x3] =	stream.linear.gather [spmem:s8], $0x1000, $0x38;
	[tilespmem:$0x18610] =	vst v63  }
0x32c: {  	_ =	swait.ge [sflag:s28], $0x1000  }
0x32d: {  	[sflag:s28] =	ssyncset.done $0x0  }
0x32e: {  	[sflag:s28] =	ssyncadd.s32 $0xFFFFF000  }
0x32f: {  	s0 =	simm.s32 $0x0;
	[bflag:$0x0] =	sbarrier.arrive $0xFFFF  }
0x330: {  	v6 =	vld [tilespmem:s0+$0x16FC0]  }
0x331: {  	v7 =	vld [tilespmem:s0+$0x170C0]  }
0x332: {  	v8 =	vld [tilespmem:s0+$0x171C0]  }
0x333: {  	v9 =	vld [tilespmem:s0+$0x172C0]  }
0x334: {  	v10 =	vld [tilespmem:s0+$0x173C0]  }
0x335: {  	v11 =	vld [tilespmem:s0+$0x174C0]  }
0x336: {  	v58 =	vld [tilespmem:s0+$0x175C0]  }
0x337: {  	v59 =	vld [tilespmem:s0+$0x17BC0];
	v6 =	vadd.s32 v6, v7  }
0x338: {  	v7 =	vld [tilespmem:s0+$0x176C0];
	v6 =	vadd.s32 v6, v8  }
0x339: {  	v8 =	vld [tilespmem:s0+$0x177C0];
	v6 =	vadd.s32 v6, v9  }
0x33a: {  	v9 =	vld [tilespmem:s0+$0x178C0];
	v6 =	vadd.s32 v6, v10  }
0x33b: {  	v10 =	vld [tilespmem:s0+$0x179C0];
	v6 =	vadd.s32 v6, v11  }
0x33c: {  	v11 =	vld [tilespmem:s0+$0x17AC0];
	v6 =	vadd.s32 v6, v58  }
0x33d: {  	v6 =	vadd.s32 v6, v7;
	v7 =	vld [tilespmem:s0+$0x17CC0]  }
0x33e: {  	v6 =	vadd.s32 v6, v8;
	v8 =	vld [tilespmem:s0+$0x17DC0]  }
0x33f: {  	v6 =	vadd.s32 v6, v9;
	v9 =	vld [tilespmem:s0+$0x17EC0]  }
0x340: {  	v6 =	vadd.s32 v6, v10;
	v10 =	vld [tilespmem:s0+$0x15FC0]  }
0x341: {  	v6 =	vadd.s32 v6, v11;
	v11 =	vld [tilespmem:s0+$0x160C0]  }
0x342: {  	v60 =	vld [tilespmem:s0+$0x161C0];
	v6 =	vadd.s32 v6, v59  }
0x343: {  	v6 =	vadd.s32 v6, v7;
	v7 =	vld [tilespmem:s0+$0x162C0]  }
0x344: {  	v6 =	vadd.s32 v6, v8;
	v8 =	vld [tilespmem:s0+$0x163C0]  }
0x345: {  	v6 =	vadd.s32 v6, v9;
	v9 =	vld [tilespmem:s0+$0x164C0]  }
0x346: {  	[tilespmem:s0+$0x180C0] =	vst v6;
	v6 =	vadd.s32 v10, v11;
	v10 =	vld [tilespmem:s0+$0x165C0]  }
0x347: {  	v11 =	vld [tilespmem:s0+$0x166C0];
	v6 =	vadd.s32 v6, v60  }
0x348: {  	v61 =	vld [tilespmem:s0+$0x167C0];
	v6 =	vadd.s32 v6, v7  }
0x349: {  	v62 =	vld [tilespmem:s0+$0x168C0];
	v6 =	vadd.s32 v6, v8  }
0x34a: {  	v63 =	vld [tilespmem:s0+$0x169C0];
	v6 =	vadd.s32 v6, v9  }
0x34b: {  	v15 =	vld [tilespmem:s0+$0x16AC0];
	v6 =	vadd.s32 v6, v10  }
0x34c: {  	v7 =	vld [tilespmem:s0+$0x16BC0];
	v6 =	vadd.s32 v6, v11  }
0x34d: {  	v8 =	vld [tilespmem:s0+$0x16CC0];
	v6 =	vadd.s32 v6, v61  }
0x34e: {  	v9 =	vld [tilespmem:s0+$0x16DC0];
	v6 =	vadd.s32 v6, v62  }
0x34f: {  	s1 =	simm.s32 $0x10;
	v10 =	vld [tilespmem:s0+$0x16EC0];
	v11 =	vadd.s32 v6, v63  }
0x350: {  	s2 =	simm.s32 $0x80;
	v6 =	vld [tilespmem:s1+$0x16FC0];
	v11 =	vadd.s32 v11, v15  }
.LBB2_19:
0x351: {  	p0 =	sne.s32 s2, $0x3C0;
	v12 =	vld [tilespmem:s1+$0x170C0];
	v7 =	vadd.s32 v11, v7  }
0x352: {  	v11 =	vld [tilespmem:s1+$0x171C0];
	v7 =	vadd.s32 v7, v8  }
0x353: {  	v8 =	vld [tilespmem:s1+$0x172C0];
	v7 =	vadd.s32 v7, v9  }
0x354: {  	v9 =	vld [tilespmem:s1+$0x173C0];
	v7 =	vadd.s32 v7, v10  }
0x355: {  	v10 =	vld [tilespmem:s1+$0x174C0];
	[tilespmem:s0+$0x17FC0] =	vst v7;
	s0 =	smov.u32 s1  }
0x356: {  	v6 =	vadd.s32 v6, v12;
	v7 =	vld [tilespmem:s0+$0x175C0]  }
0x357: {  	v6 =	vadd.s32 v6, v11;
	v11 =	vld [tilespmem:s0+$0x176C0]  }
0x358: {  	v6 =	vadd.s32 v6, v8;
	v8 =	vld [tilespmem:s0+$0x177C0]  }
0x359: {  	v6 =	vadd.s32 v6, v9;
	v9 =	vld [tilespmem:s0+$0x178C0]  }
0x35a: {  	v6 =	vadd.s32 v6, v10;
	v10 =	vld [tilespmem:s0+$0x179C0]  }
0x35b: {  	v6 =	vadd.s32 v6, v7;
	v7 =	vld [tilespmem:s0+$0x17AC0]  }
0x35c: {  	v6 =	vadd.s32 v6, v11;
	v11 =	vld [tilespmem:s0+$0x17BC0]  }
0x35d: {  	v6 =	vadd.s32 v6, v8;
	v8 =	vld [tilespmem:s0+$0x17CC0]  }
0x35e: {  	v6 =	vadd.s32 v6, v9;
	v9 =	vld [tilespmem:s0+$0x17DC0]  }
0x35f: {  	v6 =	vadd.s32 v6, v10;
	v10 =	vld [tilespmem:s0+$0x17EC0]  }
0x360: {  	v12 =	vld [tilespmem:s0+$0x15FC0];
	v6 =	vadd.s32 v6, v7  }
0x361: {  	v7 =	vld [tilespmem:s0+$0x160C0];
	v6 =	vadd.s32 v6, v11  }
0x362: {  	v11 =	vld [tilespmem:s0+$0x161C0];
	v6 =	vadd.s32 v6, v8  }
0x363: {  	v8 =	vld [tilespmem:s0+$0x162C0];
	v6 =	vadd.s32 v6, v9  }
0x364: {  	v9 =	vld [tilespmem:s0+$0x163C0];
	v6 =	vadd.s32 v6, v10  }
0x365: {  	v10 =	vld [tilespmem:s0+$0x164C0];
	[tilespmem:s0+$0x180C0] =	vst v6  }
0x366: {  	v6 =	vadd.s32 v12, v7;
	v7 =	vld [tilespmem:s0+$0x165C0]  }
0x367: {  	v6 =	vadd.s32 v6, v11;
	v11 =	vld [tilespmem:s0+$0x166C0]  }
0x368: {  	v6 =	vadd.s32 v6, v8;
	v8 =	vld [tilespmem:s0+$0x167C0]  }
0x369: {  	v6 =	vadd.s32 v6, v9;
	v9 =	vld [tilespmem:s0+$0x168C0]  }
0x36a: {  	v6 =	vadd.s32 v6, v10;
	v10 =	vld [tilespmem:s0+$0x169C0]  }
0x36b: {  	v6 =	vadd.s32 v6, v7;
	v12 =	vld [tilespmem:s0+$0x16AC0]  }
.Ltmp9:
0x36c: {  	v6 =	vadd.s32 v6, v11;
	v7 =	vld [tilespmem:s0+$0x16BC0];
	(pc) =	sbr.rel @p0 .LBB2_19-.Ltmp9, $4  }
0x36d: {  	v6 =	vadd.s32 v6, v8;
	v8 =	vld [tilespmem:s0+$0x16CC0]  }
0x36e: {  	v6 =	vadd.s32 v6, v9;
	v9 =	vld [tilespmem:s0+$0x16DC0]  }
0x36f: {  	s1 =	sshra.s32 s2, $0x2;
	v11 =	vadd.s32 v6, v10;
	v10 =	vld [tilespmem:s0+$0x16EC0]  }
0x370: {  	s2 =	sadd.s32 $0x40, s2;
	v6 =	vld [tilespmem:s1+$0x16FC0];
	v11 =	vadd.s32 v11, v12  }
0x371: {  	v12 =	vld [tilespmem:s1+$0x170C0];
	v7 =	vadd.s32 v11, v7  }
0x372: {  	v11 =	vld [tilespmem:s1+$0x171C0];
	v7 =	vadd.s32 v7, v8  }
0x373: {  	v8 =	vld [tilespmem:s1+$0x172C0];
	v7 =	vadd.s32 v7, v9  }
0x374: {  	v9 =	vld [tilespmem:s1+$0x173C0];
	v7 =	vadd.s32 v7, v10  }
0x375: {  	v10 =	vld [tilespmem:s1+$0x174C0];
	[tilespmem:s0+$0x17FC0] =	vst v7  }
0x376: {  	v7 =	vld [tilespmem:s1+$0x175C0]  }
0x377: {  	v6 =	vadd.s32 v6, v12;
	v48 =	vld [tilespmem:s1+$0x176C0]  }
0x378: {  	v49 =	vld [tilespmem:s1+$0x17CC0];
	v6 =	vadd.s32 v6, v11  }
0x379: {  	v11 =	vld [tilespmem:s1+$0x177C0];
	v6 =	vadd.s32 v6, v8  }
0x37a: {  	v8 =	vld [tilespmem:s1+$0x178C0];
	v6 =	vadd.s32 v6, v9  }
0x37b: {  	v9 =	vld [tilespmem:s1+$0x179C0];
	v6 =	vadd.s32 v6, v10  }
0x37c: {  	v10 =	vld [tilespmem:s1+$0x17AC0];
	v6 =	vadd.s32 v6, v7  }
0x37d: {  	v7 =	vld [tilespmem:s1+$0x17BC0];
	v6 =	vadd.s32 v6, v48  }
0x37e: {  	v6 =	vadd.s32 v6, v11;
	v11 =	vld [tilespmem:s1+$0x17DC0]  }
0x37f: {  	v6 =	vadd.s32 v6, v8;
	v8 =	vld [tilespmem:s1+$0x17EC0]  }
0x380: {  	v6 =	vadd.s32 v6, v9;
	v9 =	vld [tilespmem:s1+$0x15FC0]  }
0x381: {  	v6 =	vadd.s32 v6, v10;
	v10 =	vld [tilespmem:s1+$0x160C0]  }
0x382: {  	v6 =	vadd.s32 v6, v7;
	v7 =	vld [tilespmem:s1+$0x161C0]  }
0x383: {  	v50 =	vld [tilespmem:s1+$0x162C0];
	v6 =	vadd.s32 v6, v49  }
0x384: {  	v6 =	vadd.s32 v6, v11;
	v11 =	vld [tilespmem:s1+$0x163C0]  }
0x385: {  	v6 =	vadd.s32 v6, v8;
	v8 =	vld [tilespmem:s1+$0x164C0]  }
0x386: {  	[tilespmem:s1+$0x180C0] =	vst v6;
	v6 =	vadd.s32 v9, v10;
	v9 =	vld [tilespmem:s1+$0x165C0]  }
0x387: {  	v6 =	vadd.s32 v6, v7;
	v7 =	vld [tilespmem:s1+$0x166C0]  }
0x388: {  	v10 =	vld [tilespmem:s1+$0x167C0];
	v6 =	vadd.s32 v6, v50  }
0x389: {  	v6 =	vadd.s32 v6, v11;
	v11 =	vld [tilespmem:s1+$0x168C0]  }
0x38a: {  	v6 =	vadd.s32 v6, v8;
	v8 =	vld [tilespmem:s1+$0x169C0]  }
0x38b: {  	v6 =	vadd.s32 v6, v9;
	v9 =	vld [tilespmem:s1+$0x16AC0]  }
0x38c: {  	v6 =	vadd.s32 v6, v7;
	v7 =	vld [tilespmem:s1+$0x16BC0]  }
0x38d: {  	v6 =	vadd.s32 v6, v10;
	v10 =	vld [tilespmem:s1+$0x16CC0]  }
0x38e: {  	v6 =	vadd.s32 v6, v11;
	v11 =	vld [tilespmem:s1+$0x16DC0]  }
0x38f: {  	v51 =	vld [tilespmem:s1+$0x16EC0];
	v8 =	vadd.s32 v6, v8;
	v6 =	vlaneseq.u32  }
0x390: {  	v8 =	vadd.s32 v8, v9;
	v9 =	vmul.u32 $0x10, v6  }
0x391: {  	v7 =	vadd.s32 v8, v7  }
0x392: {  	v7 =	vadd.s32 v7, v10;
	v8 =	vor.u32 $0x1, v9  }
0x393: {  	v10 =	vor.u32 $0x2, v9;
	v7 =	vadd.s32 v7, v11  }
0x394: {  	v11 =	vor.u32 $0x3, v9;
	v7 =	vadd.s32 v7, v51  }
0x395: {  	s21 =	simm.s32 $0x17FC0;
	[tilespmem:s1+$0x17FC0] =	vst v7;
	v7 =	vor.u32 $0x4, v9  }
0x396: {  	v13 =	vor.u32 $0x5, v9;
	v52 =	vld.idx.msk [tilespmem:v9+s21+$0x0], $0xffff  }
0x397: {  	v15 =	vor.u32 $0x6, v9;
	v14 =	vld.idx.msk [tilespmem:v8+s21+$0x0], $0xffff  }
0x398: {  	v17 =	vor.u32 $0x7, v9;
	v16 =	vld.idx.msk [tilespmem:v10+s21+$0x0], $0xffff  }
0x399: {  	v18 =	vmov s16;
	v20 =	vor.u32 $0x8, v9;
	v19 =	vld.idx.msk [tilespmem:v11+s21+$0x0], $0xffff  }
0x39a: {  	vm0 =	veq.s32 v18, v6;
	v21 =	vor.u32 $0x9, v9;
	v53 =	vld.idx.msk [tilespmem:v7+s21+$0x0], $0xffff  }
0x39b: {  	v5 =	vnsel vm0, $0x0, v5;
	v23 =	vor.u32 $0xA, v9;
	v22 =	vld.idx.msk [tilespmem:v13+s21+$0x0], $0xffff  }
0x39c: {  	v4 =	vnsel vm0, $0x0, v4;
	(xrf0) =	vadd.scan.msk.s32 $0xffff, v5;
	v55 =	vor.u32 $0xB, v9;
	v54 =	vld.idx.msk [tilespmem:v15+s21+$0x0], $0xffff;
	v5 =	vadd.s32 v52, v14  }
0x39d: {  	v56 =	vor.u32 $0xC, v9;
	(xrf0) =	vadd.scan.msk.s32 $0xffff, v4;
	v4 =	vadd.s32 v16, v5;
	v5 =	vld.idx.msk [tilespmem:v17+s21+$0x0], $0xffff  }
0x39e: {  	v24 =	vor.u32 $0xD, v9;
	v57 =	vld.idx.msk [tilespmem:v20+s21+$0x0], $0xffff;
	v4 =	vadd.s32 v19, v4  }
0x39f: {  	v25 =	vor.u32 $0xE, v9;
	v58 =	vld.idx.msk [tilespmem:v21+s21+$0x0], $0xffff;
	v4 =	vadd.s32 v53, v4  }
0x3a0: {  	v26 =	vor.u32 $0xF, v9;
	v59 =	vld.idx.msk [tilespmem:v23+s21+$0x0], $0xffff;
	v4 =	vadd.s32 v22, v4  }
0x3a1: {  	v60 =	vld.idx.msk [tilespmem:v55+s21+$0x0], $0xffff;
	v4 =	vadd.s32 v54, v4  }
0x3a2: {  	(v2sf) =	vpush v2, $0xF;
	v2, _, _ =	vpop (xrf0);
	v4 =	vadd.s32 v5, v4;
	v5 =	vld.idx.msk [tilespmem:v56+s21+$0x0], $0xffff  }
0x3a3: {  	v61 =	vld.idx.msk [tilespmem:v24+s21+$0x0], $0xffff;
	(v2sf) =	vpush v2, $0xF;
	v2, _, _ =	vpop (xrf0);
	v4 =	vadd.s32 v57, v4  }
0x3a4: {  	(v2sf) =	vpush v2, $0xF;
	v2 =	vadd.s32 v58, v4;
	v4 =	vld.idx.msk [tilespmem:v25+s21+$0x0], $0xffff  }
0x3a5: {  	v62 =	vld.idx.msk [tilespmem:v26+s21+$0x0], $0xffff;
	v2 =	vadd.s32 v59, v2  }
0x3a6: {  	v63 =	vmov s12;
	v2 =	vadd.s32 v60, v2  }
0x3a7: {  	vm10 =	veq.s32 v63, v6;
	v2 =	vadd.s32 v5, v2  }
0x3a8: {  	v3 =	vnsel vm10, $0x0, v3;
	v2 =	vadd.s32 v61, v2  }
0x3a9: {  	v1 =	vnsel vm10, $0x0, v1;
	(xrf0) =	vadd.scan.msk.s32 $0xffff, v3;
	v2 =	vadd.s32 v4, v2  }
0x3aa: {  	(xrf0) =	vadd.scan.msk.s32 $0xffff, v1;
	v1 =	vadd.s32 v62, v2  }
0x3ab: {  	(xrf0) =	vadd.scan.msk.s32 $0xffff, v1;
	_ =	sdelay $0x3  }
0x3ac: {  	v2, _, _ =	vpop (xrf0)  }
0x3ad: {  	v3, _, _ =	vpop (xrf0)  }
0x3ae: {  	s22 =	spop (v2sf);
	v4, _, _ =	vpop (xrf0)  }
0x3af: {  	s23 =	spop (v2sf);
	v5 =	vbroadcast v4, $0xF  }
0x3b0: {  	s2 =	spop (v2sf);
	s0 =	sadd.s32 s23, s22  }
0x3b1: {  	s0 =	ssub.s32 s2, s0;
	v4 =	vsub.s32 v5, v4  }
0x3b2: {  	s12 =	sadd.s32 $0x6D1, s0;
	v1 =	vadd.s32 v1, v4  }
0x3b3: {  	vm11 =	vge.s32 v1, s12  }
0x3b4: {  	(v2sf) =	vpush v2, $0xF;
	v1 =	vmpcnt.ones.xlane vm11  }
0x3b5: {  	(v2sf) =	vpush v3, $0xF  }
0x3b6: {  	(v2sf) =	vpush v1, $0x0;
	_ =	sdelay $0x2  }
0x3b7: {  	s6 =	simm.s32 $0x180C0  }
0x3b8: {  	v2 =	vld.idx.msk [tilespmem:v9+s6+$0x0], $0xffff  }
0x3b9: {  	v3 =	vld.idx.msk [tilespmem:v8+s6+$0x0], $0xffff  }
0x3ba: {  	v5 =	vld.idx.msk [tilespmem:v10+s6+$0x0], $0xffff  }
0x3bb: {  	v8 =	vld.idx.msk [tilespmem:v11+s6+$0x0], $0xffff  }
0x3bc: {  	v7 =	vld.idx.msk [tilespmem:v7+s6+$0x0], $0xffff  }
0x3bd: {  	v9 =	vld.idx.msk [tilespmem:v13+s6+$0x0], $0xffff  }
0x3be: {  	v2 =	vadd.s32 v2, v3;
	v3 =	vld.idx.msk [tilespmem:v15+s6+$0x0], $0xffff  }
0x3bf: {  	v2 =	vadd.s32 v5, v2;
	v5 =	vld.idx.msk [tilespmem:v17+s6+$0x0], $0xffff  }
0x3c0: {  	v2 =	vadd.s32 v8, v2;
	v8 =	vld.idx.msk [tilespmem:v20+s6+$0x0], $0xffff  }
0x3c1: {  	v2 =	vadd.s32 v7, v2;
	v7 =	vld.idx.msk [tilespmem:v21+s6+$0x0], $0xffff;
	s24 =	spop (v2sf)  }
0x3c2: {  	v2 =	vadd.s32 v9, v2;
	v9 =	vld.idx.msk [tilespmem:v23+s6+$0x0], $0xffff;
	s25 =	spop (v2sf)  }
0x3c3: {  	v2 =	vadd.s32 v3, v2;
	v3 =	vld.idx.msk [tilespmem:v55+s6+$0x0], $0xffff;
	s26 =	spop (v2sf)  }
0x3c4: {  	v2 =	vadd.s32 v5, v2;
	v5 =	vld.idx.msk [tilespmem:v56+s6+$0x0], $0xffff;
	s3 =	sadd.s32 $0xFFFFFFFF, s26  }
0x3c5: {  	v2 =	vadd.s32 v8, v2;
	v8 =	vld.idx.msk [tilespmem:v24+s6+$0x0], $0xffff;
	s0 =	sshll.u32 s3, $0x4  }
0x3c6: {  	v1 =	vld [tilespmem:s0+$0x17FC0]  }
0x3c7: {  	v2 =	vadd.s32 v7, v2;
	v7 =	vld.idx.msk [tilespmem:v25+s6+$0x0], $0xffff  }
0x3c8: {  	v10 =	vmul.u32 $0xFFFFFFFF, v6;
	v2 =	vadd.s32 v9, v2;
	v9 =	vld.idx.msk [tilespmem:v26+s6+$0x0], $0xffff  }
0x3c9: {  	v2 =	vadd.s32 v3, v2;
	v11 =	vmov s3  }
0x3ca: {  	v3 =	vadd.s32 $0xF, v10;
	v2 =	vadd.s32 v5, v2;
	vm12 =	veq.s32 v11, v6  }
0x3cb: {  	v4 =	vnsel vm12, $0x0, v4;
	v3 =	vperm.xlane v1, v3;
	v1 =	vadd.s32 v8, v2  }
0x3cc: {  	(xrf0) =	vadd.scan.msk.s32 $0xffff, v4;
	v1 =	vadd.s32 v7, v1  }
0x3cd: {  	(xrf0) =	vadd.scan.msk.s32 $0xffff, v3;
	v2 =	vadd.s32 v9, v1  }
0x3ce: {  	(xrf0) =	vadd.scan.msk.s32 $0xffff, v2;
	_ =	sdelay $0x3  }
0x3cf: {  	s1 =	sadd.s32 s24, s15;
	v1, _, _ =	vpop (xrf0)  }
0x3d0: {  	s1 =	ssub.s32 s25, s1;
	v5, _, _ =	vpop (xrf0)  }
0x3d1: {  	s15 =	sadd.s32 $0x6D1, s1;
	v4, _, _ =	vpop (xrf0)  }
0x3d2: {  	vm13 =	vge.s32 v4, s15  }
0x3d3: {  	v7 =	vmpcnt.ones.xlane vm13;
	_ =	sdelay $0x1  }
0x3d4: {  	(v2sf) =	vpush v7, $0x0;
	_ =	sdelay $0xe  }
0x3d5: {  	s28 =	spop (v2sf)  }
0x3d6: {  	s1 =	ssub.s32 $0x10, s28  }
0x3d7: {  	v7 =	vmov s1  }
0x3d8: {  	vm14 =	veq.s32 v7, v6  }
0x3d9: {  	v4 =	vnsel vm14, $0x0, v4  }
0x3da: {  	v2 =	vnsel vm14, $0x0, v2;
	(xrf0) =	vadd.scan.msk.s32 $0xffff, v4  }
0x3db: {  	(xrf0) =	vadd.scan.msk.s32 $0xffff, v2;
	_ =	sdelay $0x4  }
0x3dc: {  	v2, _, _ =	vpop (xrf0)  }
0x3dd: {  	(v2sf) =	vpush v2, $0xF;
	v2, _, _ =	vpop (xrf0)  }
0x3de: {  	(v2sf) =	vpush v2, $0xF;
	_ =	sdelay $0x3  }
0x3df: {  	s1 =	sshll.u32 s1, $0x4  }
0x3e0: {  	v2 =	vld [tilespmem:s1+$0x180C0];
	_ =	sdelay $0x4  }
0x3e1: {  	(xrf0) =	vadd.scan.msk.s32 $0xffff, v2  }
0x3e2: {  	s31 =	simm.s32 $0x13DE0;
	v8 =	vimm.s32 $0x0  }
0x3e3: {  	s2 =	simm.s32 $0x14DE0;
	[tilespmem:s31+$0xFFFFFFE0] =	vst v8  }
0x3e4: {  	[tilespmem:s2+$0xFFFFFFE0] =	vst v8  }
0x3e5: {  	[tilespmem:s31+$0xFFFFFFF0] =	vst v8;
	s29 =	spop (v2sf)  }
0x3e6: {  	v6 =	vbroadcast v1, $0xF;
	[tilespmem:s2+$0xFFFFFFF0] =	vst v8;
	s30 =	spop (v2sf)  }
0x3e7: {  	[tilespmem:s31+$0x0] =	vst v8;
	v4, _, _ =	vpop (xrf0);
	s17 =	ssub.s32 s29, s30  }
0x3e8: {  	v6 =	vadd.s32 v5, v6;
	[tilespmem:s2+$0x0] =	vst v8;
	v7 =	vadd.s32 s17, v4  }
0x3e9: {  	vm15 =	vge.s32 v6, s12;
	[tilespmem:s31+$0x10] =	vst v8;
	vm1 =	vge.s32 v7, s15  }
0x3ea: {  	s6 =	simm.s32 $0x13E20;
	s3 =	simm.s32 $0x0;
	v6 =	vmpcnt.ones.xlane vm15;
	[tilespmem:s2+$0x10] =	vst v8;
	v7 =	vmpcnt.ones.xlane vm1  }
.LBB2_21:
0x3eb: {  	[tilespmem:s6+$0xFFFFFFE0] =	vst v8;
	s2 =	sadd.s32 $0x40, s2  }
0x3ec: {  	s3 =	sadd.s32 $0x4, s3;
	[tilespmem:s2+$0xFFFFFFE0] =	vst v8  }
0x3ed: {  	p0 =	slt.u32 s3, $0xFC;
	[tilespmem:s6+$0xFFFFFFF0] =	vst v8  }
.Ltmp10:
0x3ee: {  	[tilespmem:s2+$0xFFFFFFF0] =	vst v8;
	(pc) =	sbr.rel @p0 .LBB2_21-.Ltmp10, $4  }
0x3ef: {  	[tilespmem:s6+$0x0] =	vst v8  }
0x3f0: {  	[tilespmem:s2+$0x0] =	vst v8  }
0x3f1: {  	[tilespmem:s6+$0x10] =	vst v8  }
0x3f2: {  	s6 =	sadd.s32 $0x40, s6;
	[tilespmem:s2+$0x10] =	vst v8  }
0x3f3: {  	(v2sf) =	vpush v6, $0x0  }
0x3f4: {  	(v2sf) =	vpush v7, $0x0;
	_ =	sdelay $0xd  }
0x3f5: {  	s19 =	spop (v2sf)  }
0x3f6: {  	s2 =	spop (v2sf)  }
0x3f7: {  	s3 =	sshll.u32 s14, $0x8;
	s0 =	sadd.s32 s0, s19;
	s18 =	ssub.s32 $0x10, s2  }
0x3f8: {  	s31 =	sshll.u32 s13, $0x8;
	s0 =	sadd.s32 $0xFFFFFFFF, s0;
	s30 =	sadd.s32 s1, s18  }
0x3f9: {  	v8 =	vlaneseq.u32;
	s2 =	simm.s32 $0x13DC0;
	s16 =	sor.u32 s3, s0;
	s14 =	sor.u32 s31, s30  }
0x3fa: {  	v9 =	vimm.s32 $0x1;
	s0 =	simm.s32 $0xFFFFFFFE;
	s1 =	simm.s32 $0x68B0;
	s3 =	simm.s32 $0x14DC0;
	v6 =	vmov s16;
	v7 =	vmov s14  }
.LBB2_23:
0x3fb: {  	v10 =	vld [tilespmem:s1+$0xFFFFFFF0];
	_ =	sdelay $0x4  }
0x3fc: {  	v11 =	vshrl.u32 v10, $0x10  }
0x3fd: {  	v10 =	vshrl.u32 v10, $0x4;
	v11 =	vxor.u32 $0x8000, v11  }
0x3fe: {  	v10 =	vand.u32 $0xFF0, v10;
	vm0 =	veq.s32 v11, v6  }
0x3ff: {  	v10 =	vor.u32 v8, v10;
	vm1 =	veq.s32 v11, v7;
	_ =	sdelay $0x4  }
0x400: {  	[tilespmem:v10+s2+$0x0] =	vst.idx.add.s32.msk vm0, v9  }
0x401: {  	[tilespmem:v10+s3+$0x0] =	vst.idx.add.s32.msk vm1, v9  }
0x402: {  	v10 =	vld [tilespmem:s1+$0x0];
	_ =	sdelay $0x4  }
0x403: {  	v11 =	vshrl.u32 v10, $0x10  }
0x404: {  	v10 =	vshrl.u32 v10, $0x4;
	v11 =	vxor.u32 $0x8000, v11  }
0x405: {  	v10 =	vand.u32 $0xFF0, v10;
	vm14 =	veq.s32 v11, v6  }
0x406: {  	s0 =	sadd.s32 $0x2, s0;
	v10 =	vor.u32 v8, v10;
	vm15 =	veq.s32 v11, v7  }
0x407: {  	p0 =	slt.u32 s0, $0x2A8  }
.Ltmp11:
0x408: {  	_ = 	snop;
	(pc) =	sbr.rel @p0 .LBB2_23-.Ltmp11, $3  }
0x409: {  	_ =	sdelay $0x1  }
0x40a: {  	[tilespmem:v10+s2+$0x0] =	vst.idx.add.s32.msk vm14, v9  }
0x40b: {  	s1 =	sadd.s32 $0x20, s1;
	[tilespmem:v10+s3+$0x0] =	vst.idx.add.s32.msk vm15, v9  }
0x40c: {  	v6 =	vlaneseq.u32  }
0x40d: {  	v6 =	vmul.u32 $0x10, v6  }
0x40e: {  	s0 =	simm.s32 $0x0  }
0x40f: {  	v48 =	vor.u32 s0, v6  }
0x410: {  	v7 =	vor.u32 $0xF, v6  }
0x411: {  	v8 =	vor.u32 $0xE, v6;
	v22 =	vor.u32 s0, v7  }
0x412: {  	v9 =	vor.u32 $0xD, v6;
	v23 =	vor.u32 s0, v8  }
0x413: {  	s13 =	simm.s32 $0x13DC0;
	v10 =	vor.u32 $0xC, v6;
	v24 =	vor.u32 s0, v9  }
0x414: {  	s20 =	simm.s32 $0x14DC0;
	v11 =	vor.u32 $0xB, v6;
	v25 =	vor.u32 s0, v10;
	v53 =	vld.idx.msk [tilespmem:v48+s13+$0x0], $0xffff  }
0x415: {  	v12 =	vor.u32 $0xA, v6;
	v26 =	vor.u32 s0, v11;
	v48 =	vld.idx.msk [tilespmem:v48+s20+$0x0], $0xffff  }
0x416: {  	v13 =	vor.u32 $0x9, v6;
	v27 =	vor.u32 s0, v12;
	v28 =	vld.idx.msk [tilespmem:v22+s13+$0x0], $0xffff  }
0x417: {  	v14 =	vor.u32 $0x8, v6;
	v29 =	vor.u32 s0, v13;
	v30 =	vld.idx.msk [tilespmem:v23+s13+$0x0], $0xffff  }
0x418: {  	v15 =	vor.u32 $0x7, v6;
	v31 =	vor.u32 s0, v14;
	v32 =	vld.idx.msk [tilespmem:v24+s13+$0x0], $0xffff  }
0x419: {  	v16 =	vor.u32 $0x6, v6;
	v33 =	vor.u32 s0, v15;
	v34 =	vld.idx.msk [tilespmem:v25+s13+$0x0], $0xffff  }
0x41a: {  	v17 =	vor.u32 $0x5, v6;
	v35 =	vor.u32 s0, v16;
	v36 =	vld.idx.msk [tilespmem:v26+s13+$0x0], $0xffff  }
0x41b: {  	v18 =	vor.u32 $0x4, v6;
	v37 =	vor.u32 s0, v17;
	v38 =	vld.idx.msk [tilespmem:v27+s13+$0x0], $0xffff  }
0x41c: {  	v19 =	vor.u32 $0x3, v6;
	v39 =	vor.u32 s0, v18;
	v40 =	vld.idx.msk [tilespmem:v29+s13+$0x0], $0xffff  }
0x41d: {  	v21 =	vor.u32 $0x1, v6;
	v41 =	vor.u32 s0, v19;
	v42 =	vld.idx.msk [tilespmem:v31+s13+$0x0], $0xffff  }
0x41e: {  	v45 =	vor.u32 s0, v21;
	v44 =	vld.idx.msk [tilespmem:v33+s13+$0x0], $0xffff  }
0x41f: {  	v20 =	vor.u32 $0x2, v6;
	v46 =	vld.idx.msk [tilespmem:v35+s13+$0x0], $0xffff  }
0x420: {  	v43 =	vor.u32 s0, v20;
	v47 =	vld.idx.msk [tilespmem:v37+s13+$0x0], $0xffff  }
0x421: {  	v49 =	vld.idx.msk [tilespmem:v39+s13+$0x0], $0xffff  }
0x422: {  	v50 =	vld.idx.msk [tilespmem:v41+s13+$0x0], $0xffff  }
0x423: {  	v52 =	vld.idx.msk [tilespmem:v45+s20+$0x0], $0xffff  }
0x424: {  	v45 =	vld.idx.msk [tilespmem:v45+s13+$0x0], $0xffff  }
0x425: {  	v51 =	vld.idx.msk [tilespmem:v43+s13+$0x0], $0xffff  }
0x426: {  	v43 =	vld.idx.msk [tilespmem:v43+s20+$0x0], $0xffff  }
0x427: {  	v41 =	vld.idx.msk [tilespmem:v41+s20+$0x0], $0xffff  }
0x428: {  	v39 =	vld.idx.msk [tilespmem:v39+s20+$0x0], $0xffff  }
0x429: {  	v37 =	vld.idx.msk [tilespmem:v37+s20+$0x0], $0xffff;
	v45 =	vadd.s32 v53, v45  }
0x42a: {  	v35 =	vld.idx.msk [tilespmem:v35+s20+$0x0], $0xffff;
	v48 =	vadd.s32 v48, v52;
	v45 =	vadd.s32 v51, v45  }
0x42b: {  	v33 =	vld.idx.msk [tilespmem:v33+s20+$0x0], $0xffff;
	v43 =	vadd.s32 v43, v48;
	v45 =	vadd.s32 v50, v45  }
0x42c: {  	v31 =	vld.idx.msk [tilespmem:v31+s20+$0x0], $0xffff;
	v41 =	vadd.s32 v41, v43;
	v58 =	vadd.s32 v49, v45  }
0x42d: {  	v29 =	vld.idx.msk [tilespmem:v29+s20+$0x0], $0xffff;
	v39 =	vadd.s32 v39, v41;
	v59 =	vadd.s32 v47, v58  }
0x42e: {  	v27 =	vld.idx.msk [tilespmem:v27+s20+$0x0], $0xffff;
	v37 =	vadd.s32 v37, v39;
	v60 =	vadd.s32 v46, v59  }
0x42f: {  	v26 =	vld.idx.msk [tilespmem:v26+s20+$0x0], $0xffff;
	v35 =	vadd.s32 v35, v37;
	v61 =	vadd.s32 v44, v60  }
0x430: {  	v25 =	vld.idx.msk [tilespmem:v25+s20+$0x0], $0xffff;
	v33 =	vadd.s32 v33, v35;
	v62 =	vadd.s32 v42, v61  }
0x431: {  	v63 =	vld.idx.msk [tilespmem:v24+s20+$0x0], $0xffff;
	v24 =	vadd.s32 v31, v33;
	v31 =	vadd.s32 v40, v62  }
0x432: {  	v23 =	vld.idx.msk [tilespmem:v23+s20+$0x0], $0xffff;
	v24 =	vadd.s32 v29, v24;
	v29 =	vadd.s32 v38, v31  }
0x433: {  	v31 =	vld.idx.msk [tilespmem:v22+s20+$0x0], $0xffff;
	v22 =	vadd.s32 v27, v24;
	v24 =	vadd.s32 v36, v29  }
0x434: {  	s2 =	simm.s32 $0x100;
	v26 =	vadd.s32 v26, v22;
	v24 =	vadd.s32 v34, v24  }
0x435: {  	v22 =	vor.u32 s2, v7;
	v25 =	vadd.s32 v25, v26;
	v26 =	vadd.s32 v32, v24  }
0x436: {  	v24 =	vor.u32 s2, v8;
	v25 =	vadd.s32 v63, v25;
	v27 =	vadd.s32 v30, v26  }
0x437: {  	s0 =	simm.s32 $0x15DC0;
	v29 =	vor.u32 s2, v10;
	v23 =	vadd.s32 v23, v25;
	v25 =	vadd.s32 v28, v27  }
0x438: {  	s1 =	simm.s32 $0x15EC0;
	v33 =	vor.u32 s2, v12;
	v23 =	vadd.s32 v31, v23;
	[tilespmem:s0+$0x0] =	vst v25  }
0x439: {  	v35 =	vor.u32 s2, v13;
	[tilespmem:s1+$0x0] =	vst v23  }
0x43a: {  	v37 =	vor.u32 s2, v14;
	v23 =	vld.idx.msk [tilespmem:v22+s13+$0x0], $0xffff  }
0x43b: {  	v39 =	vor.u32 s2, v15;
	v25 =	vld.idx.msk [tilespmem:v24+s13+$0x0], $0xffff  }
0x43c: {  	v41 =	vor.u32 s2, v16;
	v28 =	vld.idx.msk [tilespmem:v29+s13+$0x0], $0xffff  }
0x43d: {  	v43 =	vor.u32 s2, v17;
	v32 =	vld.idx.msk [tilespmem:v33+s13+$0x0], $0xffff  }
0x43e: {  	v45 =	vor.u32 s2, v18;
	v34 =	vld.idx.msk [tilespmem:v35+s13+$0x0], $0xffff  }
0x43f: {  	v46 =	vor.u32 s2, v19;
	v36 =	vld.idx.msk [tilespmem:v37+s13+$0x0], $0xffff  }
0x440: {  	v26 =	vor.u32 s2, v9;
	v38 =	vld.idx.msk [tilespmem:v39+s13+$0x0], $0xffff  }
0x441: {  	v31 =	vor.u32 s2, v11;
	v40 =	vld.idx.msk [tilespmem:v41+s13+$0x0], $0xffff  }
0x442: {  	v48 =	vor.u32 s2, v20;
	v42 =	vld.idx.msk [tilespmem:v43+s13+$0x0], $0xffff  }
0x443: {  	v49 =	vor.u32 s2, v21;
	v44 =	vld.idx.msk [tilespmem:v45+s13+$0x0], $0xffff  }
0x444: {  	v47 =	vld.idx.msk [tilespmem:v46+s13+$0x0], $0xffff  }
0x445: {  	v50 =	vor.u32 s2, v6;
	v27 =	vld.idx.msk [tilespmem:v26+s13+$0x0], $0xffff  }
0x446: {  	s2 =	simm.s32 $0x200;
	v30 =	vld.idx.msk [tilespmem:v31+s13+$0x0], $0xffff  }
.LBB2_25:
0x447: {  	p0 =	sne.s32 s2, $0xF00;
	v51 =	vld.idx.msk [tilespmem:v48+s13+$0x0], $0xffff  }
0x448: {  	v52 =	vld.idx.msk [tilespmem:v49+s20+$0x0], $0xffff  }
0x449: {  	v49 =	vld.idx.msk [tilespmem:v49+s13+$0x0], $0xffff  }
0x44a: {  	v53 =	vld.idx.msk [tilespmem:v50+s13+$0x0], $0xffff  }
0x44b: {  	v50 =	vld.idx.msk [tilespmem:v50+s20+$0x0], $0xffff  }
0x44c: {  	v48 =	vld.idx.msk [tilespmem:v48+s20+$0x0], $0xffff  }
0x44d: {  	v46 =	vld.idx.msk [tilespmem:v46+s20+$0x0], $0xffff  }
0x44e: {  	v45 =	vld.idx.msk [tilespmem:v45+s20+$0x0], $0xffff  }
0x44f: {  	v43 =	vld.idx.msk [tilespmem:v43+s20+$0x0], $0xffff  }
0x450: {  	v49 =	vadd.s32 v53, v49;
	v41 =	vld.idx.msk [tilespmem:v41+s20+$0x0], $0xffff  }
0x451: {  	v50 =	vadd.s32 v50, v52;
	v49 =	vadd.s32 v51, v49;
	v39 =	vld.idx.msk [tilespmem:v39+s20+$0x0], $0xffff  }
0x452: {  	v48 =	vadd.s32 v48, v50;
	v47 =	vadd.s32 v47, v49;
	v37 =	vld.idx.msk [tilespmem:v37+s20+$0x0], $0xffff  }
0x453: {  	v46 =	vadd.s32 v46, v48;
	v44 =	vadd.s32 v44, v47;
	v35 =	vld.idx.msk [tilespmem:v35+s20+$0x0], $0xffff  }
0x454: {  	v45 =	vadd.s32 v45, v46;
	v42 =	vadd.s32 v42, v44;
	v33 =	vld.idx.msk [tilespmem:v33+s20+$0x0], $0xffff  }
0x455: {  	v43 =	vadd.s32 v43, v45;
	v40 =	vadd.s32 v40, v42;
	v31 =	vld.idx.msk [tilespmem:v31+s20+$0x0], $0xffff  }
0x456: {  	v41 =	vadd.s32 v41, v43;
	v38 =	vadd.s32 v38, v40;
	v29 =	vld.idx.msk [tilespmem:v29+s20+$0x0], $0xffff  }
0x457: {  	v39 =	vadd.s32 v39, v41;
	v36 =	vadd.s32 v36, v38;
	v26 =	vld.idx.msk [tilespmem:v26+s20+$0x0], $0xffff  }
0x458: {  	v37 =	vadd.s32 v37, v39;
	v34 =	vadd.s32 v34, v36;
	v36 =	vld.idx.msk [tilespmem:v24+s20+$0x0], $0xffff  }
0x459: {  	v24 =	vadd.s32 v35, v37;
	v32 =	vadd.s32 v32, v34;
	v34 =	vld.idx.msk [tilespmem:v22+s20+$0x0], $0xffff  }
0x45a: {  	v22 =	vadd.s32 v33, v24;
	v24 =	vadd.s32 v30, v32  }
0x45b: {  	v30 =	vadd.s32 v31, v22;
	v24 =	vadd.s32 v28, v24  }
0x45c: {  	v22 =	vor.u32 s2, v7;
	v28 =	vadd.s32 v29, v30;
	v27 =	vadd.s32 v27, v24  }
0x45d: {  	v24 =	vor.u32 s2, v8;
	v28 =	vadd.s32 v26, v28;
	v25 =	vadd.s32 v25, v27  }
0x45e: {  	s0 =	sadd.s32 $0x10, s0;
	v26 =	vor.u32 s2, v9;
	v27 =	vadd.s32 v36, v28;
	v23 =	vadd.s32 v23, v25  }
0x45f: {  	s1 =	sadd.s32 $0x10, s1;
	v29 =	vor.u32 s2, v10;
	v25 =	vadd.s32 v34, v27;
	[tilespmem:s0+$0x0] =	vst v23  }
0x460: {  	v31 =	vor.u32 s2, v11;
	[tilespmem:s1+$0x0] =	vst v25  }
0x461: {  	v33 =	vor.u32 s2, v12;
	v23 =	vld.idx.msk [tilespmem:v22+s13+$0x0], $0xffff  }
0x462: {  	v35 =	vor.u32 s2, v13;
	v25 =	vld.idx.msk [tilespmem:v24+s13+$0x0], $0xffff  }
0x463: {  	v37 =	vor.u32 s2, v14;
	v27 =	vld.idx.msk [tilespmem:v26+s13+$0x0], $0xffff  }
0x464: {  	v39 =	vor.u32 s2, v15;
	v28 =	vld.idx.msk [tilespmem:v29+s13+$0x0], $0xffff  }
0x465: {  	v41 =	vor.u32 s2, v16;
	v30 =	vld.idx.msk [tilespmem:v31+s13+$0x0], $0xffff  }
0x466: {  	v43 =	vor.u32 s2, v17;
	v32 =	vld.idx.msk [tilespmem:v33+s13+$0x0], $0xffff  }
0x467: {  	v45 =	vor.u32 s2, v18;
	v34 =	vld.idx.msk [tilespmem:v35+s13+$0x0], $0xffff  }
0x468: {  	v46 =	vor.u32 s2, v19;
	v36 =	vld.idx.msk [tilespmem:v37+s13+$0x0], $0xffff  }
.Ltmp12:
0x469: {  	v48 =	vor.u32 s2, v20;
	v38 =	vld.idx.msk [tilespmem:v39+s13+$0x0], $0xffff;
	(pc) =	sbr.rel @p0 .LBB2_25-.Ltmp12, $4  }
0x46a: {  	v49 =	vor.u32 s2, v21;
	v40 =	vld.idx.msk [tilespmem:v41+s13+$0x0], $0xffff  }
0x46b: {  	v42 =	vld.idx.msk [tilespmem:v43+s13+$0x0], $0xffff  }
0x46c: {  	v50 =	vor.u32 s2, v6;
	v44 =	vld.idx.msk [tilespmem:v45+s13+$0x0], $0xffff  }
0x46d: {  	s2 =	sadd.s32 $0x100, s2;
	v47 =	vld.idx.msk [tilespmem:v46+s13+$0x0], $0xffff  }
0x46e: {  	_ =	sdelay $0x3  }
0x46f: {  	v6 =	vld.idx.msk [tilespmem:v48+s13+$0x0], $0xffff  }
0x470: {  	v7 =	vld.idx.msk [tilespmem:v49+s20+$0x0], $0xffff  }
0x471: {  	v8 =	vld.idx.msk [tilespmem:v49+s13+$0x0], $0xffff  }
0x472: {  	v9 =	vld.idx.msk [tilespmem:v50+s13+$0x0], $0xffff  }
0x473: {  	v10 =	vld.idx.msk [tilespmem:v50+s20+$0x0], $0xffff  }
0x474: {  	v11 =	vld.idx.msk [tilespmem:v48+s20+$0x0], $0xffff  }
0x475: {  	v12 =	vld.idx.msk [tilespmem:v46+s20+$0x0], $0xffff  }
0x476: {  	v13 =	vld.idx.msk [tilespmem:v45+s20+$0x0], $0xffff  }
0x477: {  	v14 =	vld.idx.msk [tilespmem:v43+s20+$0x0], $0xffff;
	v8 =	vadd.s32 v9, v8  }
0x478: {  	v9 =	vld.idx.msk [tilespmem:v41+s20+$0x0], $0xffff;
	v7 =	vadd.s32 v10, v7;
	v6 =	vadd.s32 v6, v8  }
0x479: {  	v8 =	vld.idx.msk [tilespmem:v39+s20+$0x0], $0xffff;
	v7 =	vadd.s32 v11, v7;
	v6 =	vadd.s32 v47, v6  }
0x47a: {  	v10 =	vld.idx.msk [tilespmem:v37+s20+$0x0], $0xffff;
	v7 =	vadd.s32 v12, v7;
	v6 =	vadd.s32 v44, v6  }
0x47b: {  	v11 =	vld.idx.msk [tilespmem:v35+s20+$0x0], $0xffff;
	v7 =	vadd.s32 v13, v7;
	v6 =	vadd.s32 v42, v6  }
0x47c: {  	v56 =	vld.idx.msk [tilespmem:v33+s20+$0x0], $0xffff;
	v7 =	vadd.s32 v14, v7;
	v6 =	vadd.s32 v40, v6  }
0x47d: {  	v57 =	vld.idx.msk [tilespmem:v31+s20+$0x0], $0xffff;
	v7 =	vadd.s32 v9, v7;
	v6 =	vadd.s32 v38, v6  }
0x47e: {  	v9 =	vld.idx.msk [tilespmem:v29+s20+$0x0], $0xffff;
	v7 =	vadd.s32 v8, v7;
	v6 =	vadd.s32 v36, v6  }
0x47f: {  	v8 =	vld.idx.msk [tilespmem:v26+s20+$0x0], $0xffff;
	v7 =	vadd.s32 v10, v7;
	v6 =	vadd.s32 v34, v6  }
0x480: {  	v10 =	vld.idx.msk [tilespmem:v24+s20+$0x0], $0xffff;
	v7 =	vadd.s32 v11, v7;
	v6 =	vadd.s32 v32, v6  }
0x481: {  	v11 =	vld.idx.msk [tilespmem:v22+s20+$0x0], $0xffff;
	v7 =	vadd.s32 v56, v7;
	v6 =	vadd.s32 v30, v6  }
0x482: {  	v7 =	vadd.s32 v57, v7;
	v6 =	vadd.s32 v28, v6  }
0x483: {  	v7 =	vadd.s32 v9, v7;
	v6 =	vadd.s32 v27, v6  }
0x484: {  	v7 =	vadd.s32 v8, v7;
	v6 =	vadd.s32 v25, v6  }
0x485: {  	s0 =	sadd.s32 $0x10, s0;
	v7 =	vadd.s32 v10, v7;
	v6 =	vadd.s32 v23, v6  }
0x486: {  	s25 =	sadd.s32 $0x10, s1;
	v7 =	vadd.s32 v11, v7;
	[tilespmem:s0+$0x0] =	vst v6  }
0x487: {  	s26 =	simm.s32 $0x15DC0;
	s28 =	simm.s32 $0x3;
	[tilespmem:s25+$0x0] =	vst v7  }
0x488: {  	[spmem:s10] =	stream.linear.scatter [tilespmem:s26], [sflag:$0x3], $0x100, $0x38;
	[tilespmem:$0x18610] =	vst v63  }
0x489: {  	_ =	swait.ge [sflag:s28], $0x100  }
0x48a: {  	[sflag:s28] =	ssyncset.done $0x0  }
0x48b: {  	s29 =	simm.s32 $0x15EC0;
	[sflag:s28] =	ssyncadd.s32 $0xFFFFFF00  }
0x48c: {  	[spmem:s11] =	stream.linear.scatter [tilespmem:s29], [sflag:$0x3], $0x100, $0x38;
	[tilespmem:$0x18610] =	vst v63  }
0x48d: {  	_ =	swait.ge [sflag:s28], $0x100  }
0x48e: {  	[sflag:s28] =	ssyncset.done $0x0  }
0x48f: {  	[sflag:s28] =	ssyncadd.s32 $0xFFFFFF00  }
0x490: {  	s30 =	simm.s32 $0x15FC0;
	[bflag:$0x0] =	sbarrier.arrive $0xFFFF  }
0x491: {  	[tilespmem:s30], [sflag:$0x3] =	stream.linear.gather [spmem:s9], $0x1000, $0x38;
	[tilespmem:$0x18610] =	vst v63  }
0x492: {  	_ =	swait.ge [sflag:s28], $0x1000  }
0x493: {  	[sflag:s28] =	ssyncset.done $0x0  }
0x494: {  	s31 =	simm.s32 $0x16FC0;
	[sflag:s28] =	ssyncadd.s32 $0xFFFFF000  }
0x495: {  	[tilespmem:s31], [sflag:$0x3] =	stream.linear.gather [spmem:s8], $0x1000, $0x38;
	[tilespmem:$0x18610] =	vst v63  }
0x496: {  	_ =	swait.ge [sflag:s28], $0x1000  }
0x497: {  	[sflag:s28] =	ssyncset.done $0x0  }
0x498: {  	[sflag:s28] =	ssyncadd.s32 $0xFFFFF000  }
0x499: {  	s0 =	simm.s32 $0x0;
	[bflag:$0x0] =	sbarrier.arrive $0xFFFF  }
0x49a: {  	v6 =	vld [tilespmem:s0+$0x16FC0]  }
0x49b: {  	v7 =	vld [tilespmem:s0+$0x170C0]  }
0x49c: {  	v8 =	vld [tilespmem:s0+$0x171C0]  }
0x49d: {  	v9 =	vld [tilespmem:s0+$0x172C0]  }
0x49e: {  	v10 =	vld [tilespmem:s0+$0x173C0]  }
0x49f: {  	v11 =	vld [tilespmem:s0+$0x174C0]  }
0x4a0: {  	v58 =	vld [tilespmem:s0+$0x175C0]  }
0x4a1: {  	v59 =	vld [tilespmem:s0+$0x17BC0];
	v6 =	vadd.s32 v6, v7  }
0x4a2: {  	v7 =	vld [tilespmem:s0+$0x176C0];
	v6 =	vadd.s32 v6, v8  }
0x4a3: {  	v8 =	vld [tilespmem:s0+$0x177C0];
	v6 =	vadd.s32 v6, v9  }
0x4a4: {  	v9 =	vld [tilespmem:s0+$0x178C0];
	v6 =	vadd.s32 v6, v10  }
0x4a5: {  	v10 =	vld [tilespmem:s0+$0x179C0];
	v6 =	vadd.s32 v6, v11  }
0x4a6: {  	v11 =	vld [tilespmem:s0+$0x17AC0];
	v6 =	vadd.s32 v6, v58  }
0x4a7: {  	v6 =	vadd.s32 v6, v7;
	v7 =	vld [tilespmem:s0+$0x17CC0]  }
0x4a8: {  	v6 =	vadd.s32 v6, v8;
	v8 =	vld [tilespmem:s0+$0x17DC0]  }
0x4a9: {  	v6 =	vadd.s32 v6, v9;
	v9 =	vld [tilespmem:s0+$0x17EC0]  }
0x4aa: {  	v6 =	vadd.s32 v6, v10;
	v10 =	vld [tilespmem:s0+$0x15FC0]  }
0x4ab: {  	v6 =	vadd.s32 v6, v11;
	v11 =	vld [tilespmem:s0+$0x160C0]  }
0x4ac: {  	v60 =	vld [tilespmem:s0+$0x161C0];
	v6 =	vadd.s32 v6, v59  }
0x4ad: {  	v6 =	vadd.s32 v6, v7;
	v7 =	vld [tilespmem:s0+$0x162C0]  }
0x4ae: {  	v6 =	vadd.s32 v6, v8;
	v8 =	vld [tilespmem:s0+$0x163C0]  }
0x4af: {  	v6 =	vadd.s32 v6, v9;
	v9 =	vld [tilespmem:s0+$0x164C0]  }
0x4b0: {  	[tilespmem:s0+$0x180C0] =	vst v6;
	v6 =	vadd.s32 v10, v11;
	v10 =	vld [tilespmem:s0+$0x165C0]  }
0x4b1: {  	v11 =	vld [tilespmem:s0+$0x166C0];
	v6 =	vadd.s32 v6, v60  }
0x4b2: {  	v61 =	vld [tilespmem:s0+$0x167C0];
	v6 =	vadd.s32 v6, v7  }
0x4b3: {  	v62 =	vld [tilespmem:s0+$0x168C0];
	v6 =	vadd.s32 v6, v8  }
0x4b4: {  	v63 =	vld [tilespmem:s0+$0x169C0];
	v6 =	vadd.s32 v6, v9  }
0x4b5: {  	v15 =	vld [tilespmem:s0+$0x16AC0];
	v6 =	vadd.s32 v6, v10  }
0x4b6: {  	v7 =	vld [tilespmem:s0+$0x16BC0];
	v6 =	vadd.s32 v6, v11  }
0x4b7: {  	v8 =	vld [tilespmem:s0+$0x16CC0];
	v6 =	vadd.s32 v6, v61  }
0x4b8: {  	v9 =	vld [tilespmem:s0+$0x16DC0];
	v6 =	vadd.s32 v6, v62  }
0x4b9: {  	s1 =	simm.s32 $0x10;
	v10 =	vld [tilespmem:s0+$0x16EC0];
	v11 =	vadd.s32 v6, v63  }
0x4ba: {  	s2 =	simm.s32 $0x80;
	v6 =	vld [tilespmem:s1+$0x16FC0];
	v11 =	vadd.s32 v11, v15  }
.LBB2_27:
0x4bb: {  	p0 =	sne.s32 s2, $0x3C0;
	v12 =	vld [tilespmem:s1+$0x170C0];
	v7 =	vadd.s32 v11, v7  }
0x4bc: {  	v11 =	vld [tilespmem:s1+$0x171C0];
	v7 =	vadd.s32 v7, v8  }
0x4bd: {  	v8 =	vld [tilespmem:s1+$0x172C0];
	v7 =	vadd.s32 v7, v9  }
0x4be: {  	v9 =	vld [tilespmem:s1+$0x173C0];
	v7 =	vadd.s32 v7, v10  }
0x4bf: {  	v10 =	vld [tilespmem:s1+$0x174C0];
	[tilespmem:s0+$0x17FC0] =	vst v7;
	s0 =	smov.u32 s1  }
0x4c0: {  	v6 =	vadd.s32 v6, v12;
	v7 =	vld [tilespmem:s0+$0x175C0]  }
0x4c1: {  	v6 =	vadd.s32 v6, v11;
	v11 =	vld [tilespmem:s0+$0x176C0]  }
0x4c2: {  	v6 =	vadd.s32 v6, v8;
	v8 =	vld [tilespmem:s0+$0x177C0]  }
0x4c3: {  	v6 =	vadd.s32 v6, v9;
	v9 =	vld [tilespmem:s0+$0x178C0]  }
0x4c4: {  	v6 =	vadd.s32 v6, v10;
	v10 =	vld [tilespmem:s0+$0x179C0]  }
0x4c5: {  	v6 =	vadd.s32 v6, v7;
	v7 =	vld [tilespmem:s0+$0x17AC0]  }
0x4c6: {  	v6 =	vadd.s32 v6, v11;
	v11 =	vld [tilespmem:s0+$0x17BC0]  }
0x4c7: {  	v6 =	vadd.s32 v6, v8;
	v8 =	vld [tilespmem:s0+$0x17CC0]  }
0x4c8: {  	v6 =	vadd.s32 v6, v9;
	v9 =	vld [tilespmem:s0+$0x17DC0]  }
0x4c9: {  	v6 =	vadd.s32 v6, v10;
	v10 =	vld [tilespmem:s0+$0x17EC0]  }
0x4ca: {  	v12 =	vld [tilespmem:s0+$0x15FC0];
	v6 =	vadd.s32 v6, v7  }
0x4cb: {  	v7 =	vld [tilespmem:s0+$0x160C0];
	v6 =	vadd.s32 v6, v11  }
0x4cc: {  	v11 =	vld [tilespmem:s0+$0x161C0];
	v6 =	vadd.s32 v6, v8  }
0x4cd: {  	v8 =	vld [tilespmem:s0+$0x162C0];
	v6 =	vadd.s32 v6, v9  }
0x4ce: {  	v9 =	vld [tilespmem:s0+$0x163C0];
	v6 =	vadd.s32 v6, v10  }
0x4cf: {  	v10 =	vld [tilespmem:s0+$0x164C0];
	[tilespmem:s0+$0x180C0] =	vst v6  }
0x4d0: {  	v6 =	vadd.s32 v12, v7;
	v7 =	vld [tilespmem:s0+$0x165C0]  }
0x4d1: {  	v6 =	vadd.s32 v6, v11;
	v11 =	vld [tilespmem:s0+$0x166C0]  }
0x4d2: {  	v6 =	vadd.s32 v6, v8;
	v8 =	vld [tilespmem:s0+$0x167C0]  }
0x4d3: {  	v6 =	vadd.s32 v6, v9;
	v9 =	vld [tilespmem:s0+$0x168C0]  }
0x4d4: {  	v6 =	vadd.s32 v6, v10;
	v10 =	vld [tilespmem:s0+$0x169C0]  }
0x4d5: {  	v6 =	vadd.s32 v6, v7;
	v12 =	vld [tilespmem:s0+$0x16AC0]  }
.Ltmp13:
0x4d6: {  	v6 =	vadd.s32 v6, v11;
	v7 =	vld [tilespmem:s0+$0x16BC0];
	(pc) =	sbr.rel @p0 .LBB2_27-.Ltmp13, $4  }
0x4d7: {  	v6 =	vadd.s32 v6, v8;
	v8 =	vld [tilespmem:s0+$0x16CC0]  }
0x4d8: {  	v6 =	vadd.s32 v6, v9;
	v9 =	vld [tilespmem:s0+$0x16DC0]  }
0x4d9: {  	s1 =	sshra.s32 s2, $0x2;
	v11 =	vadd.s32 v6, v10;
	v10 =	vld [tilespmem:s0+$0x16EC0]  }
0x4da: {  	s2 =	sadd.s32 $0x40, s2;
	v6 =	vld [tilespmem:s1+$0x16FC0];
	v11 =	vadd.s32 v11, v12  }
0x4db: {  	v12 =	vld [tilespmem:s1+$0x170C0];
	v7 =	vadd.s32 v11, v7  }
0x4dc: {  	v11 =	vld [tilespmem:s1+$0x171C0];
	v7 =	vadd.s32 v7, v8  }
0x4dd: {  	v8 =	vld [tilespmem:s1+$0x172C0];
	v7 =	vadd.s32 v7, v9  }
0x4de: {  	v9 =	vld [tilespmem:s1+$0x173C0];
	v7 =	vadd.s32 v7, v10  }
0x4df: {  	v10 =	vld [tilespmem:s1+$0x174C0];
	[tilespmem:s0+$0x17FC0] =	vst v7  }
0x4e0: {  	v7 =	vld [tilespmem:s1+$0x175C0]  }
0x4e1: {  	v6 =	vadd.s32 v6, v12;
	v48 =	vld [tilespmem:s1+$0x176C0]  }
0x4e2: {  	v49 =	vld [tilespmem:s1+$0x17CC0];
	v6 =	vadd.s32 v6, v11  }
0x4e3: {  	v11 =	vld [tilespmem:s1+$0x177C0];
	v6 =	vadd.s32 v6, v8  }
0x4e4: {  	v8 =	vld [tilespmem:s1+$0x178C0];
	v6 =	vadd.s32 v6, v9  }
0x4e5: {  	v9 =	vld [tilespmem:s1+$0x179C0];
	v6 =	vadd.s32 v6, v10  }
0x4e6: {  	v10 =	vld [tilespmem:s1+$0x17AC0];
	v6 =	vadd.s32 v6, v7  }
0x4e7: {  	v7 =	vld [tilespmem:s1+$0x17BC0];
	v6 =	vadd.s32 v6, v48  }
0x4e8: {  	v6 =	vadd.s32 v6, v11;
	v11 =	vld [tilespmem:s1+$0x17DC0]  }
0x4e9: {  	v6 =	vadd.s32 v6, v8;
	v8 =	vld [tilespmem:s1+$0x17EC0]  }
0x4ea: {  	v6 =	vadd.s32 v6, v9;
	v9 =	vld [tilespmem:s1+$0x15FC0]  }
0x4eb: {  	v6 =	vadd.s32 v6, v10;
	v10 =	vld [tilespmem:s1+$0x160C0]  }
0x4ec: {  	v6 =	vadd.s32 v6, v7;
	v7 =	vld [tilespmem:s1+$0x161C0]  }
0x4ed: {  	v50 =	vld [tilespmem:s1+$0x162C0];
	v6 =	vadd.s32 v6, v49  }
0x4ee: {  	v6 =	vadd.s32 v6, v11;
	v11 =	vld [tilespmem:s1+$0x163C0]  }
0x4ef: {  	v6 =	vadd.s32 v6, v8;
	v8 =	vld [tilespmem:s1+$0x164C0]  }
0x4f0: {  	[tilespmem:s1+$0x180C0] =	vst v6;
	v6 =	vadd.s32 v9, v10;
	v9 =	vld [tilespmem:s1+$0x165C0]  }
0x4f1: {  	v6 =	vadd.s32 v6, v7;
	v7 =	vld [tilespmem:s1+$0x166C0]  }
0x4f2: {  	v10 =	vld [tilespmem:s1+$0x167C0];
	v6 =	vadd.s32 v6, v50  }
0x4f3: {  	v6 =	vadd.s32 v6, v11;
	v11 =	vld [tilespmem:s1+$0x168C0]  }
0x4f4: {  	v6 =	vadd.s32 v6, v8;
	v8 =	vld [tilespmem:s1+$0x169C0]  }
0x4f5: {  	v6 =	vadd.s32 v6, v9;
	v9 =	vld [tilespmem:s1+$0x16AC0]  }
0x4f6: {  	v6 =	vadd.s32 v6, v7;
	v7 =	vld [tilespmem:s1+$0x16BC0]  }
0x4f7: {  	v6 =	vadd.s32 v6, v10;
	v10 =	vld [tilespmem:s1+$0x16CC0]  }
0x4f8: {  	v6 =	vadd.s32 v6, v11;
	v11 =	vld [tilespmem:s1+$0x16DC0]  }
0x4f9: {  	v51 =	vld [tilespmem:s1+$0x16EC0];
	v8 =	vadd.s32 v6, v8;
	v6 =	vlaneseq.u32  }
0x4fa: {  	v8 =	vadd.s32 v8, v9;
	v9 =	vmul.u32 $0x10, v6  }
0x4fb: {  	v7 =	vadd.s32 v8, v7  }
0x4fc: {  	v7 =	vadd.s32 v7, v10;
	v8 =	vor.u32 $0x1, v9  }
0x4fd: {  	v10 =	vor.u32 $0x2, v9;
	v7 =	vadd.s32 v7, v11  }
0x4fe: {  	v11 =	vor.u32 $0x3, v9;
	v7 =	vadd.s32 v7, v51  }
0x4ff: {  	s20 =	simm.s32 $0x17FC0;
	[tilespmem:s1+$0x17FC0] =	vst v7;
	v7 =	vor.u32 $0x4, v9  }
0x500: {  	v13 =	vor.u32 $0x5, v9;
	v52 =	vld.idx.msk [tilespmem:v9+s20+$0x0], $0xffff  }
0x501: {  	v15 =	vor.u32 $0x6, v9;
	v14 =	vld.idx.msk [tilespmem:v8+s20+$0x0], $0xffff  }
0x502: {  	s21 =	ssub.s32 $0x10, s19;
	v17 =	vor.u32 $0x7, v9;
	v16 =	vld.idx.msk [tilespmem:v10+s20+$0x0], $0xffff  }
0x503: {  	v18 =	vmov s21;
	v20 =	vor.u32 $0x8, v9;
	v19 =	vld.idx.msk [tilespmem:v11+s20+$0x0], $0xffff  }
0x504: {  	vm0 =	veq.s32 v18, v6;
	v21 =	vor.u32 $0x9, v9;
	v53 =	vld.idx.msk [tilespmem:v7+s20+$0x0], $0xffff  }
0x505: {  	v5 =	vnsel vm0, $0x0, v5;
	v23 =	vor.u32 $0xA, v9;
	v22 =	vld.idx.msk [tilespmem:v13+s20+$0x0], $0xffff  }
0x506: {  	(xrf0) =	vadd.scan.msk.s32 $0xffff, v5;
	v55 =	vor.u32 $0xB, v9;
	v54 =	vld.idx.msk [tilespmem:v15+s20+$0x0], $0xffff;
	v5 =	vadd.s32 v52, v14  }
0x507: {  	v3 =	vnsel vm0, $0x0, v3;
	v24 =	vor.u32 $0xC, v9;
	v56 =	vld.idx.msk [tilespmem:v17+s20+$0x0], $0xffff;
	v5 =	vadd.s32 v16, v5  }
0x508: {  	v57 =	vor.u32 $0xD, v9;
	(xrf0) =	vadd.scan.msk.s32 $0xffff, v3;
	v3 =	vadd.s32 v19, v5;
	v5 =	vld.idx.msk [tilespmem:v20+s20+$0x0], $0xffff  }
0x509: {  	v25 =	vor.u32 $0xE, v9;
	v58 =	vld.idx.msk [tilespmem:v21+s20+$0x0], $0xffff;
	v3 =	vadd.s32 v53, v3  }
0x50a: {  	v26 =	vor.u32 $0xF, v9;
	v59 =	vld.idx.msk [tilespmem:v23+s20+$0x0], $0xffff;
	v3 =	vadd.s32 v22, v3  }
0x50b: {  	v60 =	vld.idx.msk [tilespmem:v55+s20+$0x0], $0xffff;
	v3 =	vadd.s32 v54, v3  }
0x50c: {  	(v2sf) =	vpush v1, $0xF;
	v61 =	vld.idx.msk [tilespmem:v24+s20+$0x0], $0xffff;
	v1, _, _ =	vpop (xrf0);
	v3 =	vadd.s32 v56, v3  }
0x50d: {  	(v2sf) =	vpush v1, $0xF;
	v1 =	vadd.s32 v5, v3;
	v3 =	vld.idx.msk [tilespmem:v57+s20+$0x0], $0xffff  }
0x50e: {  	v62 =	vld.idx.msk [tilespmem:v25+s20+$0x0], $0xffff;
	v5, _, _ =	vpop (xrf0);
	v1 =	vadd.s32 v58, v1  }
0x50f: {  	(v2sf) =	vpush v5, $0xF;
	v5 =	vld.idx.msk [tilespmem:v26+s20+$0x0], $0xffff;
	v1 =	vadd.s32 v59, v1  }
0x510: {  	v63 =	vmov s18;
	v1 =	vadd.s32 v60, v1  }
0x511: {  	vm10 =	veq.s32 v63, v6;
	v1 =	vadd.s32 v61, v1  }
0x512: {  	v1 =	vadd.s32 v3, v1;
	v3 =	vnsel vm10, $0x0, v4  }
0x513: {  	v2 =	vnsel vm10, $0x0, v2;
	(xrf0) =	vadd.scan.msk.s32 $0xffff, v3;
	v1 =	vadd.s32 v62, v1  }
0x514: {  	(xrf0) =	vadd.scan.msk.s32 $0xffff, v2;
	v1 =	vadd.s32 v5, v1  }
0x515: {  	(xrf0) =	vadd.scan.msk.s32 $0xffff, v1;
	_ =	sdelay $0x3  }
0x516: {  	v2, _, _ =	vpop (xrf0)  }
0x517: {  	v3, _, _ =	vpop (xrf0)  }
0x518: {  	s22 =	spop (v2sf);
	v4, _, _ =	vpop (xrf0)  }
0x519: {  	s23 =	spop (v2sf);
	v5 =	vbroadcast v4, $0xF  }
0x51a: {  	s0 =	sadd.s32 s23, s22  }
0x51b: {  	s0 =	ssub.s32 s12, s0;
	s24 =	spop (v2sf);
	v4 =	vsub.s32 v5, v4  }
0x51c: {  	s13 =	sadd.s32 s24, s0;
	v1 =	vadd.s32 v1, v4  }
0x51d: {  	vm11 =	vge.s32 v1, s13  }
0x51e: {  	(v2sf) =	vpush v2, $0xF;
	v1 =	vmpcnt.ones.xlane vm11  }
0x51f: {  	(v2sf) =	vpush v3, $0xF  }
0x520: {  	(v2sf) =	vpush v1, $0x0;
	_ =	sdelay $0x2  }
0x521: {  	s6 =	simm.s32 $0x180C0  }
0x522: {  	v2 =	vld.idx.msk [tilespmem:v9+s6+$0x0], $0xffff  }
0x523: {  	v3 =	vld.idx.msk [tilespmem:v8+s6+$0x0], $0xffff  }
0x524: {  	v5 =	vld.idx.msk [tilespmem:v10+s6+$0x0], $0xffff  }
0x525: {  	v8 =	vld.idx.msk [tilespmem:v11+s6+$0x0], $0xffff  }
0x526: {  	v7 =	vld.idx.msk [tilespmem:v7+s6+$0x0], $0xffff  }
0x527: {  	v9 =	vld.idx.msk [tilespmem:v13+s6+$0x0], $0xffff  }
0x528: {  	v2 =	vadd.s32 v2, v3;
	v3 =	vld.idx.msk [tilespmem:v15+s6+$0x0], $0xffff  }
0x529: {  	v2 =	vadd.s32 v5, v2;
	v5 =	vld.idx.msk [tilespmem:v17+s6+$0x0], $0xffff  }
0x52a: {  	v2 =	vadd.s32 v8, v2;
	v8 =	vld.idx.msk [tilespmem:v20+s6+$0x0], $0xffff  }
0x52b: {  	v2 =	vadd.s32 v7, v2;
	v7 =	vld.idx.msk [tilespmem:v21+s6+$0x0], $0xffff;
	s25 =	spop (v2sf)  }
0x52c: {  	v2 =	vadd.s32 v9, v2;
	v9 =	vld.idx.msk [tilespmem:v23+s6+$0x0], $0xffff;
	s2 =	spop (v2sf)  }
0x52d: {  	v2 =	vadd.s32 v3, v2;
	v3 =	vld.idx.msk [tilespmem:v55+s6+$0x0], $0xffff;
	s26 =	spop (v2sf)  }
0x52e: {  	v2 =	vadd.s32 v5, v2;
	v5 =	vld.idx.msk [tilespmem:v24+s6+$0x0], $0xffff;
	s3 =	sadd.s32 $0xFFFFFFFF, s26  }
0x52f: {  	v2 =	vadd.s32 v8, v2;
	v8 =	vld.idx.msk [tilespmem:v57+s6+$0x0], $0xffff;
	s0 =	sshll.u32 s3, $0x4  }
0x530: {  	v1 =	vld [tilespmem:s0+$0x17FC0]  }
0x531: {  	v2 =	vadd.s32 v7, v2;
	v7 =	vld.idx.msk [tilespmem:v25+s6+$0x0], $0xffff  }
0x532: {  	v11 =	vmul.u32 $0xFFFFFFFF, v6;
	v10 =	vld.idx.msk [tilespmem:v26+s6+$0x0], $0xffff;
	v2 =	vadd.s32 v9, v2  }
0x533: {  	v2 =	vadd.s32 v3, v2;
	v9 =	vmov s3  }
0x534: {  	v3 =	vadd.s32 $0xF, v11;
	v2 =	vadd.s32 v5, v2;
	vm12 =	veq.s32 v9, v6  }
0x535: {  	v4 =	vnsel vm12, $0x0, v4;
	v3 =	vperm.xlane v1, v3;
	v1 =	vadd.s32 v8, v2  }
0x536: {  	(xrf0) =	vadd.scan.msk.s32 $0xffff, v4;
	v1 =	vadd.s32 v7, v1  }
0x537: {  	(xrf0) =	vadd.scan.msk.s32 $0xffff, v3;
	v2 =	vadd.s32 v10, v1  }
0x538: {  	(xrf0) =	vadd.scan.msk.s32 $0xffff, v2;
	_ =	sdelay $0x3  }
0x539: {  	s1 =	sadd.s32 s25, s17;
	v1, _, _ =	vpop (xrf0)  }
0x53a: {  	s1 =	ssub.s32 s15, s1;
	v5, _, _ =	vpop (xrf0)  }
0x53b: {  	s12 =	sadd.s32 s2, s1;
	v4, _, _ =	vpop (xrf0)  }
0x53c: {  	vm13 =	vge.s32 v4, s12  }
0x53d: {  	v7 =	vmpcnt.ones.xlane vm13;
	_ =	sdelay $0x1  }
0x53e: {  	(v2sf) =	vpush v7, $0x0;
	_ =	sdelay $0xe  }
0x53f: {  	s28 =	spop (v2sf)  }
0x540: {  	s1 =	ssub.s32 $0x10, s28  }
0x541: {  	v7 =	vmov s1  }
0x542: {  	vm14 =	veq.s32 v7, v6  }
0x543: {  	v4 =	vnsel vm14, $0x0, v4  }
0x544: {  	v2 =	vnsel vm14, $0x0, v2;
	(xrf0) =	vadd.scan.msk.s32 $0xffff, v4  }
0x545: {  	(xrf0) =	vadd.scan.msk.s32 $0xffff, v2;
	_ =	sdelay $0x4  }
0x546: {  	v2, _, _ =	vpop (xrf0)  }
0x547: {  	(v2sf) =	vpush v2, $0xF;
	v2, _, _ =	vpop (xrf0)  }
0x548: {  	(v2sf) =	vpush v2, $0xF;
	_ =	sdelay $0x3  }
0x549: {  	s1 =	sshll.u32 s1, $0x4  }
0x54a: {  	v2 =	vld [tilespmem:s1+$0x180C0];
	_ =	sdelay $0x4  }
0x54b: {  	(xrf0) =	vadd.scan.msk.s32 $0xffff, v2  }
0x54c: {  	s31 =	simm.s32 $0x13DE0;
	v8 =	vimm.s32 $0x0  }
0x54d: {  	s2 =	simm.s32 $0x14DE0;
	[tilespmem:s31+$0xFFFFFFE0] =	vst v8  }
0x54e: {  	[tilespmem:s2+$0xFFFFFFE0] =	vst v8  }
0x54f: {  	[tilespmem:s31+$0xFFFFFFF0] =	vst v8;
	s29 =	spop (v2sf)  }
0x550: {  	v6 =	vbroadcast v1, $0xF;
	[tilespmem:s2+$0xFFFFFFF0] =	vst v8;
	s30 =	spop (v2sf)  }
0x551: {  	[tilespmem:s31+$0x0] =	vst v8;
	v4, _, _ =	vpop (xrf0);
	s15 =	ssub.s32 s29, s30  }
0x552: {  	v6 =	vadd.s32 v5, v6;
	[tilespmem:s2+$0x0] =	vst v8;
	v7 =	vadd.s32 s15, v4  }
0x553: {  	vm15 =	vge.s32 v6, s13;
	[tilespmem:s31+$0x10] =	vst v8;
	vm1 =	vge.s32 v7, s12  }
0x554: {  	s6 =	simm.s32 $0x13E20;
	s3 =	simm.s32 $0x0;
	v6 =	vmpcnt.ones.xlane vm15;
	[tilespmem:s2+$0x10] =	vst v8;
	v7 =	vmpcnt.ones.xlane vm1  }
.LBB2_29:
0x555: {  	[tilespmem:s6+$0xFFFFFFE0] =	vst v8;
	s2 =	sadd.s32 $0x40, s2  }
0x556: {  	s3 =	sadd.s32 $0x4, s3;
	[tilespmem:s2+$0xFFFFFFE0] =	vst v8  }
0x557: {  	p0 =	slt.u32 s3, $0xFC;
	[tilespmem:s6+$0xFFFFFFF0] =	vst v8  }
.Ltmp14:
0x558: {  	[tilespmem:s2+$0xFFFFFFF0] =	vst v8;
	(pc) =	sbr.rel @p0 .LBB2_29-.Ltmp14, $4  }
0x559: {  	[tilespmem:s6+$0x0] =	vst v8  }
0x55a: {  	[tilespmem:s2+$0x0] =	vst v8  }
0x55b: {  	[tilespmem:s6+$0x10] =	vst v8  }
0x55c: {  	s6 =	sadd.s32 $0x40, s6;
	[tilespmem:s2+$0x10] =	vst v8  }
0x55d: {  	(v2sf) =	vpush v6, $0x0  }
0x55e: {  	(v2sf) =	vpush v7, $0x0;
	_ =	sdelay $0xd  }
0x55f: {  	s18 =	spop (v2sf)  }
0x560: {  	s2 =	spop (v2sf)  }
0x561: {  	s3 =	sshll.u32 s16, $0x8;
	s0 =	sadd.s32 s0, s18;
	s17 =	ssub.s32 $0x10, s2  }
0x562: {  	s31 =	sshll.u32 s14, $0x8;
	s0 =	sadd.s32 $0xFFFFFFFF, s0;
	s30 =	sadd.s32 s1, s17  }
0x563: {  	v10 =	vimm.s32 $0x1;
	v7 =	vlaneseq.u32;
	s2 =	simm.s32 $0x13DC0;
	s16 =	sor.u32 s3, s0;
	s14 =	sor.u32 s31, s30  }
0x564: {  	v9 =	vor.u32 $0xFF8, v7;
	s0 =	simm.s32 $0xFFFFFFFE;
	s1 =	simm.s32 $0x68B0;
	s3 =	simm.s32 $0x14DC0;
	v6 =	vmov s16;
	v8 =	vmov s14  }
.LBB2_31:
0x565: {  	v11 =	vld [tilespmem:s1+$0xFFFFFFF0];
	_ =	sdelay $0x4  }
0x566: {  	v12 =	vshrl.u32 v11, $0x8  }
0x567: {  	v11 =	vshll.u32 v11, $0x4;
	v12 =	vxor.u32 $0x800000, v12  }
0x568: {  	v11 =	vor.u32 v7, v11;
	vm0 =	veq.s32 v12, v6  }
0x569: {  	v11 =	vand.u32 v9, v11;
	vm1 =	veq.s32 v12, v8;
	_ =	sdelay $0x4  }
0x56a: {  	[tilespmem:v11+s2+$0x0] =	vst.idx.add.s32.msk vm0, v10  }
0x56b: {  	[tilespmem:v11+s3+$0x0] =	vst.idx.add.s32.msk vm1, v10  }
0x56c: {  	v11 =	vld [tilespmem:s1+$0x0];
	_ =	sdelay $0x4  }
0x56d: {  	v63 =	vshrl.u32 v11, $0x8  }
0x56e: {  	v11 =	vshll.u32 v11, $0x4;
	v12 =	vxor.u32 $0x800000, v63  }
0x56f: {  	v11 =	vor.u32 v7, v11;
	vm14 =	veq.s32 v12, v6  }
0x570: {  	s0 =	sadd.s32 $0x2, s0;
	v11 =	vand.u32 v9, v11;
	vm15 =	veq.s32 v12, v8  }
0x571: {  	p0 =	slt.u32 s0, $0x2A8  }
.Ltmp15:
0x572: {  	_ = 	snop;
	(pc) =	sbr.rel @p0 .LBB2_31-.Ltmp15, $3  }
0x573: {  	_ =	sdelay $0x1  }
0x574: {  	[tilespmem:v11+s2+$0x0] =	vst.idx.add.s32.msk vm14, v10  }
0x575: {  	s1 =	sadd.s32 $0x20, s1;
	[tilespmem:v11+s3+$0x0] =	vst.idx.add.s32.msk vm15, v10  }
0x576: {  	v6 =	vlaneseq.u32  }
0x577: {  	v6 =	vmul.u32 $0x10, v6  }
0x578: {  	s0 =	simm.s32 $0x0  }
0x579: {  	v48 =	vor.u32 s0, v6  }
0x57a: {  	v7 =	vor.u32 $0xF, v6  }
0x57b: {  	v8 =	vor.u32 $0xE, v6;
	v22 =	vor.u32 s0, v7  }
0x57c: {  	v9 =	vor.u32 $0xD, v6;
	v23 =	vor.u32 s0, v8  }
0x57d: {  	s19 =	simm.s32 $0x13DC0;
	v10 =	vor.u32 $0xC, v6;
	v24 =	vor.u32 s0, v9  }
0x57e: {  	s20 =	simm.s32 $0x14DC0;
	v11 =	vor.u32 $0xB, v6;
	v25 =	vor.u32 s0, v10;
	v53 =	vld.idx.msk [tilespmem:v48+s19+$0x0], $0xffff  }
0x57f: {  	v12 =	vor.u32 $0xA, v6;
	v26 =	vor.u32 s0, v11;
	v48 =	vld.idx.msk [tilespmem:v48+s20+$0x0], $0xffff  }
0x580: {  	v13 =	vor.u32 $0x9, v6;
	v27 =	vor.u32 s0, v12;
	v28 =	vld.idx.msk [tilespmem:v22+s19+$0x0], $0xffff  }
0x581: {  	v14 =	vor.u32 $0x8, v6;
	v29 =	vor.u32 s0, v13;
	v30 =	vld.idx.msk [tilespmem:v23+s19+$0x0], $0xffff  }
0x582: {  	v15 =	vor.u32 $0x7, v6;
	v31 =	vor.u32 s0, v14;
	v32 =	vld.idx.msk [tilespmem:v24+s19+$0x0], $0xffff  }
0x583: {  	v16 =	vor.u32 $0x6, v6;
	v33 =	vor.u32 s0, v15;
	v34 =	vld.idx.msk [tilespmem:v25+s19+$0x0], $0xffff  }
0x584: {  	v17 =	vor.u32 $0x5, v6;
	v35 =	vor.u32 s0, v16;
	v36 =	vld.idx.msk [tilespmem:v26+s19+$0x0], $0xffff  }
0x585: {  	v18 =	vor.u32 $0x4, v6;
	v37 =	vor.u32 s0, v17;
	v38 =	vld.idx.msk [tilespmem:v27+s19+$0x0], $0xffff  }
0x586: {  	v19 =	vor.u32 $0x3, v6;
	v39 =	vor.u32 s0, v18;
	v40 =	vld.idx.msk [tilespmem:v29+s19+$0x0], $0xffff  }
0x587: {  	v21 =	vor.u32 $0x1, v6;
	v41 =	vor.u32 s0, v19;
	v42 =	vld.idx.msk [tilespmem:v31+s19+$0x0], $0xffff  }
0x588: {  	v45 =	vor.u32 s0, v21;
	v44 =	vld.idx.msk [tilespmem:v33+s19+$0x0], $0xffff  }
0x589: {  	v20 =	vor.u32 $0x2, v6;
	v46 =	vld.idx.msk [tilespmem:v35+s19+$0x0], $0xffff  }
0x58a: {  	v43 =	vor.u32 s0, v20;
	v47 =	vld.idx.msk [tilespmem:v37+s19+$0x0], $0xffff  }
0x58b: {  	v49 =	vld.idx.msk [tilespmem:v39+s19+$0x0], $0xffff  }
0x58c: {  	v50 =	vld.idx.msk [tilespmem:v41+s19+$0x0], $0xffff  }
0x58d: {  	v52 =	vld.idx.msk [tilespmem:v45+s20+$0x0], $0xffff  }
0x58e: {  	v45 =	vld.idx.msk [tilespmem:v45+s19+$0x0], $0xffff  }
0x58f: {  	v51 =	vld.idx.msk [tilespmem:v43+s19+$0x0], $0xffff  }
0x590: {  	v43 =	vld.idx.msk [tilespmem:v43+s20+$0x0], $0xffff  }
0x591: {  	v41 =	vld.idx.msk [tilespmem:v41+s20+$0x0], $0xffff  }
0x592: {  	v39 =	vld.idx.msk [tilespmem:v39+s20+$0x0], $0xffff  }
0x593: {  	v37 =	vld.idx.msk [tilespmem:v37+s20+$0x0], $0xffff;
	v45 =	vadd.s32 v53, v45  }
0x594: {  	v35 =	vld.idx.msk [tilespmem:v35+s20+$0x0], $0xffff;
	v48 =	vadd.s32 v48, v52;
	v45 =	vadd.s32 v51, v45  }
0x595: {  	v33 =	vld.idx.msk [tilespmem:v33+s20+$0x0], $0xffff;
	v43 =	vadd.s32 v43, v48;
	v45 =	vadd.s32 v50, v45  }
0x596: {  	v31 =	vld.idx.msk [tilespmem:v31+s20+$0x0], $0xffff;
	v41 =	vadd.s32 v41, v43;
	v58 =	vadd.s32 v49, v45  }
0x597: {  	v29 =	vld.idx.msk [tilespmem:v29+s20+$0x0], $0xffff;
	v39 =	vadd.s32 v39, v41;
	v59 =	vadd.s32 v47, v58  }
0x598: {  	v27 =	vld.idx.msk [tilespmem:v27+s20+$0x0], $0xffff;
	v37 =	vadd.s32 v37, v39;
	v60 =	vadd.s32 v46, v59  }
0x599: {  	v26 =	vld.idx.msk [tilespmem:v26+s20+$0x0], $0xffff;
	v35 =	vadd.s32 v35, v37;
	v61 =	vadd.s32 v44, v60  }
0x59a: {  	v25 =	vld.idx.msk [tilespmem:v25+s20+$0x0], $0xffff;
	v33 =	vadd.s32 v33, v35;
	v62 =	vadd.s32 v42, v61  }
0x59b: {  	v63 =	vld.idx.msk [tilespmem:v24+s20+$0x0], $0xffff;
	v24 =	vadd.s32 v31, v33;
	v31 =	vadd.s32 v40, v62  }
0x59c: {  	v23 =	vld.idx.msk [tilespmem:v23+s20+$0x0], $0xffff;
	v24 =	vadd.s32 v29, v24;
	v29 =	vadd.s32 v38, v31  }
0x59d: {  	v31 =	vld.idx.msk [tilespmem:v22+s20+$0x0], $0xffff;
	v22 =	vadd.s32 v27, v24;
	v24 =	vadd.s32 v36, v29  }
0x59e: {  	s2 =	simm.s32 $0x100;
	v26 =	vadd.s32 v26, v22;
	v24 =	vadd.s32 v34, v24  }
0x59f: {  	v22 =	vor.u32 s2, v7;
	v25 =	vadd.s32 v25, v26;
	v26 =	vadd.s32 v32, v24  }
0x5a0: {  	v24 =	vor.u32 s2, v8;
	v25 =	vadd.s32 v63, v25;
	v27 =	vadd.s32 v30, v26  }
0x5a1: {  	s0 =	simm.s32 $0x15DC0;
	v29 =	vor.u32 s2, v10;
	v23 =	vadd.s32 v23, v25;
	v25 =	vadd.s32 v28, v27  }
0x5a2: {  	s1 =	simm.s32 $0x15EC0;
	v33 =	vor.u32 s2, v12;
	v23 =	vadd.s32 v31, v23;
	[tilespmem:s0+$0x0] =	vst v25  }
0x5a3: {  	v35 =	vor.u32 s2, v13;
	[tilespmem:s1+$0x0] =	vst v23  }
0x5a4: {  	v37 =	vor.u32 s2, v14;
	v23 =	vld.idx.msk [tilespmem:v22+s19+$0x0], $0xffff  }
0x5a5: {  	v39 =	vor.u32 s2, v15;
	v25 =	vld.idx.msk [tilespmem:v24+s19+$0x0], $0xffff  }
0x5a6: {  	v41 =	vor.u32 s2, v16;
	v28 =	vld.idx.msk [tilespmem:v29+s19+$0x0], $0xffff  }
0x5a7: {  	v43 =	vor.u32 s2, v17;
	v32 =	vld.idx.msk [tilespmem:v33+s19+$0x0], $0xffff  }
0x5a8: {  	v45 =	vor.u32 s2, v18;
	v34 =	vld.idx.msk [tilespmem:v35+s19+$0x0], $0xffff  }
0x5a9: {  	v46 =	vor.u32 s2, v19;
	v36 =	vld.idx.msk [tilespmem:v37+s19+$0x0], $0xffff  }
0x5aa: {  	v26 =	vor.u32 s2, v9;
	v38 =	vld.idx.msk [tilespmem:v39+s19+$0x0], $0xffff  }
0x5ab: {  	v31 =	vor.u32 s2, v11;
	v40 =	vld.idx.msk [tilespmem:v41+s19+$0x0], $0xffff  }
0x5ac: {  	v48 =	vor.u32 s2, v20;
	v42 =	vld.idx.msk [tilespmem:v43+s19+$0x0], $0xffff  }
0x5ad: {  	v49 =	vor.u32 s2, v21;
	v44 =	vld.idx.msk [tilespmem:v45+s19+$0x0], $0xffff  }
0x5ae: {  	v47 =	vld.idx.msk [tilespmem:v46+s19+$0x0], $0xffff  }
0x5af: {  	v50 =	vor.u32 s2, v6;
	v27 =	vld.idx.msk [tilespmem:v26+s19+$0x0], $0xffff  }
0x5b0: {  	s2 =	simm.s32 $0x200;
	v30 =	vld.idx.msk [tilespmem:v31+s19+$0x0], $0xffff  }
.LBB2_33:
0x5b1: {  	p0 =	sne.s32 s2, $0xF00;
	v51 =	vld.idx.msk [tilespmem:v48+s19+$0x0], $0xffff  }
0x5b2: {  	v52 =	vld.idx.msk [tilespmem:v49+s20+$0x0], $0xffff  }
0x5b3: {  	v49 =	vld.idx.msk [tilespmem:v49+s19+$0x0], $0xffff  }
0x5b4: {  	v53 =	vld.idx.msk [tilespmem:v50+s19+$0x0], $0xffff  }
0x5b5: {  	v50 =	vld.idx.msk [tilespmem:v50+s20+$0x0], $0xffff  }
0x5b6: {  	v48 =	vld.idx.msk [tilespmem:v48+s20+$0x0], $0xffff  }
0x5b7: {  	v46 =	vld.idx.msk [tilespmem:v46+s20+$0x0], $0xffff  }
0x5b8: {  	v45 =	vld.idx.msk [tilespmem:v45+s20+$0x0], $0xffff  }
0x5b9: {  	v43 =	vld.idx.msk [tilespmem:v43+s20+$0x0], $0xffff  }
0x5ba: {  	v49 =	vadd.s32 v53, v49;
	v41 =	vld.idx.msk [tilespmem:v41+s20+$0x0], $0xffff  }
0x5bb: {  	v50 =	vadd.s32 v50, v52;
	v49 =	vadd.s32 v51, v49;
	v39 =	vld.idx.msk [tilespmem:v39+s20+$0x0], $0xffff  }
0x5bc: {  	v48 =	vadd.s32 v48, v50;
	v47 =	vadd.s32 v47, v49;
	v37 =	vld.idx.msk [tilespmem:v37+s20+$0x0], $0xffff  }
0x5bd: {  	v46 =	vadd.s32 v46, v48;
	v44 =	vadd.s32 v44, v47;
	v35 =	vld.idx.msk [tilespmem:v35+s20+$0x0], $0xffff  }
0x5be: {  	v45 =	vadd.s32 v45, v46;
	v42 =	vadd.s32 v42, v44;
	v33 =	vld.idx.msk [tilespmem:v33+s20+$0x0], $0xffff  }
0x5bf: {  	v43 =	vadd.s32 v43, v45;
	v40 =	vadd.s32 v40, v42;
	v31 =	vld.idx.msk [tilespmem:v31+s20+$0x0], $0xffff  }
0x5c0: {  	v41 =	vadd.s32 v41, v43;
	v38 =	vadd.s32 v38, v40;
	v29 =	vld.idx.msk [tilespmem:v29+s20+$0x0], $0xffff  }
0x5c1: {  	v39 =	vadd.s32 v39, v41;
	v36 =	vadd.s32 v36, v38;
	v26 =	vld.idx.msk [tilespmem:v26+s20+$0x0], $0xffff  }
0x5c2: {  	v37 =	vadd.s32 v37, v39;
	v34 =	vadd.s32 v34, v36;
	v36 =	vld.idx.msk [tilespmem:v24+s20+$0x0], $0xffff  }
0x5c3: {  	v24 =	vadd.s32 v35, v37;
	v32 =	vadd.s32 v32, v34;
	v34 =	vld.idx.msk [tilespmem:v22+s20+$0x0], $0xffff  }
0x5c4: {  	v22 =	vadd.s32 v33, v24;
	v24 =	vadd.s32 v30, v32  }
0x5c5: {  	v30 =	vadd.s32 v31, v22;
	v24 =	vadd.s32 v28, v24  }
0x5c6: {  	v22 =	vor.u32 s2, v7;
	v28 =	vadd.s32 v29, v30;
	v27 =	vadd.s32 v27, v24  }
0x5c7: {  	v24 =	vor.u32 s2, v8;
	v28 =	vadd.s32 v26, v28;
	v25 =	vadd.s32 v25, v27  }
0x5c8: {  	s0 =	sadd.s32 $0x10, s0;
	v26 =	vor.u32 s2, v9;
	v27 =	vadd.s32 v36, v28;
	v23 =	vadd.s32 v23, v25  }
0x5c9: {  	s1 =	sadd.s32 $0x10, s1;
	v29 =	vor.u32 s2, v10;
	v25 =	vadd.s32 v34, v27;
	[tilespmem:s0+$0x0] =	vst v23  }
0x5ca: {  	v31 =	vor.u32 s2, v11;
	[tilespmem:s1+$0x0] =	vst v25  }
0x5cb: {  	v33 =	vor.u32 s2, v12;
	v23 =	vld.idx.msk [tilespmem:v22+s19+$0x0], $0xffff  }
0x5cc: {  	v35 =	vor.u32 s2, v13;
	v25 =	vld.idx.msk [tilespmem:v24+s19+$0x0], $0xffff  }
0x5cd: {  	v37 =	vor.u32 s2, v14;
	v27 =	vld.idx.msk [tilespmem:v26+s19+$0x0], $0xffff  }
0x5ce: {  	v39 =	vor.u32 s2, v15;
	v28 =	vld.idx.msk [tilespmem:v29+s19+$0x0], $0xffff  }
0x5cf: {  	v41 =	vor.u32 s2, v16;
	v30 =	vld.idx.msk [tilespmem:v31+s19+$0x0], $0xffff  }
0x5d0: {  	v43 =	vor.u32 s2, v17;
	v32 =	vld.idx.msk [tilespmem:v33+s19+$0x0], $0xffff  }
0x5d1: {  	v45 =	vor.u32 s2, v18;
	v34 =	vld.idx.msk [tilespmem:v35+s19+$0x0], $0xffff  }
0x5d2: {  	v46 =	vor.u32 s2, v19;
	v36 =	vld.idx.msk [tilespmem:v37+s19+$0x0], $0xffff  }
.Ltmp16:
0x5d3: {  	v48 =	vor.u32 s2, v20;
	v38 =	vld.idx.msk [tilespmem:v39+s19+$0x0], $0xffff;
	(pc) =	sbr.rel @p0 .LBB2_33-.Ltmp16, $4  }
0x5d4: {  	v49 =	vor.u32 s2, v21;
	v40 =	vld.idx.msk [tilespmem:v41+s19+$0x0], $0xffff  }
0x5d5: {  	v42 =	vld.idx.msk [tilespmem:v43+s19+$0x0], $0xffff  }
0x5d6: {  	v50 =	vor.u32 s2, v6;
	v44 =	vld.idx.msk [tilespmem:v45+s19+$0x0], $0xffff  }
0x5d7: {  	s2 =	sadd.s32 $0x100, s2;
	v47 =	vld.idx.msk [tilespmem:v46+s19+$0x0], $0xffff  }
0x5d8: {  	_ =	sdelay $0x3  }
0x5d9: {  	v6 =	vld.idx.msk [tilespmem:v48+s19+$0x0], $0xffff  }
0x5da: {  	v7 =	vld.idx.msk [tilespmem:v49+s20+$0x0], $0xffff  }
0x5db: {  	v8 =	vld.idx.msk [tilespmem:v49+s19+$0x0], $0xffff  }
0x5dc: {  	v9 =	vld.idx.msk [tilespmem:v50+s19+$0x0], $0xffff  }
0x5dd: {  	v10 =	vld.idx.msk [tilespmem:v50+s20+$0x0], $0xffff  }
0x5de: {  	v11 =	vld.idx.msk [tilespmem:v48+s20+$0x0], $0xffff  }
0x5df: {  	v12 =	vld.idx.msk [tilespmem:v46+s20+$0x0], $0xffff  }
0x5e0: {  	v13 =	vld.idx.msk [tilespmem:v45+s20+$0x0], $0xffff  }
0x5e1: {  	v14 =	vld.idx.msk [tilespmem:v43+s20+$0x0], $0xffff;
	v8 =	vadd.s32 v9, v8  }
0x5e2: {  	v9 =	vld.idx.msk [tilespmem:v41+s20+$0x0], $0xffff;
	v7 =	vadd.s32 v10, v7;
	v6 =	vadd.s32 v6, v8  }
0x5e3: {  	v8 =	vld.idx.msk [tilespmem:v39+s20+$0x0], $0xffff;
	v7 =	vadd.s32 v11, v7;
	v6 =	vadd.s32 v47, v6  }
0x5e4: {  	v10 =	vld.idx.msk [tilespmem:v37+s20+$0x0], $0xffff;
	v7 =	vadd.s32 v12, v7;
	v6 =	vadd.s32 v44, v6  }
0x5e5: {  	v11 =	vld.idx.msk [tilespmem:v35+s20+$0x0], $0xffff;
	v7 =	vadd.s32 v13, v7;
	v6 =	vadd.s32 v42, v6  }
0x5e6: {  	v56 =	vld.idx.msk [tilespmem:v33+s20+$0x0], $0xffff;
	v7 =	vadd.s32 v14, v7;
	v6 =	vadd.s32 v40, v6  }
0x5e7: {  	v57 =	vld.idx.msk [tilespmem:v31+s20+$0x0], $0xffff;
	v7 =	vadd.s32 v9, v7;
	v6 =	vadd.s32 v38, v6  }
0x5e8: {  	v9 =	vld.idx.msk [tilespmem:v29+s20+$0x0], $0xffff;
	v7 =	vadd.s32 v8, v7;
	v6 =	vadd.s32 v36, v6  }
0x5e9: {  	v8 =	vld.idx.msk [tilespmem:v26+s20+$0x0], $0xffff;
	v7 =	vadd.s32 v10, v7;
	v6 =	vadd.s32 v34, v6  }
0x5ea: {  	v10 =	vld.idx.msk [tilespmem:v24+s20+$0x0], $0xffff;
	v7 =	vadd.s32 v11, v7;
	v6 =	vadd.s32 v32, v6  }
0x5eb: {  	v11 =	vld.idx.msk [tilespmem:v22+s20+$0x0], $0xffff;
	v7 =	vadd.s32 v56, v7;
	v6 =	vadd.s32 v30, v6  }
0x5ec: {  	v7 =	vadd.s32 v57, v7;
	v6 =	vadd.s32 v28, v6  }
0x5ed: {  	v7 =	vadd.s32 v9, v7;
	v6 =	vadd.s32 v27, v6  }
0x5ee: {  	v7 =	vadd.s32 v8, v7;
	v6 =	vadd.s32 v25, v6  }
0x5ef: {  	s0 =	sadd.s32 $0x10, s0;
	v7 =	vadd.s32 v10, v7;
	v6 =	vadd.s32 v23, v6  }
0x5f0: {  	s25 =	sadd.s32 $0x10, s1;
	v7 =	vadd.s32 v11, v7;
	[tilespmem:s0+$0x0] =	vst v6  }
0x5f1: {  	s26 =	simm.s32 $0x15DC0;
	s28 =	simm.s32 $0x3;
	[tilespmem:s25+$0x0] =	vst v7  }
0x5f2: {  	[spmem:s10] =	stream.linear.scatter [tilespmem:s26], [sflag:$0x3], $0x100, $0x38;
	[tilespmem:$0x18610] =	vst v63  }
0x5f3: {  	_ =	swait.ge [sflag:s28], $0x100  }
0x5f4: {  	[sflag:s28] =	ssyncset.done $0x0  }
0x5f5: {  	s29 =	simm.s32 $0x15EC0;
	[sflag:s28] =	ssyncadd.s32 $0xFFFFFF00  }
0x5f6: {  	[spmem:s11] =	stream.linear.scatter [tilespmem:s29], [sflag:$0x3], $0x100, $0x38;
	[tilespmem:$0x18610] =	vst v63  }
0x5f7: {  	_ =	swait.ge [sflag:s28], $0x100  }
0x5f8: {  	[sflag:s28] =	ssyncset.done $0x0  }
0x5f9: {  	[sflag:s28] =	ssyncadd.s32 $0xFFFFFF00  }
0x5fa: {  	s30 =	simm.s32 $0x15FC0;
	[bflag:$0x0] =	sbarrier.arrive $0xFFFF  }
0x5fb: {  	[tilespmem:s30], [sflag:$0x3] =	stream.linear.gather [spmem:s9], $0x1000, $0x38;
	[tilespmem:$0x18610] =	vst v63  }
0x5fc: {  	_ =	swait.ge [sflag:s28], $0x1000  }
0x5fd: {  	[sflag:s28] =	ssyncset.done $0x0  }
0x5fe: {  	s31 =	simm.s32 $0x16FC0;
	[sflag:s28] =	ssyncadd.s32 $0xFFFFF000  }
0x5ff: {  	[tilespmem:s31], [sflag:$0x3] =	stream.linear.gather [spmem:s8], $0x1000, $0x38;
	[tilespmem:$0x18610] =	vst v63  }
0x600: {  	_ =	swait.ge [sflag:s28], $0x1000  }
0x601: {  	[sflag:s28] =	ssyncset.done $0x0  }
0x602: {  	[sflag:s28] =	ssyncadd.s32 $0xFFFFF000  }
0x603: {  	s0 =	simm.s32 $0x0;
	[bflag:$0x0] =	sbarrier.arrive $0xFFFF  }
0x604: {  	v6 =	vld [tilespmem:s0+$0x16FC0]  }
0x605: {  	v7 =	vld [tilespmem:s0+$0x170C0]  }
0x606: {  	v8 =	vld [tilespmem:s0+$0x171C0]  }
0x607: {  	v9 =	vld [tilespmem:s0+$0x172C0]  }
0x608: {  	v10 =	vld [tilespmem:s0+$0x173C0]  }
0x609: {  	v11 =	vld [tilespmem:s0+$0x174C0]  }
0x60a: {  	v58 =	vld [tilespmem:s0+$0x175C0]  }
0x60b: {  	v59 =	vld [tilespmem:s0+$0x17BC0];
	v6 =	vadd.s32 v6, v7  }
0x60c: {  	v7 =	vld [tilespmem:s0+$0x176C0];
	v6 =	vadd.s32 v6, v8  }
0x60d: {  	v8 =	vld [tilespmem:s0+$0x177C0];
	v6 =	vadd.s32 v6, v9  }
0x60e: {  	v9 =	vld [tilespmem:s0+$0x178C0];
	v6 =	vadd.s32 v6, v10  }
0x60f: {  	v10 =	vld [tilespmem:s0+$0x179C0];
	v6 =	vadd.s32 v6, v11  }
0x610: {  	v11 =	vld [tilespmem:s0+$0x17AC0];
	v6 =	vadd.s32 v6, v58  }
0x611: {  	v6 =	vadd.s32 v6, v7;
	v7 =	vld [tilespmem:s0+$0x17CC0]  }
0x612: {  	v6 =	vadd.s32 v6, v8;
	v8 =	vld [tilespmem:s0+$0x17DC0]  }
0x613: {  	v6 =	vadd.s32 v6, v9;
	v9 =	vld [tilespmem:s0+$0x17EC0]  }
0x614: {  	v6 =	vadd.s32 v6, v10;
	v10 =	vld [tilespmem:s0+$0x15FC0]  }
0x615: {  	v6 =	vadd.s32 v6, v11;
	v11 =	vld [tilespmem:s0+$0x160C0]  }
0x616: {  	v60 =	vld [tilespmem:s0+$0x161C0];
	v6 =	vadd.s32 v6, v59  }
0x617: {  	v6 =	vadd.s32 v6, v7;
	v7 =	vld [tilespmem:s0+$0x162C0]  }
0x618: {  	v6 =	vadd.s32 v6, v8;
	v8 =	vld [tilespmem:s0+$0x163C0]  }
0x619: {  	v6 =	vadd.s32 v6, v9;
	v9 =	vld [tilespmem:s0+$0x164C0]  }
0x61a: {  	[tilespmem:s0+$0x180C0] =	vst v6;
	v6 =	vadd.s32 v10, v11;
	v10 =	vld [tilespmem:s0+$0x165C0]  }
0x61b: {  	v11 =	vld [tilespmem:s0+$0x166C0];
	v6 =	vadd.s32 v6, v60  }
0x61c: {  	v61 =	vld [tilespmem:s0+$0x167C0];
	v6 =	vadd.s32 v6, v7  }
0x61d: {  	v62 =	vld [tilespmem:s0+$0x168C0];
	v6 =	vadd.s32 v6, v8  }
0x61e: {  	v63 =	vld [tilespmem:s0+$0x169C0];
	v6 =	vadd.s32 v6, v9  }
0x61f: {  	v15 =	vld [tilespmem:s0+$0x16AC0];
	v6 =	vadd.s32 v6, v10  }
0x620: {  	v7 =	vld [tilespmem:s0+$0x16BC0];
	v6 =	vadd.s32 v6, v11  }
0x621: {  	v8 =	vld [tilespmem:s0+$0x16CC0];
	v6 =	vadd.s32 v6, v61  }
0x622: {  	v9 =	vld [tilespmem:s0+$0x16DC0];
	v6 =	vadd.s32 v6, v62  }
0x623: {  	s1 =	simm.s32 $0x10;
	v10 =	vld [tilespmem:s0+$0x16EC0];
	v11 =	vadd.s32 v6, v63  }
0x624: {  	s2 =	simm.s32 $0x80;
	v6 =	vld [tilespmem:s1+$0x16FC0];
	v11 =	vadd.s32 v11, v15  }
.LBB2_35:
0x625: {  	p0 =	sne.s32 s2, $0x3C0;
	v12 =	vld [tilespmem:s1+$0x170C0];
	v7 =	vadd.s32 v11, v7  }
0x626: {  	v11 =	vld [tilespmem:s1+$0x171C0];
	v7 =	vadd.s32 v7, v8  }
0x627: {  	v8 =	vld [tilespmem:s1+$0x172C0];
	v7 =	vadd.s32 v7, v9  }
0x628: {  	v9 =	vld [tilespmem:s1+$0x173C0];
	v7 =	vadd.s32 v7, v10  }
0x629: {  	v10 =	vld [tilespmem:s1+$0x174C0];
	[tilespmem:s0+$0x17FC0] =	vst v7;
	s0 =	smov.u32 s1  }
0x62a: {  	v6 =	vadd.s32 v6, v12;
	v7 =	vld [tilespmem:s0+$0x175C0]  }
0x62b: {  	v6 =	vadd.s32 v6, v11;
	v11 =	vld [tilespmem:s0+$0x176C0]  }
0x62c: {  	v6 =	vadd.s32 v6, v8;
	v8 =	vld [tilespmem:s0+$0x177C0]  }
0x62d: {  	v6 =	vadd.s32 v6, v9;
	v9 =	vld [tilespmem:s0+$0x178C0]  }
0x62e: {  	v6 =	vadd.s32 v6, v10;
	v10 =	vld [tilespmem:s0+$0x179C0]  }
0x62f: {  	v6 =	vadd.s32 v6, v7;
	v7 =	vld [tilespmem:s0+$0x17AC0]  }
0x630: {  	v6 =	vadd.s32 v6, v11;
	v11 =	vld [tilespmem:s0+$0x17BC0]  }
0x631: {  	v6 =	vadd.s32 v6, v8;
	v8 =	vld [tilespmem:s0+$0x17CC0]  }
0x632: {  	v6 =	vadd.s32 v6, v9;
	v9 =	vld [tilespmem:s0+$0x17DC0]  }
0x633: {  	v6 =	vadd.s32 v6, v10;
	v10 =	vld [tilespmem:s0+$0x17EC0]  }
0x634: {  	v12 =	vld [tilespmem:s0+$0x15FC0];
	v6 =	vadd.s32 v6, v7  }
0x635: {  	v7 =	vld [tilespmem:s0+$0x160C0];
	v6 =	vadd.s32 v6, v11  }
0x636: {  	v11 =	vld [tilespmem:s0+$0x161C0];
	v6 =	vadd.s32 v6, v8  }
0x637: {  	v8 =	vld [tilespmem:s0+$0x162C0];
	v6 =	vadd.s32 v6, v9  }
0x638: {  	v9 =	vld [tilespmem:s0+$0x163C0];
	v6 =	vadd.s32 v6, v10  }
0x639: {  	v10 =	vld [tilespmem:s0+$0x164C0];
	[tilespmem:s0+$0x180C0] =	vst v6  }
0x63a: {  	v6 =	vadd.s32 v12, v7;
	v7 =	vld [tilespmem:s0+$0x165C0]  }
0x63b: {  	v6 =	vadd.s32 v6, v11;
	v11 =	vld [tilespmem:s0+$0x166C0]  }
0x63c: {  	v6 =	vadd.s32 v6, v8;
	v8 =	vld [tilespmem:s0+$0x167C0]  }
0x63d: {  	v6 =	vadd.s32 v6, v9;
	v9 =	vld [tilespmem:s0+$0x168C0]  }
0x63e: {  	v6 =	vadd.s32 v6, v10;
	v10 =	vld [tilespmem:s0+$0x169C0]  }
0x63f: {  	v6 =	vadd.s32 v6, v7;
	v12 =	vld [tilespmem:s0+$0x16AC0]  }
.Ltmp17:
0x640: {  	v6 =	vadd.s32 v6, v11;
	v7 =	vld [tilespmem:s0+$0x16BC0];
	(pc) =	sbr.rel @p0 .LBB2_35-.Ltmp17, $4  }
0x641: {  	v6 =	vadd.s32 v6, v8;
	v8 =	vld [tilespmem:s0+$0x16CC0]  }
0x642: {  	v6 =	vadd.s32 v6, v9;
	v9 =	vld [tilespmem:s0+$0x16DC0]  }
0x643: {  	s1 =	sshra.s32 s2, $0x2;
	v11 =	vadd.s32 v6, v10;
	v10 =	vld [tilespmem:s0+$0x16EC0]  }
0x644: {  	s2 =	sadd.s32 $0x40, s2;
	v6 =	vld [tilespmem:s1+$0x16FC0];
	v11 =	vadd.s32 v11, v12  }
0x645: {  	v12 =	vld [tilespmem:s1+$0x170C0];
	v7 =	vadd.s32 v11, v7  }
0x646: {  	v11 =	vld [tilespmem:s1+$0x171C0];
	v7 =	vadd.s32 v7, v8  }
0x647: {  	v8 =	vld [tilespmem:s1+$0x172C0];
	v7 =	vadd.s32 v7, v9  }
0x648: {  	v9 =	vld [tilespmem:s1+$0x173C0];
	v7 =	vadd.s32 v7, v10  }
0x649: {  	v10 =	vld [tilespmem:s1+$0x174C0];
	[tilespmem:s0+$0x17FC0] =	vst v7  }
0x64a: {  	v7 =	vld [tilespmem:s1+$0x175C0]  }
0x64b: {  	v6 =	vadd.s32 v6, v12;
	v41 =	vld [tilespmem:s1+$0x176C0]  }
0x64c: {  	v42 =	vld [tilespmem:s1+$0x17CC0];
	v6 =	vadd.s32 v6, v11  }
0x64d: {  	v11 =	vld [tilespmem:s1+$0x177C0];
	v6 =	vadd.s32 v6, v8  }
0x64e: {  	v8 =	vld [tilespmem:s1+$0x178C0];
	v6 =	vadd.s32 v6, v9  }
0x64f: {  	v9 =	vld [tilespmem:s1+$0x179C0];
	v6 =	vadd.s32 v6, v10  }
0x650: {  	v10 =	vld [tilespmem:s1+$0x17AC0];
	v6 =	vadd.s32 v6, v7  }
0x651: {  	v7 =	vld [tilespmem:s1+$0x17BC0];
	v6 =	vadd.s32 v6, v41  }
0x652: {  	v6 =	vadd.s32 v6, v11;
	v11 =	vld [tilespmem:s1+$0x17DC0]  }
0x653: {  	v6 =	vadd.s32 v6, v8;
	v8 =	vld [tilespmem:s1+$0x17EC0]  }
0x654: {  	v6 =	vadd.s32 v6, v9;
	v9 =	vld [tilespmem:s1+$0x15FC0]  }
0x655: {  	v6 =	vadd.s32 v6, v10;
	v10 =	vld [tilespmem:s1+$0x160C0]  }
0x656: {  	v6 =	vadd.s32 v6, v7;
	v7 =	vld [tilespmem:s1+$0x161C0]  }
0x657: {  	v43 =	vld [tilespmem:s1+$0x162C0];
	v6 =	vadd.s32 v6, v42  }
0x658: {  	v6 =	vadd.s32 v6, v11;
	v11 =	vld [tilespmem:s1+$0x163C0]  }
0x659: {  	v6 =	vadd.s32 v6, v8;
	v8 =	vld [tilespmem:s1+$0x164C0]  }
0x65a: {  	[tilespmem:s1+$0x180C0] =	vst v6;
	v6 =	vadd.s32 v9, v10;
	v9 =	vld [tilespmem:s1+$0x165C0]  }
0x65b: {  	v6 =	vadd.s32 v6, v7;
	v7 =	vld [tilespmem:s1+$0x166C0]  }
0x65c: {  	v10 =	vld [tilespmem:s1+$0x167C0];
	v6 =	vadd.s32 v6, v43  }
0x65d: {  	v6 =	vadd.s32 v6, v11;
	v11 =	vld [tilespmem:s1+$0x168C0]  }
0x65e: {  	v6 =	vadd.s32 v6, v8;
	v8 =	vld [tilespmem:s1+$0x169C0]  }
0x65f: {  	v6 =	vadd.s32 v6, v9;
	v9 =	vld [tilespmem:s1+$0x16AC0]  }
0x660: {  	v6 =	vadd.s32 v6, v7;
	v7 =	vld [tilespmem:s1+$0x16BC0]  }
0x661: {  	v6 =	vadd.s32 v6, v10;
	v10 =	vld [tilespmem:s1+$0x16CC0]  }
0x662: {  	v6 =	vadd.s32 v6, v11;
	v11 =	vld [tilespmem:s1+$0x16DC0]  }
0x663: {  	v44 =	vld [tilespmem:s1+$0x16EC0];
	v8 =	vadd.s32 v6, v8;
	v6 =	vlaneseq.u32  }
0x664: {  	v8 =	vadd.s32 v8, v9;
	v9 =	vmul.u32 $0x10, v6  }
0x665: {  	v7 =	vadd.s32 v8, v7  }
0x666: {  	v7 =	vadd.s32 v7, v10;
	v8 =	vor.u32 $0x1, v9  }
0x667: {  	v10 =	vor.u32 $0x2, v9;
	v7 =	vadd.s32 v7, v11  }
0x668: {  	v11 =	vor.u32 $0x3, v9;
	v7 =	vadd.s32 v7, v44  }
0x669: {  	s9 =	simm.s32 $0x17FC0;
	[tilespmem:s1+$0x17FC0] =	vst v7;
	v7 =	vor.u32 $0x4, v9  }
0x66a: {  	v13 =	vor.u32 $0x5, v9;
	v45 =	vld.idx.msk [tilespmem:v9+s9+$0x0], $0xffff  }
0x66b: {  	v15 =	vor.u32 $0x6, v9;
	v14 =	vld.idx.msk [tilespmem:v8+s9+$0x0], $0xffff  }
0x66c: {  	s10 =	ssub.s32 $0x10, s18;
	v17 =	vor.u32 $0x7, v9;
	v16 =	vld.idx.msk [tilespmem:v10+s9+$0x0], $0xffff  }
0x66d: {  	v18 =	vmov s10;
	v20 =	vor.u32 $0x8, v9;
	v19 =	vld.idx.msk [tilespmem:v11+s9+$0x0], $0xffff  }
0x66e: {  	vm0 =	veq.s32 v18, v6;
	v21 =	vor.u32 $0x9, v9;
	v46 =	vld.idx.msk [tilespmem:v7+s9+$0x0], $0xffff  }
0x66f: {  	v5 =	vnsel vm0, $0x0, v5;
	v23 =	vor.u32 $0xA, v9;
	v22 =	vld.idx.msk [tilespmem:v13+s9+$0x0], $0xffff  }
0x670: {  	(xrf0) =	vadd.scan.msk.s32 $0xffff, v5;
	v48 =	vor.u32 $0xB, v9;
	v47 =	vld.idx.msk [tilespmem:v15+s9+$0x0], $0xffff;
	v5 =	vadd.s32 v45, v14  }
0x671: {  	v3 =	vnsel vm0, $0x0, v3;
	v24 =	vor.u32 $0xC, v9;
	v49 =	vld.idx.msk [tilespmem:v17+s9+$0x0], $0xffff;
	v5 =	vadd.s32 v16, v5  }
0x672: {  	v50 =	vor.u32 $0xD, v9;
	(xrf0) =	vadd.scan.msk.s32 $0xffff, v3;
	v3 =	vadd.s32 v19, v5;
	v5 =	vld.idx.msk [tilespmem:v20+s9+$0x0], $0xffff  }
0x673: {  	v25 =	vor.u32 $0xE, v9;
	v51 =	vld.idx.msk [tilespmem:v21+s9+$0x0], $0xffff;
	v3 =	vadd.s32 v46, v3  }
0x674: {  	v26 =	vor.u32 $0xF, v9;
	v52 =	vld.idx.msk [tilespmem:v23+s9+$0x0], $0xffff;
	v3 =	vadd.s32 v22, v3  }
0x675: {  	v53 =	vld.idx.msk [tilespmem:v48+s9+$0x0], $0xffff;
	v3 =	vadd.s32 v47, v3  }
0x676: {  	(v2sf) =	vpush v1, $0xF;
	v54 =	vld.idx.msk [tilespmem:v24+s9+$0x0], $0xffff;
	v1, _, _ =	vpop (xrf0);
	v3 =	vadd.s32 v49, v3  }
0x677: {  	(v2sf) =	vpush v1, $0xF;
	v1 =	vadd.s32 v5, v3;
	v3 =	vld.idx.msk [tilespmem:v50+s9+$0x0], $0xffff  }
0x678: {  	v55 =	vld.idx.msk [tilespmem:v25+s9+$0x0], $0xffff;
	v5, _, _ =	vpop (xrf0);
	v1 =	vadd.s32 v51, v1  }
0x679: {  	(v2sf) =	vpush v5, $0xF;
	v5 =	vld.idx.msk [tilespmem:v26+s9+$0x0], $0xffff;
	v1 =	vadd.s32 v52, v1  }
0x67a: {  	v56 =	vmov s17;
	v1 =	vadd.s32 v53, v1  }
0x67b: {  	vm6 =	veq.s32 v56, v6;
	v1 =	vadd.s32 v54, v1  }
0x67c: {  	v1 =	vadd.s32 v3, v1;
	v3 =	vnsel vm6, $0x0, v4  }
0x67d: {  	v2 =	vnsel vm6, $0x0, v2;
	(xrf0) =	vadd.scan.msk.s32 $0xffff, v3;
	v1 =	vadd.s32 v55, v1  }
0x67e: {  	(xrf0) =	vadd.scan.msk.s32 $0xffff, v2;
	v1 =	vadd.s32 v5, v1  }
0x67f: {  	(xrf0) =	vadd.scan.msk.s32 $0xffff, v1;
	_ =	sdelay $0x3  }
0x680: {  	v2, _, _ =	vpop (xrf0)  }
0x681: {  	v3, _, _ =	vpop (xrf0)  }
0x682: {  	s11 =	spop (v2sf);
	v4, _, _ =	vpop (xrf0)  }
0x683: {  	s17 =	spop (v2sf);
	v5 =	vbroadcast v4, $0xF  }
0x684: {  	s0 =	sadd.s32 s17, s11  }
0x685: {  	s0 =	ssub.s32 s13, s0;
	s18 =	spop (v2sf);
	v4 =	vsub.s32 v5, v4  }
0x686: {  	s8 =	sadd.s32 s18, s0;
	v1 =	vadd.s32 v1, v4  }
0x687: {  	vm7 =	vge.s32 v1, s8  }
0x688: {  	(v2sf) =	vpush v2, $0xF;
	v1 =	vmpcnt.ones.xlane vm7  }
0x689: {  	(v2sf) =	vpush v3, $0xF  }
0x68a: {  	(v2sf) =	vpush v1, $0x0;
	_ =	sdelay $0x5  }
0x68b: {  	s21 =	simm.s32 $0x180C0  }
0x68c: {  	v2 =	vld.idx.msk [tilespmem:v9+s21+$0x0], $0xffff  }
0x68d: {  	v3 =	vld.idx.msk [tilespmem:v8+s21+$0x0], $0xffff  }
0x68e: {  	v5 =	vld.idx.msk [tilespmem:v10+s21+$0x0], $0xffff  }
0x68f: {  	v8 =	vld.idx.msk [tilespmem:v11+s21+$0x0], $0xffff  }
0x690: {  	v7 =	vld.idx.msk [tilespmem:v7+s21+$0x0], $0xffff  }
0x691: {  	v9 =	vld.idx.msk [tilespmem:v13+s21+$0x0], $0xffff  }
0x692: {  	v2 =	vadd.s32 v2, v3;
	v3 =	vld.idx.msk [tilespmem:v15+s21+$0x0], $0xffff;
	s19 =	spop (v2sf)  }
0x693: {  	v2 =	vadd.s32 v5, v2;
	v5 =	vld.idx.msk [tilespmem:v17+s21+$0x0], $0xffff;
	s20 =	spop (v2sf)  }
0x694: {  	v2 =	vadd.s32 v8, v2;
	v8 =	vld.idx.msk [tilespmem:v20+s21+$0x0], $0xffff;
	s2 =	spop (v2sf)  }
0x695: {  	v2 =	vadd.s32 v7, v2;
	v7 =	vld.idx.msk [tilespmem:v21+s21+$0x0], $0xffff;
	s3 =	sadd.s32 $0xFFFFFFFF, s2  }
0x696: {  	v2 =	vadd.s32 v9, v2;
	v9 =	vld.idx.msk [tilespmem:v23+s21+$0x0], $0xffff;
	s2 =	sshll.u32 s3, $0x4  }
0x697: {  	v1 =	vld [tilespmem:s2+$0x17FC0]  }
0x698: {  	v2 =	vadd.s32 v3, v2;
	v3 =	vld.idx.msk [tilespmem:v48+s21+$0x0], $0xffff  }
0x699: {  	v11 =	vmul.u32 $0xFFFFFFFF, v6;
	v10 =	vld.idx.msk [tilespmem:v24+s21+$0x0], $0xffff;
	v2 =	vadd.s32 v5, v2;
	v5 =	vmov s3  }
0x69a: {  	v2 =	vadd.s32 v8, v2;
	v8 =	vld.idx.msk [tilespmem:v50+s21+$0x0], $0xffff;
	vm8 =	veq.s32 v5, v6  }
0x69b: {  	v2 =	vadd.s32 v7, v2;
	v7 =	vld.idx.msk [tilespmem:v25+s21+$0x0], $0xffff;
	v5 =	vadd.s32 $0xF, v11;
	v4 =	vnsel vm8, $0x0, v4  }
0x69c: {  	v2 =	vadd.s32 v9, v2;
	v9 =	vld.idx.msk [tilespmem:v26+s21+$0x0], $0xffff;
	(xrf0) =	vadd.scan.msk.s32 $0xffff, v4;
	v5 =	vperm.xlane v1, v5  }
0x69d: {  	v2 =	vadd.s32 v3, v2  }
0x69e: {  	v1 =	vadd.s32 v10, v2;
	(xrf0) =	vadd.scan.msk.s32 $0xffff, v5  }
0x69f: {  	v1 =	vadd.s32 v8, v1  }
0x6a0: {  	v1 =	vadd.s32 v7, v1  }
0x6a1: {  	v1 =	vadd.s32 v9, v1  }
0x6a2: {  	v4, _, _ =	vpop (xrf0);
	(xrf0) =	vadd.scan.msk.s32 $0xffff, v1  }
0x6a3: {  	v2 =	vbroadcast v4, $0xF  }
0x6a4: {  	v7, _, _ =	vpop (xrf0)  }
0x6a5: {  	v2 =	vadd.s32 v7, v2  }
0x6a6: {  	s0 =	sadd.s32 s19, s15  }
0x6a7: {  	s0 =	ssub.s32 s12, s0  }
0x6a8: {  	s0 =	sadd.s32 s20, s0;
	vm9 =	vge.s32 v2, s8;
	v2, _, _ =	vpop (xrf0)  }
0x6a9: {  	v3 =	vmpcnt.ones.xlane vm9;
	vm10 =	vge.s32 v2, s0  }
0x6aa: {  	v8 =	vmpcnt.ones.xlane vm10  }
0x6ab: {  	(v2sf) =	vpush v3, $0x0  }
0x6ac: {  	(v2sf) =	vpush v8, $0x0;
	_ =	sdelay $0xd  }
0x6ad: {  	s22 =	spop (v2sf)  }
0x6ae: {  	s23 =	spop (v2sf)  }
0x6af: {  	s1 =	ssub.s32 $0x10, s23  }
0x6b0: {  	v3 =	vmov s1  }
0x6b1: {  	vm11 =	veq.s32 v3, v6  }
0x6b2: {  	v2 =	vnsel vm11, $0x0, v2  }
0x6b3: {  	v1 =	vnsel vm11, $0x0, v1;
	(xrf0) =	vadd.scan.msk.s32 $0xffff, v2  }
0x6b4: {  	(xrf0) =	vadd.scan.msk.s32 $0xffff, v1;
	_ =	sdelay $0x4  }
0x6b5: {  	v1, _, _ =	vpop (xrf0)  }
0x6b6: {  	(v2sf) =	vpush v1, $0xF;
	v1, _, _ =	vpop (xrf0)  }
0x6b7: {  	(v2sf) =	vpush v1, $0xF;
	_ =	sdelay $0x3  }
0x6b8: {  	s6 =	sshll.u32 s1, $0x4  }
0x6b9: {  	v8 =	vld [tilespmem:s6+$0x180C0];
	_ =	sdelay $0x4  }
0x6ba: {  	(xrf0) =	vadd.scan.msk.s32 $0xffff, v8;
	_ =	sdelay $0x3  }
0x6bb: {  	s24 =	spop (v2sf)  }
0x6bc: {  	s7 =	spop (v2sf)  }
0x6bd: {  	v9, _, _ =	vpop (xrf0);
	s1 =	ssub.s32 s24, s7  }
0x6be: {  	v1 =	vadd.s32 s1, v9  }
0x6bf: {  	vm12 =	vge.s32 v1, s0  }
0x6c0: {  	v1 =	vmpcnt.ones.xlane vm12;
	_ =	sdelay $0x1  }
0x6c1: {  	(v2sf) =	vpush v1, $0x0;
	_ =	sdelay $0xe  }
0x6c2: {  	s3 =	sshllo.u32 s3, $0x4;
	s2 =	ssub.s32 $0x10, s22;
	s25 =	spop (v2sf)  }
0x6c3: {  	s9 =	ssub.s32 s3, s2;
	v1 =	vmul.u32 $0x100, v6;
	s3 =	ssub.s32 $0x10, s25  }
0x6c4: {  	s26 =	simm.s32 $0x68B0;
	s6 =	sadd.s32 s6, s3  }
0x6c5: {  	v57 =	vld [tilespmem:s26+$0xFFFFFFF0];
	v3 =	vadd.s32 s6, v1  }
0x6c6: {  	s10 =	sshll.u32 s16, $0x8;
	v2 =	vadd.s32 s9, v1  }
0x6c7: {  	s28 =	sshll.u32 s14, $0x8;
	s9 =	sor.u32 s10, s9  }
0x6c8: {  	s29 =	sxor.u32 $0x80000000, s9;
	s10 =	sor.u32 s28, s6  }
0x6c9: {  	s31 =	simm.s32 $0x16FC0;
	v1 =	vmov s29;
	s30 =	sxor.u32 $0x80000000, s10  }
0x6ca: {  	s11 =	simm.s32 $0x15FC0;
	v11 =	vimm.s32 $0x0;
	vm13 =	vgt.s32 v57, v1;
	v6 =	vld.idx.msk [tilespmem:v3+s31+$0x0], $0xffff;
	v3 =	vmov s30  }
0x6cb: {  	v10 =	vld.idx.msk [tilespmem:v2+s11+$0x0], $0xffff;
	s11 =	simm.s32 $0xE890;
	s6 =	simm.s32 $0x9350;
	v58 =	vsel vm13, $0x1, v11;
	vm1 =	vlt.s32 v57, v3  }
0x6cc: {  	s12 =	simm.s32 $0x11330;
	v2 =	vld [tilespmem:s6+$0xFFFFFFF0];
	[tilespmem:s11+$0xFFFFFFF0] =	vst v58;
	v59 =	vsel vm1, $0x1, v11  }
0x6cd: {  	[tilespmem:s12+$0xFFFFFFF0] =	vst v59  }
0x6ce: {  	v12 =	vld [tilespmem:s26+$0x0];
	_ =	sdelay $0x1  }
0x6cf: {  	v60 =	vld [tilespmem:s6+$0x0];
	_ =	sdelay $0x2  }
0x6d0: {  	v61 =	vimm.f32 $0.0e+00;
	v2 =	vnsel vm13, $0x0, v2;
	vm14 =	vgt.s32 v12, v1  }
0x6d1: {  	v2 =	vadd.f32 v2, v61;
	vm15 =	vlt.s32 v12, v3;
	v62 =	vsel vm14, $0x1, v11  }
0x6d2: {  	v13 =	vnsel vm14, $0x0, v60;
	v63 =	vsel vm15, $0x1, v11;
	[tilespmem:s11+$0x0] =	vst v62  }
0x6d3: {  	s14 =	simm.s32 $0x68D0;
	s13 =	simm.s32 $0x0;
	v2 =	vadd.f32 v13, v2;
	[tilespmem:s12+$0x0] =	vst v63  }
.LBB2_37:
0x6d4: {  	v12 =	vld [tilespmem:s14+$0xFFFFFFF0];
	s6 =	sadd.s32 $0x20, s6  }
0x6d5: {  	v13 =	vld [tilespmem:s6+$0xFFFFFFF0]  }
0x6d6: {  	s13 =	sadd.s32 $0x2, s13  }
0x6d7: {  	p0 =	slt.u32 s13, $0x2A8;
	_ =	sdelay $0x1  }
0x6d8: {  	vm0 =	vgt.s32 v12, v1  }
0x6d9: {  	s11 =	sadd.s32 $0x20, s11;
	vm1 =	vlt.s32 v12, v3;
	v12 =	vsel vm0, $0x1, v11;
	v13 =	vnsel vm0, $0x0, v13  }
0x6da: {  	s12 =	sadd.s32 $0x20, s12;
	[tilespmem:s11+$0xFFFFFFF0] =	vst v12;
	v12 =	vsel vm1, $0x1, v11;
	v2 =	vadd.f32 v13, v2  }
0x6db: {  	[tilespmem:s12+$0xFFFFFFF0] =	vst v12  }
0x6dc: {  	v12 =	vld [tilespmem:s14+$0x0]  }
0x6dd: {  	v13 =	vld [tilespmem:s6+$0x0];
	_ =	sdelay $0x2  }
.Ltmp18:
0x6de: {  	(pc) =	sbr.rel @p0 .LBB2_37-.Ltmp18, $4  }
0x6df: {  	vm0 =	vgt.s32 v12, v1;
	vm1 =	vlt.s32 v12, v3  }
0x6e0: {  	v12 =	vsel vm0, $0x1, v11;
	v13 =	vnsel vm0, $0x0, v13  }
0x6e1: {  	[tilespmem:s11+$0x0] =	vst v12;
	v12 =	vsel vm1, $0x1, v11;
	v2 =	vadd.f32 v13, v2  }
0x6e2: {  	s14 =	sadd.s32 $0x20, s14;
	[tilespmem:s12+$0x0] =	vst v12  }
0x6e3: {  	v11 =	vlaneseq.u32;
	v12 =	vmov s2  }
0x6e4: {  	vm0 =	veq.s32 v12, v11  }
0x6e5: {  	v62 =	vmov s3;
	v7 =	vnsel vm0, $0x0, v7  }
0x6e6: {  	vm14 =	veq.s32 v62, v11;
	v5 =	vnsel vm0, $0x0, v5;
	(xrf0) =	vadd.scan.msk.s32 $0xffff, v7  }
0x6e7: {  	v63 =	vmov s4;
	(xrf0) =	vadd.scan.msk.s32 $0xffff, v5;
	v5 =	vnsel vm14, $0x0, v9  }
0x6e8: {  	vm1 =	vgt.u32 v63, v11;
	(xrf0) =	vadd.scan.msk.s32 $0xffff, v5;
	v5 =	vnsel vm14, $0x0, v8  }
0x6e9: {  	vm15 =	veq.s32 v63, v11;
	(xrf0) =	vadd.scan.msk.s32 $0xffff, v5;
	v5 =	vnsel vm1, $0x0, v10  }
0x6ea: {  	(xrf0) =	vadd.scan.msk.s32 $0xffff, v5;
	v5 =	vnsel vm15, $0x0, v10  }
0x6eb: {  	(xrf0) =	vadd.scan.msk.s32 $0xffff, v5;
	v5 =	vnsel vm1, $0x0, v6;
	_ =	sdelay $0x1  }
0x6ec: {  	(v2sf) =	vpush v4, $0xF;
	v4, _, _ =	vpop (xrf0)  }
0x6ed: {  	(xrf0) =	vadd.scan.msk.s32 $0xffff, v5;
	(v2sf) =	vpush v4, $0xF;
	v5, _, _ =	vpop (xrf0)  }
0x6ee: {  	(v2sf) =	vpush v5, $0xF;
	v5 =	vnsel vm15, $0x0, v6  }
0x6ef: {  	v4, _, _ =	vpop (xrf0)  }
0x6f0: {  	(v2sf) =	vpush v4, $0xF;
	v4, _, _ =	vpop (xrf0)  }
0x6f1: {  	(xrf0) =	vadd.scan.msk.s32 $0xffff, v5;
	(v2sf) =	vpush v4, $0xF;
	v5, _, _ =	vpop (xrf0)  }
0x6f2: {  	v4, _, _ =	vpop (xrf0);
	(v2sf) =	vpush v5, $0xF  }
0x6f3: {  	(v2sf) =	vpush v4, $0xF;
	_ =	sdelay $0x1  }
0x6f4: {  	v5, _, _ =	vpop (xrf0)  }
0x6f5: {  	(v2sf) =	vpush v5, $0xF;
	_ =	sdelay $0x1  }
0x6f6: {  	v4, _, _ =	vpop (xrf0)  }
0x6f7: {  	(v2sf) =	vpush v4, $0xF;
	_ =	sdelay $0x2  }
0x6f8: {  	s26 =	spop (v2sf)  }
0x6f9: {  	s28 =	spop (v2sf)  }
0x6fa: {  	s6 =	spop (v2sf)  }
0x6fb: {  	s2 =	sadd.s32 s28, s26;
	s7 =	spop (v2sf)  }
0x6fc: {  	s8 =	ssub.s32 s8, s2;
	s11 =	spop (v2sf)  }
0x6fd: {  	s8 =	sadd.s32 s6, s8;
	s29 =	spop (v2sf)  }
0x6fe: {  	s2 =	spop (v2sf);
	s3 =	ssub.s32 s8, s29  }
0x6ff: {  	p0 =	slt.s32 s3, s2  }
0x700: {  	s2 =	smov.u32 @p0 s3  }
0x701: {  	s30 =	spop (v2sf);
	p1 =	slt.s32 s2, $0x1  }
.Ltmp19:
0x702: {  	s1 =	sadd.s32 s1, s30;
	(pc) =	sbr.rel @p1 .LBB2_42-.Ltmp19, $4  }
0x703: {  	s31 =	sadd.s32 s11, s0;
	s1 =	sadd.s32 s7, s1  }
0x704: {  	s0 =	spop (v2sf);
	s1 =	ssub.s32 s31, s1  }
0x705: {  	p0 =	slt.s32 s1, s0  }
0x706: {  	s0 =	smov.u32 @p0 s1  }
0x707: {  	s11 =	simm.s32 $0x0  }
0x708: {  	v5 =	vld [tilespmem:s11+$0x68A0]  }
0x709: {  	s6 =	simm.s32 $0x10  }
0x70a: {  	v6 =	vld [tilespmem:s6+$0x68A0];
	_ =	sdelay $0x2  }
0x70b: {  	v4 =	vimm.s32 $0x0;
	vm0 =	veq.s32 v5, v1  }
0x70c: {  	v5 =	vsel vm0, $0x1, v4  }
0x70d: {  	vm1 =	veq.s32 v6, v1;
	(xrf0) =	vadd.scan.msk.s32 $0xffff, v5  }
0x70e: {  	v5 =	vsel vm1, $0x1, v4  }
0x70f: {  	(xrf0) =	vadd.scan.msk.s32 $0xffff, v5;
	_ =	sdelay $0x3  }
0x710: {  	s3 =	simm.s32 $0x20;
	v8, _, _ =	vpop (xrf0)  }
0x711: {  	v6 =	vld [tilespmem:s3+$0x68A0];
	(v2sf) =	vpush v8, $0xF  }
0x712: {  	v5, _, _ =	vpop (xrf0)  }
0x713: {  	(v2sf) =	vpush v5, $0xF;
	_ =	sdelay $0x2  }
0x714: {  	s1 =	simm.s32 $0x30;
	vm2 =	vmmov vm0;
	vm0 =	veq.s32 v6, v1  }
0x715: {  	v6 =	vld [tilespmem:s1+$0x68A0];
	v7 =	vsel vm0, $0x1, v4  }
0x716: {  	(xrf0) =	vadd.scan.msk.s32 $0xffff, v7;
	v7 =	vld [tilespmem:s11+$0xE880];
	_ =	sdelay $0x2  }
0x717: {  	s12 =	simm.s32 $0x100;
	s13 =	simm.s32 $0x140;
	vm2 =	vmmov vm2;
	vm1 =	vmmov vm1;
	vm3 =	vle.s32 v8, s2  }
.LBB2_40:
0x718: {  	p0 =	sne.s32 s13, $0xAA40;
	vm3 =	vmand vm2, vm3;
	vm2 =	vmmov vm1;
	vm1 =	vmmov vm0  }
0x719: {  	s7 =	sshra.s32 s12, $0x2;
	vm0 =	veq.s32 v6, v1;
	s12 =	smov.u32 s13;
	v7 =	vsel vm3, $0x1, v7  }
.Ltmp20:
0x71a: {  	v8 =	vsel vm0, $0x1, v4;
	v6 =	vld [tilespmem:s7+$0x68A0];
	v9, _, _ =	vpop (xrf0);
	[tilespmem:s11+$0xE880] =	vst v7;
	s11 =	smov.u32 s6;
	s6 =	smov.u32 s3;
	(pc) =	sbr.rel @p0 .LBB2_40-.Ltmp20, $4  }
0x71b: {  	s3 =	smov.u32 s1;
	s1 =	smov.u32 s7;
	(xrf0) =	vadd.scan.msk.s32 $0xffff, v8;
	(v2sf) =	vpush v9, $0xF;
	v7 =	vld [tilespmem:s11+$0xE880]  }
0x71c: {  	s7 =	spop (v2sf)  }
0x71d: {  	s2 =	ssub.s32 s2, s7  }
0x71e: {  	s13 =	sadd.s32 $0x40, s13;
	vm3 =	vle.s32 v5, s2;
	v5 =	vmov v9  }
0x71f: {  	s7 =	sshra.s32 s12, $0x2  }
0x720: {  	vm3 =	vmand vm2, vm3;
	v62 =	vld [tilespmem:s7+$0x68A0]  }
0x721: {  	vm9 =	veq.s32 v6, v1;
	v61 =	vsel vm3, $0x1, v7  }
0x722: {  	v8 =	vsel vm9, $0x1, v4;
	v9, _, _ =	vpop (xrf0);
	[tilespmem:s11+$0xE880] =	vst v61  }
0x723: {  	(xrf0) =	vadd.scan.msk.s32 $0xffff, v8;
	(v2sf) =	vpush v9, $0xF;
	v6 =	vld [tilespmem:s6+$0xE880]  }
0x724: {  	s26 =	spop (v2sf)  }
0x725: {  	s2 =	ssub.s32 s2, s26;
	vm4 =	veq.s32 v62, v1  }
0x726: {  	vm1 =	vmmov vm1;
	vm10 =	vle.s32 v5, s2;
	v4 =	vsel vm4, $0x1, v4  }
0x727: {  	vm1 =	vmand vm1, vm10  }
0x728: {  	v5 =	vsel vm1, $0x1, v6;
	(xrf0) =	vadd.scan.msk.s32 $0xffff, v4  }
0x729: {  	[tilespmem:s6+$0xE880] =	vst v5;
	v4, _, _ =	vpop (xrf0)  }
0x72a: {  	v5 =	vld [tilespmem:s3+$0xE880];
	(v2sf) =	vpush v4, $0xF  }
0x72b: {  	s28 =	spop (v2sf)  }
0x72c: {  	vm0 =	vmmov vm0;
	s2 =	ssub.s32 s2, s28  }
0x72d: {  	vm0 =	vmmov vm0;
	vm11 =	vle.s32 v9, s2  }
0x72e: {  	vm0 =	vmand vm0, vm11;
	v63, _, _ =	vpop (xrf0)  }
0x72f: {  	v5 =	vsel vm0, $0x1, v5;
	(v2sf) =	vpush v63, $0xF  }
0x730: {  	[tilespmem:s3+$0xE880] =	vst v5  }
0x731: {  	v5 =	vld [tilespmem:s1+$0xE880]  }
0x732: {  	s29 =	spop (v2sf)  }
0x733: {  	vm12 =	vmmov vm9;
	s2 =	ssub.s32 s2, s29  }
0x734: {  	vm0 =	vmmov vm12;
	vm13 =	vle.s32 v4, s2  }
0x735: {  	vm0 =	vmand vm0, vm13  }
0x736: {  	v4 =	vsel vm0, $0x1, v5  }
0x737: {  	[tilespmem:s1+$0xE880] =	vst v4  }
0x738: {  	v4 =	vld [tilespmem:s7+$0xE880]  }
0x739: {  	s30 =	spop (v2sf)  }
0x73a: {  	vm14 =	vmmov vm4;
	s1 =	ssub.s32 s2, s30  }
0x73b: {  	vm0 =	vmmov vm14;
	vm15 =	vle.s32 v63, s1  }
0x73c: {  	vm0 =	vmand vm0, vm15  }
0x73d: {  	v4 =	vsel vm0, $0x1, v4  }
0x73e: {  	s31 =	spop (v2sf);
	[tilespmem:s7+$0xE880] =	vst v4  }
.LBB2_42:
0x73f: {  	p0 =	slt.s32 s0, $0x1  }
.Ltmp21:
0x740: {  	_ = 	snop;
	(pc) =	sbr.rel @p0 .LBB2_46-.Ltmp21, $2  }
0x741: {  	_ =	sdelay $0x2  }
0x742: {  	s1 =	sshll.u32 s4, $0x4  }
0x743: {  	s11 =	simm.s32 $0x0  }
0x744: {  	v5 =	vld [tilespmem:s11+$0x68A0]  }
0x745: {  	s6 =	simm.s32 $0x10  }
0x746: {  	v6 =	vld [tilespmem:s6+$0x68A0];
	_ =	sdelay $0x2  }
0x747: {  	v4 =	vimm.s32 $0x0;
	vm0 =	veq.s32 v5, v3  }
0x748: {  	v5 =	vsel vm0, $0x1, v4  }
0x749: {  	vm1 =	veq.s32 v6, v3;
	(xrf0) =	vadd.scan.msk.s32 $0xffff, v5  }
0x74a: {  	v5 =	vsel vm1, $0x1, v4  }
0x74b: {  	(xrf0) =	vadd.scan.msk.s32 $0xffff, v5;
	_ =	sdelay $0x3  }
0x74c: {  	s3 =	simm.s32 $0x20;
	v8, _, _ =	vpop (xrf0)  }
0x74d: {  	v6 =	vld [tilespmem:s3+$0x68A0];
	(v2sf) =	vpush v8, $0xF  }
0x74e: {  	v5, _, _ =	vpop (xrf0)  }
0x74f: {  	(v2sf) =	vpush v5, $0xF;
	_ =	sdelay $0x2  }
0x750: {  	s2 =	simm.s32 $0x30;
	vm2 =	vmmov vm0;
	vm0 =	veq.s32 v6, v3  }
0x751: {  	v6 =	vld [tilespmem:s2+$0x68A0];
	v7 =	vsel vm0, $0x1, v4  }
0x752: {  	(xrf0) =	vadd.scan.msk.s32 $0xffff, v7;
	v7 =	vld [tilespmem:s11+$0x11320];
	_ =	sdelay $0x2  }
0x753: {  	s12 =	simm.s32 $0x100;
	s13 =	simm.s32 $0x140;
	vm2 =	vmmov vm2;
	vm1 =	vmmov vm1;
	vm3 =	vle.s32 v8, s0  }
.LBB2_44:
0x754: {  	p0 =	sne.s32 s13, $0xAA40;
	vm3 =	vmand vm2, vm3;
	vm2 =	vmmov vm1;
	vm1 =	vmmov vm0  }
0x755: {  	s7 =	sshra.s32 s12, $0x2;
	vm0 =	veq.s32 v6, v3;
	s12 =	smov.u32 s13;
	v7 =	vsel vm3, $0x1, v7  }
.Ltmp22:
0x756: {  	v8 =	vsel vm0, $0x1, v4;
	v6 =	vld [tilespmem:s7+$0x68A0];
	v9, _, _ =	vpop (xrf0);
	[tilespmem:s11+$0x11320] =	vst v7;
	s11 =	smov.u32 s6;
	s6 =	smov.u32 s3;
	(pc) =	sbr.rel @p0 .LBB2_44-.Ltmp22, $4  }
0x757: {  	s3 =	smov.u32 s2;
	s2 =	smov.u32 s7;
	(xrf0) =	vadd.scan.msk.s32 $0xffff, v8;
	(v2sf) =	vpush v9, $0xF;
	v7 =	vld [tilespmem:s11+$0x11320]  }
0x758: {  	s7 =	spop (v2sf)  }
0x759: {  	s0 =	ssub.s32 s0, s7  }
0x75a: {  	s13 =	sadd.s32 $0x40, s13;
	vm3 =	vle.s32 v5, s0;
	v5 =	vmov v9  }
0x75b: {  	s7 =	sshra.s32 s12, $0x2  }
0x75c: {  	vm3 =	vmand vm2, vm3;
	v61 =	vld [tilespmem:s7+$0x68A0]  }
0x75d: {  	vm9 =	veq.s32 v6, v3;
	v60 =	vsel vm3, $0x1, v7  }
0x75e: {  	v8 =	vsel vm9, $0x1, v4;
	v9, _, _ =	vpop (xrf0);
	[tilespmem:s11+$0x11320] =	vst v60  }
0x75f: {  	(xrf0) =	vadd.scan.msk.s32 $0xffff, v8;
	(v2sf) =	vpush v9, $0xF;
	v6 =	vld [tilespmem:s6+$0x11320]  }
0x760: {  	s26 =	spop (v2sf)  }
0x761: {  	s0 =	ssub.s32 s0, s26;
	vm4 =	veq.s32 v61, v3  }
0x762: {  	vm1 =	vmmov vm1;
	vm10 =	vle.s32 v5, s0;
	v3 =	vsel vm4, $0x1, v4  }
0x763: {  	vm1 =	vmand vm1, vm10  }
0x764: {  	v62 =	vsel vm1, $0x1, v6;
	(xrf0) =	vadd.scan.msk.s32 $0xffff, v3  }
0x765: {  	[tilespmem:s6+$0x11320] =	vst v62;
	v3, _, _ =	vpop (xrf0)  }
0x766: {  	v4 =	vld [tilespmem:s3+$0x11320];
	(v2sf) =	vpush v3, $0xF  }
0x767: {  	s28 =	spop (v2sf)  }
0x768: {  	vm0 =	vmmov vm0;
	s0 =	ssub.s32 s0, s28  }
0x769: {  	vm0 =	vmmov vm0;
	vm11 =	vle.s32 v9, s0  }
0x76a: {  	vm0 =	vmand vm0, vm11;
	v63, _, _ =	vpop (xrf0)  }
0x76b: {  	v4 =	vsel vm0, $0x1, v4;
	(v2sf) =	vpush v63, $0xF  }
0x76c: {  	[tilespmem:s3+$0x11320] =	vst v4  }
0x76d: {  	v4 =	vld [tilespmem:s2+$0x11320]  }
0x76e: {  	s29 =	spop (v2sf)  }
0x76f: {  	vm12 =	vmmov vm9;
	s0 =	ssub.s32 s0, s29  }
0x770: {  	vm0 =	vmmov vm12;
	vm13 =	vle.s32 v3, s0  }
0x771: {  	vm0 =	vmand vm0, vm13  }
0x772: {  	v3 =	vsel vm0, $0x1, v4  }
0x773: {  	[tilespmem:s2+$0x11320] =	vst v3  }
0x774: {  	v3 =	vld [tilespmem:s7+$0x11320]  }
0x775: {  	s30 =	spop (v2sf)  }
0x776: {  	vm14 =	vmmov vm4;
	s0 =	ssub.s32 s0, s30  }
0x777: {  	vm0 =	vmmov vm14;
	vm15 =	vle.s32 v63, s0  }
0x778: {  	vm0 =	vmand vm0, vm15  }
0x779: {  	v3 =	vsel vm0, $0x1, v3  }
0x77a: {  	s31 =	spop (v2sf);
	[tilespmem:s7+$0x11320] =	vst v3  }
.LBB2_46:
0x77b: {  	p0 =	sne.s32 s9, s10  }
.Ltmp23:
0x77c: {  	s0 =	rddreg [dreg:$0xa];
	(pc) =	sbr.rel @p0 .LBB2_50-.Ltmp23, $4  }
0x77d: {  	s31 =	rddreg [dreg:$0x9]  }
0x77e: {  	s10 =	rddreg [dreg:$0x6]  }
0x77f: {  	s9 =	rddreg [dreg:$0x7];
	s6 =	sadd.s32 s0, s5  }
0x780: {  	s5 =	sadd.s32 s31, s5;
	s3 =	sadd.s32 s1, s10;
	s2 =	sadd.s32 s1, s9  }
0x781: {  	s0 =	simm.s32 $0x0  }
0x782: {  	v3 =	vld [tilespmem:s0+$0x11320]  }
0x783: {  	v4 =	vld [tilespmem:s0+$0xE880];
	_ =	sdelay $0x3  }
0x784: {  	vm0 =	vgt.s32 v3, $0x0  }
0x785: {  	s7 =	simm.s32 $0x10;
	s1 =	simm.s32 $0x80;
	v3 =	vsel vm0, $0x0, v4  }
.LBB2_48:
0x786: {  	p0 =	sne.s32 s1, $0xAA40;
	v4 =	vld [tilespmem:s7+$0x11320];
	[tilespmem:s0+$0xE880] =	vst v3;
	s0 =	smov.u32 s7  }
0x787: {  	v3 =	vld [tilespmem:s0+$0xE880]  }
.Ltmp24:
0x788: {  	(pc) =	sbr.rel @p0 .LBB2_48-.Ltmp24, $3  }
0x789: {  	_ =	sdelay $0x1  }
0x78a: {  	vm0 =	vgt.s32 v4, $0x0  }
0x78b: {  	s7 =	sshra.s32 s1, $0x2;
	s1 =	sadd.s32 $0x40, s1;
	v3 =	vsel vm0, $0x0, v3  }
0x78c: {  	v4 =	vld [tilespmem:s7+$0x11320];
	[tilespmem:s0+$0xE880] =	vst v3  }
0x78d: {  	v3 =	vld [tilespmem:s7+$0xE880];
	_ =	sdelay $0x3  }
0x78e: {  	vm0 =	vgt.s32 v4, $0x0  }
0x78f: {  	v3 =	vsel vm0, $0x0, v3  }
0x790: {  	[tilespmem:s7+$0xE880] =	vst v3  }
.LBB2_50:
0x791: {  	s0 =	simm.s32 $0x0;
	s1 =	simm.s32 $0xE880  }
0x792: {  	[hbm4b:s6+s0] =	stream.linear.scatter [tilespmem:s1], [sflag:$0x3], $0x2AA0, $0x38;
	[tilespmem:$0x18610] =	vst v63  }
0x793: {  	s1 =	simm.s32 $0x3  }
0x794: {  	_ =	swait.ge [sflag:s1], $0x2AA0  }
0x795: {  	[sflag:s1] =	ssyncset.done $0x0  }
0x796: {  	s29 =	simm.s32 $0x11320;
	[sflag:s1] =	ssyncadd.s32 $0xFFFFD560  }
0x797: {  	[hbm4b:s5+s0] =	stream.linear.scatter [tilespmem:s29], [sflag:$0x3], $0x2AA0, $0x38;
	[tilespmem:$0x18610] =	vst v63  }
0x798: {  	_ =	swait.ge [sflag:s1], $0x2AA0  }
0x799: {  	[sflag:s1] =	ssyncset.done $0x0  }
0x79a: {  	[sflag:s1] =	ssyncadd.s32 $0xFFFFD560  }
0x79b: {  	[tilespmem:$0x181C0] =	vst v0  }
0x79c: {  	s30 =	simm.s32 $0x181C0;
	[tilespmem:$0x181D0] =	vst v2  }
0x79d: {  	[spmem:s3] =	stream.linear.scatter [tilespmem:s30], [sflag:$0x3], $0x10, $0x38;
	[tilespmem:$0x18610] =	vst v63  }
0x79e: {  	_ =	swait.ge [sflag:s1], $0x10  }
0x79f: {  	[sflag:s1] =	ssyncset.done $0x0  }
0x7a0: {  	s31 =	simm.s32 $0x181D0;
	[sflag:s1] =	ssyncadd.s32 $0xFFFFFFF0  }
0x7a1: {  	[spmem:s2] =	stream.linear.scatter [tilespmem:s31], [sflag:$0x3], $0x10, $0x38;
	[tilespmem:$0x18610] =	vst v63  }
0x7a2: {  	_ =	swait.ge [sflag:s1], $0x10  }
0x7a3: {  	[sflag:s1] =	ssyncset.done $0x0  }
0x7a4: {  	[sflag:s1] =	ssyncadd.s32 $0xFFFFFFF0  }
0x7a5: {  	p0 =	sne.s32 s4, $0x0;
	[bflag:$0x0] =	sbarrier.arrive $0xFFFF  }
0x7a6: {  	_ =	sfence.sel @p0 $0x180000  }
0x7a7: {  	[bflag:$0x0] =	sbarrier.arrive @p0 $0xFFFF  }
0x7a8: {  	_ =	strace @p0 $0x90000047  }
0x7a9: {  	[bflag:$0x2] =	sbarrier.arrive @p0 $0xFFFF  }
0x7aa: {  	_ =	shalt @p0  }
.LBB2_51:
0x7ab: {  	s2 =	simm.s32 $0x181F0  }
0x7ac: {  	[tilespmem:s2], [sflag:$0x3] =	stream.linear.gather [spmem:s10], $0x100, $0x38;
	[tilespmem:$0x18610] =	vst v63  }
0x7ad: {  	_ =	swait.ge [sflag:s1], $0x100  }
0x7ae: {  	[sflag:s1] =	ssyncset.done $0x0  }
0x7af: {  	s25 =	simm.s32 $0x182F0;
	[sflag:s1] =	ssyncadd.s32 $0xFFFFFF00  }
0x7b0: {  	[tilespmem:s25], [sflag:$0x3] =	stream.linear.gather [spmem:s9], $0x100, $0x38;
	[tilespmem:$0x18610] =	vst v63  }
0x7b1: {  	_ =	swait.ge [sflag:s1], $0x100  }
0x7b2: {  	[sflag:s1] =	ssyncset.done $0x0  }
0x7b3: {  	[sflag:s1] =	ssyncadd.s32 $0xFFFFFF00  }
0x7b4: {  	v0 =	vld [tilespmem:$0x181F0];
	_ =	sdelay $0x1  }
0x7b5: {  	v2 =	vld [tilespmem:$0x18200]  }
0x7b6: {  	v3 =	vld [tilespmem:$0x182F0]  }
0x7b7: {  	v4 =	vld [tilespmem:$0x18210]  }
0x7b8: {  	v5 =	vld [tilespmem:$0x18300];
	v0 =	vadd.f32 $0.0e+00, v0  }
0x7b9: {  	v6 =	vld [tilespmem:$0x18220]  }
0x7ba: {  	v7 =	vld [tilespmem:$0x18310];
	v0 =	vadd.f32 v2, v0  }
0x7bb: {  	v32 =	vld [tilespmem:$0x18230];
	v3 =	vadd.f32 $0.0e+00, v3  }
0x7bc: {  	v8 =	vld [tilespmem:$0x18320];
	v0 =	vadd.f32 v4, v0  }
0x7bd: {  	v33 =	vld [tilespmem:$0x18240];
	v3 =	vadd.f32 v5, v3  }
0x7be: {  	v34 =	vld [tilespmem:$0x18330];
	v0 =	vadd.f32 v6, v0  }
0x7bf: {  	v35 =	vld [tilespmem:$0x18250];
	v3 =	vadd.f32 v7, v3  }
0x7c0: {  	v37 =	vshra.s32 v1, $0x1F;
	v36 =	vld [tilespmem:$0x18340];
	v0 =	vadd.f32 v32, v0  }
0x7c1: {  	v9 =	vld [tilespmem:$0x18260];
	v2 =	vand.u32 $0x7FFFFFFF, v37;
	v3 =	vadd.f32 v8, v3  }
0x7c2: {  	v38 =	vld [tilespmem:$0x18350];
	v39 =	vxor.u32 v1, v2;
	v0 =	vadd.f32 v33, v0  }
0x7c3: {  	v40 =	vld [tilespmem:$0x18270];
	v1 =	vsub.f32 $0.0e+00, v39;
	v3 =	vadd.f32 v34, v3  }
0x7c4: {  	v41 =	vld [tilespmem:$0x18360];
	v0 =	vadd.f32 v35, v0  }
0x7c5: {  	v42 =	vld [tilespmem:$0x18280];
	v1 =	vmul.f32 $1.442695020e+00, v1;
	v3 =	vadd.f32 v36, v3  }
0x7c6: {  	v43 =	vld [tilespmem:$0x18370];
	v0 =	vadd.f32 v9, v0  }
0x7c7: {  	v44 =	vld [tilespmem:$0x18290];
	(erf) = vpow2.f32 v1;
	v3 =	vadd.f32 v38, v3  }
0x7c8: {  	v45 =	vld [tilespmem:$0x18380];
	v0 =	vadd.f32 v40, v0  }
0x7c9: {  	v46 =	vld [tilespmem:$0x182A0];
	v3 =	vadd.f32 v41, v3  }
0x7ca: {  	v47 =	vld [tilespmem:$0x18390];
	v0 =	vadd.f32 v42, v0  }
0x7cb: {  	v48 =	vld [tilespmem:$0x182B0];
	v3 =	vadd.f32 v43, v3  }
0x7cc: {  	v49 =	vld [tilespmem:$0x183A0];
	v0 =	vadd.f32 v44, v0  }
0x7cd: {  	v50 =	vld [tilespmem:$0x182C0];
	v1 =	vadd.f32 v45, v3  }
0x7ce: {  	v51 =	vld [tilespmem:$0x183B0];
	v0 =	vadd.f32 v46, v0  }
0x7cf: {  	v52 =	vld [tilespmem:$0x182D0];
	v1 =	vadd.f32 v47, v1  }
0x7d0: {  	v53 =	vld [tilespmem:$0x183C0];
	v54 =	vpop (erf);
	v0 =	vadd.f32 v48, v0  }
0x7d1: {  	v55 =	vld [tilespmem:$0x182E0];
	v5 =	vadd.f32 $1.000000000e+00, v54;
	v1 =	vadd.f32 v49, v1  }
0x7d2: {  	v56 =	vld [tilespmem:$0x183D0];
	v0 =	vadd.f32 v50, v0  }
0x7d3: {  	(erf) = vrcp.f32 v5;
	v1 =	vadd.f32 v51, v1  }
0x7d4: {  	v57 =	vld [tilespmem:$0x183E0];
	v0 =	vadd.f32 v52, v0  }
0x7d5: {  	v1 =	vadd.f32 v53, v1  }
0x7d6: {  	v0 =	vadd.f32 v55, v0  }
0x7d7: {  	v1 =	vadd.f32 v56, v1  }
0x7d8: {  	(xrf2) =	vadd.scan.msk.f32 $0xffff, v0  }
0x7d9: {  	v58 =	vadd.f32 v57, v1;
	_ =	sdelay $0x1  }
0x7da: {  	(xrf2) =	vadd.scan.msk.f32 $0xffff, v58  }
0x7db: {  	v59 =	vpop (erf)  }
0x7dc: {  	(xrf0) =	vmax.scan.msk.f32 $0xffff, v59;
	_ =	sdelay $0x4  }
0x7dd: {  	v60, _, _ =	vpop (xrf2)  }
0x7de: {  	v61, _, _ =	vpop (xrf0);
	(v2sf) =	vpush v60, $0xF  }
0x7df: {  	(v2sf) =	vpush v61, $0xF  }
0x7e0: {  	v62, _, _ =	vpop (xrf2)  }
0x7e1: {  	(v2sf) =	vpush v62, $0xF;
	_ =	sdelay $0xb  }
0x7e2: {  	s3 =	scvt.s32.f32 s8;
	s26 =	spop (v2sf)  }
0x7e3: {  	s4 =	spop (v2sf);
	s2 =	smul.f32 $5.727639290e-06, s26  }
0x7e4: {  	s3 =	smul.f32 s3, s4  }
0x7e5: {  	s28 =	spop (v2sf)  }
0x7e6: {  	vm0 =	vcmask $0x300;
	v63 =	vmov s2;
	s3 =	sadd.f32 s28, s3  }
0x7e7: {  	vm15 =	vcmask $0x704;
	v0 =	vnsel vm0, $0x0, v63  }
0x7e8: {  	v0 =	vsel vm15, s3, v0  }
0x7e9: {  	s29 =	simm.s32 $0x181E0;
	s30 =	rddreg [dreg:$0x3];
	[tilespmem:$0x181E0] =	vst v0  }
0x7ea: {  	[hbm4b:s30+s0] =	stream.linear.scatter [tilespmem:s29], [sflag:$0x3], $0x10, $0x38;
	[tilespmem:$0x18610] =	vst v63  }
0x7eb: {  	_ =	swait.ge [sflag:s1], $0x10  }
0x7ec: {  	[sflag:s1] =	ssyncset.done $0x0  }
0x7ed: {  	[sflag:s1] =	ssyncadd.s32 $0xFFFFFFF0  }
0x7ee: {  	_ =	sfence.sel $0x180000  }
0x7ef: {  	[bflag:$0x0] =	sbarrier.arrive $0xFFFF  }
0x7f0: {  	_ =	strace $0x90000047  }
0x7f1: {  	[bflag:$0x2] =	sbarrier.arrive $0xFFFF  }
0x7f2: {  	s31 =	rddreg [dreg:$0x8]  }
0x7f3: {  	s0 =	sadd.s32 $0x100000, s31  }
0x7f4: {  	[sflag:s0] =	ssyncadd.tile.s32 $0x1;
	_ =	shalt  }
.Lfunc_end2:
_tile_overlayer_lowered:
.L_overlay_start_2:
0x7f5: {  	(tag) =	ssettag $0x2  }
0x7f6: {  	s0 =	rddreg [dreg:$0x0];
	s2 =	stileid.u32  }
0x7f7: {  	s1 =	rddreg [dreg:$0x1];
	p0 =	sne.s32 s2, $0x0  }
0x7f8: {  	s3 =	rddreg [dreg:$0x2];
	[bflag:$0x3] =	sbarrier.arrive $0xFFFF;
	s2 =	simm.s32 @!p0 $0x1C03  }
0x7f9: {  	[timem:s3], [sflag:s2] =	dma.local @!p0 [hbm:s0], s1  }
0x7fa: {  	s0 =	simm.s32 @!p0 $0x3  }
0x7fb: {  	_ =	swait.ge @!p0 [sflag:s0], s1  }
0x7fc: {  	s1 =	ssub.s32 @!p0 $0x0, s1;
	[sflag:s0] =	ssyncset.done @!p0 $0x0  }
0x7fd: {  	[sflag:s0] =	ssyncadd.s32 @!p0 s1  }
0x7fe: {  	[bflag:$0x3] =	sbarrier.arrive $0xFFFF  }
0x7ff: {  	_ =	shalt  }

</sc_bundles>
